<compile_context>
chip_gen: v7x
topology: tpu7x:2x2x1
jax: 0.10.2.dev20260603
libtpu: 0.0.44.dev20260713+nightly
codegen_flags: <defaults>
</compile_context>

<pallas_src>
import dataclasses
import functools

import jax
import jax.numpy as jnp
from jax import lax
from jax.experimental import pallas as pl
from jax.experimental.pallas import tpu as pltpu
from jax.experimental.pallas import tpu_sc as plsc

_N, _E, _D, _DE, _L = 10000, 320000, 128, 16, 3
_CH = 128
_NCH = _E // _CH
_NW = 32
_NCH_PAD = ((_NCH + _NW - 1) // _NW) * _NW
_BE = 8000
_NSUB = 16
_RPS_MAIN = 632
_RPS_LAST = _N - 15 * _RPS_MAIN

_vec_mesh = plsc.VectorSubcoreMesh(core_axis_name="core",
                                   subcore_axis_name="subcore")

_sc_params = pltpu.CompilerParams()
if "needs_layout_passes" in pltpu.CompilerParams.__dataclass_fields__:
    _sc_params = dataclasses.replace(_sc_params, needs_layout_passes=False)


def _sc_message(h, e, src2d, dst2d, ewq, zeros):

    @functools.partial(
        pl.kernel,
        out_type=jax.ShapeDtypeStruct((2, _N, _D), jnp.float32),
        mesh=_vec_mesh,
        compiler_params=_sc_params,
        scratch_types=[pltpu.VMEM_SHARED((_N, _D), jnp.float32),
                       pltpu.VMEM((_CH, _D), jnp.float32),
                       pltpu.SemaphoreType.DMA],
    )
    def k(h_hbm, e_hbm, si_hbm, di_hbm, w_hbm, z_hbm, o_hbm,
          acc, g_vmem, sem):
        cid = lax.axis_index("core")
        sid = lax.axis_index("subcore")
        r0 = sid * _RPS_MAIN

        @pl.when(sid < _NSUB - 1)
        def _():
            pltpu.sync_copy(z_hbm.at[pl.ds(r0, _RPS_MAIN)],
                            acc.at[pl.ds(r0, _RPS_MAIN)])

        @pl.when(sid == _NSUB - 1)
        def _():
            pltpu.sync_copy(z_hbm.at[pl.ds(r0, _RPS_LAST)],
                            acc.at[pl.ds(r0, _RPS_LAST)])

        plsc.subcore_barrier()

        zero16 = jnp.zeros((16,), jnp.int32)

        def body(si_vmem, e_vmem, w_vmem, di_vmem):
            pltpu.async_copy(h_hbm.at[si_vmem.at[0]], g_vmem, sem).wait()

            @plsc.parallel_loop(0, _CH, unroll=4)
            def _(j):
                wj = plsc.load_gather(
                    w_vmem, [zero16, jnp.full((16,), j, jnp.int32)])
                for v in range(8):
                    sl = pl.ds(v * 16, 16)
                    g_vmem[j, sl] = jnp.maximum(
                        g_vmem[j, sl] + e_vmem[j, sl], 0.0) * wj

            pltpu.sync_copy(g_vmem, acc.at[di_vmem.at[0]], add=True)

        last = _NCH - 1
        pltpu.emit_pipeline(
            body,
            grid=(_NCH_PAD,),
            in_specs=[pl.BlockSpec((1, _CH),
                                   lambda i: (0, jnp.minimum(i, last))),
                      pl.BlockSpec((_CH, _D),
                                   lambda i: (jnp.minimum(i, last), 0)),
                      pl.BlockSpec((1, _CH), lambda i: (i, 0)),
                      pl.BlockSpec((1, _CH),
                                   lambda i: (0, jnp.minimum(i, last)))],
            out_specs=[],
            core_axis_name=("core", "subcore"),
            dimension_semantics=(pltpu.PARALLEL,),
        )(si_hbm, e_hbm, w_hbm, di_hbm)

        plsc.subcore_barrier()

        @pl.when(sid < _NSUB - 1)
        def _():
            pltpu.sync_copy(acc.at[pl.ds(r0, _RPS_MAIN)],
                            o_hbm.at[cid, pl.ds(r0, _RPS_MAIN)])

        @pl.when(sid == _NSUB - 1)
        def _():
            pltpu.sync_copy(acc.at[pl.ds(r0, _RPS_LAST)],
                            o_hbm.at[cid, pl.ds(r0, _RPS_LAST)])

    return k(h, e, src2d, dst2d, ewq, zeros)


def _tc_bond(ea, wb1, bb1, wb2, bb2):

    def body(ea_ref, w1_ref, b1_ref, w2_ref, b2_ref, e_ref):
        t = jnp.maximum(
            jnp.dot(ea_ref[...], w1_ref[...],
                    preferred_element_type=jnp.float32) + b1_ref[...], 0.0)
        e_ref[...] = jnp.dot(t, w2_ref[...],
                             preferred_element_type=jnp.float32) + b2_ref[...]

    return pl.pallas_call(
        body,
        grid=(_E // _BE,),
        in_specs=[pl.BlockSpec((_BE, _DE), lambda i: (i, 0)),
                  pl.BlockSpec((_DE, _D), lambda i: (0, 0)),
                  pl.BlockSpec((1, _D), lambda i: (0, 0)),
                  pl.BlockSpec((_D, _D), lambda i: (0, 0)),
                  pl.BlockSpec((1, _D), lambda i: (0, 0))],
        out_specs=pl.BlockSpec((_BE, _D), lambda i: (i, 0)),
        out_shape=jax.ShapeDtypeStruct((_E, _D), jnp.float32),
    )(ea, wb1, bb1, wb2, bb2)


def _node_update(h, p, ope, wm1, bm1, wm2, bm2, gam, bet):
    z = h * ope + p[0] + p[1]
    y = jnp.maximum(
        jnp.dot(z, wm1, preferred_element_type=jnp.float32) + bm1, 0.0)
    y = jnp.dot(y, wm2, preferred_element_type=jnp.float32) + bm2
    mu = jnp.mean(y, axis=0, keepdims=True)
    var = jnp.mean(jnp.square(y - mu), axis=0, keepdims=True)
    yn = (y - mu) * lax.rsqrt(var + 1e-5) * gam + bet
    return jnp.maximum(yn, 0.0)


def _tc_node(h, parts, ope, wm1, bm1, wm2, bm2, gam, bet):
    def body(h_ref, p_ref, ope_ref, w1_ref, b1_ref, w2_ref, b2_ref,
             g_ref, be_ref, o_ref):
        o_ref[...] = _node_update(h_ref[...], p_ref, ope_ref[...],
                                  w1_ref[...], b1_ref[...], w2_ref[...],
                                  b2_ref[...], g_ref[...], be_ref[...])

    return pl.pallas_call(
        body,
        out_shape=jax.ShapeDtypeStruct((_N, _D), jnp.float32),
    )(h, parts, ope, wm1, bm1, wm2, bm2, gam, bet)


def _tc_node_final(h, parts, ope, wm1, bm1, wm2, bm2, gam, bet,
                   w1, b1, w2, b2, w3, b3, w4, b4):
    def body(h_ref, p_ref, ope_ref, wm1_ref, bm1_ref, wm2_ref, bm2_ref,
             g_ref, be_ref, w1_ref, b1_ref, w2_ref, b2_ref, w3_ref, b3_ref,
             w4_ref, b4_ref, o_ref):
        hn = _node_update(h_ref[...], p_ref, ope_ref[...],
                          wm1_ref[...], bm1_ref[...], wm2_ref[...],
                          bm2_ref[...], g_ref[...], be_ref[...])
        gv = jnp.mean(hn, axis=0, keepdims=True)
        gv = jnp.maximum(jnp.dot(gv, w1_ref[...],
                                 preferred_element_type=jnp.float32)
                         + b1_ref[...], 0.0)
        gv = jnp.maximum(jnp.dot(gv, w2_ref[...],
                                 preferred_element_type=jnp.float32)
                         + b2_ref[...], 0.0)
        gv = jnp.maximum(jnp.dot(gv, w3_ref[...],
                                 preferred_element_type=jnp.float32)
                         + b3_ref[...], 0.0)
        o_ref[...] = jnp.dot(gv, w4_ref[...],
                             preferred_element_type=jnp.float32) + b4_ref[...]

    return pl.pallas_call(
        body,
        out_shape=jax.ShapeDtypeStruct((1, 1), jnp.float32),
    )(h, parts, ope, wm1, bm1, wm2, bm2, gam, bet,
      w1, b1, w2, b2, w3, b3, w4, b4)


def kernel(x, edge_index, edge_attr, edge_weight, Wb1, bb1, Wb2, bb2,
           Wm1, bm1, Wm2, bm2, eps, gamma, beta,
           W1, b1, W2, b2, W3, b3, W4, b4):
    src2d = edge_index[0].reshape(1, _E)
    dst2d = edge_index[1].reshape(1, _E)
    ewq = jnp.pad(edge_weight.reshape(_NCH, _CH),
                  ((0, _NCH_PAD - _NCH), (0, 0)))
    zeros = jnp.zeros((_N, _D), jnp.float32)

    es = [_tc_bond(edge_attr, Wb1[l], bb1[l].reshape(1, _D),
                   Wb2[l], bb2[l].reshape(1, _D)) for l in range(_L)]

    h = x
    out = None
    for l in range(_L):
        parts = _sc_message(h, es[l], src2d, dst2d, ewq, zeros)
        ope = (1.0 + eps[l]).reshape(1, 1)
        args = (h, parts, ope,
                Wm1[l], bm1[l].reshape(1, _D),
                Wm2[l], bm2[l].reshape(1, _D),
                gamma[l].reshape(1, _D), beta[l].reshape(1, _D))
        if l < _L - 1:
            h = _tc_node(*args)
        else:
            out = _tc_node_final(*args,
                                 W1, b1.reshape(1, _D),
                                 W2, b2.reshape(1, _D),
                                 W3, b3.reshape(1, _D),
                                 W4, b4.reshape(1, 1))
    return out

# --- scband reference (transcript-rebuilt; emitter-appended) ---
"""Pipeline reference for scband-net-gine-28432683499894 (READ-ONLY COPY).

The authoritative reference and input builder live on the scoring server;
editing this copy changes nothing except your own understanding.
"""

import jax, jax.numpy as jnp
import numpy as np

N, E, D, DE, L = 10000, 320000, 128, 16, 3


def setup_inputs(seed: int = 0) -> dict:
    key = jax.random.key(seed)
    ks = jax.random.split(key, 32)
    inp = {}
    inp['x'] = jax.random.normal(ks[0], (N, D), dtype=jnp.float32)
    inp['edge_index'] = jax.random.randint(ks[1], (2, E), 0, N, dtype=jnp.int32)
    inp['edge_attr'] = jax.random.normal(ks[2], (E, DE), dtype=jnp.float32)
    inp['edge_weight'] = jax.random.uniform(ks[3], (E,), dtype=jnp.float32)
    # Per-layer GINEConv parameters (stacked over L layers; all dims equal so shapes match)
    inp['Wb1'] = jax.random.normal(ks[4], (L, DE, D), dtype=jnp.float32) * 0.1
    inp['bb1'] = jnp.zeros((L, D), dtype=jnp.float32)
    inp['Wb2'] = jax.random.normal(ks[5], (L, D, D), dtype=jnp.float32) * 0.05
    inp['bb2'] = jnp.zeros((L, D), dtype=jnp.float32)
    inp['Wm1'] = jax.random.normal(ks[6], (L, D, D), dtype=jnp.float32) * 0.05
    inp['bm1'] = jnp.zeros((L, D), dtype=jnp.float32)
    inp['Wm2'] = jax.random.normal(ks[7], (L, D, D), dtype=jnp.float32) * 0.05
    inp['bm2'] = jnp.zeros((L, D), dtype=jnp.float32)
    inp['eps'] = jnp.zeros((L,), dtype=jnp.float32)
    inp['gamma'] = jnp.ones((L, D), dtype=jnp.float32)
    inp['beta'] = jnp.zeros((L, D), dtype=jnp.float32)
    # Readout MLP fc1..fc4
    inp['W1'] = jax.random.normal(ks[8], (D, D), dtype=jnp.float32) * 0.05
    inp['b1'] = jnp.zeros((D,), dtype=jnp.float32)
    inp['W2'] = jax.random.normal(ks[9], (D, D), dtype=jnp.float32) * 0.05
    inp['b2'] = jnp.zeros((D,), dtype=jnp.float32)
    inp['W3'] = jax.random.normal(ks[10], (D, D), dtype=jnp.float32) * 0.05
    inp['b3'] = jnp.zeros((D,), dtype=jnp.float32)
    inp['W4'] = jax.random.normal(ks[11], (D, 1), dtype=jnp.float32) * 0.05
    inp['b4'] = jnp.zeros((1,), dtype=jnp.float32)
    return inp


def reference(x, edge_index, edge_attr, edge_weight, Wb1, bb1, Wb2, bb2, Wm1, bm1, Wm2, bm2, eps, gamma, beta, W1, b1, W2, b2, W3, b3, W4, b4):
    src = edge_index[0]
    dst = edge_index[1]
    ew = edge_weight[:, None]
    h = x
    for l in range(L):
        # bond_encoder: Linear -> ReLU -> Linear on raw edge_attr
        e = jnp.maximum(edge_attr @ Wb1[l] + bb1[l], 0.0) @ Wb2[l] + bb2[l]
        # message: relu(x_j + edge_embedding) * edge_weight
        m = jnp.maximum(h[src] + e, 0.0) * ew
        # aggregate (add) at dst nodes
        agg = jnp.zeros_like(h).at[dst].add(m)
        out = (1.0 + eps[l]) * h + agg
        # mlp: Linear -> ReLU -> Linear
        out = jnp.maximum(out @ Wm1[l] + bm1[l], 0.0) @ Wm2[l] + bm2[l]
        # BatchNorm1d (training mode: batch statistics, biased variance)
        mu = jnp.mean(out, axis=0)
        var = jnp.var(out, axis=0)
        out = (out - mu) / jnp.sqrt(var + 1e-5) * gamma[l] + beta[l]
        # relu; dropout p=0.0 is identity
        h = jnp.maximum(out, 0.0)
    # global mean pool (single graph: batch = zeros)
    g = jnp.mean(h, axis=0, keepdims=True)
    g = jnp.maximum(g @ W1 + b1, 0.0)
    g = jnp.maximum(g @ W2 + b2, 0.0)
    g = jnp.maximum(g @ W3 + b3, 0.0)
    out = g @ W4 + b4
    return out

if __name__ == "__main__":
    import jax
    _d = setup_inputs()
    print(jax.jit(kernel)(*tuple(_d.values())))

</pallas_src>

<mosaic_0001>
#map = affine_map<(d0, d1) -> (0, 0)>
#map1 = affine_map<(d0, d1) -> (0, 0, 0)>
module attributes {stable_mosaic.version = 14 : i64} {
  func.func @k(%arg0: i32, %arg1: i32, %arg2: memref<10000x128xf32, #tpu.memory_space<hbm>>, %arg3: memref<320000x128xf32, #tpu.memory_space<hbm>>, %arg4: memref<1x320000xi32, #tpu.memory_space<hbm>>, %arg5: memref<1x320000xi32, #tpu.memory_space<hbm>>, %arg6: memref<2528x128xf32, #tpu.memory_space<hbm>>, %arg7: memref<10000x128xf32, #tpu.memory_space<hbm>>, %arg8: memref<2x10000x128xf32, #tpu.memory_space<hbm>>, %arg9: memref<10000x128xf32, #tpu.memory_space<vmem_shared>>, %arg10: memref<128x128xf32, #tpu.memory_space<vmem>>, %arg11: memref<!tpu.dma_semaphore, #tpu.memory_space<semaphore_mem>>) attributes {dimension_semantics = [#tpu.dimension_semantics<core_parallel>, #tpu.dimension_semantics<subcore_parallel>], iteration_bounds = array<i64: 2, 16>, scalar_prefetch = 0 : i64, scratch_operands = 3 : i64, tpu.core_type = #tpu.core_type<sc_vector_subcore>, window_params = [{transform_indices = #map}, {transform_indices = #map}, {transform_indices = #map}, {transform_indices = #map}, {transform_indices = #map}, {transform_indices = #map}, {transform_indices = #map1}]} {
    %mul3A = arith.constant 632 : i32
    %mul3A_0 = arith.muli %arg1, %mul3A : i32
    %lt3A = arith.constant 15 : i32
    %lt3A_1 = arith.cmpi slt, %arg1, %lt3A : i32
    %convert_element_type3A = arith.extui %lt3A_1 : i1 to i32
    %cond3A = arith.constant 0 : i32
    %cond3A_2 = arith.cmpi ne, %convert_element_type3A, %cond3A : i32
    scf.if %cond3A_2 {
      "tpu.region"() ({
        %run_scoped3A = tpu.sem_alloc : memref<!tpu.dma_semaphore, #tpu.memory_space<semaphore_mem>>
        %dma_start3A = arith.constant 0 : i32
        %dma_start3A_27 = tpu.memref_slice %arg9[%mul3A_0, %dma_start3A] : memref<10000x128xf32, #tpu.memory_space<vmem_shared>> -> memref<632x128xf32, #tpu.memory_space<vmem_shared>>
        %dma_start3A_28 = arith.constant 0 : i32
        %dma_start3A_29 = tpu.memref_slice %arg7[%mul3A_0, %dma_start3A_28] : memref<10000x128xf32, #tpu.memory_space<hbm>> -> memref<632x128xf32, #tpu.memory_space<hbm>>
        tpu.enqueue_dma source(%dma_start3A_29 : memref<632x128xf32, #tpu.memory_space<hbm>>) target(%dma_start3A_27 : memref<632x128xf32, #tpu.memory_space<vmem_shared>>) target_semaphore(%run_scoped3A : memref<!tpu.dma_semaphore, #tpu.memory_space<semaphore_mem>>)
        %dma_wait3A = arith.constant 0 : i32
        %dma_wait3A_30 = tpu.memref_slice %arg9[%mul3A_0, %dma_wait3A] : memref<10000x128xf32, #tpu.memory_space<vmem_shared>> -> memref<632x128xf32, #tpu.memory_space<vmem_shared>>
        %dma_wait3A_31 = arith.constant 0 : i32
        %dma_wait3A_32 = tpu.memref_slice %arg7[%mul3A_0, %dma_wait3A_31] : memref<10000x128xf32, #tpu.memory_space<hbm>> -> memref<632x128xf32, #tpu.memory_space<hbm>>
        tpu.wait_dma2 semaphore(%run_scoped3A : memref<!tpu.dma_semaphore, #tpu.memory_space<semaphore_mem>>) src(%dma_wait3A_32 : memref<632x128xf32, #tpu.memory_space<hbm>>) dst(%dma_wait3A_30 : memref<632x128xf32, #tpu.memory_space<vmem_shared>>)
        tpu.yield
      }) : () -> ()
    } else {
    }
    %eq3A = arith.constant 15 : i32
    %eq3A_3 = arith.cmpi eq, %arg1, %eq3A : i32
    %convert_element_type3A_4 = arith.extui %eq3A_3 : i1 to i32
    %cond3A_5 = arith.constant 0 : i32
    %cond3A_6 = arith.cmpi ne, %convert_element_type3A_4, %cond3A_5 : i32
    scf.if %cond3A_6 {
      "tpu.region"() ({
        %run_scoped3A = tpu.sem_alloc : memref<!tpu.dma_semaphore, #tpu.memory_space<semaphore_mem>>
        %dma_start3A = arith.constant 0 : i32
        %dma_start3A_27 = tpu.memref_slice %arg9[%mul3A_0, %dma_start3A] : memref<10000x128xf32, #tpu.memory_space<vmem_shared>> -> memref<520x128xf32, #tpu.memory_space<vmem_shared>>
        %dma_start3A_28 = arith.constant 0 : i32
        %dma_start3A_29 = tpu.memref_slice %arg7[%mul3A_0, %dma_start3A_28] : memref<10000x128xf32, #tpu.memory_space<hbm>> -> memref<520x128xf32, #tpu.memory_space<hbm>>
        tpu.enqueue_dma source(%dma_start3A_29 : memref<520x128xf32, #tpu.memory_space<hbm>>) target(%dma_start3A_27 : memref<520x128xf32, #tpu.memory_space<vmem_shared>>) target_semaphore(%run_scoped3A : memref<!tpu.dma_semaphore, #tpu.memory_space<semaphore_mem>>)
        %dma_wait3A = arith.constant 0 : i32
        %dma_wait3A_30 = tpu.memref_slice %arg9[%mul3A_0, %dma_wait3A] : memref<10000x128xf32, #tpu.memory_space<vmem_shared>> -> memref<520x128xf32, #tpu.memory_space<vmem_shared>>
        %dma_wait3A_31 = arith.constant 0 : i32
        %dma_wait3A_32 = tpu.memref_slice %arg7[%mul3A_0, %dma_wait3A_31] : memref<10000x128xf32, #tpu.memory_space<hbm>> -> memref<520x128xf32, #tpu.memory_space<hbm>>
        tpu.wait_dma2 semaphore(%run_scoped3A : memref<!tpu.dma_semaphore, #tpu.memory_space<semaphore_mem>>) src(%dma_wait3A_32 : memref<520x128xf32, #tpu.memory_space<hbm>>) dst(%dma_wait3A_30 : memref<520x128xf32, #tpu.memory_space<vmem_shared>>)
        tpu.yield
      }) : () -> ()
    } else {
    }
    %barrier3A = arith.constant 0 : index
    tpu.barrier barrier_id(%barrier3A)
    %broadcast_in_dim3A = arith.constant 0 : i32
    %broadcast_in_dim3A_7 = vector.broadcast %broadcast_in_dim3A : i32 to vector<16xi32>
    %mul3A_8 = arith.constant 1 : i32
    %mul3A_9 = arith.muli %arg1, %mul3A_8 : i32
    %add3A = arith.constant 0 : i32
    %add3A_10 = arith.addi %add3A, %mul3A_9 : i32
    %mul3A_11 = arith.constant 16 : i32
    %mul3A_12 = arith.muli %arg0, %mul3A_11 : i32
    %add3A_13 = arith.addi %add3A_10, %mul3A_12 : i32
    %mul3A_14 = arith.constant 79 : i32
    %mul3A_15 = arith.muli %add3A_13, %mul3A_14 : i32
    "tpu.region"() ({
      %run_scoped3A = memref.alloca() : memref<2x1x128xi32, #tpu.memory_space<vmem>>
      %run_scoped3A_27 = tpu.sem_alloc : memref<2x!tpu.dma_semaphore, #tpu.memory_space<semaphore_mem>>
      %run_scoped3A_28 = memref.alloca() : memref<2x128x128xf32, #tpu.memory_space<vmem>>
      %run_scoped3A_29 = tpu.sem_alloc : memref<2x!tpu.dma_semaphore, #tpu.memory_space<semaphore_mem>>
      %run_scoped3A_30 = memref.alloca() : memref<2x1x128xf32, #tpu.memory_space<vmem>>
      %run_scoped3A_31 = tpu.sem_alloc : memref<2x!tpu.dma_semaphore, #tpu.memory_space<semaphore_mem>>
      %run_scoped3A_32 = memref.alloca() : memref<2x1x128xi32, #tpu.memory_space<vmem>>
      %run_scoped3A_33 = tpu.sem_alloc : memref<2x!tpu.dma_semaphore, #tpu.memory_space<semaphore_mem>>
      %add3A_34 = arith.constant 0 : i32
      %add3A_35 = arith.addi %add3A_34, %mul3A_15 : i32
      %select_n3A = arith.constant true
      %select_n3A_36 = arith.constant 0 : i32
      %select_n3A_37 = arith.constant -1 : i32
      %select_n3A_38 = arith.select %select_n3A, %select_n3A_37, %select_n3A_36 : i32
      %eq3A_39 = arith.constant -1 : i32
      %eq3A_40 = arith.cmpi eq, %select_n3A_38, %eq3A_39 : i32
      %select_n3A_41 = arith.constant 78 : i32
      %select_n3A_42 = arith.select %eq3A_40, %select_n3A_41, %select_n3A_38 : i32
      %add3A_43 = arith.addi %select_n3A_42, %mul3A_15 : i32
      %select_n3A_44 = arith.constant true
      %select_n3A_45 = arith.constant 0 : i32
      %select_n3A_46 = arith.constant 1 : i32
      %select_n3A_47 = arith.select %select_n3A_44, %select_n3A_46, %select_n3A_45 : i32
      %eq3A_48 = arith.constant 79 : i32
      %eq3A_49 = arith.cmpi eq, %select_n3A_47, %eq3A_48 : i32
      %select_n3A_50 = arith.constant 0 : i32
      %select_n3A_51 = arith.select %eq3A_49, %select_n3A_50, %select_n3A_47 : i32
      %add3A_52 = arith.addi %select_n3A_51, %mul3A_15 : i32
      %add3A_53 = arith.constant 1 : i32
      %add3A_54 = arith.addi %select_n3A_51, %add3A_53 : i32
      %select_n3A_55 = arith.constant true
      %select_n3A_56 = arith.select %select_n3A_55, %add3A_54, %select_n3A_51 : i32
      %eq3A_57 = arith.constant 79 : i32
      %eq3A_58 = arith.cmpi eq, %select_n3A_56, %eq3A_57 : i32
      %select_n3A_59 = arith.constant 0 : i32
      %select_n3A_60 = arith.select %eq3A_58, %select_n3A_59, %select_n3A_56 : i32
      %add3A_61 = arith.addi %select_n3A_60, %mul3A_15 : i32
      "tpu.trace_start"() <{level = 10 : i32, message = "ep_initialize_0"}> : () -> ()
      %rem3A = arith.constant 0 : i32
      %rem3A_62 = arith.constant 2 : i32
      %rem3A_63 = arith.remui %rem3A, %rem3A_62 : i32
      %min3A = arith.constant 2499 : i32
      %min3A_64 = arith.minsi %add3A_35, %min3A : i32
      %mul3A_65 = arith.constant 128 : i32
      %mul3A_66 = arith.muli %mul3A_65, %min3A_64 : i32
      %dma_start3A = arith.constant 0 : i32
      %dma_start3A_67 = arith.constant 0 : i32
      %dma_start3A_68 = tpu.memref_slice %run_scoped3A[%rem3A_63, %dma_start3A, %dma_start3A_67] : memref<2x1x128xi32, #tpu.memory_space<vmem>> -> memref<1x1x128xi32, #tpu.memory_space<vmem>>
      %dma_start3A_69 = tpu.memref_squeeze %dma_start3A_68 : memref<1x1x128xi32, #tpu.memory_space<vmem>> -> memref<1x128xi32, #tpu.memory_space<vmem>>
      %dma_start3A_70 = arith.constant 0 : i32
      %dma_start3A_71 = tpu.memref_slice %arg4[%dma_start3A_70, %mul3A_66] : memref<1x320000xi32, #tpu.memory_space<hbm>> -> memref<1x128xi32, #tpu.memory_space<hbm>>
      %dma_start3A_72 = tpu.memref_slice %run_scoped3A_27[%rem3A_63] : memref<2x!tpu.dma_semaphore, #tpu.memory_space<semaphore_mem>> -> memref<1x!tpu.dma_semaphore, #tpu.memory_space<semaphore_mem>>
      %dma_start3A_73 = tpu.memref_squeeze %dma_start3A_72 : memref<1x!tpu.dma_semaphore, #tpu.memory_space<semaphore_mem>> -> memref<!tpu.dma_semaphore, #tpu.memory_space<semaphore_mem>>
      %dma_start3A_74 = arith.constant 0 : i32
      %dma_start3A_75 = arith.constant 0 : i32
      %dma_start3A_76 = tpu.memref_slice %run_scoped3A[%rem3A_63, %dma_start3A_74, %dma_start3A_75] : memref<2x1x128xi32, #tpu.memory_space<vmem>> -> memref<1x1x128xi32, #tpu.memory_space<vmem>>
      %dma_start3A_77 = tpu.memref_squeeze %dma_start3A_76 : memref<1x1x128xi32, #tpu.memory_space<vmem>> -> memref<1x128xi32, #tpu.memory_space<vmem>>
      %dma_start3A_78 = arith.constant 0 : i32
      %dma_start3A_79 = tpu.memref_slice %arg4[%dma_start3A_78, %mul3A_66] : memref<1x320000xi32, #tpu.memory_space<hbm>> -> memref<1x128xi32, #tpu.memory_space<hbm>>
      tpu.enqueue_dma source(%dma_start3A_79 : memref<1x128xi32, #tpu.memory_space<hbm>>) target(%dma_start3A_77 : memref<1x128xi32, #tpu.memory_space<vmem>>) target_semaphore(%dma_start3A_73 : memref<!tpu.dma_semaphore, #tpu.memory_space<semaphore_mem>>)
      %add3A_80 = arith.constant 0 : i32
      %add3A_81 = arith.constant 1 : i32
      %add3A_82 = arith.addi %add3A_80, %add3A_81 : i32
      %select_n3A_83 = arith.constant true
      %select_n3A_84 = arith.constant 0 : i32
      %select_n3A_85 = arith.select %select_n3A_83, %add3A_82, %select_n3A_84 : i32
      %rem3A_86 = arith.constant 0 : i32
      %rem3A_87 = arith.constant 2 : i32
      %rem3A_88 = arith.remui %rem3A_86, %rem3A_87 : i32
      %min3A_89 = arith.constant 2499 : i32
      %min3A_90 = arith.minsi %add3A_35, %min3A_89 : i32
      %mul3A_91 = arith.constant 128 : i32
      %mul3A_92 = arith.muli %mul3A_91, %min3A_90 : i32
      %dma_start3A_93 = arith.constant 0 : i32
      %dma_start3A_94 = arith.constant 0 : i32
      %dma_start3A_95 = tpu.memref_slice %run_scoped3A_28[%rem3A_88, %dma_start3A_93, %dma_start3A_94] : memref<2x128x128xf32, #tpu.memory_space<vmem>> -> memref<1x128x128xf32, #tpu.memory_space<vmem>>
      %dma_start3A_96 = tpu.memref_squeeze %dma_start3A_95 : memref<1x128x128xf32, #tpu.memory_space<vmem>> -> memref<128x128xf32, #tpu.memory_space<vmem>>
      %dma_start3A_97 = arith.constant 0 : i32
      %dma_start3A_98 = tpu.memref_slice %arg3[%mul3A_92, %dma_start3A_97] : memref<320000x128xf32, #tpu.memory_space<hbm>> -> memref<128x128xf32, #tpu.memory_space<hbm>>
      %dma_start3A_99 = tpu.memref_slice %run_scoped3A_29[%rem3A_88] : memref<2x!tpu.dma_semaphore, #tpu.memory_space<semaphore_mem>> -> memref<1x!tpu.dma_semaphore, #tpu.memory_space<semaphore_mem>>
      %dma_start3A_100 = tpu.memref_squeeze %dma_start3A_99 : memref<1x!tpu.dma_semaphore, #tpu.memory_space<semaphore_mem>> -> memref<!tpu.dma_semaphore, #tpu.memory_space<semaphore_mem>>
      %dma_start3A_101 = arith.constant 0 : i32
      %dma_start3A_102 = arith.constant 0 : i32
      %dma_start3A_103 = tpu.memref_slice %run_scoped3A_28[%rem3A_88, %dma_start3A_101, %dma_start3A_102] : memref<2x128x128xf32, #tpu.memory_space<vmem>> -> memref<1x128x128xf32, #tpu.memory_space<vmem>>
      %dma_start3A_104 = tpu.memref_squeeze %dma_start3A_103 : memref<1x128x128xf32, #tpu.memory_space<vmem>> -> memref<128x128xf32, #tpu.memory_space<vmem>>
      %dma_start3A_105 = arith.constant 0 : i32
      %dma_start3A_106 = tpu.memref_slice %arg3[%mul3A_92, %dma_start3A_105] : memref<320000x128xf32, #tpu.memory_space<hbm>> -> memref<128x128xf32, #tpu.memory_space<hbm>>
      tpu.enqueue_dma source(%dma_start3A_106 : memref<128x128xf32, #tpu.memory_space<hbm>>) target(%dma_start3A_104 : memref<128x128xf32, #tpu.memory_space<vmem>>) target_semaphore(%dma_start3A_100 : memref<!tpu.dma_semaphore, #tpu.memory_space<semaphore_mem>>)
      %add3A_107 = arith.constant 0 : i32
      %add3A_108 = arith.constant 1 : i32
      %add3A_109 = arith.addi %add3A_107, %add3A_108 : i32
      %select_n3A_110 = arith.constant true
      %select_n3A_111 = arith.constant 0 : i32
      %select_n3A_112 = arith.select %select_n3A_110, %add3A_109, %select_n3A_111 : i32
      %rem3A_113 = arith.constant 0 : i32
      %rem3A_114 = arith.constant 2 : i32
      %rem3A_115 = arith.remui %rem3A_113, %rem3A_114 : i32
      %mul3A_116 = arith.constant 1 : i32
      %mul3A_117 = arith.muli %mul3A_116, %add3A_35 : i32
      %dma_start3A_118 = arith.constant 0 : i32
      %dma_start3A_119 = arith.constant 0 : i32
      %dma_start3A_120 = tpu.memref_slice %run_scoped3A_30[%rem3A_115, %dma_start3A_118, %dma_start3A_119] : memref<2x1x128xf32, #tpu.memory_space<vmem>> -> memref<1x1x128xf32, #tpu.memory_space<vmem>>
      %dma_start3A_121 = tpu.memref_squeeze %dma_start3A_120 : memref<1x1x128xf32, #tpu.memory_space<vmem>> -> memref<1x128xf32, #tpu.memory_space<vmem>>
      %dma_start3A_122 = arith.constant 0 : i32
      %dma_start3A_123 = tpu.memref_slice %arg6[%mul3A_117, %dma_start3A_122] : memref<2528x128xf32, #tpu.memory_space<hbm>> -> memref<1x128xf32, #tpu.memory_space<hbm>>
      %dma_start3A_124 = tpu.memref_slice %run_scoped3A_31[%rem3A_115] : memref<2x!tpu.dma_semaphore, #tpu.memory_space<semaphore_mem>> -> memref<1x!tpu.dma_semaphore, #tpu.memory_space<semaphore_mem>>
      %dma_start3A_125 = tpu.memref_squeeze %dma_start3A_124 : memref<1x!tpu.dma_semaphore, #tpu.memory_space<semaphore_mem>> -> memref<!tpu.dma_semaphore, #tpu.memory_space<semaphore_mem>>
      %dma_start3A_126 = arith.constant 0 : i32
      %dma_start3A_127 = arith.constant 0 : i32
      %dma_start3A_128 = tpu.memref_slice %run_scoped3A_30[%rem3A_115, %dma_start3A_126, %dma_start3A_127] : memref<2x1x128xf32, #tpu.memory_space<vmem>> -> memref<1x1x128xf32, #tpu.memory_space<vmem>>
      %dma_start3A_129 = tpu.memref_squeeze %dma_start3A_128 : memref<1x1x128xf32, #tpu.memory_space<vmem>> -> memref<1x128xf32, #tpu.memory_space<vmem>>
      %dma_start3A_130 = arith.constant 0 : i32
      %dma_start3A_131 = tpu.memref_slice %arg6[%mul3A_117, %dma_start3A_130] : memref<2528x128xf32, #tpu.memory_space<hbm>> -> memref<1x128xf32, #tpu.memory_space<hbm>>
      tpu.enqueue_dma source(%dma_start3A_131 : memref<1x128xf32, #tpu.memory_space<hbm>>) target(%dma_start3A_129 : memref<1x128xf32, #tpu.memory_space<vmem>>) target_semaphore(%dma_start3A_125 : memref<!tpu.dma_semaphore, #tpu.memory_space<semaphore_mem>>)
      %add3A_132 = arith.constant 0 : i32
      %add3A_133 = arith.constant 1 : i32
      %add3A_134 = arith.addi %add3A_132, %add3A_133 : i32
      %select_n3A_135 = arith.constant true
      %select_n3A_136 = arith.constant 0 : i32
      %select_n3A_137 = arith.select %select_n3A_135, %add3A_134, %select_n3A_136 : i32
      %rem3A_138 = arith.constant 0 : i32
      %rem3A_139 = arith.constant 2 : i32
      %rem3A_140 = arith.remui %rem3A_138, %rem3A_139 : i32
      %min3A_141 = arith.constant 2499 : i32
      %min3A_142 = arith.minsi %add3A_35, %min3A_141 : i32
      %mul3A_143 = arith.constant 128 : i32
      %mul3A_144 = arith.muli %mul3A_143, %min3A_142 : i32
      %dma_start3A_145 = arith.constant 0 : i32
      %dma_start3A_146 = arith.constant 0 : i32
      %dma_start3A_147 = tpu.memref_slice %run_scoped3A_32[%rem3A_140, %dma_start3A_145, %dma_start3A_146] : memref<2x1x128xi32, #tpu.memory_space<vmem>> -> memref<1x1x128xi32, #tpu.memory_space<vmem>>
      %dma_start3A_148 = tpu.memref_squeeze %dma_start3A_147 : memref<1x1x128xi32, #tpu.memory_space<vmem>> -> memref<1x128xi32, #tpu.memory_space<vmem>>
      %dma_start3A_149 = arith.constant 0 : i32
      %dma_start3A_150 = tpu.memref_slice %arg5[%dma_start3A_149, %mul3A_144] : memref<1x320000xi32, #tpu.memory_space<hbm>> -> memref<1x128xi32, #tpu.memory_space<hbm>>
      %dma_start3A_151 = tpu.memref_slice %run_scoped3A_33[%rem3A_140] : memref<2x!tpu.dma_semaphore, #tpu.memory_space<semaphore_mem>> -> memref<1x!tpu.dma_semaphore, #tpu.memory_space<semaphore_mem>>
      %dma_start3A_152 = tpu.memref_squeeze %dma_start3A_151 : memref<1x!tpu.dma_semaphore, #tpu.memory_space<semaphore_mem>> -> memref<!tpu.dma_semaphore, #tpu.memory_space<semaphore_mem>>
      %dma_start3A_153 = arith.constant 0 : i32
      %dma_start3A_154 = arith.constant 0 : i32
      %dma_start3A_155 = tpu.memref_slice %run_scoped3A_32[%rem3A_140, %dma_start3A_153, %dma_start3A_154] : memref<2x1x128xi32, #tpu.memory_space<vmem>> -> memref<1x1x128xi32, #tpu.memory_space<vmem>>
      %dma_start3A_156 = tpu.memref_squeeze %dma_start3A_155 : memref<1x1x128xi32, #tpu.memory_space<vmem>> -> memref<1x128xi32, #tpu.memory_space<vmem>>
      %dma_start3A_157 = arith.constant 0 : i32
      %dma_start3A_158 = tpu.memref_slice %arg5[%dma_start3A_157, %mul3A_144] : memref<1x320000xi32, #tpu.memory_space<hbm>> -> memref<1x128xi32, #tpu.memory_space<hbm>>
      tpu.enqueue_dma source(%dma_start3A_158 : memref<1x128xi32, #tpu.memory_space<hbm>>) target(%dma_start3A_156 : memref<1x128xi32, #tpu.memory_space<vmem>>) target_semaphore(%dma_start3A_152 : memref<!tpu.dma_semaphore, #tpu.memory_space<semaphore_mem>>)
      %add3A_159 = arith.constant 0 : i32
      %add3A_160 = arith.constant 1 : i32
      %add3A_161 = arith.addi %add3A_159, %add3A_160 : i32
      %select_n3A_162 = arith.constant true
      %select_n3A_163 = arith.constant 0 : i32
      %select_n3A_164 = arith.select %select_n3A_162, %add3A_161, %select_n3A_163 : i32
      "tpu.trace_stop"() : () -> ()
      %scan3A = arith.constant 0 : i32
      %scan3A_165 = arith.constant 0 : i32
      %scan3A_166 = arith.constant 0 : i32
      %scan3A_167 = arith.constant 0 : i32
      %scan3A_168 = arith.constant 0 : i32
      %scan3A_169 = arith.constant 0 : i32
      %scan3A_170 = arith.constant 79 : i32
      %scan3A_171 = arith.addi %scan3A_169, %scan3A_170 : i32
      %scan3A_172 = arith.constant 1 : i32
      %scan3A_173:9 = scf.for %scan3A_210 = %scan3A_169 to %scan3A_171 step %scan3A_172 iter_args(%scan3A_211 = %select_n3A_85, %scan3A_212 = %scan3A, %scan3A_213 = %select_n3A_112, %scan3A_214 = %scan3A_165, %scan3A_215 = %select_n3A_137, %scan3A_216 = %scan3A_166, %scan3A_217 = %select_n3A_164, %scan3A_218 = %scan3A_167, %scan3A_219 = %scan3A_168) -> (i32, i32, i32, i32, i32, i32, i32, i32, i32)  : i32 {
        %eq3A_220 = arith.constant 0 : i32
        %eq3A_221 = arith.cmpi eq, %scan3A_210, %eq3A_220 : i32
        %eq3A_222 = arith.constant 78 : i32
        %eq3A_223 = arith.cmpi eq, %scan3A_210, %eq3A_222 : i32
        %add3A_224 = arith.addi %scan3A_219, %mul3A_15 : i32
        %sub3A_225 = arith.constant 1 : i32
        %sub3A_226 = arith.subi %scan3A_219, %sub3A_225 : i32
        %select_n3A_227 = arith.constant true
        %select_n3A_228 = arith.select %select_n3A_227, %sub3A_226, %scan3A_219 : i32
        %eq3A_229 = arith.constant -1 : i32
        %eq3A_230 = arith.cmpi eq, %select_n3A_228, %eq3A_229 : i32
        %select_n3A_231 = arith.constant 78 : i32
        %select_n3A_232 = arith.select %eq3A_230, %select_n3A_231, %select_n3A_228 : i32
        %add3A_233 = arith.addi %select_n3A_232, %mul3A_15 : i32
        %add3A_234 = arith.constant 1 : i32
        %add3A_235 = arith.addi %scan3A_219, %add3A_234 : i32
        %select_n3A_236 = arith.constant true
        %select_n3A_237 = arith.select %select_n3A_236, %add3A_235, %scan3A_219 : i32
        %eq3A_238 = arith.constant 79 : i32
        %eq3A_239 = arith.cmpi eq, %select_n3A_237, %eq3A_238 : i32
        %select_n3A_240 = arith.constant 0 : i32
        %select_n3A_241 = arith.select %eq3A_239, %select_n3A_240, %select_n3A_237 : i32
        %add3A_242 = arith.addi %select_n3A_241, %mul3A_15 : i32
        %add3A_243 = arith.constant 1 : i32
        %add3A_244 = arith.addi %select_n3A_241, %add3A_243 : i32
        %select_n3A_245 = arith.constant true
        %select_n3A_246 = arith.select %select_n3A_245, %add3A_244, %select_n3A_241 : i32
        %eq3A_247 = arith.constant 79 : i32
        %eq3A_248 = arith.cmpi eq, %select_n3A_246, %eq3A_247 : i32
        %select_n3A_249 = arith.constant 0 : i32
        %select_n3A_250 = arith.select %eq3A_248, %select_n3A_249, %select_n3A_246 : i32
        %add3A_251 = arith.addi %select_n3A_250, %mul3A_15 : i32
        %min3A_252 = arith.constant 2499 : i32
        %min3A_253 = arith.minsi %add3A_224, %min3A_252 : i32
        %min3A_254 = arith.constant 2499 : i32
        %min3A_255 = arith.minsi %add3A_242, %min3A_254 : i32
        %ne3A = arith.cmpi ne, %min3A_253, %min3A_255 : i32
        %or3A = arith.constant false
        %or3A_256 = arith.ori %or3A, %ne3A : i1
        %ge3A = arith.constant 78 : i32
        %ge3A_257 = arith.cmpi sge, %scan3A_210, %ge3A : i32
        %not3A = arith.constant true
        %not3A_258 = arith.xori %ge3A_257, %not3A : i1
        %and3A = arith.andi %or3A_256, %not3A_258 : i1
        %convert_element_type3A_259 = arith.extui %and3A : i1 to i32
        %cond3A_260 = arith.constant 0 : i32
        %cond3A_261 = arith.cmpi ne, %convert_element_type3A_259, %cond3A_260 : i32
        scf.if %cond3A_261 {
          "tpu.trace_start"() <{level = 10 : i32, message = "ep_copy_in"}> : () -> ()
          %rem3A_567 = arith.constant 2 : i32
          %rem3A_568 = arith.remui %scan3A_211, %rem3A_567 : i32
          %min3A_569 = arith.constant 2499 : i32
          %min3A_570 = arith.minsi %add3A_242, %min3A_569 : i32
          %mul3A_571 = arith.constant 128 : i32
          %mul3A_572 = arith.muli %mul3A_571, %min3A_570 : i32
          %dma_start3A_573 = arith.constant 0 : i32
          %dma_start3A_574 = arith.constant 0 : i32
          %dma_start3A_575 = tpu.memref_slice %run_scoped3A[%rem3A_568, %dma_start3A_573, %dma_start3A_574] : memref<2x1x128xi32, #tpu.memory_space<vmem>> -> memref<1x1x128xi32, #tpu.memory_space<vmem>>
          %dma_start3A_576 = tpu.memref_squeeze %dma_start3A_575 : memref<1x1x128xi32, #tpu.memory_space<vmem>> -> memref<1x128xi32, #tpu.memory_space<vmem>>
          %dma_start3A_577 = arith.constant 0 : i32
          %dma_start3A_578 = tpu.memref_slice %arg4[%dma_start3A_577, %mul3A_572] : memref<1x320000xi32, #tpu.memory_space<hbm>> -> memref<1x128xi32, #tpu.memory_space<hbm>>
          %dma_start3A_579 = tpu.memref_slice %run_scoped3A_27[%rem3A_568] : memref<2x!tpu.dma_semaphore, #tpu.memory_space<semaphore_mem>> -> memref<1x!tpu.dma_semaphore, #tpu.memory_space<semaphore_mem>>
          %dma_start3A_580 = tpu.memref_squeeze %dma_start3A_579 : memref<1x!tpu.dma_semaphore, #tpu.memory_space<semaphore_mem>> -> memref<!tpu.dma_semaphore, #tpu.memory_space<semaphore_mem>>
          %dma_start3A_581 = arith.constant 0 : i32
          %dma_start3A_582 = arith.constant 0 : i32
          %dma_start3A_583 = tpu.memref_slice %run_scoped3A[%rem3A_568, %dma_start3A_581, %dma_start3A_582] : memref<2x1x128xi32, #tpu.memory_space<vmem>> -> memref<1x1x128xi32, #tpu.memory_space<vmem>>
          %dma_start3A_584 = tpu.memref_squeeze %dma_start3A_583 : memref<1x1x128xi32, #tpu.memory_space<vmem>> -> memref<1x128xi32, #tpu.memory_space<vmem>>
          %dma_start3A_585 = arith.constant 0 : i32
          %dma_start3A_586 = tpu.memref_slice %arg4[%dma_start3A_585, %mul3A_572] : memref<1x320000xi32, #tpu.memory_space<hbm>> -> memref<1x128xi32, #tpu.memory_space<hbm>>
          tpu.enqueue_dma source(%dma_start3A_586 : memref<1x128xi32, #tpu.memory_space<hbm>>) target(%dma_start3A_584 : memref<1x128xi32, #tpu.memory_space<vmem>>) target_semaphore(%dma_start3A_580 : memref<!tpu.dma_semaphore, #tpu.memory_space<semaphore_mem>>)
          "tpu.trace_stop"() : () -> ()
        } else {
        }
        %and3A_262 = arith.constant true
        %and3A_263 = arith.andi %and3A, %and3A_262 : i1
        %add3A_264 = arith.constant 1 : i32
        %add3A_265 = arith.addi %scan3A_211, %add3A_264 : i32
        %select_n3A_266 = arith.select %and3A_263, %add3A_265, %scan3A_211 : i32
        %min3A_267 = arith.constant 2499 : i32
        %min3A_268 = arith.minsi %add3A_224, %min3A_267 : i32
        %min3A_269 = arith.constant 2499 : i32
        %min3A_270 = arith.minsi %add3A_242, %min3A_269 : i32
        %ne3A_271 = arith.cmpi ne, %min3A_268, %min3A_270 : i32
        %or3A_272 = arith.constant false
        %or3A_273 = arith.ori %or3A_272, %ne3A_271 : i1
        %or3A_274 = arith.constant false
        %or3A_275 = arith.ori %or3A_273, %or3A_274 : i1
        %ge3A_276 = arith.constant 78 : i32
        %ge3A_277 = arith.cmpi sge, %scan3A_210, %ge3A_276 : i32
        %not3A_278 = arith.constant true
        %not3A_279 = arith.xori %ge3A_277, %not3A_278 : i1
        %and3A_280 = arith.andi %or3A_275, %not3A_279 : i1
        %convert_element_type3A_281 = arith.extui %and3A_280 : i1 to i32
        %cond3A_282 = arith.constant 0 : i32
        %cond3A_283 = arith.cmpi ne, %convert_element_type3A_281, %cond3A_282 : i32
        scf.if %cond3A_283 {
          "tpu.trace_start"() <{level = 10 : i32, message = "ep_copy_in"}> : () -> ()
          %rem3A_567 = arith.constant 2 : i32
          %rem3A_568 = arith.remui %scan3A_213, %rem3A_567 : i32
          %min3A_569 = arith.constant 2499 : i32
          %min3A_570 = arith.minsi %add3A_242, %min3A_569 : i32
          %mul3A_571 = arith.constant 128 : i32
          %mul3A_572 = arith.muli %mul3A_571, %min3A_570 : i32
          %dma_start3A_573 = arith.constant 0 : i32
          %dma_start3A_574 = arith.constant 0 : i32
          %dma_start3A_575 = tpu.memref_slice %run_scoped3A_28[%rem3A_568, %dma_start3A_573, %dma_start3A_574] : memref<2x128x128xf32, #tpu.memory_space<vmem>> -> memref<1x128x128xf32, #tpu.memory_space<vmem>>
          %dma_start3A_576 = tpu.memref_squeeze %dma_start3A_575 : memref<1x128x128xf32, #tpu.memory_space<vmem>> -> memref<128x128xf32, #tpu.memory_space<vmem>>
          %dma_start3A_577 = arith.constant 0 : i32
          %dma_start3A_578 = tpu.memref_slice %arg3[%mul3A_572, %dma_start3A_577] : memref<320000x128xf32, #tpu.memory_space<hbm>> -> memref<128x128xf32, #tpu.memory_space<hbm>>
          %dma_start3A_579 = tpu.memref_slice %run_scoped3A_29[%rem3A_568] : memref<2x!tpu.dma_semaphore, #tpu.memory_space<semaphore_mem>> -> memref<1x!tpu.dma_semaphore, #tpu.memory_space<semaphore_mem>>
          %dma_start3A_580 = tpu.memref_squeeze %dma_start3A_579 : memref<1x!tpu.dma_semaphore, #tpu.memory_space<semaphore_mem>> -> memref<!tpu.dma_semaphore, #tpu.memory_space<semaphore_mem>>
          %dma_start3A_581 = arith.constant 0 : i32
          %dma_start3A_582 = arith.constant 0 : i32
          %dma_start3A_583 = tpu.memref_slice %run_scoped3A_28[%rem3A_568, %dma_start3A_581, %dma_start3A_582] : memref<2x128x128xf32, #tpu.memory_space<vmem>> -> memref<1x128x128xf32, #tpu.memory_space<vmem>>
          %dma_start3A_584 = tpu.memref_squeeze %dma_start3A_583 : memref<1x128x128xf32, #tpu.memory_space<vmem>> -> memref<128x128xf32, #tpu.memory_space<vmem>>
          %dma_start3A_585 = arith.constant 0 : i32
          %dma_start3A_586 = tpu.memref_slice %arg3[%mul3A_572, %dma_start3A_585] : memref<320000x128xf32, #tpu.memory_space<hbm>> -> memref<128x128xf32, #tpu.memory_space<hbm>>
          tpu.enqueue_dma source(%dma_start3A_586 : memref<128x128xf32, #tpu.memory_space<hbm>>) target(%dma_start3A_584 : memref<128x128xf32, #tpu.memory_space<vmem>>) target_semaphore(%dma_start3A_580 : memref<!tpu.dma_semaphore, #tpu.memory_space<semaphore_mem>>)
          "tpu.trace_stop"() : () -> ()
        } else {
        }
        %and3A_284 = arith.constant true
        %and3A_285 = arith.andi %and3A_280, %and3A_284 : i1
        %add3A_286 = arith.constant 1 : i32
        %add3A_287 = arith.addi %scan3A_213, %add3A_286 : i32
        %select_n3A_288 = arith.select %and3A_285, %add3A_287, %scan3A_213 : i32
        %ne3A_289 = arith.cmpi ne, %add3A_224, %add3A_242 : i32
        %or3A_290 = arith.constant false
        %or3A_291 = arith.ori %or3A_290, %ne3A_289 : i1
        %or3A_292 = arith.constant false
        %or3A_293 = arith.ori %or3A_291, %or3A_292 : i1
        %ge3A_294 = arith.constant 78 : i32
        %ge3A_295 = arith.cmpi sge, %scan3A_210, %ge3A_294 : i32
        %not3A_296 = arith.constant true
        %not3A_297 = arith.xori %ge3A_295, %not3A_296 : i1
        %and3A_298 = arith.andi %or3A_293, %not3A_297 : i1
        %convert_element_type3A_299 = arith.extui %and3A_298 : i1 to i32
        %cond3A_300 = arith.constant 0 : i32
        %cond3A_301 = arith.cmpi ne, %convert_element_type3A_299, %cond3A_300 : i32
        scf.if %cond3A_301 {
          "tpu.trace_start"() <{level = 10 : i32, message = "ep_copy_in"}> : () -> ()
          %rem3A_567 = arith.constant 2 : i32
          %rem3A_568 = arith.remui %scan3A_215, %rem3A_567 : i32
          %mul3A_569 = arith.constant 1 : i32
          %mul3A_570 = arith.muli %mul3A_569, %add3A_242 : i32
          %dma_start3A_571 = arith.constant 0 : i32
          %dma_start3A_572 = arith.constant 0 : i32
          %dma_start3A_573 = tpu.memref_slice %run_scoped3A_30[%rem3A_568, %dma_start3A_571, %dma_start3A_572] : memref<2x1x128xf32, #tpu.memory_space<vmem>> -> memref<1x1x128xf32, #tpu.memory_space<vmem>>
          %dma_start3A_574 = tpu.memref_squeeze %dma_start3A_573 : memref<1x1x128xf32, #tpu.memory_space<vmem>> -> memref<1x128xf32, #tpu.memory_space<vmem>>
          %dma_start3A_575 = arith.constant 0 : i32
          %dma_start3A_576 = tpu.memref_slice %arg6[%mul3A_570, %dma_start3A_575] : memref<2528x128xf32, #tpu.memory_space<hbm>> -> memref<1x128xf32, #tpu.memory_space<hbm>>
          %dma_start3A_577 = tpu.memref_slice %run_scoped3A_31[%rem3A_568] : memref<2x!tpu.dma_semaphore, #tpu.memory_space<semaphore_mem>> -> memref<1x!tpu.dma_semaphore, #tpu.memory_space<semaphore_mem>>
          %dma_start3A_578 = tpu.memref_squeeze %dma_start3A_577 : memref<1x!tpu.dma_semaphore, #tpu.memory_space<semaphore_mem>> -> memref<!tpu.dma_semaphore, #tpu.memory_space<semaphore_mem>>
          %dma_start3A_579 = arith.constant 0 : i32
          %dma_start3A_580 = arith.constant 0 : i32
          %dma_start3A_581 = tpu.memref_slice %run_scoped3A_30[%rem3A_568, %dma_start3A_579, %dma_start3A_580] : memref<2x1x128xf32, #tpu.memory_space<vmem>> -> memref<1x1x128xf32, #tpu.memory_space<vmem>>
          %dma_start3A_582 = tpu.memref_squeeze %dma_start3A_581 : memref<1x1x128xf32, #tpu.memory_space<vmem>> -> memref<1x128xf32, #tpu.memory_space<vmem>>
          %dma_start3A_583 = arith.constant 0 : i32
          %dma_start3A_584 = tpu.memref_slice %arg6[%mul3A_570, %dma_start3A_583] : memref<2528x128xf32, #tpu.memory_space<hbm>> -> memref<1x128xf32, #tpu.memory_space<hbm>>
          tpu.enqueue_dma source(%dma_start3A_584 : memref<1x128xf32, #tpu.memory_space<hbm>>) target(%dma_start3A_582 : memref<1x128xf32, #tpu.memory_space<vmem>>) target_semaphore(%dma_start3A_578 : memref<!tpu.dma_semaphore, #tpu.memory_space<semaphore_mem>>)
          "tpu.trace_stop"() : () -> ()
        } else {
        }
        %and3A_302 = arith.constant true
        %and3A_303 = arith.andi %and3A_298, %and3A_302 : i1
        %add3A_304 = arith.constant 1 : i32
        %add3A_305 = arith.addi %scan3A_215, %add3A_304 : i32
        %select_n3A_306 = arith.select %and3A_303, %add3A_305, %scan3A_215 : i32
        %min3A_307 = arith.constant 2499 : i32
        %min3A_308 = arith.minsi %add3A_224, %min3A_307 : i32
        %min3A_309 = arith.constant 2499 : i32
        %min3A_310 = arith.minsi %add3A_242, %min3A_309 : i32
        %ne3A_311 = arith.cmpi ne, %min3A_308, %min3A_310 : i32
        %or3A_312 = arith.constant false
        %or3A_313 = arith.ori %or3A_312, %ne3A_311 : i1
        %ge3A_314 = arith.constant 78 : i32
        %ge3A_315 = arith.cmpi sge, %scan3A_210, %ge3A_314 : i32
        %not3A_316 = arith.constant true
        %not3A_317 = arith.xori %ge3A_315, %not3A_316 : i1
        %and3A_318 = arith.andi %or3A_313, %not3A_317 : i1
        %convert_element_type3A_319 = arith.extui %and3A_318 : i1 to i32
        %cond3A_320 = arith.constant 0 : i32
        %cond3A_321 = arith.cmpi ne, %convert_element_type3A_319, %cond3A_320 : i32
        scf.if %cond3A_321 {
          "tpu.trace_start"() <{level = 10 : i32, message = "ep_copy_in"}> : () -> ()
          %rem3A_567 = arith.constant 2 : i32
          %rem3A_568 = arith.remui %scan3A_217, %rem3A_567 : i32
          %min3A_569 = arith.constant 2499 : i32
          %min3A_570 = arith.minsi %add3A_242, %min3A_569 : i32
          %mul3A_571 = arith.constant 128 : i32
          %mul3A_572 = arith.muli %mul3A_571, %min3A_570 : i32
          %dma_start3A_573 = arith.constant 0 : i32
          %dma_start3A_574 = arith.constant 0 : i32
          %dma_start3A_575 = tpu.memref_slice %run_scoped3A_32[%rem3A_568, %dma_start3A_573, %dma_start3A_574] : memref<2x1x128xi32, #tpu.memory_space<vmem>> -> memref<1x1x128xi32, #tpu.memory_space<vmem>>
          %dma_start3A_576 = tpu.memref_squeeze %dma_start3A_575 : memref<1x1x128xi32, #tpu.memory_space<vmem>> -> memref<1x128xi32, #tpu.memory_space<vmem>>
          %dma_start3A_577 = arith.constant 0 : i32
          %dma_start3A_578 = tpu.memref_slice %arg5[%dma_start3A_577, %mul3A_572] : memref<1x320000xi32, #tpu.memory_space<hbm>> -> memref<1x128xi32, #tpu.memory_space<hbm>>
          %dma_start3A_579 = tpu.memref_slice %run_scoped3A_33[%rem3A_568] : memref<2x!tpu.dma_semaphore, #tpu.memory_space<semaphore_mem>> -> memref<1x!tpu.dma_semaphore, #tpu.memory_space<semaphore_mem>>
          %dma_start3A_580 = tpu.memref_squeeze %dma_start3A_579 : memref<1x!tpu.dma_semaphore, #tpu.memory_space<semaphore_mem>> -> memref<!tpu.dma_semaphore, #tpu.memory_space<semaphore_mem>>
          %dma_start3A_581 = arith.constant 0 : i32
          %dma_start3A_582 = arith.constant 0 : i32
          %dma_start3A_583 = tpu.memref_slice %run_scoped3A_32[%rem3A_568, %dma_start3A_581, %dma_start3A_582] : memref<2x1x128xi32, #tpu.memory_space<vmem>> -> memref<1x1x128xi32, #tpu.memory_space<vmem>>
          %dma_start3A_584 = tpu.memref_squeeze %dma_start3A_583 : memref<1x1x128xi32, #tpu.memory_space<vmem>> -> memref<1x128xi32, #tpu.memory_space<vmem>>
          %dma_start3A_585 = arith.constant 0 : i32
          %dma_start3A_586 = tpu.memref_slice %arg5[%dma_start3A_585, %mul3A_572] : memref<1x320000xi32, #tpu.memory_space<hbm>> -> memref<1x128xi32, #tpu.memory_space<hbm>>
          tpu.enqueue_dma source(%dma_start3A_586 : memref<1x128xi32, #tpu.memory_space<hbm>>) target(%dma_start3A_584 : memref<1x128xi32, #tpu.memory_space<vmem>>) target_semaphore(%dma_start3A_580 : memref<!tpu.dma_semaphore, #tpu.memory_space<semaphore_mem>>)
          "tpu.trace_stop"() : () -> ()
        } else {
        }
        %and3A_322 = arith.constant true
        %and3A_323 = arith.andi %and3A_318, %and3A_322 : i1
        %add3A_324 = arith.constant 1 : i32
        %add3A_325 = arith.addi %scan3A_217, %add3A_324 : i32
        %select_n3A_326 = arith.select %and3A_323, %add3A_325, %scan3A_217 : i32
        %min3A_327 = arith.constant 2499 : i32
        %min3A_328 = arith.minsi %add3A_224, %min3A_327 : i32
        %min3A_329 = arith.constant 2499 : i32
        %min3A_330 = arith.minsi %add3A_233, %min3A_329 : i32
        %ne3A_331 = arith.cmpi ne, %min3A_328, %min3A_330 : i32
        %or3A_332 = arith.constant false
        %or3A_333 = arith.ori %or3A_332, %ne3A_331 : i1
        %or3A_334 = arith.ori %or3A_333, %eq3A_221 : i1
        %convert_element_type3A_335 = arith.extui %or3A_334 : i1 to i32
        %cond3A_336 = arith.constant 0 : i32
        %cond3A_337 = arith.cmpi ne, %convert_element_type3A_335, %cond3A_336 : i32
        scf.if %cond3A_337 {
          "tpu.trace_start"() <{level = 10 : i32, message = "ep_wait_in"}> : () -> ()
          %min3A_567 = arith.constant 2499 : i32
          %min3A_568 = arith.minsi %add3A_224, %min3A_567 : i32
          %mul3A_569 = arith.constant 128 : i32
          %mul3A_570 = arith.muli %mul3A_569, %min3A_568 : i32
          %rem3A_571 = arith.constant 2 : i32
          %rem3A_572 = arith.remui %scan3A_212, %rem3A_571 : i32
          %dma_wait3A_573 = arith.constant 0 : i32
          %dma_wait3A_574 = arith.constant 0 : i32
          %dma_wait3A_575 = tpu.memref_slice %run_scoped3A[%rem3A_572, %dma_wait3A_573, %dma_wait3A_574] : memref<2x1x128xi32, #tpu.memory_space<vmem>> -> memref<1x1x128xi32, #tpu.memory_space<vmem>>
          %dma_wait3A_576 = tpu.memref_squeeze %dma_wait3A_575 : memref<1x1x128xi32, #tpu.memory_space<vmem>> -> memref<1x128xi32, #tpu.memory_space<vmem>>
          %dma_wait3A_577 = arith.constant 0 : i32
          %dma_wait3A_578 = tpu.memref_slice %arg4[%dma_wait3A_577, %mul3A_570] : memref<1x320000xi32, #tpu.memory_space<hbm>> -> memref<1x128xi32, #tpu.memory_space<hbm>>
          %dma_wait3A_579 = tpu.memref_slice %run_scoped3A_27[%rem3A_572] : memref<2x!tpu.dma_semaphore, #tpu.memory_space<semaphore_mem>> -> memref<1x!tpu.dma_semaphore, #tpu.memory_space<semaphore_mem>>
          %dma_wait3A_580 = tpu.memref_squeeze %dma_wait3A_579 : memref<1x!tpu.dma_semaphore, #tpu.memory_space<semaphore_mem>> -> memref<!tpu.dma_semaphore, #tpu.memory_space<semaphore_mem>>
          %dma_wait3A_581 = arith.constant 0 : i32
          %dma_wait3A_582 = arith.constant 0 : i32
          %dma_wait3A_583 = tpu.memref_slice %run_scoped3A[%rem3A_572, %dma_wait3A_581, %dma_wait3A_582] : memref<2x1x128xi32, #tpu.memory_space<vmem>> -> memref<1x1x128xi32, #tpu.memory_space<vmem>>
          %dma_wait3A_584 = tpu.memref_squeeze %dma_wait3A_583 : memref<1x1x128xi32, #tpu.memory_space<vmem>> -> memref<1x128xi32, #tpu.memory_space<vmem>>
          %dma_wait3A_585 = arith.constant 0 : i32
          %dma_wait3A_586 = tpu.memref_slice %arg4[%dma_wait3A_585, %mul3A_570] : memref<1x320000xi32, #tpu.memory_space<hbm>> -> memref<1x128xi32, #tpu.memory_space<hbm>>
          tpu.wait_dma2 semaphore(%dma_wait3A_580 : memref<!tpu.dma_semaphore, #tpu.memory_space<semaphore_mem>>) src(%dma_wait3A_586 : memref<1x128xi32, #tpu.memory_space<hbm>>) dst(%dma_wait3A_584 : memref<1x128xi32, #tpu.memory_space<vmem>>)
          "tpu.trace_stop"() : () -> ()
        } else {
        }
        %min3A_338 = arith.constant 2499 : i32
        %min3A_339 = arith.minsi %add3A_224, %min3A_338 : i32
        %min3A_340 = arith.constant 2499 : i32
        %min3A_341 = arith.minsi %add3A_233, %min3A_340 : i32
        %ne3A_342 = arith.cmpi ne, %min3A_339, %min3A_341 : i32
        %or3A_343 = arith.constant false
        %or3A_344 = arith.ori %or3A_343, %ne3A_342 : i1
        %or3A_345 = arith.constant false
        %or3A_346 = arith.ori %or3A_344, %or3A_345 : i1
        %or3A_347 = arith.ori %or3A_346, %eq3A_221 : i1
        %convert_element_type3A_348 = arith.extui %or3A_347 : i1 to i32
        %cond3A_349 = arith.constant 0 : i32
        %cond3A_350 = arith.cmpi ne, %convert_element_type3A_348, %cond3A_349 : i32
        scf.if %cond3A_350 {
          "tpu.trace_start"() <{level = 10 : i32, message = "ep_wait_in"}> : () -> ()
          %min3A_567 = arith.constant 2499 : i32
          %min3A_568 = arith.minsi %add3A_224, %min3A_567 : i32
          %mul3A_569 = arith.constant 128 : i32
          %mul3A_570 = arith.muli %mul3A_569, %min3A_568 : i32
          %rem3A_571 = arith.constant 2 : i32
          %rem3A_572 = arith.remui %scan3A_214, %rem3A_571 : i32
          %dma_wait3A_573 = arith.constant 0 : i32
          %dma_wait3A_574 = arith.constant 0 : i32
          %dma_wait3A_575 = tpu.memref_slice %run_scoped3A_28[%rem3A_572, %dma_wait3A_573, %dma_wait3A_574] : memref<2x128x128xf32, #tpu.memory_space<vmem>> -> memref<1x128x128xf32, #tpu.memory_space<vmem>>
          %dma_wait3A_576 = tpu.memref_squeeze %dma_wait3A_575 : memref<1x128x128xf32, #tpu.memory_space<vmem>> -> memref<128x128xf32, #tpu.memory_space<vmem>>
          %dma_wait3A_577 = arith.constant 0 : i32
          %dma_wait3A_578 = tpu.memref_slice %arg3[%mul3A_570, %dma_wait3A_577] : memref<320000x128xf32, #tpu.memory_space<hbm>> -> memref<128x128xf32, #tpu.memory_space<hbm>>
          %dma_wait3A_579 = tpu.memref_slice %run_scoped3A_29[%rem3A_572] : memref<2x!tpu.dma_semaphore, #tpu.memory_space<semaphore_mem>> -> memref<1x!tpu.dma_semaphore, #tpu.memory_space<semaphore_mem>>
          %dma_wait3A_580 = tpu.memref_squeeze %dma_wait3A_579 : memref<1x!tpu.dma_semaphore, #tpu.memory_space<semaphore_mem>> -> memref<!tpu.dma_semaphore, #tpu.memory_space<semaphore_mem>>
          %dma_wait3A_581 = arith.constant 0 : i32
          %dma_wait3A_582 = arith.constant 0 : i32
          %dma_wait3A_583 = tpu.memref_slice %run_scoped3A_28[%rem3A_572, %dma_wait3A_581, %dma_wait3A_582] : memref<2x128x128xf32, #tpu.memory_space<vmem>> -> memref<1x128x128xf32, #tpu.memory_space<vmem>>
          %dma_wait3A_584 = tpu.memref_squeeze %dma_wait3A_583 : memref<1x128x128xf32, #tpu.memory_space<vmem>> -> memref<128x128xf32, #tpu.memory_space<vmem>>
          %dma_wait3A_585 = arith.constant 0 : i32
          %dma_wait3A_586 = tpu.memref_slice %arg3[%mul3A_570, %dma_wait3A_585] : memref<320000x128xf32, #tpu.memory_space<hbm>> -> memref<128x128xf32, #tpu.memory_space<hbm>>
          tpu.wait_dma2 semaphore(%dma_wait3A_580 : memref<!tpu.dma_semaphore, #tpu.memory_space<semaphore_mem>>) src(%dma_wait3A_586 : memref<128x128xf32, #tpu.memory_space<hbm>>) dst(%dma_wait3A_584 : memref<128x128xf32, #tpu.memory_space<vmem>>)
          "tpu.trace_stop"() : () -> ()
        } else {
        }
        %ne3A_351 = arith.cmpi ne, %add3A_224, %add3A_233 : i32
        %or3A_352 = arith.constant false
        %or3A_353 = arith.ori %or3A_352, %ne3A_351 : i1
        %or3A_354 = arith.constant false
        %or3A_355 = arith.ori %or3A_353, %or3A_354 : i1
        %or3A_356 = arith.ori %or3A_355, %eq3A_221 : i1
        %convert_element_type3A_357 = arith.extui %or3A_356 : i1 to i32
        %cond3A_358 = arith.constant 0 : i32
        %cond3A_359 = arith.cmpi ne, %convert_element_type3A_357, %cond3A_358 : i32
        scf.if %cond3A_359 {
          "tpu.trace_start"() <{level = 10 : i32, message = "ep_wait_in"}> : () -> ()
          %mul3A_567 = arith.constant 1 : i32
          %mul3A_568 = arith.muli %mul3A_567, %add3A_224 : i32
          %rem3A_569 = arith.constant 2 : i32
          %rem3A_570 = arith.remui %scan3A_216, %rem3A_569 : i32
          %dma_wait3A_571 = arith.constant 0 : i32
          %dma_wait3A_572 = arith.constant 0 : i32
          %dma_wait3A_573 = tpu.memref_slice %run_scoped3A_30[%rem3A_570, %dma_wait3A_571, %dma_wait3A_572] : memref<2x1x128xf32, #tpu.memory_space<vmem>> -> memref<1x1x128xf32, #tpu.memory_space<vmem>>
          %dma_wait3A_574 = tpu.memref_squeeze %dma_wait3A_573 : memref<1x1x128xf32, #tpu.memory_space<vmem>> -> memref<1x128xf32, #tpu.memory_space<vmem>>
          %dma_wait3A_575 = arith.constant 0 : i32
          %dma_wait3A_576 = tpu.memref_slice %arg6[%mul3A_568, %dma_wait3A_575] : memref<2528x128xf32, #tpu.memory_space<hbm>> -> memref<1x128xf32, #tpu.memory_space<hbm>>
          %dma_wait3A_577 = tpu.memref_slice %run_scoped3A_31[%rem3A_570] : memref<2x!tpu.dma_semaphore, #tpu.memory_space<semaphore_mem>> -> memref<1x!tpu.dma_semaphore, #tpu.memory_space<semaphore_mem>>
          %dma_wait3A_578 = tpu.memref_squeeze %dma_wait3A_577 : memref<1x!tpu.dma_semaphore, #tpu.memory_space<semaphore_mem>> -> memref<!tpu.dma_semaphore, #tpu.memory_space<semaphore_mem>>
          %dma_wait3A_579 = arith.constant 0 : i32
          %dma_wait3A_580 = arith.constant 0 : i32
          %dma_wait3A_581 = tpu.memref_slice %run_scoped3A_30[%rem3A_570, %dma_wait3A_579, %dma_wait3A_580] : memref<2x1x128xf32, #tpu.memory_space<vmem>> -> memref<1x1x128xf32, #tpu.memory_space<vmem>>
          %dma_wait3A_582 = tpu.memref_squeeze %dma_wait3A_581 : memref<1x1x128xf32, #tpu.memory_space<vmem>> -> memref<1x128xf32, #tpu.memory_space<vmem>>
          %dma_wait3A_583 = arith.constant 0 : i32
          %dma_wait3A_584 = tpu.memref_slice %arg6[%mul3A_568, %dma_wait3A_583] : memref<2528x128xf32, #tpu.memory_space<hbm>> -> memref<1x128xf32, #tpu.memory_space<hbm>>
          tpu.wait_dma2 semaphore(%dma_wait3A_578 : memref<!tpu.dma_semaphore, #tpu.memory_space<semaphore_mem>>) src(%dma_wait3A_584 : memref<1x128xf32, #tpu.memory_space<hbm>>) dst(%dma_wait3A_582 : memref<1x128xf32, #tpu.memory_space<vmem>>)
          "tpu.trace_stop"() : () -> ()
        } else {
        }
        %min3A_360 = arith.constant 2499 : i32
        %min3A_361 = arith.minsi %add3A_224, %min3A_360 : i32
        %min3A_362 = arith.constant 2499 : i32
        %min3A_363 = arith.minsi %add3A_233, %min3A_362 : i32
        %ne3A_364 = arith.cmpi ne, %min3A_361, %min3A_363 : i32
        %or3A_365 = arith.constant false
        %or3A_366 = arith.ori %or3A_365, %ne3A_364 : i1
        %or3A_367 = arith.ori %or3A_366, %eq3A_221 : i1
        %convert_element_type3A_368 = arith.extui %or3A_367 : i1 to i32
        %cond3A_369 = arith.constant 0 : i32
        %cond3A_370 = arith.cmpi ne, %convert_element_type3A_368, %cond3A_369 : i32
        scf.if %cond3A_370 {
          "tpu.trace_start"() <{level = 10 : i32, message = "ep_wait_in"}> : () -> ()
          %min3A_567 = arith.constant 2499 : i32
          %min3A_568 = arith.minsi %add3A_224, %min3A_567 : i32
          %mul3A_569 = arith.constant 128 : i32
          %mul3A_570 = arith.muli %mul3A_569, %min3A_568 : i32
          %rem3A_571 = arith.constant 2 : i32
          %rem3A_572 = arith.remui %scan3A_218, %rem3A_571 : i32
          %dma_wait3A_573 = arith.constant 0 : i32
          %dma_wait3A_574 = arith.constant 0 : i32
          %dma_wait3A_575 = tpu.memref_slice %run_scoped3A_32[%rem3A_572, %dma_wait3A_573, %dma_wait3A_574] : memref<2x1x128xi32, #tpu.memory_space<vmem>> -> memref<1x1x128xi32, #tpu.memory_space<vmem>>
          %dma_wait3A_576 = tpu.memref_squeeze %dma_wait3A_575 : memref<1x1x128xi32, #tpu.memory_space<vmem>> -> memref<1x128xi32, #tpu.memory_space<vmem>>
          %dma_wait3A_577 = arith.constant 0 : i32
          %dma_wait3A_578 = tpu.memref_slice %arg5[%dma_wait3A_577, %mul3A_570] : memref<1x320000xi32, #tpu.memory_space<hbm>> -> memref<1x128xi32, #tpu.memory_space<hbm>>
          %dma_wait3A_579 = tpu.memref_slice %run_scoped3A_33[%rem3A_572] : memref<2x!tpu.dma_semaphore, #tpu.memory_space<semaphore_mem>> -> memref<1x!tpu.dma_semaphore, #tpu.memory_space<semaphore_mem>>
          %dma_wait3A_580 = tpu.memref_squeeze %dma_wait3A_579 : memref<1x!tpu.dma_semaphore, #tpu.memory_space<semaphore_mem>> -> memref<!tpu.dma_semaphore, #tpu.memory_space<semaphore_mem>>
          %dma_wait3A_581 = arith.constant 0 : i32
          %dma_wait3A_582 = arith.constant 0 : i32
          %dma_wait3A_583 = tpu.memref_slice %run_scoped3A_32[%rem3A_572, %dma_wait3A_581, %dma_wait3A_582] : memref<2x1x128xi32, #tpu.memory_space<vmem>> -> memref<1x1x128xi32, #tpu.memory_space<vmem>>
          %dma_wait3A_584 = tpu.memref_squeeze %dma_wait3A_583 : memref<1x1x128xi32, #tpu.memory_space<vmem>> -> memref<1x128xi32, #tpu.memory_space<vmem>>
          %dma_wait3A_585 = arith.constant 0 : i32
          %dma_wait3A_586 = tpu.memref_slice %arg5[%dma_wait3A_585, %mul3A_570] : memref<1x320000xi32, #tpu.memory_space<hbm>> -> memref<1x128xi32, #tpu.memory_space<hbm>>
          tpu.wait_dma2 semaphore(%dma_wait3A_580 : memref<!tpu.dma_semaphore, #tpu.memory_space<semaphore_mem>>) src(%dma_wait3A_586 : memref<1x128xi32, #tpu.memory_space<hbm>>) dst(%dma_wait3A_584 : memref<1x128xi32, #tpu.memory_space<vmem>>)
          "tpu.trace_stop"() : () -> ()
        } else {
        }
        %rem3A_371 = arith.constant 2 : i32
        %rem3A_372 = arith.remui %scan3A_212, %rem3A_371 : i32
        %rem3A_373 = arith.constant 2 : i32
        %rem3A_374 = arith.remui %scan3A_214, %rem3A_373 : i32
        %rem3A_375 = arith.constant 2 : i32
        %rem3A_376 = arith.remui %scan3A_216, %rem3A_375 : i32
        %rem3A_377 = arith.constant 2 : i32
        %rem3A_378 = arith.remui %scan3A_218, %rem3A_377 : i32
        %dma_start3A_379 = arith.constant 0 : i32
        "tpu.trace_start"() <{level = 10 : i32, message = "ep_run_kernel"}> : () -> ()
        %dma_start3A_380 = arith.constant 0 : i32
        %dma_start3A_381 = arith.constant 0 : i32
        %dma_start3A_382 = tpu.memref_slice %run_scoped3A[%rem3A_372, %dma_start3A_380, %dma_start3A_381] : memref<2x1x128xi32, #tpu.memory_space<vmem>> -> memref<1x1x128xi32, #tpu.memory_space<vmem>>
        %dma_start3A_383 = tpu.memref_squeeze %dma_start3A_382 : memref<1x1x128xi32, #tpu.memory_space<vmem>> -> memref<1x128xi32, #tpu.memory_space<vmem>>
        %dma_start3A_384 = arith.constant 0 : i32
        %dma_start3A_385 = tpu.memref_slice %dma_start3A_383[%dma_start3A_379, %dma_start3A_384] : memref<1x128xi32, #tpu.memory_space<vmem>> -> memref<1x128xi32, #tpu.memory_space<vmem>>
        %dma_start3A_386 = tpu.memref_squeeze %dma_start3A_385 : memref<1x128xi32, #tpu.memory_space<vmem>> -> memref<128xi32, #tpu.memory_space<vmem>>
        %dma_start3A_387 = arith.constant 0 : i32
        %dma_start3A_388 = arith.constant 0 : i32
        %dma_start3A_389 = tpu.memref_slice %arg2[%dma_start3A_387, %dma_start3A_388] : memref<10000x128xf32, #tpu.memory_space<hbm>> -> memref<10000x128xf32, #tpu.memory_space<hbm>>
        tpu.enqueue_indirect_dma source(%dma_start3A_389 : memref<10000x128xf32, #tpu.memory_space<hbm>>) target(%arg10 : memref<128x128xf32, #tpu.memory_space<vmem>>) offsets(%dma_start3A_386 : memref<128xi32, #tpu.memory_space<vmem>>) semaphore(%arg11 : memref<!tpu.dma_semaphore, #tpu.memory_space<semaphore_mem>>)
        %dma_wait3A = arith.constant 0 : i32
        %dma_wait3A_390 = arith.constant 0 : i32
        %dma_wait3A_391 = arith.constant 0 : i32
        %dma_wait3A_392 = tpu.memref_slice %run_scoped3A[%rem3A_372, %dma_wait3A_390, %dma_wait3A_391] : memref<2x1x128xi32, #tpu.memory_space<vmem>> -> memref<1x1x128xi32, #tpu.memory_space<vmem>>
        %dma_wait3A_393 = tpu.memref_squeeze %dma_wait3A_392 : memref<1x1x128xi32, #tpu.memory_space<vmem>> -> memref<1x128xi32, #tpu.memory_space<vmem>>
        %dma_wait3A_394 = arith.constant 0 : i32
        %dma_wait3A_395 = tpu.memref_slice %dma_wait3A_393[%dma_wait3A, %dma_wait3A_394] : memref<1x128xi32, #tpu.memory_space<vmem>> -> memref<1x128xi32, #tpu.memory_space<vmem>>
        %dma_wait3A_396 = tpu.memref_squeeze %dma_wait3A_395 : memref<1x128xi32, #tpu.memory_space<vmem>> -> memref<128xi32, #tpu.memory_space<vmem>>
        %dma_wait3A_397 = arith.constant 0 : i32
        %dma_wait3A_398 = arith.constant 0 : i32
        %dma_wait3A_399 = tpu.memref_slice %arg2[%dma_wait3A_397, %dma_wait3A_398] : memref<10000x128xf32, #tpu.memory_space<hbm>> -> memref<10000x128xf32, #tpu.memory_space<hbm>>
        tpu.wait_indirect_dma semaphore(%arg11 : memref<!tpu.dma_semaphore, #tpu.memory_space<semaphore_mem>>) src(%dma_wait3A_399 : memref<10000x128xf32, #tpu.memory_space<hbm>>) dst(%arg10 : memref<128x128xf32, #tpu.memory_space<vmem>>)
        %parallel_loop3A = arith.constant 0 : i32
        %parallel_loop3A_400 = arith.constant 128 : i32
        %parallel_loop3A_401 = arith.constant 1 : i32
        scf.for %parallel_loop3A_567 = %parallel_loop3A to %parallel_loop3A_400 step %parallel_loop3A_401  : i32 {
          %parallel_loop3A_568 = vector.broadcast %parallel_loop3A_567 : i32 to vector<16xi32>
          %parallel_loop3A_569 = arith.constant 0 : i32
          %parallel_loop3A_570 = arith.constant 0 : i32
          %parallel_loop3A_571 = tpu.memref_slice %run_scoped3A_30[%rem3A_376, %parallel_loop3A_569, %parallel_loop3A_570] : memref<2x1x128xf32, #tpu.memory_space<vmem>> -> memref<1x1x128xf32, #tpu.memory_space<vmem>>
          %parallel_loop3A_572 = tpu.memref_squeeze %parallel_loop3A_571 : memref<1x1x128xf32, #tpu.memory_space<vmem>> -> memref<1x128xf32, #tpu.memory_space<vmem>>
          %parallel_loop3A_573 = tpu.vector_load_idx %parallel_loop3A_572[%broadcast_in_dim3A_7, %parallel_loop3A_568] : memref<1x128xf32, #tpu.memory_space<vmem>>[vector<16xi32>, vector<16xi32>], vector<16xf32>,
          %parallel_loop3A_574 = arith.index_cast %parallel_loop3A_567 : i32 to index
          %parallel_loop3A_575 = arith.constant 0 : index
          %parallel_loop3A_576 = tpu.vector_load %arg10[%parallel_loop3A_574, %parallel_loop3A_575] {strides = array<i32>} : memref<128x128xf32, #tpu.memory_space<vmem>>, vector<16xf32>,
          %parallel_loop3A_577 = arith.constant 0 : i32
          %parallel_loop3A_578 = arith.constant 0 : i32
          %parallel_loop3A_579 = tpu.memref_slice %run_scoped3A_28[%rem3A_374, %parallel_loop3A_577, %parallel_loop3A_578] : memref<2x128x128xf32, #tpu.memory_space<vmem>> -> memref<1x128x128xf32, #tpu.memory_space<vmem>>
          %parallel_loop3A_580 = tpu.memref_squeeze %parallel_loop3A_579 : memref<1x128x128xf32, #tpu.memory_space<vmem>> -> memref<128x128xf32, #tpu.memory_space<vmem>>
          %parallel_loop3A_581 = arith.index_cast %parallel_loop3A_567 : i32 to index
          %parallel_loop3A_582 = arith.constant 0 : index
          %parallel_loop3A_583 = tpu.vector_load %parallel_loop3A_580[%parallel_loop3A_581, %parallel_loop3A_582] {strides = array<i32>} : memref<128x128xf32, #tpu.memory_space<vmem>>, vector<16xf32>,
          %parallel_loop3A_584 = arith.addf %parallel_loop3A_576, %parallel_loop3A_583 : vector<16xf32>
          %parallel_loop3A_585 = arith.constant 0.000000e+00 : f32
          %parallel_loop3A_586 = vector.broadcast %parallel_loop3A_585 : f32 to vector<16xf32>
          %parallel_loop3A_587 = arith.maximumf %parallel_loop3A_584, %parallel_loop3A_586 : vector<16xf32>
          %parallel_loop3A_588 = arith.mulf %parallel_loop3A_587, %parallel_loop3A_573 : vector<16xf32>
          %parallel_loop3A_589 = arith.index_cast %parallel_loop3A_567 : i32 to index
          %parallel_loop3A_590 = arith.constant 0 : index
          %parallel_loop3A_591 = tpu.vector_load %arg10[%parallel_loop3A_589, %parallel_loop3A_590] {strides = array<i32>} : memref<128x128xf32, #tpu.memory_space<vmem>>, vector<16xf32>,
          tpu.vector_store %arg10[%parallel_loop3A_589, %parallel_loop3A_590], %parallel_loop3A_588 {strides = array<i32>} : memref<128x128xf32, #tpu.memory_space<vmem>>, vector<16xf32>,
          %parallel_loop3A_592 = arith.index_cast %parallel_loop3A_567 : i32 to index
          %parallel_loop3A_593 = arith.constant 16 : index
          %parallel_loop3A_594 = tpu.vector_load %arg10[%parallel_loop3A_592, %parallel_loop3A_593] {strides = array<i32>} : memref<128x128xf32, #tpu.memory_space<vmem>>, vector<16xf32>,
          %parallel_loop3A_595 = arith.constant 0 : i32
          %parallel_loop3A_596 = arith.constant 0 : i32
          %parallel_loop3A_597 = tpu.memref_slice %run_scoped3A_28[%rem3A_374, %parallel_loop3A_595, %parallel_loop3A_596] : memref<2x128x128xf32, #tpu.memory_space<vmem>> -> memref<1x128x128xf32, #tpu.memory_space<vmem>>
          %parallel_loop3A_598 = tpu.memref_squeeze %parallel_loop3A_597 : memref<1x128x128xf32, #tpu.memory_space<vmem>> -> memref<128x128xf32, #tpu.memory_space<vmem>>
          %parallel_loop3A_599 = arith.index_cast %parallel_loop3A_567 : i32 to index
          %parallel_loop3A_600 = arith.constant 16 : index
          %parallel_loop3A_601 = tpu.vector_load %parallel_loop3A_598[%parallel_loop3A_599, %parallel_loop3A_600] {strides = array<i32>} : memref<128x128xf32, #tpu.memory_space<vmem>>, vector<16xf32>,
          %parallel_loop3A_602 = arith.addf %parallel_loop3A_594, %parallel_loop3A_601 : vector<16xf32>
          %parallel_loop3A_603 = arith.constant 0.000000e+00 : f32
          %parallel_loop3A_604 = vector.broadcast %parallel_loop3A_603 : f32 to vector<16xf32>
          %parallel_loop3A_605 = arith.maximumf %parallel_loop3A_602, %parallel_loop3A_604 : vector<16xf32>
          %parallel_loop3A_606 = arith.mulf %parallel_loop3A_605, %parallel_loop3A_573 : vector<16xf32>
          %parallel_loop3A_607 = arith.index_cast %parallel_loop3A_567 : i32 to index
          %parallel_loop3A_608 = arith.constant 16 : index
          %parallel_loop3A_609 = tpu.vector_load %arg10[%parallel_loop3A_607, %parallel_loop3A_608] {strides = array<i32>} : memref<128x128xf32, #tpu.memory_space<vmem>>, vector<16xf32>,
          tpu.vector_store %arg10[%parallel_loop3A_607, %parallel_loop3A_608], %parallel_loop3A_606 {strides = array<i32>} : memref<128x128xf32, #tpu.memory_space<vmem>>, vector<16xf32>,
          %parallel_loop3A_610 = arith.index_cast %parallel_loop3A_567 : i32 to index
          %parallel_loop3A_611 = arith.constant 32 : index
          %parallel_loop3A_612 = tpu.vector_load %arg10[%parallel_loop3A_610, %parallel_loop3A_611] {strides = array<i32>} : memref<128x128xf32, #tpu.memory_space<vmem>>, vector<16xf32>,
          %parallel_loop3A_613 = arith.constant 0 : i32
          %parallel_loop3A_614 = arith.constant 0 : i32
          %parallel_loop3A_615 = tpu.memref_slice %run_scoped3A_28[%rem3A_374, %parallel_loop3A_613, %parallel_loop3A_614] : memref<2x128x128xf32, #tpu.memory_space<vmem>> -> memref<1x128x128xf32, #tpu.memory_space<vmem>>
          %parallel_loop3A_616 = tpu.memref_squeeze %parallel_loop3A_615 : memref<1x128x128xf32, #tpu.memory_space<vmem>> -> memref<128x128xf32, #tpu.memory_space<vmem>>
          %parallel_loop3A_617 = arith.index_cast %parallel_loop3A_567 : i32 to index
          %parallel_loop3A_618 = arith.constant 32 : index
          %parallel_loop3A_619 = tpu.vector_load %parallel_loop3A_616[%parallel_loop3A_617, %parallel_loop3A_618] {strides = array<i32>} : memref<128x128xf32, #tpu.memory_space<vmem>>, vector<16xf32>,
          %parallel_loop3A_620 = arith.addf %parallel_loop3A_612, %parallel_loop3A_619 : vector<16xf32>
          %parallel_loop3A_621 = arith.constant 0.000000e+00 : f32
          %parallel_loop3A_622 = vector.broadcast %parallel_loop3A_621 : f32 to vector<16xf32>
          %parallel_loop3A_623 = arith.maximumf %parallel_loop3A_620, %parallel_loop3A_622 : vector<16xf32>
          %parallel_loop3A_624 = arith.mulf %parallel_loop3A_623, %parallel_loop3A_573 : vector<16xf32>
          %parallel_loop3A_625 = arith.index_cast %parallel_loop3A_567 : i32 to index
          %parallel_loop3A_626 = arith.constant 32 : index
          %parallel_loop3A_627 = tpu.vector_load %arg10[%parallel_loop3A_625, %parallel_loop3A_626] {strides = array<i32>} : memref<128x128xf32, #tpu.memory_space<vmem>>, vector<16xf32>,
          tpu.vector_store %arg10[%parallel_loop3A_625, %parallel_loop3A_626], %parallel_loop3A_624 {strides = array<i32>} : memref<128x128xf32, #tpu.memory_space<vmem>>, vector<16xf32>,
          %parallel_loop3A_628 = arith.index_cast %parallel_loop3A_567 : i32 to index
          %parallel_loop3A_629 = arith.constant 48 : index
          %parallel_loop3A_630 = tpu.vector_load %arg10[%parallel_loop3A_628, %parallel_loop3A_629] {strides = array<i32>} : memref<128x128xf32, #tpu.memory_space<vmem>>, vector<16xf32>,
          %parallel_loop3A_631 = arith.constant 0 : i32
          %parallel_loop3A_632 = arith.constant 0 : i32
          %parallel_loop3A_633 = tpu.memref_slice %run_scoped3A_28[%rem3A_374, %parallel_loop3A_631, %parallel_loop3A_632] : memref<2x128x128xf32, #tpu.memory_space<vmem>> -> memref<1x128x128xf32, #tpu.memory_space<vmem>>
          %parallel_loop3A_634 = tpu.memref_squeeze %parallel_loop3A_633 : memref<1x128x128xf32, #tpu.memory_space<vmem>> -> memref<128x128xf32, #tpu.memory_space<vmem>>
          %parallel_loop3A_635 = arith.index_cast %parallel_loop3A_567 : i32 to index
          %parallel_loop3A_636 = arith.constant 48 : index
          %parallel_loop3A_637 = tpu.vector_load %parallel_loop3A_634[%parallel_loop3A_635, %parallel_loop3A_636] {strides = array<i32>} : memref<128x128xf32, #tpu.memory_space<vmem>>, vector<16xf32>,
          %parallel_loop3A_638 = arith.addf %parallel_loop3A_630, %parallel_loop3A_637 : vector<16xf32>
          %parallel_loop3A_639 = arith.constant 0.000000e+00 : f32
          %parallel_loop3A_640 = vector.broadcast %parallel_loop3A_639 : f32 to vector<16xf32>
          %parallel_loop3A_641 = arith.maximumf %parallel_loop3A_638, %parallel_loop3A_640 : vector<16xf32>
          %parallel_loop3A_642 = arith.mulf %parallel_loop3A_641, %parallel_loop3A_573 : vector<16xf32>
          %parallel_loop3A_643 = arith.index_cast %parallel_loop3A_567 : i32 to index
          %parallel_loop3A_644 = arith.constant 48 : index
          %parallel_loop3A_645 = tpu.vector_load %arg10[%parallel_loop3A_643, %parallel_loop3A_644] {strides = array<i32>} : memref<128x128xf32, #tpu.memory_space<vmem>>, vector<16xf32>,
          tpu.vector_store %arg10[%parallel_loop3A_643, %parallel_loop3A_644], %parallel_loop3A_642 {strides = array<i32>} : memref<128x128xf32, #tpu.memory_space<vmem>>, vector<16xf32>,
          %parallel_loop3A_646 = arith.index_cast %parallel_loop3A_567 : i32 to index
          %parallel_loop3A_647 = arith.constant 64 : index
          %parallel_loop3A_648 = tpu.vector_load %arg10[%parallel_loop3A_646, %parallel_loop3A_647] {strides = array<i32>} : memref<128x128xf32, #tpu.memory_space<vmem>>, vector<16xf32>,
          %parallel_loop3A_649 = arith.constant 0 : i32
          %parallel_loop3A_650 = arith.constant 0 : i32
          %parallel_loop3A_651 = tpu.memref_slice %run_scoped3A_28[%rem3A_374, %parallel_loop3A_649, %parallel_loop3A_650] : memref<2x128x128xf32, #tpu.memory_space<vmem>> -> memref<1x128x128xf32, #tpu.memory_space<vmem>>
          %parallel_loop3A_652 = tpu.memref_squeeze %parallel_loop3A_651 : memref<1x128x128xf32, #tpu.memory_space<vmem>> -> memref<128x128xf32, #tpu.memory_space<vmem>>
          %parallel_loop3A_653 = arith.index_cast %parallel_loop3A_567 : i32 to index
          %parallel_loop3A_654 = arith.constant 64 : index
          %parallel_loop3A_655 = tpu.vector_load %parallel_loop3A_652[%parallel_loop3A_653, %parallel_loop3A_654] {strides = array<i32>} : memref<128x128xf32, #tpu.memory_space<vmem>>, vector<16xf32>,
          %parallel_loop3A_656 = arith.addf %parallel_loop3A_648, %parallel_loop3A_655 : vector<16xf32>
          %parallel_loop3A_657 = arith.constant 0.000000e+00 : f32
          %parallel_loop3A_658 = vector.broadcast %parallel_loop3A_657 : f32 to vector<16xf32>
          %parallel_loop3A_659 = arith.maximumf %parallel_loop3A_656, %parallel_loop3A_658 : vector<16xf32>
          %parallel_loop3A_660 = arith.mulf %parallel_loop3A_659, %parallel_loop3A_573 : vector<16xf32>
          %parallel_loop3A_661 = arith.index_cast %parallel_loop3A_567 : i32 to index
          %parallel_loop3A_662 = arith.constant 64 : index
          %parallel_loop3A_663 = tpu.vector_load %arg10[%parallel_loop3A_661, %parallel_loop3A_662] {strides = array<i32>} : memref<128x128xf32, #tpu.memory_space<vmem>>, vector<16xf32>,
          tpu.vector_store %arg10[%parallel_loop3A_661, %parallel_loop3A_662], %parallel_loop3A_660 {strides = array<i32>} : memref<128x128xf32, #tpu.memory_space<vmem>>, vector<16xf32>,
          %parallel_loop3A_664 = arith.index_cast %parallel_loop3A_567 : i32 to index
          %parallel_loop3A_665 = arith.constant 80 : index
          %parallel_loop3A_666 = tpu.vector_load %arg10[%parallel_loop3A_664, %parallel_loop3A_665] {strides = array<i32>} : memref<128x128xf32, #tpu.memory_space<vmem>>, vector<16xf32>,
          %parallel_loop3A_667 = arith.constant 0 : i32
          %parallel_loop3A_668 = arith.constant 0 : i32
          %parallel_loop3A_669 = tpu.memref_slice %run_scoped3A_28[%rem3A_374, %parallel_loop3A_667, %parallel_loop3A_668] : memref<2x128x128xf32, #tpu.memory_space<vmem>> -> memref<1x128x128xf32, #tpu.memory_space<vmem>>
          %parallel_loop3A_670 = tpu.memref_squeeze %parallel_loop3A_669 : memref<1x128x128xf32, #tpu.memory_space<vmem>> -> memref<128x128xf32, #tpu.memory_space<vmem>>
          %parallel_loop3A_671 = arith.index_cast %parallel_loop3A_567 : i32 to index
          %parallel_loop3A_672 = arith.constant 80 : index
          %parallel_loop3A_673 = tpu.vector_load %parallel_loop3A_670[%parallel_loop3A_671, %parallel_loop3A_672] {strides = array<i32>} : memref<128x128xf32, #tpu.memory_space<vmem>>, vector<16xf32>,
          %parallel_loop3A_674 = arith.addf %parallel_loop3A_666, %parallel_loop3A_673 : vector<16xf32>
          %parallel_loop3A_675 = arith.constant 0.000000e+00 : f32
          %parallel_loop3A_676 = vector.broadcast %parallel_loop3A_675 : f32 to vector<16xf32>
          %parallel_loop3A_677 = arith.maximumf %parallel_loop3A_674, %parallel_loop3A_676 : vector<16xf32>
          %parallel_loop3A_678 = arith.mulf %parallel_loop3A_677, %parallel_loop3A_573 : vector<16xf32>
          %parallel_loop3A_679 = arith.index_cast %parallel_loop3A_567 : i32 to index
          %parallel_loop3A_680 = arith.constant 80 : index
          %parallel_loop3A_681 = tpu.vector_load %arg10[%parallel_loop3A_679, %parallel_loop3A_680] {strides = array<i32>} : memref<128x128xf32, #tpu.memory_space<vmem>>, vector<16xf32>,
          tpu.vector_store %arg10[%parallel_loop3A_679, %parallel_loop3A_680], %parallel_loop3A_678 {strides = array<i32>} : memref<128x128xf32, #tpu.memory_space<vmem>>, vector<16xf32>,
          %parallel_loop3A_682 = arith.index_cast %parallel_loop3A_567 : i32 to index
          %parallel_loop3A_683 = arith.constant 96 : index
          %parallel_loop3A_684 = tpu.vector_load %arg10[%parallel_loop3A_682, %parallel_loop3A_683] {strides = array<i32>} : memref<128x128xf32, #tpu.memory_space<vmem>>, vector<16xf32>,
          %parallel_loop3A_685 = arith.constant 0 : i32
          %parallel_loop3A_686 = arith.constant 0 : i32
          %parallel_loop3A_687 = tpu.memref_slice %run_scoped3A_28[%rem3A_374, %parallel_loop3A_685, %parallel_loop3A_686] : memref<2x128x128xf32, #tpu.memory_space<vmem>> -> memref<1x128x128xf32, #tpu.memory_space<vmem>>
          %parallel_loop3A_688 = tpu.memref_squeeze %parallel_loop3A_687 : memref<1x128x128xf32, #tpu.memory_space<vmem>> -> memref<128x128xf32, #tpu.memory_space<vmem>>
          %parallel_loop3A_689 = arith.index_cast %parallel_loop3A_567 : i32 to index
          %parallel_loop3A_690 = arith.constant 96 : index
          %parallel_loop3A_691 = tpu.vector_load %parallel_loop3A_688[%parallel_loop3A_689, %parallel_loop3A_690] {strides = array<i32>} : memref<128x128xf32, #tpu.memory_space<vmem>>, vector<16xf32>,
          %parallel_loop3A_692 = arith.addf %parallel_loop3A_684, %parallel_loop3A_691 : vector<16xf32>
          %parallel_loop3A_693 = arith.constant 0.000000e+00 : f32
          %parallel_loop3A_694 = vector.broadcast %parallel_loop3A_693 : f32 to vector<16xf32>
          %parallel_loop3A_695 = arith.maximumf %parallel_loop3A_692, %parallel_loop3A_694 : vector<16xf32>
          %parallel_loop3A_696 = arith.mulf %parallel_loop3A_695, %parallel_loop3A_573 : vector<16xf32>
          %parallel_loop3A_697 = arith.index_cast %parallel_loop3A_567 : i32 to index
          %parallel_loop3A_698 = arith.constant 96 : index
          %parallel_loop3A_699 = tpu.vector_load %arg10[%parallel_loop3A_697, %parallel_loop3A_698] {strides = array<i32>} : memref<128x128xf32, #tpu.memory_space<vmem>>, vector<16xf32>,
          tpu.vector_store %arg10[%parallel_loop3A_697, %parallel_loop3A_698], %parallel_loop3A_696 {strides = array<i32>} : memref<128x128xf32, #tpu.memory_space<vmem>>, vector<16xf32>,
          %parallel_loop3A_700 = arith.index_cast %parallel_loop3A_567 : i32 to index
          %parallel_loop3A_701 = arith.constant 112 : index
          %parallel_loop3A_702 = tpu.vector_load %arg10[%parallel_loop3A_700, %parallel_loop3A_701] {strides = array<i32>} : memref<128x128xf32, #tpu.memory_space<vmem>>, vector<16xf32>,
          %parallel_loop3A_703 = arith.constant 0 : i32
          %parallel_loop3A_704 = arith.constant 0 : i32
          %parallel_loop3A_705 = tpu.memref_slice %run_scoped3A_28[%rem3A_374, %parallel_loop3A_703, %parallel_loop3A_704] : memref<2x128x128xf32, #tpu.memory_space<vmem>> -> memref<1x128x128xf32, #tpu.memory_space<vmem>>
          %parallel_loop3A_706 = tpu.memref_squeeze %parallel_loop3A_705 : memref<1x128x128xf32, #tpu.memory_space<vmem>> -> memref<128x128xf32, #tpu.memory_space<vmem>>
          %parallel_loop3A_707 = arith.index_cast %parallel_loop3A_567 : i32 to index
          %parallel_loop3A_708 = arith.constant 112 : index
          %parallel_loop3A_709 = tpu.vector_load %parallel_loop3A_706[%parallel_loop3A_707, %parallel_loop3A_708] {strides = array<i32>} : memref<128x128xf32, #tpu.memory_space<vmem>>, vector<16xf32>,
          %parallel_loop3A_710 = arith.addf %parallel_loop3A_702, %parallel_loop3A_709 : vector<16xf32>
          %parallel_loop3A_711 = arith.constant 0.000000e+00 : f32
          %parallel_loop3A_712 = vector.broadcast %parallel_loop3A_711 : f32 to vector<16xf32>
          %parallel_loop3A_713 = arith.maximumf %parallel_loop3A_710, %parallel_loop3A_712 : vector<16xf32>
          %parallel_loop3A_714 = arith.mulf %parallel_loop3A_713, %parallel_loop3A_573 : vector<16xf32>
          %parallel_loop3A_715 = arith.index_cast %parallel_loop3A_567 : i32 to index
          %parallel_loop3A_716 = arith.constant 112 : index
          %parallel_loop3A_717 = tpu.vector_load %arg10[%parallel_loop3A_715, %parallel_loop3A_716] {strides = array<i32>} : memref<128x128xf32, #tpu.memory_space<vmem>>, vector<16xf32>,
          tpu.vector_store %arg10[%parallel_loop3A_715, %parallel_loop3A_716], %parallel_loop3A_714 {strides = array<i32>} : memref<128x128xf32, #tpu.memory_space<vmem>>, vector<16xf32>,
        } {sc.loop_unroll_factor = 4 : i64, sc.parallel_access}
        %run_scoped3A_402 = arith.constant 0 : i32
        "tpu.region"() ({
          %run_scoped3A_567 = tpu.sem_alloc : memref<!tpu.dma_semaphore, #tpu.memory_space<semaphore_mem>>
          %dma_start3A_568 = arith.constant 0 : i32
          %dma_start3A_569 = arith.constant 0 : i32
          %dma_start3A_570 = tpu.memref_slice %run_scoped3A_32[%rem3A_378, %dma_start3A_568, %dma_start3A_569] : memref<2x1x128xi32, #tpu.memory_space<vmem>> -> memref<1x1x128xi32, #tpu.memory_space<vmem>>
          %dma_start3A_571 = tpu.memref_squeeze %dma_start3A_570 : memref<1x1x128xi32, #tpu.memory_space<vmem>> -> memref<1x128xi32, #tpu.memory_space<vmem>>
          %dma_start3A_572 = arith.constant 0 : i32
          %dma_start3A_573 = tpu.memref_slice %dma_start3A_571[%run_scoped3A_402, %dma_start3A_572] : memref<1x128xi32, #tpu.memory_space<vmem>> -> memref<1x128xi32, #tpu.memory_space<vmem>>
          %dma_start3A_574 = tpu.memref_squeeze %dma_start3A_573 : memref<1x128xi32, #tpu.memory_space<vmem>> -> memref<128xi32, #tpu.memory_space<vmem>>
          %dma_start3A_575 = arith.constant 0 : i32
          %dma_start3A_576 = arith.constant 0 : i32
          %dma_start3A_577 = tpu.memref_slice %arg9[%dma_start3A_575, %dma_start3A_576] : memref<10000x128xf32, #tpu.memory_space<vmem_shared>> -> memref<10000x128xf32, #tpu.memory_space<vmem_shared>>
          tpu.enqueue_indirect_dma source(%arg10 : memref<128x128xf32, #tpu.memory_space<vmem>>) target(%dma_start3A_577 : memref<10000x128xf32, #tpu.memory_space<vmem_shared>>) offsets(%dma_start3A_574 : memref<128xi32, #tpu.memory_space<vmem>>) semaphore(%run_scoped3A_567 : memref<!tpu.dma_semaphore, #tpu.memory_space<semaphore_mem>>) {add = true}
          %dma_wait3A_578 = arith.constant 0 : i32
          %dma_wait3A_579 = arith.constant 0 : i32
          %dma_wait3A_580 = tpu.memref_slice %run_scoped3A_32[%rem3A_378, %dma_wait3A_578, %dma_wait3A_579] : memref<2x1x128xi32, #tpu.memory_space<vmem>> -> memref<1x1x128xi32, #tpu.memory_space<vmem>>
          %dma_wait3A_581 = tpu.memref_squeeze %dma_wait3A_580 : memref<1x1x128xi32, #tpu.memory_space<vmem>> -> memref<1x128xi32, #tpu.memory_space<vmem>>
          %dma_wait3A_582 = arith.constant 0 : i32
          %dma_wait3A_583 = tpu.memref_slice %dma_wait3A_581[%run_scoped3A_402, %dma_wait3A_582] : memref<1x128xi32, #tpu.memory_space<vmem>> -> memref<1x128xi32, #tpu.memory_space<vmem>>
          %dma_wait3A_584 = tpu.memref_squeeze %dma_wait3A_583 : memref<1x128xi32, #tpu.memory_space<vmem>> -> memref<128xi32, #tpu.memory_space<vmem>>
          %dma_wait3A_585 = arith.constant 0 : i32
          %dma_wait3A_586 = arith.constant 0 : i32
          %dma_wait3A_587 = tpu.memref_slice %arg9[%dma_wait3A_585, %dma_wait3A_586] : memref<10000x128xf32, #tpu.memory_space<vmem_shared>> -> memref<10000x128xf32, #tpu.memory_space<vmem_shared>>
          tpu.wait_indirect_dma semaphore(%run_scoped3A_567 : memref<!tpu.dma_semaphore, #tpu.memory_space<semaphore_mem>>) src(%arg10 : memref<128x128xf32, #tpu.memory_space<vmem>>) dst(%dma_wait3A_587 : memref<10000x128xf32, #tpu.memory_space<vmem_shared>>)
          tpu.yield
        }) : () -> ()
        "tpu.trace_stop"() : () -> ()
        %min3A_403 = arith.constant 2499 : i32
        %min3A_404 = arith.minsi %add3A_224, %min3A_403 : i32
        %min3A_405 = arith.constant 2499 : i32
        %min3A_406 = arith.minsi %add3A_242, %min3A_405 : i32
        %ne3A_407 = arith.cmpi ne, %min3A_404, %min3A_406 : i32
        %or3A_408 = arith.constant false
        %or3A_409 = arith.ori %or3A_408, %ne3A_407 : i1
        %or3A_410 = arith.ori %or3A_409, %eq3A_223 : i1
        %convert_element_type3A_411 = arith.extui %or3A_410 : i1 to i32
        %cond3A_412 = arith.constant 0 : i32
        %cond3A_413 = arith.cmpi ne, %convert_element_type3A_411, %cond3A_412 : i32
        scf.if %cond3A_413 {
        } else {
        }
        %and3A_414 = arith.constant false
        %and3A_415 = arith.andi %or3A_410, %and3A_414 : i1
        %min3A_416 = arith.constant 2499 : i32
        %min3A_417 = arith.minsi %add3A_224, %min3A_416 : i32
        %min3A_418 = arith.constant 2499 : i32
        %min3A_419 = arith.minsi %add3A_242, %min3A_418 : i32
        %ne3A_420 = arith.cmpi ne, %min3A_417, %min3A_419 : i32
        %or3A_421 = arith.constant false
        %or3A_422 = arith.ori %or3A_421, %ne3A_420 : i1
        %or3A_423 = arith.constant false
        %or3A_424 = arith.ori %or3A_422, %or3A_423 : i1
        %or3A_425 = arith.ori %or3A_424, %eq3A_223 : i1
        %convert_element_type3A_426 = arith.extui %or3A_425 : i1 to i32
        %cond3A_427 = arith.constant 0 : i32
        %cond3A_428 = arith.cmpi ne, %convert_element_type3A_426, %cond3A_427 : i32
        scf.if %cond3A_428 {
        } else {
        }
        %and3A_429 = arith.constant false
        %and3A_430 = arith.andi %or3A_425, %and3A_429 : i1
        %ne3A_431 = arith.cmpi ne, %add3A_224, %add3A_242 : i32
        %or3A_432 = arith.constant false
        %or3A_433 = arith.ori %or3A_432, %ne3A_431 : i1
        %or3A_434 = arith.constant false
        %or3A_435 = arith.ori %or3A_433, %or3A_434 : i1
        %or3A_436 = arith.ori %or3A_435, %eq3A_223 : i1
        %convert_element_type3A_437 = arith.extui %or3A_436 : i1 to i32
        %cond3A_438 = arith.constant 0 : i32
        %cond3A_439 = arith.cmpi ne, %convert_element_type3A_437, %cond3A_438 : i32
        scf.if %cond3A_439 {
        } else {
        }
        %and3A_440 = arith.constant false
        %and3A_441 = arith.andi %or3A_436, %and3A_440 : i1
        %min3A_442 = arith.constant 2499 : i32
        %min3A_443 = arith.minsi %add3A_224, %min3A_442 : i32
        %min3A_444 = arith.constant 2499 : i32
        %min3A_445 = arith.minsi %add3A_242, %min3A_444 : i32
        %ne3A_446 = arith.cmpi ne, %min3A_443, %min3A_445 : i32
        %or3A_447 = arith.constant false
        %or3A_448 = arith.ori %or3A_447, %ne3A_446 : i1
        %or3A_449 = arith.ori %or3A_448, %eq3A_223 : i1
        %convert_element_type3A_450 = arith.extui %or3A_449 : i1 to i32
        %cond3A_451 = arith.constant 0 : i32
        %cond3A_452 = arith.cmpi ne, %convert_element_type3A_450, %cond3A_451 : i32
        scf.if %cond3A_452 {
        } else {
        }
        %and3A_453 = arith.constant false
        %and3A_454 = arith.andi %or3A_449, %and3A_453 : i1
        %min3A_455 = arith.constant 2499 : i32
        %min3A_456 = arith.minsi %add3A_224, %min3A_455 : i32
        %min3A_457 = arith.constant 2499 : i32
        %min3A_458 = arith.minsi %add3A_233, %min3A_457 : i32
        %ne3A_459 = arith.cmpi ne, %min3A_456, %min3A_458 : i32
        %or3A_460 = arith.constant false
        %or3A_461 = arith.ori %or3A_460, %ne3A_459 : i1
        %not3A_462 = arith.constant true
        %not3A_463 = arith.xori %eq3A_221, %not3A_462 : i1
        %and3A_464 = arith.andi %or3A_461, %not3A_463 : i1
        %convert_element_type3A_465 = arith.extui %and3A_464 : i1 to i32
        %cond3A_466 = arith.constant 0 : i32
        %cond3A_467 = arith.cmpi ne, %convert_element_type3A_465, %cond3A_466 : i32
        scf.if %cond3A_467 {
        } else {
        }
        %and3A_468 = arith.constant false
        %and3A_469 = arith.andi %and3A_464, %and3A_468 : i1
        %min3A_470 = arith.constant 2499 : i32
        %min3A_471 = arith.minsi %add3A_224, %min3A_470 : i32
        %min3A_472 = arith.constant 2499 : i32
        %min3A_473 = arith.minsi %add3A_233, %min3A_472 : i32
        %ne3A_474 = arith.cmpi ne, %min3A_471, %min3A_473 : i32
        %or3A_475 = arith.constant false
        %or3A_476 = arith.ori %or3A_475, %ne3A_474 : i1
        %or3A_477 = arith.constant false
        %or3A_478 = arith.ori %or3A_476, %or3A_477 : i1
        %not3A_479 = arith.constant true
        %not3A_480 = arith.xori %eq3A_221, %not3A_479 : i1
        %and3A_481 = arith.andi %or3A_478, %not3A_480 : i1
        %convert_element_type3A_482 = arith.extui %and3A_481 : i1 to i32
        %cond3A_483 = arith.constant 0 : i32
        %cond3A_484 = arith.cmpi ne, %convert_element_type3A_482, %cond3A_483 : i32
        scf.if %cond3A_484 {
        } else {
        }
        %and3A_485 = arith.constant false
        %and3A_486 = arith.andi %and3A_481, %and3A_485 : i1
        %ne3A_487 = arith.cmpi ne, %add3A_224, %add3A_233 : i32
        %or3A_488 = arith.constant false
        %or3A_489 = arith.ori %or3A_488, %ne3A_487 : i1
        %or3A_490 = arith.constant false
        %or3A_491 = arith.ori %or3A_489, %or3A_490 : i1
        %not3A_492 = arith.constant true
        %not3A_493 = arith.xori %eq3A_221, %not3A_492 : i1
        %and3A_494 = arith.andi %or3A_491, %not3A_493 : i1
        %convert_element_type3A_495 = arith.extui %and3A_494 : i1 to i32
        %cond3A_496 = arith.constant 0 : i32
        %cond3A_497 = arith.cmpi ne, %convert_element_type3A_495, %cond3A_496 : i32
        scf.if %cond3A_497 {
        } else {
        }
        %and3A_498 = arith.constant false
        %and3A_499 = arith.andi %and3A_494, %and3A_498 : i1
        %min3A_500 = arith.constant 2499 : i32
        %min3A_501 = arith.minsi %add3A_224, %min3A_500 : i32
        %min3A_502 = arith.constant 2499 : i32
        %min3A_503 = arith.minsi %add3A_233, %min3A_502 : i32
        %ne3A_504 = arith.cmpi ne, %min3A_501, %min3A_503 : i32
        %or3A_505 = arith.constant false
        %or3A_506 = arith.ori %or3A_505, %ne3A_504 : i1
        %not3A_507 = arith.constant true
        %not3A_508 = arith.xori %eq3A_221, %not3A_507 : i1
        %and3A_509 = arith.andi %or3A_506, %not3A_508 : i1
        %convert_element_type3A_510 = arith.extui %and3A_509 : i1 to i32
        %cond3A_511 = arith.constant 0 : i32
        %cond3A_512 = arith.cmpi ne, %convert_element_type3A_510, %cond3A_511 : i32
        scf.if %cond3A_512 {
        } else {
        }
        %and3A_513 = arith.constant false
        %and3A_514 = arith.andi %and3A_509, %and3A_513 : i1
        %min3A_515 = arith.constant 2499 : i32
        %min3A_516 = arith.minsi %add3A_224, %min3A_515 : i32
        %min3A_517 = arith.constant 2499 : i32
        %min3A_518 = arith.minsi %add3A_242, %min3A_517 : i32
        %ne3A_519 = arith.cmpi ne, %min3A_516, %min3A_518 : i32
        %or3A_520 = arith.constant false
        %or3A_521 = arith.ori %or3A_520, %ne3A_519 : i1
        %or3A_522 = arith.ori %or3A_521, %eq3A_223 : i1
        %add3A_523 = arith.constant 1 : i32
        %add3A_524 = arith.addi %scan3A_212, %add3A_523 : i32
        %select_n3A_525 = arith.select %or3A_522, %add3A_524, %scan3A_212 : i32
        %min3A_526 = arith.constant 2499 : i32
        %min3A_527 = arith.minsi %add3A_224, %min3A_526 : i32
        %min3A_528 = arith.constant 2499 : i32
        %min3A_529 = arith.minsi %add3A_242, %min3A_528 : i32
        %ne3A_530 = arith.cmpi ne, %min3A_527, %min3A_529 : i32
        %or3A_531 = arith.constant false
        %or3A_532 = arith.ori %or3A_531, %ne3A_530 : i1
        %or3A_533 = arith.constant false
        %or3A_534 = arith.ori %or3A_532, %or3A_533 : i1
        %or3A_535 = arith.ori %or3A_534, %eq3A_223 : i1
        %add3A_536 = arith.constant 1 : i32
        %add3A_537 = arith.addi %scan3A_214, %add3A_536 : i32
        %select_n3A_538 = arith.select %or3A_535, %add3A_537, %scan3A_214 : i32
        %ne3A_539 = arith.cmpi ne, %add3A_224, %add3A_242 : i32
        %or3A_540 = arith.constant false
        %or3A_541 = arith.ori %or3A_540, %ne3A_539 : i1
        %or3A_542 = arith.constant false
        %or3A_543 = arith.ori %or3A_541, %or3A_542 : i1
        %or3A_544 = arith.ori %or3A_543, %eq3A_223 : i1
        %add3A_545 = arith.constant 1 : i32
        %add3A_546 = arith.addi %scan3A_216, %add3A_545 : i32
        %select_n3A_547 = arith.select %or3A_544, %add3A_546, %scan3A_216 : i32
        %min3A_548 = arith.constant 2499 : i32
        %min3A_549 = arith.minsi %add3A_224, %min3A_548 : i32
        %min3A_550 = arith.constant 2499 : i32
        %min3A_551 = arith.minsi %add3A_242, %min3A_550 : i32
        %ne3A_552 = arith.cmpi ne, %min3A_549, %min3A_551 : i32
        %or3A_553 = arith.constant false
        %or3A_554 = arith.ori %or3A_553, %ne3A_552 : i1
        %or3A_555 = arith.ori %or3A_554, %eq3A_223 : i1
        %add3A_556 = arith.constant 1 : i32
        %add3A_557 = arith.addi %scan3A_218, %add3A_556 : i32
        %select_n3A_558 = arith.select %or3A_555, %add3A_557, %scan3A_218 : i32
        %add3A_559 = arith.constant 1 : i32
        %add3A_560 = arith.addi %scan3A_219, %add3A_559 : i32
        %select_n3A_561 = arith.constant true
        %select_n3A_562 = arith.select %select_n3A_561, %add3A_560, %scan3A_219 : i32
        %eq3A_563 = arith.constant 79 : i32
        %eq3A_564 = arith.cmpi eq, %select_n3A_562, %eq3A_563 : i32
        %select_n3A_565 = arith.constant 0 : i32
        %select_n3A_566 = arith.select %eq3A_564, %select_n3A_565, %select_n3A_562 : i32
        scf.yield %select_n3A_266, %select_n3A_525, %select_n3A_288, %select_n3A_538, %select_n3A_306, %select_n3A_547, %select_n3A_326, %select_n3A_558, %select_n3A_566 : i32, i32, i32, i32, i32, i32, i32, i32, i32
      }
      %scan3A_174 = arith.constant 79 : i32
      %sub3A = arith.constant 1 : i32
      %sub3A_175 = arith.subi %scan3A_173#8, %sub3A : i32
      %select_n3A_176 = arith.constant true
      %select_n3A_177 = arith.select %select_n3A_176, %sub3A_175, %scan3A_173#8 : i32
      %eq3A_178 = arith.constant -1 : i32
      %eq3A_179 = arith.cmpi eq, %select_n3A_177, %eq3A_178 : i32
      %select_n3A_180 = arith.constant 78 : i32
      %select_n3A_181 = arith.select %eq3A_179, %select_n3A_180, %select_n3A_177 : i32
      %add3A_182 = arith.addi %select_n3A_181, %mul3A_15 : i32
      %sub3A_183 = arith.constant 1 : i32
      %sub3A_184 = arith.subi %select_n3A_181, %sub3A_183 : i32
      %select_n3A_185 = arith.constant true
      %select_n3A_186 = arith.select %select_n3A_185, %sub3A_184, %select_n3A_181 : i32
      %eq3A_187 = arith.constant -1 : i32
      %eq3A_188 = arith.cmpi eq, %select_n3A_186, %eq3A_187 : i32
      %select_n3A_189 = arith.constant 78 : i32
      %select_n3A_190 = arith.select %eq3A_188, %select_n3A_189, %select_n3A_186 : i32
      %add3A_191 = arith.addi %select_n3A_190, %mul3A_15 : i32
      %add3A_192 = arith.constant 1 : i32
      %add3A_193 = arith.addi %select_n3A_181, %add3A_192 : i32
      %select_n3A_194 = arith.constant true
      %select_n3A_195 = arith.select %select_n3A_194, %add3A_193, %select_n3A_181 : i32
      %eq3A_196 = arith.constant 79 : i32
      %eq3A_197 = arith.cmpi eq, %select_n3A_195, %eq3A_196 : i32
      %select_n3A_198 = arith.constant 0 : i32
      %select_n3A_199 = arith.select %eq3A_197, %select_n3A_198, %select_n3A_195 : i32
      %add3A_200 = arith.addi %select_n3A_199, %mul3A_15 : i32
      %add3A_201 = arith.constant 1 : i32
      %add3A_202 = arith.addi %select_n3A_199, %add3A_201 : i32
      %select_n3A_203 = arith.constant true
      %select_n3A_204 = arith.select %select_n3A_203, %add3A_202, %select_n3A_199 : i32
      %eq3A_205 = arith.constant 79 : i32
      %eq3A_206 = arith.cmpi eq, %select_n3A_204, %eq3A_205 : i32
      %select_n3A_207 = arith.constant 0 : i32
      %select_n3A_208 = arith.select %eq3A_206, %select_n3A_207, %select_n3A_204 : i32
      %add3A_209 = arith.addi %select_n3A_208, %mul3A_15 : i32
      tpu.yield
    }) : () -> ()
    %barrier3A_16 = arith.constant 0 : index
    tpu.barrier barrier_id(%barrier3A_16)
    %lt3A_17 = arith.constant 15 : i32
    %lt3A_18 = arith.cmpi slt, %arg1, %lt3A_17 : i32
    %convert_element_type3A_19 = arith.extui %lt3A_18 : i1 to i32
    %cond3A_20 = arith.constant 0 : i32
    %cond3A_21 = arith.cmpi ne, %convert_element_type3A_19, %cond3A_20 : i32
    scf.if %cond3A_21 {
      "tpu.region"() ({
        %run_scoped3A = tpu.sem_alloc : memref<!tpu.dma_semaphore, #tpu.memory_space<semaphore_mem>>
        %dma_start3A = arith.constant 0 : i32
        %dma_start3A_27 = tpu.memref_slice %arg8[%arg0, %mul3A_0, %dma_start3A] : memref<2x10000x128xf32, #tpu.memory_space<hbm>> -> memref<1x632x128xf32, #tpu.memory_space<hbm>>
        %dma_start3A_28 = tpu.memref_squeeze %dma_start3A_27 : memref<1x632x128xf32, #tpu.memory_space<hbm>> -> memref<632x128xf32, #tpu.memory_space<hbm>>
        %dma_start3A_29 = arith.constant 0 : i32
        %dma_start3A_30 = tpu.memref_slice %arg9[%mul3A_0, %dma_start3A_29] : memref<10000x128xf32, #tpu.memory_space<vmem_shared>> -> memref<632x128xf32, #tpu.memory_space<vmem_shared>>
        tpu.enqueue_dma source(%dma_start3A_30 : memref<632x128xf32, #tpu.memory_space<vmem_shared>>) target(%dma_start3A_28 : memref<632x128xf32, #tpu.memory_space<hbm>>) target_semaphore(%run_scoped3A : memref<!tpu.dma_semaphore, #tpu.memory_space<semaphore_mem>>)
        %dma_wait3A = arith.constant 0 : i32
        %dma_wait3A_31 = tpu.memref_slice %arg8[%arg0, %mul3A_0, %dma_wait3A] : memref<2x10000x128xf32, #tpu.memory_space<hbm>> -> memref<1x632x128xf32, #tpu.memory_space<hbm>>
        %dma_wait3A_32 = tpu.memref_squeeze %dma_wait3A_31 : memref<1x632x128xf32, #tpu.memory_space<hbm>> -> memref<632x128xf32, #tpu.memory_space<hbm>>
        %dma_wait3A_33 = arith.constant 0 : i32
        %dma_wait3A_34 = tpu.memref_slice %arg9[%mul3A_0, %dma_wait3A_33] : memref<10000x128xf32, #tpu.memory_space<vmem_shared>> -> memref<632x128xf32, #tpu.memory_space<vmem_shared>>
        tpu.wait_dma2 semaphore(%run_scoped3A : memref<!tpu.dma_semaphore, #tpu.memory_space<semaphore_mem>>) src(%dma_wait3A_34 : memref<632x128xf32, #tpu.memory_space<vmem_shared>>) dst(%dma_wait3A_32 : memref<632x128xf32, #tpu.memory_space<hbm>>)
        tpu.yield
      }) : () -> ()
    } else {
    }
    %eq3A_22 = arith.constant 15 : i32
    %eq3A_23 = arith.cmpi eq, %arg1, %eq3A_22 : i32
    %convert_element_type3A_24 = arith.extui %eq3A_23 : i1 to i32
    %cond3A_25 = arith.constant 0 : i32
    %cond3A_26 = arith.cmpi ne, %convert_element_type3A_24, %cond3A_25 : i32
    scf.if %cond3A_26 {
      "tpu.region"() ({
        %run_scoped3A = tpu.sem_alloc : memref<!tpu.dma_semaphore, #tpu.memory_space<semaphore_mem>>
        %dma_start3A = arith.constant 0 : i32
        %dma_start3A_27 = tpu.memref_slice %arg8[%arg0, %mul3A_0, %dma_start3A] : memref<2x10000x128xf32, #tpu.memory_space<hbm>> -> memref<1x520x128xf32, #tpu.memory_space<hbm>>
        %dma_start3A_28 = tpu.memref_squeeze %dma_start3A_27 : memref<1x520x128xf32, #tpu.memory_space<hbm>> -> memref<520x128xf32, #tpu.memory_space<hbm>>
        %dma_start3A_29 = arith.constant 0 : i32
        %dma_start3A_30 = tpu.memref_slice %arg9[%mul3A_0, %dma_start3A_29] : memref<10000x128xf32, #tpu.memory_space<vmem_shared>> -> memref<520x128xf32, #tpu.memory_space<vmem_shared>>
        tpu.enqueue_dma source(%dma_start3A_30 : memref<520x128xf32, #tpu.memory_space<vmem_shared>>) target(%dma_start3A_28 : memref<520x128xf32, #tpu.memory_space<hbm>>) target_semaphore(%run_scoped3A : memref<!tpu.dma_semaphore, #tpu.memory_space<semaphore_mem>>)
        %dma_wait3A = arith.constant 0 : i32
        %dma_wait3A_31 = tpu.memref_slice %arg8[%arg0, %mul3A_0, %dma_wait3A] : memref<2x10000x128xf32, #tpu.memory_space<hbm>> -> memref<1x520x128xf32, #tpu.memory_space<hbm>>
        %dma_wait3A_32 = tpu.memref_squeeze %dma_wait3A_31 : memref<1x520x128xf32, #tpu.memory_space<hbm>> -> memref<520x128xf32, #tpu.memory_space<hbm>>
        %dma_wait3A_33 = arith.constant 0 : i32
        %dma_wait3A_34 = tpu.memref_slice %arg9[%mul3A_0, %dma_wait3A_33] : memref<10000x128xf32, #tpu.memory_space<vmem_shared>> -> memref<520x128xf32, #tpu.memory_space<vmem_shared>>
        tpu.wait_dma2 semaphore(%run_scoped3A : memref<!tpu.dma_semaphore, #tpu.memory_space<semaphore_mem>>) src(%dma_wait3A_34 : memref<520x128xf32, #tpu.memory_space<vmem_shared>>) dst(%dma_wait3A_32 : memref<520x128xf32, #tpu.memory_space<hbm>>)
        tpu.yield
      }) : () -> ()
    } else {
    }
    return
  }
}

#map = affine_map<(d0, d1) -> (0, 0)>
#map1 = affine_map<(d0, d1) -> (0, 0, 0)>
module attributes {stable_mosaic.version = 14 : i64} {
  func.func @k(%arg0: i32, %arg1: i32, %arg2: memref<10000x128xf32, #tpu.memory_space<hbm>>, %arg3: memref<320000x128xf32, #tpu.memory_space<hbm>>, %arg4: memref<1x320000xi32, #tpu.memory_space<hbm>>, %arg5: memref<1x320000xi32, #tpu.memory_space<hbm>>, %arg6: memref<2528x128xf32, #tpu.memory_space<hbm>>, %arg7: memref<10000x128xf32, #tpu.memory_space<hbm>>, %arg8: memref<2x10000x128xf32, #tpu.memory_space<hbm>>, %arg9: memref<10000x128xf32, #tpu.memory_space<vmem_shared>>, %arg10: memref<128x128xf32, #tpu.memory_space<vmem>>, %arg11: memref<!tpu.dma_semaphore, #tpu.memory_space<semaphore_mem>>) attributes {dimension_semantics = [#tpu.dimension_semantics<core_parallel>, #tpu.dimension_semantics<subcore_parallel>], iteration_bounds = array<i64: 2, 16>, scalar_prefetch = 0 : i64, scratch_operands = 3 : i64, tpu.core_type = #tpu.core_type<sc_vector_subcore>, window_params = [{transform_indices = #map}, {transform_indices = #map}, {transform_indices = #map}, {transform_indices = #map}, {transform_indices = #map}, {transform_indices = #map}, {transform_indices = #map1}]} {
    %mul3A = arith.constant 632 : i32
    %mul3A_0 = arith.muli %arg1, %mul3A : i32
    %lt3A = arith.constant 15 : i32
    %lt3A_1 = arith.cmpi slt, %arg1, %lt3A : i32
    %convert_element_type3A = arith.extui %lt3A_1 : i1 to i32
    %cond3A = arith.constant 0 : i32
    %cond3A_2 = arith.cmpi ne, %convert_element_type3A, %cond3A : i32
    scf.if %cond3A_2 {
      "tpu.region"() ({
        %run_scoped3A = tpu.sem_alloc : memref<!tpu.dma_semaphore, #tpu.memory_space<semaphore_mem>>
        %dma_start3A = arith.constant 0 : i32
        %dma_start3A_27 = tpu.memref_slice %arg9[%mul3A_0, %dma_start3A] : memref<10000x128xf32, #tpu.memory_space<vmem_shared>> -> memref<632x128xf32, #tpu.memory_space<vmem_shared>>
        %dma_start3A_28 = arith.constant 0 : i32
        %dma_start3A_29 = tpu.memref_slice %arg7[%mul3A_0, %dma_start3A_28] : memref<10000x128xf32, #tpu.memory_space<hbm>> -> memref<632x128xf32, #tpu.memory_space<hbm>>
        tpu.enqueue_dma source(%dma_start3A_29 : memref<632x128xf32, #tpu.memory_space<hbm>>) target(%dma_start3A_27 : memref<632x128xf32, #tpu.memory_space<vmem_shared>>) target_semaphore(%run_scoped3A : memref<!tpu.dma_semaphore, #tpu.memory_space<semaphore_mem>>)
        %dma_wait3A = arith.constant 0 : i32
        %dma_wait3A_30 = tpu.memref_slice %arg9[%mul3A_0, %dma_wait3A] : memref<10000x128xf32, #tpu.memory_space<vmem_shared>> -> memref<632x128xf32, #tpu.memory_space<vmem_shared>>
        %dma_wait3A_31 = arith.constant 0 : i32
        %dma_wait3A_32 = tpu.memref_slice %arg7[%mul3A_0, %dma_wait3A_31] : memref<10000x128xf32, #tpu.memory_space<hbm>> -> memref<632x128xf32, #tpu.memory_space<hbm>>
        tpu.wait_dma2 semaphore(%run_scoped3A : memref<!tpu.dma_semaphore, #tpu.memory_space<semaphore_mem>>) src(%dma_wait3A_32 : memref<632x128xf32, #tpu.memory_space<hbm>>) dst(%dma_wait3A_30 : memref<632x128xf32, #tpu.memory_space<vmem_shared>>)
        tpu.yield
      }) : () -> ()
    } else {
    }
    %eq3A = arith.constant 15 : i32
    %eq3A_3 = arith.cmpi eq, %arg1, %eq3A : i32
    %convert_element_type3A_4 = arith.extui %eq3A_3 : i1 to i32
    %cond3A_5 = arith.constant 0 : i32
    %cond3A_6 = arith.cmpi ne, %convert_element_type3A_4, %cond3A_5 : i32
    scf.if %cond3A_6 {
      "tpu.region"() ({
        %run_scoped3A = tpu.sem_alloc : memref<!tpu.dma_semaphore, #tpu.memory_space<semaphore_mem>>
        %dma_start3A = arith.constant 0 : i32
        %dma_start3A_27 = tpu.memref_slice %arg9[%mul3A_0, %dma_start3A] : memref<10000x128xf32, #tpu.memory_space<vmem_shared>> -> memref<520x128xf32, #tpu.memory_space<vmem_shared>>
        %dma_start3A_28 = arith.constant 0 : i32
        %dma_start3A_29 = tpu.memref_slice %arg7[%mul3A_0, %dma_start3A_28] : memref<10000x128xf32, #tpu.memory_space<hbm>> -> memref<520x128xf32, #tpu.memory_space<hbm>>
        tpu.enqueue_dma source(%dma_start3A_29 : memref<520x128xf32, #tpu.memory_space<hbm>>) target(%dma_start3A_27 : memref<520x128xf32, #tpu.memory_space<vmem_shared>>) target_semaphore(%run_scoped3A : memref<!tpu.dma_semaphore, #tpu.memory_space<semaphore_mem>>)
        %dma_wait3A = arith.constant 0 : i32
        %dma_wait3A_30 = tpu.memref_slice %arg9[%mul3A_0, %dma_wait3A] : memref<10000x128xf32, #tpu.memory_space<vmem_shared>> -> memref<520x128xf32, #tpu.memory_space<vmem_shared>>
        %dma_wait3A_31 = arith.constant 0 : i32
        %dma_wait3A_32 = tpu.memref_slice %arg7[%mul3A_0, %dma_wait3A_31] : memref<10000x128xf32, #tpu.memory_space<hbm>> -> memref<520x128xf32, #tpu.memory_space<hbm>>
        tpu.wait_dma2 semaphore(%run_scoped3A : memref<!tpu.dma_semaphore, #tpu.memory_space<semaphore_mem>>) src(%dma_wait3A_32 : memref<520x128xf32, #tpu.memory_space<hbm>>) dst(%dma_wait3A_30 : memref<520x128xf32, #tpu.memory_space<vmem_shared>>)
        tpu.yield
      }) : () -> ()
    } else {
    }
    %barrier3A = arith.constant 0 : index
    tpu.barrier barrier_id(%barrier3A)
    %broadcast_in_dim3A = arith.constant 0 : i32
    %broadcast_in_dim3A_7 = vector.broadcast %broadcast_in_dim3A : i32 to vector<16xi32>
    %mul3A_8 = arith.constant 1 : i32
    %mul3A_9 = arith.muli %arg1, %mul3A_8 : i32
    %add3A = arith.constant 0 : i32
    %add3A_10 = arith.addi %add3A, %mul3A_9 : i32
    %mul3A_11 = arith.constant 16 : i32
    %mul3A_12 = arith.muli %arg0, %mul3A_11 : i32
    %add3A_13 = arith.addi %add3A_10, %mul3A_12 : i32
    %mul3A_14 = arith.constant 79 : i32
    %mul3A_15 = arith.muli %add3A_13, %mul3A_14 : i32
    "tpu.region"() ({
      %run_scoped3A = memref.alloca() : memref<2x1x128xi32, #tpu.memory_space<vmem>>
      %run_scoped3A_27 = tpu.sem_alloc : memref<2x!tpu.dma_semaphore, #tpu.memory_space<semaphore_mem>>
      %run_scoped3A_28 = memref.alloca() : memref<2x128x128xf32, #tpu.memory_space<vmem>>
      %run_scoped3A_29 = tpu.sem_alloc : memref<2x!tpu.dma_semaphore, #tpu.memory_space<semaphore_mem>>
      %run_scoped3A_30 = memref.alloca() : memref<2x1x128xf32, #tpu.memory_space<vmem>>
      %run_scoped3A_31 = tpu.sem_alloc : memref<2x!tpu.dma_semaphore, #tpu.memory_space<semaphore_mem>>
      %run_scoped3A_32 = memref.alloca() : memref<2x1x128xi32, #tpu.memory_space<vmem>>
      %run_scoped3A_33 = tpu.sem_alloc : memref<2x!tpu.dma_semaphore, #tpu.memory_space<semaphore_mem>>
      %add3A_34 = arith.constant 0 : i32
      %add3A_35 = arith.addi %add3A_34, %mul3A_15 : i32
      %select_n3A = arith.constant true
      %select_n3A_36 = arith.constant 0 : i32
      %select_n3A_37 = arith.constant -1 : i32
      %select_n3A_38 = arith.select %select_n3A, %select_n3A_37, %select_n3A_36 : i32
      %eq3A_39 = arith.constant -1 : i32
      %eq3A_40 = arith.cmpi eq, %select_n3A_38, %eq3A_39 : i32
      %select_n3A_41 = arith.constant 78 : i32
      %select_n3A_42 = arith.select %eq3A_40, %select_n3A_41, %select_n3A_38 : i32
      %add3A_43 = arith.addi %select_n3A_42, %mul3A_15 : i32
      %select_n3A_44 = arith.constant true
      %select_n3A_45 = arith.constant 0 : i32
      %select_n3A_46 = arith.constant 1 : i32
      %select_n3A_47 = arith.select %select_n3A_44, %select_n3A_46, %select_n3A_45 : i32
      %eq3A_48 = arith.constant 79 : i32
      %eq3A_49 = arith.cmpi eq, %select_n3A_47, %eq3A_48 : i32
      %select_n3A_50 = arith.constant 0 : i32
      %select_n3A_51 = arith.select %eq3A_49, %select_n3A_50, %select_n3A_47 : i32
      %add3A_52 = arith.addi %select_n3A_51, %mul3A_15 : i32
      %add3A_53 = arith.constant 1 : i32
      %add3A_54 = arith.addi %select_n3A_51, %add3A_53 : i32
      %select_n3A_55 = arith.constant true
      %select_n3A_56 = arith.select %select_n3A_55, %add3A_54, %select_n3A_51 : i32
      %eq3A_57 = arith.constant 79 : i32
      %eq3A_58 = arith.cmpi eq, %select_n3A_56, %eq3A_57 : i32
      %select_n3A_59 = arith.constant 0 : i32
      %select_n3A_60 = arith.select %eq3A_58, %select_n3A_59, %select_n3A_56 : i32
      %add3A_61 = arith.addi %select_n3A_60, %mul3A_15 : i32
      "tpu.trace_start"() <{level = 10 : i32, message = "ep_initialize_0"}> : () -> ()
      %rem3A = arith.constant 0 : i32
      %rem3A_62 = arith.constant 2 : i32
      %rem3A_63 = arith.remui %rem3A, %rem3A_62 : i32
      %min3A = arith.constant 2499 : i32
      %min3A_64 = arith.minsi %add3A_35, %min3A : i32
      %mul3A_65 = arith.constant 128 : i32
      %mul3A_66 = arith.muli %mul3A_65, %min3A_64 : i32
      %dma_start3A = arith.constant 0 : i32
      %dma_start3A_67 = arith.constant 0 : i32
      %dma_start3A_68 = tpu.memref_slice %run_scoped3A[%rem3A_63, %dma_start3A, %dma_start3A_67] : memref<2x1x128xi32, #tpu.memory_space<vmem>> -> memref<1x1x128xi32, #tpu.memory_space<vmem>>
      %dma_start3A_69 = tpu.memref_squeeze %dma_start3A_68 : memref<1x1x128xi32, #tpu.memory_space<vmem>> -> memref<1x128xi32, #tpu.memory_space<vmem>>
      %dma_start3A_70 = arith.constant 0 : i32
      %dma_start3A_71 = tpu.memref_slice %arg4[%dma_start3A_70, %mul3A_66] : memref<1x320000xi32, #tpu.memory_space<hbm>> -> memref<1x128xi32, #tpu.memory_space<hbm>>
      %dma_start3A_72 = tpu.memref_slice %run_scoped3A_27[%rem3A_63] : memref<2x!tpu.dma_semaphore, #tpu.memory_space<semaphore_mem>> -> memref<1x!tpu.dma_semaphore, #tpu.memory_space<semaphore_mem>>
      %dma_start3A_73 = tpu.memref_squeeze %dma_start3A_72 : memref<1x!tpu.dma_semaphore, #tpu.memory_space<semaphore_mem>> -> memref<!tpu.dma_semaphore, #tpu.memory_space<semaphore_mem>>
      %dma_start3A_74 = arith.constant 0 : i32
      %dma_start3A_75 = arith.constant 0 : i32
      %dma_start3A_76 = tpu.memref_slice %run_scoped3A[%rem3A_63, %dma_start3A_74, %dma_start3A_75] : memref<2x1x128xi32, #tpu.memory_space<vmem>> -> memref<1x1x128xi32, #tpu.memory_space<vmem>>
      %dma_start3A_77 = tpu.memref_squeeze %dma_start3A_76 : memref<1x1x128xi32, #tpu.memory_space<vmem>> -> memref<1x128xi32, #tpu.memory_space<vmem>>
      %dma_start3A_78 = arith.constant 0 : i32
      %dma_start3A_79 = tpu.memref_slice %arg4[%dma_start3A_78, %mul3A_66] : memref<1x320000xi32, #tpu.memory_space<hbm>> -> memref<1x128xi32, #tpu.memory_space<hbm>>
      tpu.enqueue_dma source(%dma_start3A_79 : memref<1x128xi32, #tpu.memory_space<hbm>>) target(%dma_start3A_77 : memref<1x128xi32, #tpu.memory_space<vmem>>) target_semaphore(%dma_start3A_73 : memref<!tpu.dma_semaphore, #tpu.memory_space<semaphore_mem>>)
      %add3A_80 = arith.constant 0 : i32
      %add3A_81 = arith.constant 1 : i32
      %add3A_82 = arith.addi %add3A_80, %add3A_81 : i32
      %select_n3A_83 = arith.constant true
      %select_n3A_84 = arith.constant 0 : i32
      %select_n3A_85 = arith.select %select_n3A_83, %add3A_82, %select_n3A_84 : i32
      %rem3A_86 = arith.constant 0 : i32
      %rem3A_87 = arith.constant 2 : i32
      %rem3A_88 = arith.remui %rem3A_86, %rem3A_87 : i32
      %min3A_89 = arith.constant 2499 : i32
      %min3A_90 = arith.minsi %add3A_35, %min3A_89 : i32
      %mul3A_91 = arith.constant 128 : i32
      %mul3A_92 = arith.muli %mul3A_91, %min3A_90 : i32
      %dma_start3A_93 = arith.constant 0 : i32
      %dma_start3A_94 = arith.constant 0 : i32
      %dma_start3A_95 = tpu.memref_slice %run_scoped3A_28[%rem3A_88, %dma_start3A_93, %dma_start3A_94] : memref<2x128x128xf32, #tpu.memory_space<vmem>> -> memref<1x128x128xf32, #tpu.memory_space<vmem>>
      %dma_start3A_96 = tpu.memref_squeeze %dma_start3A_95 : memref<1x128x128xf32, #tpu.memory_space<vmem>> -> memref<128x128xf32, #tpu.memory_space<vmem>>
      %dma_start3A_97 = arith.constant 0 : i32
      %dma_start3A_98 = tpu.memref_slice %arg3[%mul3A_92, %dma_start3A_97] : memref<320000x128xf32, #tpu.memory_space<hbm>> -> memref<128x128xf32, #tpu.memory_space<hbm>>
      %dma_start3A_99 = tpu.memref_slice %run_scoped3A_29[%rem3A_88] : memref<2x!tpu.dma_semaphore, #tpu.memory_space<semaphore_mem>> -> memref<1x!tpu.dma_semaphore, #tpu.memory_space<semaphore_mem>>
      %dma_start3A_100 = tpu.memref_squeeze %dma_start3A_99 : memref<1x!tpu.dma_semaphore, #tpu.memory_space<semaphore_mem>> -> memref<!tpu.dma_semaphore, #tpu.memory_space<semaphore_mem>>
      %dma_start3A_101 = arith.constant 0 : i32
      %dma_start3A_102 = arith.constant 0 : i32
      %dma_start3A_103 = tpu.memref_slice %run_scoped3A_28[%rem3A_88, %dma_start3A_101, %dma_start3A_102] : memref<2x128x128xf32, #tpu.memory_space<vmem>> -> memref<1x128x128xf32, #tpu.memory_space<vmem>>
      %dma_start3A_104 = tpu.memref_squeeze %dma_start3A_103 : memref<1x128x128xf32, #tpu.memory_space<vmem>> -> memref<128x128xf32, #tpu.memory_space<vmem>>
      %dma_start3A_105 = arith.constant 0 : i32
      %dma_start3A_106 = tpu.memref_slice %arg3[%mul3A_92, %dma_start3A_105] : memref<320000x128xf32, #tpu.memory_space<hbm>> -> memref<128x128xf32, #tpu.memory_space<hbm>>
      tpu.enqueue_dma source(%dma_start3A_106 : memref<128x128xf32, #tpu.memory_space<hbm>>) target(%dma_start3A_104 : memref<128x128xf32, #tpu.memory_space<vmem>>) target_semaphore(%dma_start3A_100 : memref<!tpu.dma_semaphore, #tpu.memory_space<semaphore_mem>>)
      %add3A_107 = arith.constant 0 : i32
      %add3A_108 = arith.constant 1 : i32
      %add3A_109 = arith.addi %add3A_107, %add3A_108 : i32
      %select_n3A_110 = arith.constant true
      %select_n3A_111 = arith.constant 0 : i32
      %select_n3A_112 = arith.select %select_n3A_110, %add3A_109, %select_n3A_111 : i32
      %rem3A_113 = arith.constant 0 : i32
      %rem3A_114 = arith.constant 2 : i32
      %rem3A_115 = arith.remui %rem3A_113, %rem3A_114 : i32
      %mul3A_116 = arith.constant 1 : i32
      %mul3A_117 = arith.muli %mul3A_116, %add3A_35 : i32
      %dma_start3A_118 = arith.constant 0 : i32
      %dma_start3A_119 = arith.constant 0 : i32
      %dma_start3A_120 = tpu.memref_slice %run_scoped3A_30[%rem3A_115, %dma_start3A_118, %dma_start3A_119] : memref<2x1x128xf32, #tpu.memory_space<vmem>> -> memref<1x1x128xf32, #tpu.memory_space<vmem>>
      %dma_start3A_121 = tpu.memref_squeeze %dma_start3A_120 : memref<1x1x128xf32, #tpu.memory_space<vmem>> -> memref<1x128xf32, #tpu.memory_space<vmem>>
      %dma_start3A_122 = arith.constant 0 : i32
      %dma_start3A_123 = tpu.memref_slice %arg6[%mul3A_117, %dma_start3A_122] : memref<2528x128xf32, #tpu.memory_space<hbm>> -> memref<1x128xf32, #tpu.memory_space<hbm>>
      %dma_start3A_124 = tpu.memref_slice %run_scoped3A_31[%rem3A_115] : memref<2x!tpu.dma_semaphore, #tpu.memory_space<semaphore_mem>> -> memref<1x!tpu.dma_semaphore, #tpu.memory_space<semaphore_mem>>
      %dma_start3A_125 = tpu.memref_squeeze %dma_start3A_124 : memref<1x!tpu.dma_semaphore, #tpu.memory_space<semaphore_mem>> -> memref<!tpu.dma_semaphore, #tpu.memory_space<semaphore_mem>>
      %dma_start3A_126 = arith.constant 0 : i32
      %dma_start3A_127 = arith.constant 0 : i32
      %dma_start3A_128 = tpu.memref_slice %run_scoped3A_30[%rem3A_115, %dma_start3A_126, %dma_start3A_127] : memref<2x1x128xf32, #tpu.memory_space<vmem>> -> memref<1x1x128xf32, #tpu.memory_space<vmem>>
      %dma_start3A_129 = tpu.memref_squeeze %dma_start3A_128 : memref<1x1x128xf32, #tpu.memory_space<vmem>> -> memref<1x128xf32, #tpu.memory_space<vmem>>
      %dma_start3A_130 = arith.constant 0 : i32
      %dma_start3A_131 = tpu.memref_slice %arg6[%mul3A_117, %dma_start3A_130] : memref<2528x128xf32, #tpu.memory_space<hbm>> -> memref<1x128xf32, #tpu.memory_space<hbm>>
      tpu.enqueue_dma source(%dma_start3A_131 : memref<1x128xf32, #tpu.memory_space<hbm>>) target(%dma_start3A_129 : memref<1x128xf32, #tpu.memory_space<vmem>>) target_semaphore(%dma_start3A_125 : memref<!tpu.dma_semaphore, #tpu.memory_space<semaphore_mem>>)
      %add3A_132 = arith.constant 0 : i32
      %add3A_133 = arith.constant 1 : i32
      %add3A_134 = arith.addi %add3A_132, %add3A_133 : i32
      %select_n3A_135 = arith.constant true
      %select_n3A_136 = arith.constant 0 : i32
      %select_n3A_137 = arith.select %select_n3A_135, %add3A_134, %select_n3A_136 : i32
      %rem3A_138 = arith.constant 0 : i32
      %rem3A_139 = arith.constant 2 : i32
      %rem3A_140 = arith.remui %rem3A_138, %rem3A_139 : i32
      %min3A_141 = arith.constant 2499 : i32
      %min3A_142 = arith.minsi %add3A_35, %min3A_141 : i32
      %mul3A_143 = arith.constant 128 : i32
      %mul3A_144 = arith.muli %mul3A_143, %min3A_142 : i32
      %dma_start3A_145 = arith.constant 0 : i32
      %dma_start3A_146 = arith.constant 0 : i32
      %dma_start3A_147 = tpu.memref_slice %run_scoped3A_32[%rem3A_140, %dma_start3A_145, %dma_start3A_146] : memref<2x1x128xi32, #tpu.memory_space<vmem>> -> memref<1x1x128xi32, #tpu.memory_space<vmem>>
      %dma_start3A_148 = tpu.memref_squeeze %dma_start3A_147 : memref<1x1x128xi32, #tpu.memory_space<vmem>> -> memref<1x128xi32, #tpu.memory_space<vmem>>
      %dma_start3A_149 = arith.constant 0 : i32
      %dma_start3A_150 = tpu.memref_slice %arg5[%dma_start3A_149, %mul3A_144] : memref<1x320000xi32, #tpu.memory_space<hbm>> -> memref<1x128xi32, #tpu.memory_space<hbm>>
      %dma_start3A_151 = tpu.memref_slice %run_scoped3A_33[%rem3A_140] : memref<2x!tpu.dma_semaphore, #tpu.memory_space<semaphore_mem>> -> memref<1x!tpu.dma_semaphore, #tpu.memory_space<semaphore_mem>>
      %dma_start3A_152 = tpu.memref_squeeze %dma_start3A_151 : memref<1x!tpu.dma_semaphore, #tpu.memory_space<semaphore_mem>> -> memref<!tpu.dma_semaphore, #tpu.memory_space<semaphore_mem>>
      %dma_start3A_153 = arith.constant 0 : i32
      %dma_start3A_154 = arith.constant 0 : i32
      %dma_start3A_155 = tpu.memref_slice %run_scoped3A_32[%rem3A_140, %dma_start3A_153, %dma_start3A_154] : memref<2x1x128xi32, #tpu.memory_space<vmem>> -> memref<1x1x128xi32, #tpu.memory_space<vmem>>
      %dma_start3A_156 = tpu.memref_squeeze %dma_start3A_155 : memref<1x1x128xi32, #tpu.memory_space<vmem>> -> memref<1x128xi32, #tpu.memory_space<vmem>>
      %dma_start3A_157 = arith.constant 0 : i32
      %dma_start3A_158 = tpu.memref_slice %arg5[%dma_start3A_157, %mul3A_144] : memref<1x320000xi32, #tpu.memory_space<hbm>> -> memref<1x128xi32, #tpu.memory_space<hbm>>
      tpu.enqueue_dma source(%dma_start3A_158 : memref<1x128xi32, #tpu.memory_space<hbm>>) target(%dma_start3A_156 : memref<1x128xi32, #tpu.memory_space<vmem>>) target_semaphore(%dma_start3A_152 : memref<!tpu.dma_semaphore, #tpu.memory_space<semaphore_mem>>)
      %add3A_159 = arith.constant 0 : i32
      %add3A_160 = arith.constant 1 : i32
      %add3A_161 = arith.addi %add3A_159, %add3A_160 : i32
      %select_n3A_162 = arith.constant true
      %select_n3A_163 = arith.constant 0 : i32
      %select_n3A_164 = arith.select %select_n3A_162, %add3A_161, %select_n3A_163 : i32
      "tpu.trace_stop"() : () -> ()
      %scan3A = arith.constant 0 : i32
      %scan3A_165 = arith.constant 0 : i32
      %scan3A_166 = arith.constant 0 : i32
      %scan3A_167 = arith.constant 0 : i32
      %scan3A_168 = arith.constant 0 : i32
      %scan3A_169 = arith.constant 0 : i32
      %scan3A_170 = arith.constant 79 : i32
      %scan3A_171 = arith.addi %scan3A_169, %scan3A_170 : i32
      %scan3A_172 = arith.constant 1 : i32
      %scan3A_173:9 = scf.for %scan3A_210 = %scan3A_169 to %scan3A_171 step %scan3A_172 iter_args(%scan3A_211 = %select_n3A_85, %scan3A_212 = %scan3A, %scan3A_213 = %select_n3A_112, %scan3A_214 = %scan3A_165, %scan3A_215 = %select_n3A_137, %scan3A_216 = %scan3A_166, %scan3A_217 = %select_n3A_164, %scan3A_218 = %scan3A_167, %scan3A_219 = %scan3A_168) -> (i32, i32, i32, i32, i32, i32, i32, i32, i32)  : i32 {
        %eq3A_220 = arith.constant 0 : i32
        %eq3A_221 = arith.cmpi eq, %scan3A_210, %eq3A_220 : i32
        %eq3A_222 = arith.constant 78 : i32
        %eq3A_223 = arith.cmpi eq, %scan3A_210, %eq3A_222 : i32
        %add3A_224 = arith.addi %scan3A_219, %mul3A_15 : i32
        %sub3A_225 = arith.constant 1 : i32
        %sub3A_226 = arith.subi %scan3A_219, %sub3A_225 : i32
        %select_n3A_227 = arith.constant true
        %select_n3A_228 = arith.select %select_n3A_227, %sub3A_226, %scan3A_219 : i32
        %eq3A_229 = arith.constant -1 : i32
        %eq3A_230 = arith.cmpi eq, %select_n3A_228, %eq3A_229 : i32
        %select_n3A_231 = arith.constant 78 : i32
        %select_n3A_232 = arith.select %eq3A_230, %select_n3A_231, %select_n3A_228 : i32
        %add3A_233 = arith.addi %select_n3A_232, %mul3A_15 : i32
        %add3A_234 = arith.constant 1 : i32
        %add3A_235 = arith.addi %scan3A_219, %add3A_234 : i32
        %select_n3A_236 = arith.constant true
        %select_n3A_237 = arith.select %select_n3A_236, %add3A_235, %scan3A_219 : i32
        %eq3A_238 = arith.constant 79 : i32
        %eq3A_239 = arith.cmpi eq, %select_n3A_237, %eq3A_238 : i32
        %select_n3A_240 = arith.constant 0 : i32
        %select_n3A_241 = arith.select %eq3A_239, %select_n3A_240, %select_n3A_237 : i32
        %add3A_242 = arith.addi %select_n3A_241, %mul3A_15 : i32
        %add3A_243 = arith.constant 1 : i32
        %add3A_244 = arith.addi %select_n3A_241, %add3A_243 : i32
        %select_n3A_245 = arith.constant true
        %select_n3A_246 = arith.select %select_n3A_245, %add3A_244, %select_n3A_241 : i32
        %eq3A_247 = arith.constant 79 : i32
        %eq3A_248 = arith.cmpi eq, %select_n3A_246, %eq3A_247 : i32
        %select_n3A_249 = arith.constant 0 : i32
        %select_n3A_250 = arith.select %eq3A_248, %select_n3A_249, %select_n3A_246 : i32
        %add3A_251 = arith.addi %select_n3A_250, %mul3A_15 : i32
        %min3A_252 = arith.constant 2499 : i32
        %min3A_253 = arith.minsi %add3A_224, %min3A_252 : i32
        %min3A_254 = arith.constant 2499 : i32
        %min3A_255 = arith.minsi %add3A_242, %min3A_254 : i32
        %ne3A = arith.cmpi ne, %min3A_253, %min3A_255 : i32
        %or3A = arith.constant false
        %or3A_256 = arith.ori %or3A, %ne3A : i1
        %ge3A = arith.constant 78 : i32
        %ge3A_257 = arith.cmpi sge, %scan3A_210, %ge3A : i32
        %not3A = arith.constant true
        %not3A_258 = arith.xori %ge3A_257, %not3A : i1
        %and3A = arith.andi %or3A_256, %not3A_258 : i1
        %convert_element_type3A_259 = arith.extui %and3A : i1 to i32
        %cond3A_260 = arith.constant 0 : i32
        %cond3A_261 = arith.cmpi ne, %convert_element_type3A_259, %cond3A_260 : i32
        scf.if %cond3A_261 {
          "tpu.trace_start"() <{level = 10 : i32, message = "ep_copy_in"}> : () -> ()
          %rem3A_567 = arith.constant 2 : i32
          %rem3A_568 = arith.remui %scan3A_211, %rem3A_567 : i32
          %min3A_569 = arith.constant 2499 : i32
          %min3A_570 = arith.minsi %add3A_242, %min3A_569 : i32
          %mul3A_571 = arith.constant 128 : i32
          %mul3A_572 = arith.muli %mul3A_571, %min3A_570 : i32
          %dma_start3A_573 = arith.constant 0 : i32
          %dma_start3A_574 = arith.constant 0 : i32
          %dma_start3A_575 = tpu.memref_slice %run_scoped3A[%rem3A_568, %dma_start3A_573, %dma_start3A_574] : memref<2x1x128xi32, #tpu.memory_space<vmem>> -> memref<1x1x128xi32, #tpu.memory_space<vmem>>
          %dma_start3A_576 = tpu.memref_squeeze %dma_start3A_575 : memref<1x1x128xi32, #tpu.memory_space<vmem>> -> memref<1x128xi32, #tpu.memory_space<vmem>>
          %dma_start3A_577 = arith.constant 0 : i32
          %dma_start3A_578 = tpu.memref_slice %arg4[%dma_start3A_577, %mul3A_572] : memref<1x320000xi32, #tpu.memory_space<hbm>> -> memref<1x128xi32, #tpu.memory_space<hbm>>
          %dma_start3A_579 = tpu.memref_slice %run_scoped3A_27[%rem3A_568] : memref<2x!tpu.dma_semaphore, #tpu.memory_space<semaphore_mem>> -> memref<1x!tpu.dma_semaphore, #tpu.memory_space<semaphore_mem>>
          %dma_start3A_580 = tpu.memref_squeeze %dma_start3A_579 : memref<1x!tpu.dma_semaphore, #tpu.memory_space<semaphore_mem>> -> memref<!tpu.dma_semaphore, #tpu.memory_space<semaphore_mem>>
          %dma_start3A_581 = arith.constant 0 : i32
          %dma_start3A_582 = arith.constant 0 : i32
          %dma_start3A_583 = tpu.memref_slice %run_scoped3A[%rem3A_568, %dma_start3A_581, %dma_start3A_582] : memref<2x1x128xi32, #tpu.memory_space<vmem>> -> memref<1x1x128xi32, #tpu.memory_space<vmem>>
          %dma_start3A_584 = tpu.memref_squeeze %dma_start3A_583 : memref<1x1x128xi32, #tpu.memory_space<vmem>> -> memref<1x128xi32, #tpu.memory_space<vmem>>
          %dma_start3A_585 = arith.constant 0 : i32
          %dma_start3A_586 = tpu.memref_slice %arg4[%dma_start3A_585, %mul3A_572] : memref<1x320000xi32, #tpu.memory_space<hbm>> -> memref<1x128xi32, #tpu.memory_space<hbm>>
          tpu.enqueue_dma source(%dma_start3A_586 : memref<1x128xi32, #tpu.memory_space<hbm>>) target(%dma_start3A_584 : memref<1x128xi32, #tpu.memory_space<vmem>>) target_semaphore(%dma_start3A_580 : memref<!tpu.dma_semaphore, #tpu.memory_space<semaphore_mem>>)
          "tpu.trace_stop"() : () -> ()
        } else {
        }
        %and3A_262 = arith.constant true
        %and3A_263 = arith.andi %and3A, %and3A_262 : i1
        %add3A_264 = arith.constant 1 : i32
        %add3A_265 = arith.addi %scan3A_211, %add3A_264 : i32
        %select_n3A_266 = arith.select %and3A_263, %add3A_265, %scan3A_211 : i32
        %min3A_267 = arith.constant 2499 : i32
        %min3A_268 = arith.minsi %add3A_224, %min3A_267 : i32
        %min3A_269 = arith.constant 2499 : i32
        %min3A_270 = arith.minsi %add3A_242, %min3A_269 : i32
        %ne3A_271 = arith.cmpi ne, %min3A_268, %min3A_270 : i32
        %or3A_272 = arith.constant false
        %or3A_273 = arith.ori %or3A_272, %ne3A_271 : i1
        %or3A_274 = arith.constant false
        %or3A_275 = arith.ori %or3A_273, %or3A_274 : i1
        %ge3A_276 = arith.constant 78 : i32
        %ge3A_277 = arith.cmpi sge, %scan3A_210, %ge3A_276 : i32
        %not3A_278 = arith.constant true
        %not3A_279 = arith.xori %ge3A_277, %not3A_278 : i1
        %and3A_280 = arith.andi %or3A_275, %not3A_279 : i1
        %convert_element_type3A_281 = arith.extui %and3A_280 : i1 to i32
        %cond3A_282 = arith.constant 0 : i32
        %cond3A_283 = arith.cmpi ne, %convert_element_type3A_281, %cond3A_282 : i32
        scf.if %cond3A_283 {
          "tpu.trace_start"() <{level = 10 : i32, message = "ep_copy_in"}> : () -> ()
          %rem3A_567 = arith.constant 2 : i32
          %rem3A_568 = arith.remui %scan3A_213, %rem3A_567 : i32
          %min3A_569 = arith.constant 2499 : i32
          %min3A_570 = arith.minsi %add3A_242, %min3A_569 : i32
          %mul3A_571 = arith.constant 128 : i32
          %mul3A_572 = arith.muli %mul3A_571, %min3A_570 : i32
          %dma_start3A_573 = arith.constant 0 : i32
          %dma_start3A_574 = arith.constant 0 : i32
          %dma_start3A_575 = tpu.memref_slice %run_scoped3A_28[%rem3A_568, %dma_start3A_573, %dma_start3A_574] : memref<2x128x128xf32, #tpu.memory_space<vmem>> -> memref<1x128x128xf32, #tpu.memory_space<vmem>>
          %dma_start3A_576 = tpu.memref_squeeze %dma_start3A_575 : memref<1x128x128xf32, #tpu.memory_space<vmem>> -> memref<128x128xf32, #tpu.memory_space<vmem>>
          %dma_start3A_577 = arith.constant 0 : i32
          %dma_start3A_578 = tpu.memref_slice %arg3[%mul3A_572, %dma_start3A_577] : memref<320000x128xf32, #tpu.memory_space<hbm>> -> memref<128x128xf32, #tpu.memory_space<hbm>>
          %dma_start3A_579 = tpu.memref_slice %run_scoped3A_29[%rem3A_568] : memref<2x!tpu.dma_semaphore, #tpu.memory_space<semaphore_mem>> -> memref<1x!tpu.dma_semaphore, #tpu.memory_space<semaphore_mem>>
          %dma_start3A_580 = tpu.memref_squeeze %dma_start3A_579 : memref<1x!tpu.dma_semaphore, #tpu.memory_space<semaphore_mem>> -> memref<!tpu.dma_semaphore, #tpu.memory_space<semaphore_mem>>
          %dma_start3A_581 = arith.constant 0 : i32
          %dma_start3A_582 = arith.constant 0 : i32
          %dma_start3A_583 = tpu.memref_slice %run_scoped3A_28[%rem3A_568, %dma_start3A_581, %dma_start3A_582] : memref<2x128x128xf32, #tpu.memory_space<vmem>> -> memref<1x128x128xf32, #tpu.memory_space<vmem>>
          %dma_start3A_584 = tpu.memref_squeeze %dma_start3A_583 : memref<1x128x128xf32, #tpu.memory_space<vmem>> -> memref<128x128xf32, #tpu.memory_space<vmem>>
          %dma_start3A_585 = arith.constant 0 : i32
          %dma_start3A_586 = tpu.memref_slice %arg3[%mul3A_572, %dma_start3A_585] : memref<320000x128xf32, #tpu.memory_space<hbm>> -> memref<128x128xf32, #tpu.memory_space<hbm>>
          tpu.enqueue_dma source(%dma_start3A_586 : memref<128x128xf32, #tpu.memory_space<hbm>>) target(%dma_start3A_584 : memref<128x128xf32, #tpu.memory_space<vmem>>) target_semaphore(%dma_start3A_580 : memref<!tpu.dma_semaphore, #tpu.memory_space<semaphore_mem>>)
          "tpu.trace_stop"() : () -> ()
        } else {
        }
        %and3A_284 = arith.constant true
        %and3A_285 = arith.andi %and3A_280, %and3A_284 : i1
        %add3A_286 = arith.constant 1 : i32
        %add3A_287 = arith.addi %scan3A_213, %add3A_286 : i32
        %select_n3A_288 = arith.select %and3A_285, %add3A_287, %scan3A_213 : i32
        %ne3A_289 = arith.cmpi ne, %add3A_224, %add3A_242 : i32
        %or3A_290 = arith.constant false
        %or3A_291 = arith.ori %or3A_290, %ne3A_289 : i1
        %or3A_292 = arith.constant false
        %or3A_293 = arith.ori %or3A_291, %or3A_292 : i1
        %ge3A_294 = arith.constant 78 : i32
        %ge3A_295 = arith.cmpi sge, %scan3A_210, %ge3A_294 : i32
        %not3A_296 = arith.constant true
        %not3A_297 = arith.xori %ge3A_295, %not3A_296 : i1
        %and3A_298 = arith.andi %or3A_293, %not3A_297 : i1
        %convert_element_type3A_299 = arith.extui %and3A_298 : i1 to i32
        %cond3A_300 = arith.constant 0 : i32
        %cond3A_301 = arith.cmpi ne, %convert_element_type3A_299, %cond3A_300 : i32
        scf.if %cond3A_301 {
          "tpu.trace_start"() <{level = 10 : i32, message = "ep_copy_in"}> : () -> ()
          %rem3A_567 = arith.constant 2 : i32
          %rem3A_568 = arith.remui %scan3A_215, %rem3A_567 : i32
          %mul3A_569 = arith.constant 1 : i32
          %mul3A_570 = arith.muli %mul3A_569, %add3A_242 : i32
          %dma_start3A_571 = arith.constant 0 : i32
          %dma_start3A_572 = arith.constant 0 : i32
          %dma_start3A_573 = tpu.memref_slice %run_scoped3A_30[%rem3A_568, %dma_start3A_571, %dma_start3A_572] : memref<2x1x128xf32, #tpu.memory_space<vmem>> -> memref<1x1x128xf32, #tpu.memory_space<vmem>>
          %dma_start3A_574 = tpu.memref_squeeze %dma_start3A_573 : memref<1x1x128xf32, #tpu.memory_space<vmem>> -> memref<1x128xf32, #tpu.memory_space<vmem>>
          %dma_start3A_575 = arith.constant 0 : i32
          %dma_start3A_576 = tpu.memref_slice %arg6[%mul3A_570, %dma_start3A_575] : memref<2528x128xf32, #tpu.memory_space<hbm>> -> memref<1x128xf32, #tpu.memory_space<hbm>>
          %dma_start3A_577 = tpu.memref_slice %run_scoped3A_31[%rem3A_568] : memref<2x!tpu.dma_semaphore, #tpu.memory_space<semaphore_mem>> -> memref<1x!tpu.dma_semaphore, #tpu.memory_space<semaphore_mem>>
          %dma_start3A_578 = tpu.memref_squeeze %dma_start3A_577 : memref<1x!tpu.dma_semaphore, #tpu.memory_space<semaphore_mem>> -> memref<!tpu.dma_semaphore, #tpu.memory_space<semaphore_mem>>
          %dma_start3A_579 = arith.constant 0 : i32
          %dma_start3A_580 = arith.constant 0 : i32
          %dma_start3A_581 = tpu.memref_slice %run_scoped3A_30[%rem3A_568, %dma_start3A_579, %dma_start3A_580] : memref<2x1x128xf32, #tpu.memory_space<vmem>> -> memref<1x1x128xf32, #tpu.memory_space<vmem>>
          %dma_start3A_582 = tpu.memref_squeeze %dma_start3A_581 : memref<1x1x128xf32, #tpu.memory_space<vmem>> -> memref<1x128xf32, #tpu.memory_space<vmem>>
          %dma_start3A_583 = arith.constant 0 : i32
          %dma_start3A_584 = tpu.memref_slice %arg6[%mul3A_570, %dma_start3A_583] : memref<2528x128xf32, #tpu.memory_space<hbm>> -> memref<1x128xf32, #tpu.memory_space<hbm>>
          tpu.enqueue_dma source(%dma_start3A_584 : memref<1x128xf32, #tpu.memory_space<hbm>>) target(%dma_start3A_582 : memref<1x128xf32, #tpu.memory_space<vmem>>) target_semaphore(%dma_start3A_578 : memref<!tpu.dma_semaphore, #tpu.memory_space<semaphore_mem>>)
          "tpu.trace_stop"() : () -> ()
        } else {
        }
        %and3A_302 = arith.constant true
        %and3A_303 = arith.andi %and3A_298, %and3A_302 : i1
        %add3A_304 = arith.constant 1 : i32
        %add3A_305 = arith.addi %scan3A_215, %add3A_304 : i32
        %select_n3A_306 = arith.select %and3A_303, %add3A_305, %scan3A_215 : i32
        %min3A_307 = arith.constant 2499 : i32
        %min3A_308 = arith.minsi %add3A_224, %min3A_307 : i32
        %min3A_309 = arith.constant 2499 : i32
        %min3A_310 = arith.minsi %add3A_242, %min3A_309 : i32
        %ne3A_311 = arith.cmpi ne, %min3A_308, %min3A_310 : i32
        %or3A_312 = arith.constant false
        %or3A_313 = arith.ori %or3A_312, %ne3A_311 : i1
        %ge3A_314 = arith.constant 78 : i32
        %ge3A_315 = arith.cmpi sge, %scan3A_210, %ge3A_314 : i32
        %not3A_316 = arith.constant true
        %not3A_317 = arith.xori %ge3A_315, %not3A_316 : i1
        %and3A_318 = arith.andi %or3A_313, %not3A_317 : i1
        %convert_element_type3A_319 = arith.extui %and3A_318 : i1 to i32
        %cond3A_320 = arith.constant 0 : i32
        %cond3A_321 = arith.cmpi ne, %convert_element_type3A_319, %cond3A_320 : i32
        scf.if %cond3A_321 {
          "tpu.trace_start"() <{level = 10 : i32, message = "ep_copy_in"}> : () -> ()
          %rem3A_567 = arith.constant 2 : i32
          %rem3A_568 = arith.remui %scan3A_217, %rem3A_567 : i32
          %min3A_569 = arith.constant 2499 : i32
          %min3A_570 = arith.minsi %add3A_242, %min3A_569 : i32
          %mul3A_571 = arith.constant 128 : i32
          %mul3A_572 = arith.muli %mul3A_571, %min3A_570 : i32
          %dma_start3A_573 = arith.constant 0 : i32
          %dma_start3A_574 = arith.constant 0 : i32
          %dma_start3A_575 = tpu.memref_slice %run_scoped3A_32[%rem3A_568, %dma_start3A_573, %dma_start3A_574] : memref<2x1x128xi32, #tpu.memory_space<vmem>> -> memref<1x1x128xi32, #tpu.memory_space<vmem>>
          %dma_start3A_576 = tpu.memref_squeeze %dma_start3A_575 : memref<1x1x128xi32, #tpu.memory_space<vmem>> -> memref<1x128xi32, #tpu.memory_space<vmem>>
          %dma_start3A_577 = arith.constant 0 : i32
          %dma_start3A_578 = tpu.memref_slice %arg5[%dma_start3A_577, %mul3A_572] : memref<1x320000xi32, #tpu.memory_space<hbm>> -> memref<1x128xi32, #tpu.memory_space<hbm>>
          %dma_start3A_579 = tpu.memref_slice %run_scoped3A_33[%rem3A_568] : memref<2x!tpu.dma_semaphore, #tpu.memory_space<semaphore_mem>> -> memref<1x!tpu.dma_semaphore, #tpu.memory_space<semaphore_mem>>
          %dma_start3A_580 = tpu.memref_squeeze %dma_start3A_579 : memref<1x!tpu.dma_semaphore, #tpu.memory_space<semaphore_mem>> -> memref<!tpu.dma_semaphore, #tpu.memory_space<semaphore_mem>>
          %dma_start3A_581 = arith.constant 0 : i32
          %dma_start3A_582 = arith.constant 0 : i32
          %dma_start3A_583 = tpu.memref_slice %run_scoped3A_32[%rem3A_568, %dma_start3A_581, %dma_start3A_582] : memref<2x1x128xi32, #tpu.memory_space<vmem>> -> memref<1x1x128xi32, #tpu.memory_space<vmem>>
          %dma_start3A_584 = tpu.memref_squeeze %dma_start3A_583 : memref<1x1x128xi32, #tpu.memory_space<vmem>> -> memref<1x128xi32, #tpu.memory_space<vmem>>
          %dma_start3A_585 = arith.constant 0 : i32
          %dma_start3A_586 = tpu.memref_slice %arg5[%dma_start3A_585, %mul3A_572] : memref<1x320000xi32, #tpu.memory_space<hbm>> -> memref<1x128xi32, #tpu.memory_space<hbm>>
          tpu.enqueue_dma source(%dma_start3A_586 : memref<1x128xi32, #tpu.memory_space<hbm>>) target(%dma_start3A_584 : memref<1x128xi32, #tpu.memory_space<vmem>>) target_semaphore(%dma_start3A_580 : memref<!tpu.dma_semaphore, #tpu.memory_space<semaphore_mem>>)
          "tpu.trace_stop"() : () -> ()
        } else {
        }
        %and3A_322 = arith.constant true
        %and3A_323 = arith.andi %and3A_318, %and3A_322 : i1
        %add3A_324 = arith.constant 1 : i32
        %add3A_325 = arith.addi %scan3A_217, %add3A_324 : i32
        %select_n3A_326 = arith.select %and3A_323, %add3A_325, %scan3A_217 : i32
        %min3A_327 = arith.constant 2499 : i32
        %min3A_328 = arith.minsi %add3A_224, %min3A_327 : i32
        %min3A_329 = arith.constant 2499 : i32
        %min3A_330 = arith.minsi %add3A_233, %min3A_329 : i32
        %ne3A_331 = arith.cmpi ne, %min3A_328, %min3A_330 : i32
        %or3A_332 = arith.constant false
        %or3A_333 = arith.ori %or3A_332, %ne3A_331 : i1
        %or3A_334 = arith.ori %or3A_333, %eq3A_221 : i1
        %convert_element_type3A_335 = arith.extui %or3A_334 : i1 to i32
        %cond3A_336 = arith.constant 0 : i32
        %cond3A_337 = arith.cmpi ne, %convert_element_type3A_335, %cond3A_336 : i32
        scf.if %cond3A_337 {
          "tpu.trace_start"() <{level = 10 : i32, message = "ep_wait_in"}> : () -> ()
          %min3A_567 = arith.constant 2499 : i32
          %min3A_568 = arith.minsi %add3A_224, %min3A_567 : i32
          %mul3A_569 = arith.constant 128 : i32
          %mul3A_570 = arith.muli %mul3A_569, %min3A_568 : i32
          %rem3A_571 = arith.constant 2 : i32
          %rem3A_572 = arith.remui %scan3A_212, %rem3A_571 : i32
          %dma_wait3A_573 = arith.constant 0 : i32
          %dma_wait3A_574 = arith.constant 0 : i32
          %dma_wait3A_575 = tpu.memref_slice %run_scoped3A[%rem3A_572, %dma_wait3A_573, %dma_wait3A_574] : memref<2x1x128xi32, #tpu.memory_space<vmem>> -> memref<1x1x128xi32, #tpu.memory_space<vmem>>
          %dma_wait3A_576 = tpu.memref_squeeze %dma_wait3A_575 : memref<1x1x128xi32, #tpu.memory_space<vmem>> -> memref<1x128xi32, #tpu.memory_space<vmem>>
          %dma_wait3A_577 = arith.constant 0 : i32
          %dma_wait3A_578 = tpu.memref_slice %arg4[%dma_wait3A_577, %mul3A_570] : memref<1x320000xi32, #tpu.memory_space<hbm>> -> memref<1x128xi32, #tpu.memory_space<hbm>>
          %dma_wait3A_579 = tpu.memref_slice %run_scoped3A_27[%rem3A_572] : memref<2x!tpu.dma_semaphore, #tpu.memory_space<semaphore_mem>> -> memref<1x!tpu.dma_semaphore, #tpu.memory_space<semaphore_mem>>
          %dma_wait3A_580 = tpu.memref_squeeze %dma_wait3A_579 : memref<1x!tpu.dma_semaphore, #tpu.memory_space<semaphore_mem>> -> memref<!tpu.dma_semaphore, #tpu.memory_space<semaphore_mem>>
          %dma_wait3A_581 = arith.constant 0 : i32
          %dma_wait3A_582 = arith.constant 0 : i32
          %dma_wait3A_583 = tpu.memref_slice %run_scoped3A[%rem3A_572, %dma_wait3A_581, %dma_wait3A_582] : memref<2x1x128xi32, #tpu.memory_space<vmem>> -> memref<1x1x128xi32, #tpu.memory_space<vmem>>
          %dma_wait3A_584 = tpu.memref_squeeze %dma_wait3A_583 : memref<1x1x128xi32, #tpu.memory_space<vmem>> -> memref<1x128xi32, #tpu.memory_space<vmem>>
          %dma_wait3A_585 = arith.constant 0 : i32
          %dma_wait3A_586 = tpu.memref_slice %arg4[%dma_wait3A_585, %mul3A_570] : memref<1x320000xi32, #tpu.memory_space<hbm>> -> memref<1x128xi32, #tpu.memory_space<hbm>>
          tpu.wait_dma2 semaphore(%dma_wait3A_580 : memref<!tpu.dma_semaphore, #tpu.memory_space<semaphore_mem>>) src(%dma_wait3A_586 : memref<1x128xi32, #tpu.memory_space<hbm>>) dst(%dma_wait3A_584 : memref<1x128xi32, #tpu.memory_space<vmem>>)
          "tpu.trace_stop"() : () -> ()
        } else {
        }
        %min3A_338 = arith.constant 2499 : i32
        %min3A_339 = arith.minsi %add3A_224, %min3A_338 : i32
        %min3A_340 = arith.constant 2499 : i32
        %min3A_341 = arith.minsi %add3A_233, %min3A_340 : i32
        %ne3A_342 = arith.cmpi ne, %min3A_339, %min3A_341 : i32
        %or3A_343 = arith.constant false
        %or3A_344 = arith.ori %or3A_343, %ne3A_342 : i1
        %or3A_345 = arith.constant false
        %or3A_346 = arith.ori %or3A_344, %or3A_345 : i1
        %or3A_347 = arith.ori %or3A_346, %eq3A_221 : i1
        %convert_element_type3A_348 = arith.extui %or3A_347 : i1 to i32
        %cond3A_349 = arith.constant 0 : i32
        %cond3A_350 = arith.cmpi ne, %convert_element_type3A_348, %cond3A_349 : i32
        scf.if %cond3A_350 {
          "tpu.trace_start"() <{level = 10 : i32, message = "ep_wait_in"}> : () -> ()
          %min3A_567 = arith.constant 2499 : i32
          %min3A_568 = arith.minsi %add3A_224, %min3A_567 : i32
          %mul3A_569 = arith.constant 128 : i32
          %mul3A_570 = arith.muli %mul3A_569, %min3A_568 : i32
          %rem3A_571 = arith.constant 2 : i32
          %rem3A_572 = arith.remui %scan3A_214, %rem3A_571 : i32
          %dma_wait3A_573 = arith.constant 0 : i32
          %dma_wait3A_574 = arith.constant 0 : i32
          %dma_wait3A_575 = tpu.memref_slice %run_scoped3A_28[%rem3A_572, %dma_wait3A_573, %dma_wait3A_574] : memref<2x128x128xf32, #tpu.memory_space<vmem>> -> memref<1x128x128xf32, #tpu.memory_space<vmem>>
          %dma_wait3A_576 = tpu.memref_squeeze %dma_wait3A_575 : memref<1x128x128xf32, #tpu.memory_space<vmem>> -> memref<128x128xf32, #tpu.memory_space<vmem>>
          %dma_wait3A_577 = arith.constant 0 : i32
          %dma_wait3A_578 = tpu.memref_slice %arg3[%mul3A_570, %dma_wait3A_577] : memref<320000x128xf32, #tpu.memory_space<hbm>> -> memref<128x128xf32, #tpu.memory_space<hbm>>
          %dma_wait3A_579 = tpu.memref_slice %run_scoped3A_29[%rem3A_572] : memref<2x!tpu.dma_semaphore, #tpu.memory_space<semaphore_mem>> -> memref<1x!tpu.dma_semaphore, #tpu.memory_space<semaphore_mem>>
          %dma_wait3A_580 = tpu.memref_squeeze %dma_wait3A_579 : memref<1x!tpu.dma_semaphore, #tpu.memory_space<semaphore_mem>> -> memref<!tpu.dma_semaphore, #tpu.memory_space<semaphore_mem>>
          %dma_wait3A_581 = arith.constant 0 : i32
          %dma_wait3A_582 = arith.constant 0 : i32
          %dma_wait3A_583 = tpu.memref_slice %run_scoped3A_28[%rem3A_572, %dma_wait3A_581, %dma_wait3A_582] : memref<2x128x128xf32, #tpu.memory_space<vmem>> -> memref<1x128x128xf32, #tpu.memory_space<vmem>>
          %dma_wait3A_584 = tpu.memref_squeeze %dma_wait3A_583 : memref<1x128x128xf32, #tpu.memory_space<vmem>> -> memref<128x128xf32, #tpu.memory_space<vmem>>
          %dma_wait3A_585 = arith.constant 0 : i32
          %dma_wait3A_586 = tpu.memref_slice %arg3[%mul3A_570, %dma_wait3A_585] : memref<320000x128xf32, #tpu.memory_space<hbm>> -> memref<128x128xf32, #tpu.memory_space<hbm>>
          tpu.wait_dma2 semaphore(%dma_wait3A_580 : memref<!tpu.dma_semaphore, #tpu.memory_space<semaphore_mem>>) src(%dma_wait3A_586 : memref<128x128xf32, #tpu.memory_space<hbm>>) dst(%dma_wait3A_584 : memref<128x128xf32, #tpu.memory_space<vmem>>)
          "tpu.trace_stop"() : () -> ()
        } else {
        }
        %ne3A_351 = arith.cmpi ne, %add3A_224, %add3A_233 : i32
        %or3A_352 = arith.constant false
        %or3A_353 = arith.ori %or3A_352, %ne3A_351 : i1
        %or3A_354 = arith.constant false
        %or3A_355 = arith.ori %or3A_353, %or3A_354 : i1
        %or3A_356 = arith.ori %or3A_355, %eq3A_221 : i1
        %convert_element_type3A_357 = arith.extui %or3A_356 : i1 to i32
        %cond3A_358 = arith.constant 0 : i32
        %cond3A_359 = arith.cmpi ne, %convert_element_type3A_357, %cond3A_358 : i32
        scf.if %cond3A_359 {
          "tpu.trace_start"() <{level = 10 : i32, message = "ep_wait_in"}> : () -> ()
          %mul3A_567 = arith.constant 1 : i32
          %mul3A_568 = arith.muli %mul3A_567, %add3A_224 : i32
          %rem3A_569 = arith.constant 2 : i32
          %rem3A_570 = arith.remui %scan3A_216, %rem3A_569 : i32
          %dma_wait3A_571 = arith.constant 0 : i32
          %dma_wait3A_572 = arith.constant 0 : i32
          %dma_wait3A_573 = tpu.memref_slice %run_scoped3A_30[%rem3A_570, %dma_wait3A_571, %dma_wait3A_572] : memref<2x1x128xf32, #tpu.memory_space<vmem>> -> memref<1x1x128xf32, #tpu.memory_space<vmem>>
          %dma_wait3A_574 = tpu.memref_squeeze %dma_wait3A_573 : memref<1x1x128xf32, #tpu.memory_space<vmem>> -> memref<1x128xf32, #tpu.memory_space<vmem>>
          %dma_wait3A_575 = arith.constant 0 : i32
          %dma_wait3A_576 = tpu.memref_slice %arg6[%mul3A_568, %dma_wait3A_575] : memref<2528x128xf32, #tpu.memory_space<hbm>> -> memref<1x128xf32, #tpu.memory_space<hbm>>
          %dma_wait3A_577 = tpu.memref_slice %run_scoped3A_31[%rem3A_570] : memref<2x!tpu.dma_semaphore, #tpu.memory_space<semaphore_mem>> -> memref<1x!tpu.dma_semaphore, #tpu.memory_space<semaphore_mem>>
          %dma_wait3A_578 = tpu.memref_squeeze %dma_wait3A_577 : memref<1x!tpu.dma_semaphore, #tpu.memory_space<semaphore_mem>> -> memref<!tpu.dma_semaphore, #tpu.memory_space<semaphore_mem>>
          %dma_wait3A_579 = arith.constant 0 : i32
          %dma_wait3A_580 = arith.constant 0 : i32
          %dma_wait3A_581 = tpu.memref_slice %run_scoped3A_30[%rem3A_570, %dma_wait3A_579, %dma_wait3A_580] : memref<2x1x128xf32, #tpu.memory_space<vmem>> -> memref<1x1x128xf32, #tpu.memory_space<vmem>>
          %dma_wait3A_582 = tpu.memref_squeeze %dma_wait3A_581 : memref<1x1x128xf32, #tpu.memory_space<vmem>> -> memref<1x128xf32, #tpu.memory_space<vmem>>
          %dma_wait3A_583 = arith.constant 0 : i32
          %dma_wait3A_584 = tpu.memref_slice %arg6[%mul3A_568, %dma_wait3A_583] : memref<2528x128xf32, #tpu.memory_space<hbm>> -> memref<1x128xf32, #tpu.memory_space<hbm>>
          tpu.wait_dma2 semaphore(%dma_wait3A_578 : memref<!tpu.dma_semaphore, #tpu.memory_space<semaphore_mem>>) src(%dma_wait3A_584 : memref<1x128xf32, #tpu.memory_space<hbm>>) dst(%dma_wait3A_582 : memref<1x128xf32, #tpu.memory_space<vmem>>)
          "tpu.trace_stop"() : () -> ()
        } else {
        }
        %min3A_360 = arith.constant 2499 : i32
        %min3A_361 = arith.minsi %add3A_224, %min3A_360 : i32
        %min3A_362 = arith.constant 2499 : i32
        %min3A_363 = arith.minsi %add3A_233, %min3A_362 : i32
        %ne3A_364 = arith.cmpi ne, %min3A_361, %min3A_363 : i32
        %or3A_365 = arith.constant false
        %or3A_366 = arith.ori %or3A_365, %ne3A_364 : i1
        %or3A_367 = arith.ori %or3A_366, %eq3A_221 : i1
        %convert_element_type3A_368 = arith.extui %or3A_367 : i1 to i32
        %cond3A_369 = arith.constant 0 : i32
        %cond3A_370 = arith.cmpi ne, %convert_element_type3A_368, %cond3A_369 : i32
        scf.if %cond3A_370 {
          "tpu.trace_start"() <{level = 10 : i32, message = "ep_wait_in"}> : () -> ()
          %min3A_567 = arith.constant 2499 : i32
          %min3A_568 = arith.minsi %add3A_224, %min3A_567 : i32
          %mul3A_569 = arith.constant 128 : i32
          %mul3A_570 = arith.muli %mul3A_569, %min3A_568 : i32
          %rem3A_571 = arith.constant 2 : i32
          %rem3A_572 = arith.remui %scan3A_218, %rem3A_571 : i32
          %dma_wait3A_573 = arith.constant 0 : i32
          %dma_wait3A_574 = arith.constant 0 : i32
          %dma_wait3A_575 = tpu.memref_slice %run_scoped3A_32[%rem3A_572, %dma_wait3A_573, %dma_wait3A_574] : memref<2x1x128xi32, #tpu.memory_space<vmem>> -> memref<1x1x128xi32, #tpu.memory_space<vmem>>
          %dma_wait3A_576 = tpu.memref_squeeze %dma_wait3A_575 : memref<1x1x128xi32, #tpu.memory_space<vmem>> -> memref<1x128xi32, #tpu.memory_space<vmem>>
          %dma_wait3A_577 = arith.constant 0 : i32
          %dma_wait3A_578 = tpu.memref_slice %arg5[%dma_wait3A_577, %mul3A_570] : memref<1x320000xi32, #tpu.memory_space<hbm>> -> memref<1x128xi32, #tpu.memory_space<hbm>>
          %dma_wait3A_579 = tpu.memref_slice %run_scoped3A_33[%rem3A_572] : memref<2x!tpu.dma_semaphore, #tpu.memory_space<semaphore_mem>> -> memref<1x!tpu.dma_semaphore, #tpu.memory_space<semaphore_mem>>
          %dma_wait3A_580 = tpu.memref_squeeze %dma_wait3A_579 : memref<1x!tpu.dma_semaphore, #tpu.memory_space<semaphore_mem>> -> memref<!tpu.dma_semaphore, #tpu.memory_space<semaphore_mem>>
          %dma_wait3A_581 = arith.constant 0 : i32
          %dma_wait3A_582 = arith.constant 0 : i32
          %dma_wait3A_583 = tpu.memref_slice %run_scoped3A_32[%rem3A_572, %dma_wait3A_581, %dma_wait3A_582] : memref<2x1x128xi32, #tpu.memory_space<vmem>> -> memref<1x1x128xi32, #tpu.memory_space<vmem>>
          %dma_wait3A_584 = tpu.memref_squeeze %dma_wait3A_583 : memref<1x1x128xi32, #tpu.memory_space<vmem>> -> memref<1x128xi32, #tpu.memory_space<vmem>>
          %dma_wait3A_585 = arith.constant 0 : i32
          %dma_wait3A_586 = tpu.memref_slice %arg5[%dma_wait3A_585, %mul3A_570] : memref<1x320000xi32, #tpu.memory_space<hbm>> -> memref<1x128xi32, #tpu.memory_space<hbm>>
          tpu.wait_dma2 semaphore(%dma_wait3A_580 : memref<!tpu.dma_semaphore, #tpu.memory_space<semaphore_mem>>) src(%dma_wait3A_586 : memref<1x128xi32, #tpu.memory_space<hbm>>) dst(%dma_wait3A_584 : memref<1x128xi32, #tpu.memory_space<vmem>>)
          "tpu.trace_stop"() : () -> ()
        } else {
        }
        %rem3A_371 = arith.constant 2 : i32
        %rem3A_372 = arith.remui %scan3A_212, %rem3A_371 : i32
        %rem3A_373 = arith.constant 2 : i32
        %rem3A_374 = arith.remui %scan3A_214, %rem3A_373 : i32
        %rem3A_375 = arith.constant 2 : i32
        %rem3A_376 = arith.remui %scan3A_216, %rem3A_375 : i32
        %rem3A_377 = arith.constant 2 : i32
        %rem3A_378 = arith.remui %scan3A_218, %rem3A_377 : i32
        %dma_start3A_379 = arith.constant 0 : i32
        "tpu.trace_start"() <{level = 10 : i32, message = "ep_run_kernel"}> : () -> ()
        %dma_start3A_380 = arith.constant 0 : i32
        %dma_start3A_381 = arith.constant 0 : i32
        %dma_start3A_382 = tpu.memref_slice %run_scoped3A[%rem3A_372, %dma_start3A_380, %dma_start3A_381] : memref<2x1x128xi32, #tpu.memory_space<vmem>> -> memref<1x1x128xi32, #tpu.memory_space<vmem>>
        %dma_start3A_383 = tpu.memref_squeeze %dma_start3A_382 : memref<1x1x128xi32, #tpu.memory_space<vmem>> -> memref<1x128xi32, #tpu.memory_space<vmem>>
        %dma_start3A_384 = arith.constant 0 : i32
        %dma_start3A_385 = tpu.memref_slice %dma_start3A_383[%dma_start3A_379, %dma_start3A_384] : memref<1x128xi32, #tpu.memory_space<vmem>> -> memref<1x128xi32, #tpu.memory_space<vmem>>
        %dma_start3A_386 = tpu.memref_squeeze %dma_start3A_385 : memref<1x128xi32, #tpu.memory_space<vmem>> -> memref<128xi32, #tpu.memory_space<vmem>>
        %dma_start3A_387 = arith.constant 0 : i32
        %dma_start3A_388 = arith.constant 0 : i32
        %dma_start3A_389 = tpu.memref_slice %arg2[%dma_start3A_387, %dma_start3A_388] : memref<10000x128xf32, #tpu.memory_space<hbm>> -> memref<10000x128xf32, #tpu.memory_space<hbm>>
        tpu.enqueue_indirect_dma source(%dma_start3A_389 : memref<10000x128xf32, #tpu.memory_space<hbm>>) target(%arg10 : memref<128x128xf32, #tpu.memory_space<vmem>>) offsets(%dma_start3A_386 : memref<128xi32, #tpu.memory_space<vmem>>) semaphore(%arg11 : memref<!tpu.dma_semaphore, #tpu.memory_space<semaphore_mem>>)
        %dma_wait3A = arith.constant 0 : i32
        %dma_wait3A_390 = arith.constant 0 : i32
        %dma_wait3A_391 = arith.constant 0 : i32
        %dma_wait3A_392 = tpu.memref_slice %run_scoped3A[%rem3A_372, %dma_wait3A_390, %dma_wait3A_391] : memref<2x1x128xi32, #tpu.memory_space<vmem>> -> memref<1x1x128xi32, #tpu.memory_space<vmem>>
        %dma_wait3A_393 = tpu.memref_squeeze %dma_wait3A_392 : memref<1x1x128xi32, #tpu.memory_space<vmem>> -> memref<1x128xi32, #tpu.memory_space<vmem>>
        %dma_wait3A_394 = arith.constant 0 : i32
        %dma_wait3A_395 = tpu.memref_slice %dma_wait3A_393[%dma_wait3A, %dma_wait3A_394] : memref<1x128xi32, #tpu.memory_space<vmem>> -> memref<1x128xi32, #tpu.memory_space<vmem>>
        %dma_wait3A_396 = tpu.memref_squeeze %dma_wait3A_395 : memref<1x128xi32, #tpu.memory_space<vmem>> -> memref<128xi32, #tpu.memory_space<vmem>>
        %dma_wait3A_397 = arith.constant 0 : i32
        %dma_wait3A_398 = arith.constant 0 : i32
        %dma_wait3A_399 = tpu.memref_slice %arg2[%dma_wait3A_397, %dma_wait3A_398] : memref<10000x128xf32, #tpu.memory_space<hbm>> -> memref<10000x128xf32, #tpu.memory_space<hbm>>
        tpu.wait_indirect_dma semaphore(%arg11 : memref<!tpu.dma_semaphore, #tpu.memory_space<semaphore_mem>>) src(%dma_wait3A_399 : memref<10000x128xf32, #tpu.memory_space<hbm>>) dst(%arg10 : memref<128x128xf32, #tpu.memory_space<vmem>>)
        %parallel_loop3A = arith.constant 0 : i32
        %parallel_loop3A_400 = arith.constant 128 : i32
        %parallel_loop3A_401 = arith.constant 1 : i32
        scf.for %parallel_loop3A_567 = %parallel_loop3A to %parallel_loop3A_400 step %parallel_loop3A_401  : i32 {
          %parallel_loop3A_568 = vector.broadcast %parallel_loop3A_567 : i32 to vector<16xi32>
          %parallel_loop3A_569 = arith.constant 0 : i32
          %parallel_loop3A_570 = arith.constant 0 : i32
          %parallel_loop3A_571 = tpu.memref_slice %run_scoped3A_30[%rem3A_376, %parallel_loop3A_569, %parallel_loop3A_570] : memref<2x1x128xf32, #tpu.memory_space<vmem>> -> memref<1x1x128xf32, #tpu.memory_space<vmem>>
          %parallel_loop3A_572 = tpu.memref_squeeze %parallel_loop3A_571 : memref<1x1x128xf32, #tpu.memory_space<vmem>> -> memref<1x128xf32, #tpu.memory_space<vmem>>
          %parallel_loop3A_573 = tpu.vector_load_idx %parallel_loop3A_572[%broadcast_in_dim3A_7, %parallel_loop3A_568] : memref<1x128xf32, #tpu.memory_space<vmem>>[vector<16xi32>, vector<16xi32>], vector<16xf32>,
          %parallel_loop3A_574 = arith.index_cast %parallel_loop3A_567 : i32 to index
          %parallel_loop3A_575 = arith.constant 0 : index
          %parallel_loop3A_576 = tpu.vector_load %arg10[%parallel_loop3A_574, %parallel_loop3A_575] {strides = array<i32>} : memref<128x128xf32, #tpu.memory_space<vmem>>, vector<16xf32>,
          %parallel_loop3A_577 = arith.constant 0 : i32
          %parallel_loop3A_578 = arith.constant 0 : i32
          %parallel_loop3A_579 = tpu.memref_slice %run_scoped3A_28[%rem3A_374, %parallel_loop3A_577, %parallel_loop3A_578] : memref<2x128x128xf32, #tpu.memory_space<vmem>> -> memref<1x128x128xf32, #tpu.memory_space<vmem>>
          %parallel_loop3A_580 = tpu.memref_squeeze %parallel_loop3A_579 : memref<1x128x128xf32, #tpu.memory_space<vmem>> -> memref<128x128xf32, #tpu.memory_space<vmem>>
          %parallel_loop3A_581 = arith.index_cast %parallel_loop3A_567 : i32 to index
          %parallel_loop3A_582 = arith.constant 0 : index
          %parallel_loop3A_583 = tpu.vector_load %parallel_loop3A_580[%parallel_loop3A_581, %parallel_loop3A_582] {strides = array<i32>} : memref<128x128xf32, #tpu.memory_space<vmem>>, vector<16xf32>,
          %parallel_loop3A_584 = arith.addf %parallel_loop3A_576, %parallel_loop3A_583 : vector<16xf32>
          %parallel_loop3A_585 = arith.constant 0.000000e+00 : f32
          %parallel_loop3A_586 = vector.broadcast %parallel_loop3A_585 : f32 to vector<16xf32>
          %parallel_loop3A_587 = arith.maximumf %parallel_loop3A_584, %parallel_loop3A_586 : vector<16xf32>
          %parallel_loop3A_588 = arith.mulf %parallel_loop3A_587, %parallel_loop3A_573 : vector<16xf32>
          %parallel_loop3A_589 = arith.index_cast %parallel_loop3A_567 : i32 to index
          %parallel_loop3A_590 = arith.constant 0 : index
          %parallel_loop3A_591 = tpu.vector_load %arg10[%parallel_loop3A_589, %parallel_loop3A_590] {strides = array<i32>} : memref<128x128xf32, #tpu.memory_space<vmem>>, vector<16xf32>,
          tpu.vector_store %arg10[%parallel_loop3A_589, %parallel_loop3A_590], %parallel_loop3A_588 {strides = array<i32>} : memref<128x128xf32, #tpu.memory_space<vmem>>, vector<16xf32>,
          %parallel_loop3A_592 = arith.index_cast %parallel_loop3A_567 : i32 to index
          %parallel_loop3A_593 = arith.constant 16 : index
          %parallel_loop3A_594 = tpu.vector_load %arg10[%parallel_loop3A_592, %parallel_loop3A_593] {strides = array<i32>} : memref<128x128xf32, #tpu.memory_space<vmem>>, vector<16xf32>,
          %parallel_loop3A_595 = arith.constant 0 : i32
          %parallel_loop3A_596 = arith.constant 0 : i32
          %parallel_loop3A_597 = tpu.memref_slice %run_scoped3A_28[%rem3A_374, %parallel_loop3A_595, %parallel_loop3A_596] : memref<2x128x128xf32, #tpu.memory_space<vmem>> -> memref<1x128x128xf32, #tpu.memory_space<vmem>>
          %parallel_loop3A_598 = tpu.memref_squeeze %parallel_loop3A_597 : memref<1x128x128xf32, #tpu.memory_space<vmem>> -> memref<128x128xf32, #tpu.memory_space<vmem>>
          %parallel_loop3A_599 = arith.index_cast %parallel_loop3A_567 : i32 to index
          %parallel_loop3A_600 = arith.constant 16 : index
          %parallel_loop3A_601 = tpu.vector_load %parallel_loop3A_598[%parallel_loop3A_599, %parallel_loop3A_600] {strides = array<i32>} : memref<128x128xf32, #tpu.memory_space<vmem>>, vector<16xf32>,
          %parallel_loop3A_602 = arith.addf %parallel_loop3A_594, %parallel_loop3A_601 : vector<16xf32>
          %parallel_loop3A_603 = arith.constant 0.000000e+00 : f32
          %parallel_loop3A_604 = vector.broadcast %parallel_loop3A_603 : f32 to vector<16xf32>
          %parallel_loop3A_605 = arith.maximumf %parallel_loop3A_602, %parallel_loop3A_604 : vector<16xf32>
          %parallel_loop3A_606 = arith.mulf %parallel_loop3A_605, %parallel_loop3A_573 : vector<16xf32>
          %parallel_loop3A_607 = arith.index_cast %parallel_loop3A_567 : i32 to index
          %parallel_loop3A_608 = arith.constant 16 : index
          %parallel_loop3A_609 = tpu.vector_load %arg10[%parallel_loop3A_607, %parallel_loop3A_608] {strides = array<i32>} : memref<128x128xf32, #tpu.memory_space<vmem>>, vector<16xf32>,
          tpu.vector_store %arg10[%parallel_loop3A_607, %parallel_loop3A_608], %parallel_loop3A_606 {strides = array<i32>} : memref<128x128xf32, #tpu.memory_space<vmem>>, vector<16xf32>,
          %parallel_loop3A_610 = arith.index_cast %parallel_loop3A_567 : i32 to index
          %parallel_loop3A_611 = arith.constant 32 : index
          %parallel_loop3A_612 = tpu.vector_load %arg10[%parallel_loop3A_610, %parallel_loop3A_611] {strides = array<i32>} : memref<128x128xf32, #tpu.memory_space<vmem>>, vector<16xf32>,
          %parallel_loop3A_613 = arith.constant 0 : i32
          %parallel_loop3A_614 = arith.constant 0 : i32
          %parallel_loop3A_615 = tpu.memref_slice %run_scoped3A_28[%rem3A_374, %parallel_loop3A_613, %parallel_loop3A_614] : memref<2x128x128xf32, #tpu.memory_space<vmem>> -> memref<1x128x128xf32, #tpu.memory_space<vmem>>
          %parallel_loop3A_616 = tpu.memref_squeeze %parallel_loop3A_615 : memref<1x128x128xf32, #tpu.memory_space<vmem>> -> memref<128x128xf32, #tpu.memory_space<vmem>>
          %parallel_loop3A_617 = arith.index_cast %parallel_loop3A_567 : i32 to index
          %parallel_loop3A_618 = arith.constant 32 : index
          %parallel_loop3A_619 = tpu.vector_load %parallel_loop3A_616[%parallel_loop3A_617, %parallel_loop3A_618] {strides = array<i32>} : memref<128x128xf32, #tpu.memory_space<vmem>>, vector<16xf32>,
          %parallel_loop3A_620 = arith.addf %parallel_loop3A_612, %parallel_loop3A_619 : vector<16xf32>
          %parallel_loop3A_621 = arith.constant 0.000000e+00 : f32
          %parallel_loop3A_622 = vector.broadcast %parallel_loop3A_621 : f32 to vector<16xf32>
          %parallel_loop3A_623 = arith.maximumf %parallel_loop3A_620, %parallel_loop3A_622 : vector<16xf32>
          %parallel_loop3A_624 = arith.mulf %parallel_loop3A_623, %parallel_loop3A_573 : vector<16xf32>
          %parallel_loop3A_625 = arith.index_cast %parallel_loop3A_567 : i32 to index
          %parallel_loop3A_626 = arith.constant 32 : index
          %parallel_loop3A_627 = tpu.vector_load %arg10[%parallel_loop3A_625, %parallel_loop3A_626] {strides = array<i32>} : memref<128x128xf32, #tpu.memory_space<vmem>>, vector<16xf32>,
          tpu.vector_store %arg10[%parallel_loop3A_625, %parallel_loop3A_626], %parallel_loop3A_624 {strides = array<i32>} : memref<128x128xf32, #tpu.memory_space<vmem>>, vector<16xf32>,
          %parallel_loop3A_628 = arith.index_cast %parallel_loop3A_567 : i32 to index
          %parallel_loop3A_629 = arith.constant 48 : index
          %parallel_loop3A_630 = tpu.vector_load %arg10[%parallel_loop3A_628, %parallel_loop3A_629] {strides = array<i32>} : memref<128x128xf32, #tpu.memory_space<vmem>>, vector<16xf32>,
          %parallel_loop3A_631 = arith.constant 0 : i32
          %parallel_loop3A_632 = arith.constant 0 : i32
          %parallel_loop3A_633 = tpu.memref_slice %run_scoped3A_28[%rem3A_374, %parallel_loop3A_631, %parallel_loop3A_632] : memref<2x128x128xf32, #tpu.memory_space<vmem>> -> memref<1x128x128xf32, #tpu.memory_space<vmem>>
          %parallel_loop3A_634 = tpu.memref_squeeze %parallel_loop3A_633 : memref<1x128x128xf32, #tpu.memory_space<vmem>> -> memref<128x128xf32, #tpu.memory_space<vmem>>
          %parallel_loop3A_635 = arith.index_cast %parallel_loop3A_567 : i32 to index
          %parallel_loop3A_636 = arith.constant 48 : index
          %parallel_loop3A_637 = tpu.vector_load %parallel_loop3A_634[%parallel_loop3A_635, %parallel_loop3A_636] {strides = array<i32>} : memref<128x128xf32, #tpu.memory_space<vmem>>, vector<16xf32>,
          %parallel_loop3A_638 = arith.addf %parallel_loop3A_630, %parallel_loop3A_637 : vector<16xf32>
          %parallel_loop3A_639 = arith.constant 0.000000e+00 : f32
          %parallel_loop3A_640 = vector.broadcast %parallel_loop3A_639 : f32 to vector<16xf32>
          %parallel_loop3A_641 = arith.maximumf %parallel_loop3A_638, %parallel_loop3A_640 : vector<16xf32>
          %parallel_loop3A_642 = arith.mulf %parallel_loop3A_641, %parallel_loop3A_573 : vector<16xf32>
          %parallel_loop3A_643 = arith.index_cast %parallel_loop3A_567 : i32 to index
          %parallel_loop3A_644 = arith.constant 48 : index
          %parallel_loop3A_645 = tpu.vector_load %arg10[%parallel_loop3A_643, %parallel_loop3A_644] {strides = array<i32>} : memref<128x128xf32, #tpu.memory_space<vmem>>, vector<16xf32>,
          tpu.vector_store %arg10[%parallel_loop3A_643, %parallel_loop3A_644], %parallel_loop3A_642 {strides = array<i32>} : memref<128x128xf32, #tpu.memory_space<vmem>>, vector<16xf32>,
          %parallel_loop3A_646 = arith.index_cast %parallel_loop3A_567 : i32 to index
          %parallel_loop3A_647 = arith.constant 64 : index
          %parallel_loop3A_648 = tpu.vector_load %arg10[%parallel_loop3A_646, %parallel_loop3A_647] {strides = array<i32>} : memref<128x128xf32, #tpu.memory_space<vmem>>, vector<16xf32>,
          %parallel_loop3A_649 = arith.constant 0 : i32
          %parallel_loop3A_650 = arith.constant 0 : i32
          %parallel_loop3A_651 = tpu.memref_slice %run_scoped3A_28[%rem3A_374, %parallel_loop3A_649, %parallel_loop3A_650] : memref<2x128x128xf32, #tpu.memory_space<vmem>> -> memref<1x128x128xf32, #tpu.memory_space<vmem>>
          %parallel_loop3A_652 = tpu.memref_squeeze %parallel_loop3A_651 : memref<1x128x128xf32, #tpu.memory_space<vmem>> -> memref<128x128xf32, #tpu.memory_space<vmem>>
          %parallel_loop3A_653 = arith.index_cast %parallel_loop3A_567 : i32 to index
          %parallel_loop3A_654 = arith.constant 64 : index
          %parallel_loop3A_655 = tpu.vector_load %parallel_loop3A_652[%parallel_loop3A_653, %parallel_loop3A_654] {strides = array<i32>} : memref<128x128xf32, #tpu.memory_space<vmem>>, vector<16xf32>,
          %parallel_loop3A_656 = arith.addf %parallel_loop3A_648, %parallel_loop3A_655 : vector<16xf32>
          %parallel_loop3A_657 = arith.constant 0.000000e+00 : f32
          %parallel_loop3A_658 = vector.broadcast %parallel_loop3A_657 : f32 to vector<16xf32>
          %parallel_loop3A_659 = arith.maximumf %parallel_loop3A_656, %parallel_loop3A_658 : vector<16xf32>
          %parallel_loop3A_660 = arith.mulf %parallel_loop3A_659, %parallel_loop3A_573 : vector<16xf32>
          %parallel_loop3A_661 = arith.index_cast %parallel_loop3A_567 : i32 to index
          %parallel_loop3A_662 = arith.constant 64 : index
          %parallel_loop3A_663 = tpu.vector_load %arg10[%parallel_loop3A_661, %parallel_loop3A_662] {strides = array<i32>} : memref<128x128xf32, #tpu.memory_space<vmem>>, vector<16xf32>,
          tpu.vector_store %arg10[%parallel_loop3A_661, %parallel_loop3A_662], %parallel_loop3A_660 {strides = array<i32>} : memref<128x128xf32, #tpu.memory_space<vmem>>, vector<16xf32>,
          %parallel_loop3A_664 = arith.index_cast %parallel_loop3A_567 : i32 to index
          %parallel_loop3A_665 = arith.constant 80 : index
          %parallel_loop3A_666 = tpu.vector_load %arg10[%parallel_loop3A_664, %parallel_loop3A_665] {strides = array<i32>} : memref<128x128xf32, #tpu.memory_space<vmem>>, vector<16xf32>,
          %parallel_loop3A_667 = arith.constant 0 : i32
          %parallel_loop3A_668 = arith.constant 0 : i32
          %parallel_loop3A_669 = tpu.memref_slice %run_scoped3A_28[%rem3A_374, %parallel_loop3A_667, %parallel_loop3A_668] : memref<2x128x128xf32, #tpu.memory_space<vmem>> -> memref<1x128x128xf32, #tpu.memory_space<vmem>>
          %parallel_loop3A_670 = tpu.memref_squeeze %parallel_loop3A_669 : memref<1x128x128xf32, #tpu.memory_space<vmem>> -> memref<128x128xf32, #tpu.memory_space<vmem>>
          %parallel_loop3A_671 = arith.index_cast %parallel_loop3A_567 : i32 to index
          %parallel_loop3A_672 = arith.constant 80 : index
          %parallel_loop3A_673 = tpu.vector_load %parallel_loop3A_670[%parallel_loop3A_671, %parallel_loop3A_672] {strides = array<i32>} : memref<128x128xf32, #tpu.memory_space<vmem>>, vector<16xf32>,
          %parallel_loop3A_674 = arith.addf %parallel_loop3A_666, %parallel_loop3A_673 : vector<16xf32>
          %parallel_loop3A_675 = arith.constant 0.000000e+00 : f32
          %parallel_loop3A_676 = vector.broadcast %parallel_loop3A_675 : f32 to vector<16xf32>
          %parallel_loop3A_677 = arith.maximumf %parallel_loop3A_674, %parallel_loop3A_676 : vector<16xf32>
          %parallel_loop3A_678 = arith.mulf %parallel_loop3A_677, %parallel_loop3A_573 : vector<16xf32>
          %parallel_loop3A_679 = arith.index_cast %parallel_loop3A_567 : i32 to index
          %parallel_loop3A_680 = arith.constant 80 : index
          %parallel_loop3A_681 = tpu.vector_load %arg10[%parallel_loop3A_679, %parallel_loop3A_680] {strides = array<i32>} : memref<128x128xf32, #tpu.memory_space<vmem>>, vector<16xf32>,
          tpu.vector_store %arg10[%parallel_loop3A_679, %parallel_loop3A_680], %parallel_loop3A_678 {strides = array<i32>} : memref<128x128xf32, #tpu.memory_space<vmem>>, vector<16xf32>,
          %parallel_loop3A_682 = arith.index_cast %parallel_loop3A_567 : i32 to index
          %parallel_loop3A_683 = arith.constant 96 : index
          %parallel_loop3A_684 = tpu.vector_load %arg10[%parallel_loop3A_682, %parallel_loop3A_683] {strides = array<i32>} : memref<128x128xf32, #tpu.memory_space<vmem>>, vector<16xf32>,
          %parallel_loop3A_685 = arith.constant 0 : i32
          %parallel_loop3A_686 = arith.constant 0 : i32
          %parallel_loop3A_687 = tpu.memref_slice %run_scoped3A_28[%rem3A_374, %parallel_loop3A_685, %parallel_loop3A_686] : memref<2x128x128xf32, #tpu.memory_space<vmem>> -> memref<1x128x128xf32, #tpu.memory_space<vmem>>
          %parallel_loop3A_688 = tpu.memref_squeeze %parallel_loop3A_687 : memref<1x128x128xf32, #tpu.memory_space<vmem>> -> memref<128x128xf32, #tpu.memory_space<vmem>>
          %parallel_loop3A_689 = arith.index_cast %parallel_loop3A_567 : i32 to index
          %parallel_loop3A_690 = arith.constant 96 : index
          %parallel_loop3A_691 = tpu.vector_load %parallel_loop3A_688[%parallel_loop3A_689, %parallel_loop3A_690] {strides = array<i32>} : memref<128x128xf32, #tpu.memory_space<vmem>>, vector<16xf32>,
          %parallel_loop3A_692 = arith.addf %parallel_loop3A_684, %parallel_loop3A_691 : vector<16xf32>
          %parallel_loop3A_693 = arith.constant 0.000000e+00 : f32
          %parallel_loop3A_694 = vector.broadcast %parallel_loop3A_693 : f32 to vector<16xf32>
          %parallel_loop3A_695 = arith.maximumf %parallel_loop3A_692, %parallel_loop3A_694 : vector<16xf32>
          %parallel_loop3A_696 = arith.mulf %parallel_loop3A_695, %parallel_loop3A_573 : vector<16xf32>
          %parallel_loop3A_697 = arith.index_cast %parallel_loop3A_567 : i32 to index
          %parallel_loop3A_698 = arith.constant 96 : index
          %parallel_loop3A_699 = tpu.vector_load %arg10[%parallel_loop3A_697, %parallel_loop3A_698] {strides = array<i32>} : memref<128x128xf32, #tpu.memory_space<vmem>>, vector<16xf32>,
          tpu.vector_store %arg10[%parallel_loop3A_697, %parallel_loop3A_698], %parallel_loop3A_696 {strides = array<i32>} : memref<128x128xf32, #tpu.memory_space<vmem>>, vector<16xf32>,
          %parallel_loop3A_700 = arith.index_cast %parallel_loop3A_567 : i32 to index
          %parallel_loop3A_701 = arith.constant 112 : index
          %parallel_loop3A_702 = tpu.vector_load %arg10[%parallel_loop3A_700, %parallel_loop3A_701] {strides = array<i32>} : memref<128x128xf32, #tpu.memory_space<vmem>>, vector<16xf32>,
          %parallel_loop3A_703 = arith.constant 0 : i32
          %parallel_loop3A_704 = arith.constant 0 : i32
          %parallel_loop3A_705 = tpu.memref_slice %run_scoped3A_28[%rem3A_374, %parallel_loop3A_703, %parallel_loop3A_704] : memref<2x128x128xf32, #tpu.memory_space<vmem>> -> memref<1x128x128xf32, #tpu.memory_space<vmem>>
          %parallel_loop3A_706 = tpu.memref_squeeze %parallel_loop3A_705 : memref<1x128x128xf32, #tpu.memory_space<vmem>> -> memref<128x128xf32, #tpu.memory_space<vmem>>
          %parallel_loop3A_707 = arith.index_cast %parallel_loop3A_567 : i32 to index
          %parallel_loop3A_708 = arith.constant 112 : index
          %parallel_loop3A_709 = tpu.vector_load %parallel_loop3A_706[%parallel_loop3A_707, %parallel_loop3A_708] {strides = array<i32>} : memref<128x128xf32, #tpu.memory_space<vmem>>, vector<16xf32>,
          %parallel_loop3A_710 = arith.addf %parallel_loop3A_702, %parallel_loop3A_709 : vector<16xf32>
          %parallel_loop3A_711 = arith.constant 0.000000e+00 : f32
          %parallel_loop3A_712 = vector.broadcast %parallel_loop3A_711 : f32 to vector<16xf32>
          %parallel_loop3A_713 = arith.maximumf %parallel_loop3A_710, %parallel_loop3A_712 : vector<16xf32>
          %parallel_loop3A_714 = arith.mulf %parallel_loop3A_713, %parallel_loop3A_573 : vector<16xf32>
          %parallel_loop3A_715 = arith.index_cast %parallel_loop3A_567 : i32 to index
          %parallel_loop3A_716 = arith.constant 112 : index
          %parallel_loop3A_717 = tpu.vector_load %arg10[%parallel_loop3A_715, %parallel_loop3A_716] {strides = array<i32>} : memref<128x128xf32, #tpu.memory_space<vmem>>, vector<16xf32>,
          tpu.vector_store %arg10[%parallel_loop3A_715, %parallel_loop3A_716], %parallel_loop3A_714 {strides = array<i32>} : memref<128x128xf32, #tpu.memory_space<vmem>>, vector<16xf32>,
        } {sc.loop_unroll_factor = 4 : i64, sc.parallel_access}
        %run_scoped3A_402 = arith.constant 0 : i32
        "tpu.region"() ({
          %run_scoped3A_567 = tpu.sem_alloc : memref<!tpu.dma_semaphore, #tpu.memory_space<semaphore_mem>>
          %dma_start3A_568 = arith.constant 0 : i32
          %dma_start3A_569 = arith.constant 0 : i32
          %dma_start3A_570 = tpu.memref_slice %run_scoped3A_32[%rem3A_378, %dma_start3A_568, %dma_start3A_569] : memref<2x1x128xi32, #tpu.memory_space<vmem>> -> memref<1x1x128xi32, #tpu.memory_space<vmem>>
          %dma_start3A_571 = tpu.memref_squeeze %dma_start3A_570 : memref<1x1x128xi32, #tpu.memory_space<vmem>> -> memref<1x128xi32, #tpu.memory_space<vmem>>
          %dma_start3A_572 = arith.constant 0 : i32
          %dma_start3A_573 = tpu.memref_slice %dma_start3A_571[%run_scoped3A_402, %dma_start3A_572] : memref<1x128xi32, #tpu.memory_space<vmem>> -> memref<1x128xi32, #tpu.memory_space<vmem>>
          %dma_start3A_574 = tpu.memref_squeeze %dma_start3A_573 : memref<1x128xi32, #tpu.memory_space<vmem>> -> memref<128xi32, #tpu.memory_space<vmem>>
          %dma_start3A_575 = arith.constant 0 : i32
          %dma_start3A_576 = arith.constant 0 : i32
          %dma_start3A_577 = tpu.memref_slice %arg9[%dma_start3A_575, %dma_start3A_576] : memref<10000x128xf32, #tpu.memory_space<vmem_shared>> -> memref<10000x128xf32, #tpu.memory_space<vmem_shared>>
          tpu.enqueue_indirect_dma source(%arg10 : memref<128x128xf32, #tpu.memory_space<vmem>>) target(%dma_start3A_577 : memref<10000x128xf32, #tpu.memory_space<vmem_shared>>) offsets(%dma_start3A_574 : memref<128xi32, #tpu.memory_space<vmem>>) semaphore(%run_scoped3A_567 : memref<!tpu.dma_semaphore, #tpu.memory_space<semaphore_mem>>) {add = true}
          %dma_wait3A_578 = arith.constant 0 : i32
          %dma_wait3A_579 = arith.constant 0 : i32
          %dma_wait3A_580 = tpu.memref_slice %run_scoped3A_32[%rem3A_378, %dma_wait3A_578, %dma_wait3A_579] : memref<2x1x128xi32, #tpu.memory_space<vmem>> -> memref<1x1x128xi32, #tpu.memory_space<vmem>>
          %dma_wait3A_581 = tpu.memref_squeeze %dma_wait3A_580 : memref<1x1x128xi32, #tpu.memory_space<vmem>> -> memref<1x128xi32, #tpu.memory_space<vmem>>
          %dma_wait3A_582 = arith.constant 0 : i32
          %dma_wait3A_583 = tpu.memref_slice %dma_wait3A_581[%run_scoped3A_402, %dma_wait3A_582] : memref<1x128xi32, #tpu.memory_space<vmem>> -> memref<1x128xi32, #tpu.memory_space<vmem>>
          %dma_wait3A_584 = tpu.memref_squeeze %dma_wait3A_583 : memref<1x128xi32, #tpu.memory_space<vmem>> -> memref<128xi32, #tpu.memory_space<vmem>>
          %dma_wait3A_585 = arith.constant 0 : i32
          %dma_wait3A_586 = arith.constant 0 : i32
          %dma_wait3A_587 = tpu.memref_slice %arg9[%dma_wait3A_585, %dma_wait3A_586] : memref<10000x128xf32, #tpu.memory_space<vmem_shared>> -> memref<10000x128xf32, #tpu.memory_space<vmem_shared>>
          tpu.wait_indirect_dma semaphore(%run_scoped3A_567 : memref<!tpu.dma_semaphore, #tpu.memory_space<semaphore_mem>>) src(%arg10 : memref<128x128xf32, #tpu.memory_space<vmem>>) dst(%dma_wait3A_587 : memref<10000x128xf32, #tpu.memory_space<vmem_shared>>)
          tpu.yield
        }) : () -> ()
        "tpu.trace_stop"() : () -> ()
        %min3A_403 = arith.constant 2499 : i32
        %min3A_404 = arith.minsi %add3A_224, %min3A_403 : i32
        %min3A_405 = arith.constant 2499 : i32
        %min3A_406 = arith.minsi %add3A_242, %min3A_405 : i32
        %ne3A_407 = arith.cmpi ne, %min3A_404, %min3A_406 : i32
        %or3A_408 = arith.constant false
        %or3A_409 = arith.ori %or3A_408, %ne3A_407 : i1
        %or3A_410 = arith.ori %or3A_409, %eq3A_223 : i1
        %convert_element_type3A_411 = arith.extui %or3A_410 : i1 to i32
        %cond3A_412 = arith.constant 0 : i32
        %cond3A_413 = arith.cmpi ne, %convert_element_type3A_411, %cond3A_412 : i32
        scf.if %cond3A_413 {
        } else {
        }
        %and3A_414 = arith.constant false
        %and3A_415 = arith.andi %or3A_410, %and3A_414 : i1
        %min3A_416 = arith.constant 2499 : i32
        %min3A_417 = arith.minsi %add3A_224, %min3A_416 : i32
        %min3A_418 = arith.constant 2499 : i32
        %min3A_419 = arith.minsi %add3A_242, %min3A_418 : i32
        %ne3A_420 = arith.cmpi ne, %min3A_417, %min3A_419 : i32
        %or3A_421 = arith.constant false
        %or3A_422 = arith.ori %or3A_421, %ne3A_420 : i1
        %or3A_423 = arith.constant false
        %or3A_424 = arith.ori %or3A_422, %or3A_423 : i1
        %or3A_425 = arith.ori %or3A_424, %eq3A_223 : i1
        %convert_element_type3A_426 = arith.extui %or3A_425 : i1 to i32
        %cond3A_427 = arith.constant 0 : i32
        %cond3A_428 = arith.cmpi ne, %convert_element_type3A_426, %cond3A_427 : i32
        scf.if %cond3A_428 {
        } else {
        }
        %and3A_429 = arith.constant false
        %and3A_430 = arith.andi %or3A_425, %and3A_429 : i1
        %ne3A_431 = arith.cmpi ne, %add3A_224, %add3A_242 : i32
        %or3A_432 = arith.constant false
        %or3A_433 = arith.ori %or3A_432, %ne3A_431 : i1
        %or3A_434 = arith.constant false
        %or3A_435 = arith.ori %or3A_433, %or3A_434 : i1
        %or3A_436 = arith.ori %or3A_435, %eq3A_223 : i1
        %convert_element_type3A_437 = arith.extui %or3A_436 : i1 to i32
        %cond3A_438 = arith.constant 0 : i32
        %cond3A_439 = arith.cmpi ne, %convert_element_type3A_437, %cond3A_438 : i32
        scf.if %cond3A_439 {
        } else {
        }
        %and3A_440 = arith.constant false
        %and3A_441 = arith.andi %or3A_436, %and3A_440 : i1
        %min3A_442 = arith.constant 2499 : i32
        %min3A_443 = arith.minsi %add3A_224, %min3A_442 : i32
        %min3A_444 = arith.constant 2499 : i32
        %min3A_445 = arith.minsi %add3A_242, %min3A_444 : i32
        %ne3A_446 = arith.cmpi ne, %min3A_443, %min3A_445 : i32
        %or3A_447 = arith.constant false
        %or3A_448 = arith.ori %or3A_447, %ne3A_446 : i1
        %or3A_449 = arith.ori %or3A_448, %eq3A_223 : i1
        %convert_element_type3A_450 = arith.extui %or3A_449 : i1 to i32
        %cond3A_451 = arith.constant 0 : i32
        %cond3A_452 = arith.cmpi ne, %convert_element_type3A_450, %cond3A_451 : i32
        scf.if %cond3A_452 {
        } else {
        }
        %and3A_453 = arith.constant false
        %and3A_454 = arith.andi %or3A_449, %and3A_453 : i1
        %min3A_455 = arith.constant 2499 : i32
        %min3A_456 = arith.minsi %add3A_224, %min3A_455 : i32
        %min3A_457 = arith.constant 2499 : i32
        %min3A_458 = arith.minsi %add3A_233, %min3A_457 : i32
        %ne3A_459 = arith.cmpi ne, %min3A_456, %min3A_458 : i32
        %or3A_460 = arith.constant false
        %or3A_461 = arith.ori %or3A_460, %ne3A_459 : i1
        %not3A_462 = arith.constant true
        %not3A_463 = arith.xori %eq3A_221, %not3A_462 : i1
        %and3A_464 = arith.andi %or3A_461, %not3A_463 : i1
        %convert_element_type3A_465 = arith.extui %and3A_464 : i1 to i32
        %cond3A_466 = arith.constant 0 : i32
        %cond3A_467 = arith.cmpi ne, %convert_element_type3A_465, %cond3A_466 : i32
        scf.if %cond3A_467 {
        } else {
        }
        %and3A_468 = arith.constant false
        %and3A_469 = arith.andi %and3A_464, %and3A_468 : i1
        %min3A_470 = arith.constant 2499 : i32
        %min3A_471 = arith.minsi %add3A_224, %min3A_470 : i32
        %min3A_472 = arith.constant 2499 : i32
        %min3A_473 = arith.minsi %add3A_233, %min3A_472 : i32
        %ne3A_474 = arith.cmpi ne, %min3A_471, %min3A_473 : i32
        %or3A_475 = arith.constant false
        %or3A_476 = arith.ori %or3A_475, %ne3A_474 : i1
        %or3A_477 = arith.constant false
        %or3A_478 = arith.ori %or3A_476, %or3A_477 : i1
        %not3A_479 = arith.constant true
        %not3A_480 = arith.xori %eq3A_221, %not3A_479 : i1
        %and3A_481 = arith.andi %or3A_478, %not3A_480 : i1
        %convert_element_type3A_482 = arith.extui %and3A_481 : i1 to i32
        %cond3A_483 = arith.constant 0 : i32
        %cond3A_484 = arith.cmpi ne, %convert_element_type3A_482, %cond3A_483 : i32
        scf.if %cond3A_484 {
        } else {
        }
        %and3A_485 = arith.constant false
        %and3A_486 = arith.andi %and3A_481, %and3A_485 : i1
        %ne3A_487 = arith.cmpi ne, %add3A_224, %add3A_233 : i32
        %or3A_488 = arith.constant false
        %or3A_489 = arith.ori %or3A_488, %ne3A_487 : i1
        %or3A_490 = arith.constant false
        %or3A_491 = arith.ori %or3A_489, %or3A_490 : i1
        %not3A_492 = arith.constant true
        %not3A_493 = arith.xori %eq3A_221, %not3A_492 : i1
        %and3A_494 = arith.andi %or3A_491, %not3A_493 : i1
        %convert_element_type3A_495 = arith.extui %and3A_494 : i1 to i32
        %cond3A_496 = arith.constant 0 : i32
        %cond3A_497 = arith.cmpi ne, %convert_element_type3A_495, %cond3A_496 : i32
        scf.if %cond3A_497 {
        } else {
        }
        %and3A_498 = arith.constant false
        %and3A_499 = arith.andi %and3A_494, %and3A_498 : i1
        %min3A_500 = arith.constant 2499 : i32
        %min3A_501 = arith.minsi %add3A_224, %min3A_500 : i32
        %min3A_502 = arith.constant 2499 : i32
        %min3A_503 = arith.minsi %add3A_233, %min3A_502 : i32
        %ne3A_504 = arith.cmpi ne, %min3A_501, %min3A_503 : i32
        %or3A_505 = arith.constant false
        %or3A_506 = arith.ori %or3A_505, %ne3A_504 : i1
        %not3A_507 = arith.constant true
        %not3A_508 = arith.xori %eq3A_221, %not3A_507 : i1
        %and3A_509 = arith.andi %or3A_506, %not3A_508 : i1
        %convert_element_type3A_510 = arith.extui %and3A_509 : i1 to i32
        %cond3A_511 = arith.constant 0 : i32
        %cond3A_512 = arith.cmpi ne, %convert_element_type3A_510, %cond3A_511 : i32
        scf.if %cond3A_512 {
        } else {
        }
        %and3A_513 = arith.constant false
        %and3A_514 = arith.andi %and3A_509, %and3A_513 : i1
        %min3A_515 = arith.constant 2499 : i32
        %min3A_516 = arith.minsi %add3A_224, %min3A_515 : i32
        %min3A_517 = arith.constant 2499 : i32
        %min3A_518 = arith.minsi %add3A_242, %min3A_517 : i32
        %ne3A_519 = arith.cmpi ne, %min3A_516, %min3A_518 : i32
        %or3A_520 = arith.constant false
        %or3A_521 = arith.ori %or3A_520, %ne3A_519 : i1
        %or3A_522 = arith.ori %or3A_521, %eq3A_223 : i1
        %add3A_523 = arith.constant 1 : i32
        %add3A_524 = arith.addi %scan3A_212, %add3A_523 : i32
        %select_n3A_525 = arith.select %or3A_522, %add3A_524, %scan3A_212 : i32
        %min3A_526 = arith.constant 2499 : i32
        %min3A_527 = arith.minsi %add3A_224, %min3A_526 : i32
        %min3A_528 = arith.constant 2499 : i32
        %min3A_529 = arith.minsi %add3A_242, %min3A_528 : i32
        %ne3A_530 = arith.cmpi ne, %min3A_527, %min3A_529 : i32
        %or3A_531 = arith.constant false
        %or3A_532 = arith.ori %or3A_531, %ne3A_530 : i1
        %or3A_533 = arith.constant false
        %or3A_534 = arith.ori %or3A_532, %or3A_533 : i1
        %or3A_535 = arith.ori %or3A_534, %eq3A_223 : i1
        %add3A_536 = arith.constant 1 : i32
        %add3A_537 = arith.addi %scan3A_214, %add3A_536 : i32
        %select_n3A_538 = arith.select %or3A_535, %add3A_537, %scan3A_214 : i32
        %ne3A_539 = arith.cmpi ne, %add3A_224, %add3A_242 : i32
        %or3A_540 = arith.constant false
        %or3A_541 = arith.ori %or3A_540, %ne3A_539 : i1
        %or3A_542 = arith.constant false
        %or3A_543 = arith.ori %or3A_541, %or3A_542 : i1
        %or3A_544 = arith.ori %or3A_543, %eq3A_223 : i1
        %add3A_545 = arith.constant 1 : i32
        %add3A_546 = arith.addi %scan3A_216, %add3A_545 : i32
        %select_n3A_547 = arith.select %or3A_544, %add3A_546, %scan3A_216 : i32
        %min3A_548 = arith.constant 2499 : i32
        %min3A_549 = arith.minsi %add3A_224, %min3A_548 : i32
        %min3A_550 = arith.constant 2499 : i32
        %min3A_551 = arith.minsi %add3A_242, %min3A_550 : i32
        %ne3A_552 = arith.cmpi ne, %min3A_549, %min3A_551 : i32
        %or3A_553 = arith.constant false
        %or3A_554 = arith.ori %or3A_553, %ne3A_552 : i1
        %or3A_555 = arith.ori %or3A_554, %eq3A_223 : i1
        %add3A_556 = arith.constant 1 : i32
        %add3A_557 = arith.addi %scan3A_218, %add3A_556 : i32
        %select_n3A_558 = arith.select %or3A_555, %add3A_557, %scan3A_218 : i32
        %add3A_559 = arith.constant 1 : i32
        %add3A_560 = arith.addi %scan3A_219, %add3A_559 : i32
        %select_n3A_561 = arith.constant true
        %select_n3A_562 = arith.select %select_n3A_561, %add3A_560, %scan3A_219 : i32
        %eq3A_563 = arith.constant 79 : i32
        %eq3A_564 = arith.cmpi eq, %select_n3A_562, %eq3A_563 : i32
        %select_n3A_565 = arith.constant 0 : i32
        %select_n3A_566 = arith.select %eq3A_564, %select_n3A_565, %select_n3A_562 : i32
        scf.yield %select_n3A_266, %select_n3A_525, %select_n3A_288, %select_n3A_538, %select_n3A_306, %select_n3A_547, %select_n3A_326, %select_n3A_558, %select_n3A_566 : i32, i32, i32, i32, i32, i32, i32, i32, i32
      }
      %scan3A_174 = arith.constant 79 : i32
      %sub3A = arith.constant 1 : i32
      %sub3A_175 = arith.subi %scan3A_173#8, %sub3A : i32
      %select_n3A_176 = arith.constant true
      %select_n3A_177 = arith.select %select_n3A_176, %sub3A_175, %scan3A_173#8 : i32
      %eq3A_178 = arith.constant -1 : i32
      %eq3A_179 = arith.cmpi eq, %select_n3A_177, %eq3A_178 : i32
      %select_n3A_180 = arith.constant 78 : i32
      %select_n3A_181 = arith.select %eq3A_179, %select_n3A_180, %select_n3A_177 : i32
      %add3A_182 = arith.addi %select_n3A_181, %mul3A_15 : i32
      %sub3A_183 = arith.constant 1 : i32
      %sub3A_184 = arith.subi %select_n3A_181, %sub3A_183 : i32
      %select_n3A_185 = arith.constant true
      %select_n3A_186 = arith.select %select_n3A_185, %sub3A_184, %select_n3A_181 : i32
      %eq3A_187 = arith.constant -1 : i32
      %eq3A_188 = arith.cmpi eq, %select_n3A_186, %eq3A_187 : i32
      %select_n3A_189 = arith.constant 78 : i32
      %select_n3A_190 = arith.select %eq3A_188, %select_n3A_189, %select_n3A_186 : i32
      %add3A_191 = arith.addi %select_n3A_190, %mul3A_15 : i32
      %add3A_192 = arith.constant 1 : i32
      %add3A_193 = arith.addi %select_n3A_181, %add3A_192 : i32
      %select_n3A_194 = arith.constant true
      %select_n3A_195 = arith.select %select_n3A_194, %add3A_193, %select_n3A_181 : i32
      %eq3A_196 = arith.constant 79 : i32
      %eq3A_197 = arith.cmpi eq, %select_n3A_195, %eq3A_196 : i32
      %select_n3A_198 = arith.constant 0 : i32
      %select_n3A_199 = arith.select %eq3A_197, %select_n3A_198, %select_n3A_195 : i32
      %add3A_200 = arith.addi %select_n3A_199, %mul3A_15 : i32
      %add3A_201 = arith.constant 1 : i32
      %add3A_202 = arith.addi %select_n3A_199, %add3A_201 : i32
      %select_n3A_203 = arith.constant true
      %select_n3A_204 = arith.select %select_n3A_203, %add3A_202, %select_n3A_199 : i32
      %eq3A_205 = arith.constant 79 : i32
      %eq3A_206 = arith.cmpi eq, %select_n3A_204, %eq3A_205 : i32
      %select_n3A_207 = arith.constant 0 : i32
      %select_n3A_208 = arith.select %eq3A_206, %select_n3A_207, %select_n3A_204 : i32
      %add3A_209 = arith.addi %select_n3A_208, %mul3A_15 : i32
      tpu.yield
    }) : () -> ()
    %barrier3A_16 = arith.constant 0 : index
    tpu.barrier barrier_id(%barrier3A_16)
    %lt3A_17 = arith.constant 15 : i32
    %lt3A_18 = arith.cmpi slt, %arg1, %lt3A_17 : i32
    %convert_element_type3A_19 = arith.extui %lt3A_18 : i1 to i32
    %cond3A_20 = arith.constant 0 : i32
    %cond3A_21 = arith.cmpi ne, %convert_element_type3A_19, %cond3A_20 : i32
    scf.if %cond3A_21 {
      "tpu.region"() ({
        %run_scoped3A = tpu.sem_alloc : memref<!tpu.dma_semaphore, #tpu.memory_space<semaphore_mem>>
        %dma_start3A = arith.constant 0 : i32
        %dma_start3A_27 = tpu.memref_slice %arg8[%arg0, %mul3A_0, %dma_start3A] : memref<2x10000x128xf32, #tpu.memory_space<hbm>> -> memref<1x632x128xf32, #tpu.memory_space<hbm>>
        %dma_start3A_28 = tpu.memref_squeeze %dma_start3A_27 : memref<1x632x128xf32, #tpu.memory_space<hbm>> -> memref<632x128xf32, #tpu.memory_space<hbm>>
        %dma_start3A_29 = arith.constant 0 : i32
        %dma_start3A_30 = tpu.memref_slice %arg9[%mul3A_0, %dma_start3A_29] : memref<10000x128xf32, #tpu.memory_space<vmem_shared>> -> memref<632x128xf32, #tpu.memory_space<vmem_shared>>
        tpu.enqueue_dma source(%dma_start3A_30 : memref<632x128xf32, #tpu.memory_space<vmem_shared>>) target(%dma_start3A_28 : memref<632x128xf32, #tpu.memory_space<hbm>>) target_semaphore(%run_scoped3A : memref<!tpu.dma_semaphore, #tpu.memory_space<semaphore_mem>>)
        %dma_wait3A = arith.constant 0 : i32
        %dma_wait3A_31 = tpu.memref_slice %arg8[%arg0, %mul3A_0, %dma_wait3A] : memref<2x10000x128xf32, #tpu.memory_space<hbm>> -> memref<1x632x128xf32, #tpu.memory_space<hbm>>
        %dma_wait3A_32 = tpu.memref_squeeze %dma_wait3A_31 : memref<1x632x128xf32, #tpu.memory_space<hbm>> -> memref<632x128xf32, #tpu.memory_space<hbm>>
        %dma_wait3A_33 = arith.constant 0 : i32
        %dma_wait3A_34 = tpu.memref_slice %arg9[%mul3A_0, %dma_wait3A_33] : memref<10000x128xf32, #tpu.memory_space<vmem_shared>> -> memref<632x128xf32, #tpu.memory_space<vmem_shared>>
        tpu.wait_dma2 semaphore(%run_scoped3A : memref<!tpu.dma_semaphore, #tpu.memory_space<semaphore_mem>>) src(%dma_wait3A_34 : memref<632x128xf32, #tpu.memory_space<vmem_shared>>) dst(%dma_wait3A_32 : memref<632x128xf32, #tpu.memory_space<hbm>>)
        tpu.yield
      }) : () -> ()
    } else {
    }
    %eq3A_22 = arith.constant 15 : i32
    %eq3A_23 = arith.cmpi eq, %arg1, %eq3A_22 : i32
    %convert_element_type3A_24 = arith.extui %eq3A_23 : i1 to i32
    %cond3A_25 = arith.constant 0 : i32
    %cond3A_26 = arith.cmpi ne, %convert_element_type3A_24, %cond3A_25 : i32
    scf.if %cond3A_26 {
      "tpu.region"() ({
        %run_scoped3A = tpu.sem_alloc : memref<!tpu.dma_semaphore, #tpu.memory_space<semaphore_mem>>
        %dma_start3A = arith.constant 0 : i32
        %dma_start3A_27 = tpu.memref_slice %arg8[%arg0, %mul3A_0, %dma_start3A] : memref<2x10000x128xf32, #tpu.memory_space<hbm>> -> memref<1x520x128xf32, #tpu.memory_space<hbm>>
        %dma_start3A_28 = tpu.memref_squeeze %dma_start3A_27 : memref<1x520x128xf32, #tpu.memory_space<hbm>> -> memref<520x128xf32, #tpu.memory_space<hbm>>
        %dma_start3A_29 = arith.constant 0 : i32
        %dma_start3A_30 = tpu.memref_slice %arg9[%mul3A_0, %dma_start3A_29] : memref<10000x128xf32, #tpu.memory_space<vmem_shared>> -> memref<520x128xf32, #tpu.memory_space<vmem_shared>>
        tpu.enqueue_dma source(%dma_start3A_30 : memref<520x128xf32, #tpu.memory_space<vmem_shared>>) target(%dma_start3A_28 : memref<520x128xf32, #tpu.memory_space<hbm>>) target_semaphore(%run_scoped3A : memref<!tpu.dma_semaphore, #tpu.memory_space<semaphore_mem>>)
        %dma_wait3A = arith.constant 0 : i32
        %dma_wait3A_31 = tpu.memref_slice %arg8[%arg0, %mul3A_0, %dma_wait3A] : memref<2x10000x128xf32, #tpu.memory_space<hbm>> -> memref<1x520x128xf32, #tpu.memory_space<hbm>>
        %dma_wait3A_32 = tpu.memref_squeeze %dma_wait3A_31 : memref<1x520x128xf32, #tpu.memory_space<hbm>> -> memref<520x128xf32, #tpu.memory_space<hbm>>
        %dma_wait3A_33 = arith.constant 0 : i32
        %dma_wait3A_34 = tpu.memref_slice %arg9[%mul3A_0, %dma_wait3A_33] : memref<10000x128xf32, #tpu.memory_space<vmem_shared>> -> memref<520x128xf32, #tpu.memory_space<vmem_shared>>
        tpu.wait_dma2 semaphore(%run_scoped3A : memref<!tpu.dma_semaphore, #tpu.memory_space<semaphore_mem>>) src(%dma_wait3A_34 : memref<520x128xf32, #tpu.memory_space<vmem_shared>>) dst(%dma_wait3A_32 : memref<520x128xf32, #tpu.memory_space<hbm>>)
        tpu.yield
      }) : () -> ()
    } else {
    }
    return
  }
}

#map = affine_map<(d0, d1) -> (0, 0)>
#map1 = affine_map<(d0, d1) -> (0, 0, 0)>
module attributes {stable_mosaic.version = 14 : i64} {
  func.func @k(%arg0: i32, %arg1: i32, %arg2: memref<10000x128xf32, #tpu.memory_space<hbm>>, %arg3: memref<320000x128xf32, #tpu.memory_space<hbm>>, %arg4: memref<1x320000xi32, #tpu.memory_space<hbm>>, %arg5: memref<1x320000xi32, #tpu.memory_space<hbm>>, %arg6: memref<2528x128xf32, #tpu.memory_space<hbm>>, %arg7: memref<10000x128xf32, #tpu.memory_space<hbm>>, %arg8: memref<2x10000x128xf32, #tpu.memory_space<hbm>>, %arg9: memref<10000x128xf32, #tpu.memory_space<vmem_shared>>, %arg10: memref<128x128xf32, #tpu.memory_space<vmem>>, %arg11: memref<!tpu.dma_semaphore, #tpu.memory_space<semaphore_mem>>) attributes {dimension_semantics = [#tpu.dimension_semantics<core_parallel>, #tpu.dimension_semantics<subcore_parallel>], iteration_bounds = array<i64: 2, 16>, scalar_prefetch = 0 : i64, scratch_operands = 3 : i64, tpu.core_type = #tpu.core_type<sc_vector_subcore>, window_params = [{transform_indices = #map}, {transform_indices = #map}, {transform_indices = #map}, {transform_indices = #map}, {transform_indices = #map}, {transform_indices = #map}, {transform_indices = #map1}]} {
    %mul3A = arith.constant 632 : i32
    %mul3A_0 = arith.muli %arg1, %mul3A : i32
    %lt3A = arith.constant 15 : i32
    %lt3A_1 = arith.cmpi slt, %arg1, %lt3A : i32
    %convert_element_type3A = arith.extui %lt3A_1 : i1 to i32
    %cond3A = arith.constant 0 : i32
    %cond3A_2 = arith.cmpi ne, %convert_element_type3A, %cond3A : i32
    scf.if %cond3A_2 {
      "tpu.region"() ({
        %run_scoped3A = tpu.sem_alloc : memref<!tpu.dma_semaphore, #tpu.memory_space<semaphore_mem>>
        %dma_start3A = arith.constant 0 : i32
        %dma_start3A_27 = tpu.memref_slice %arg9[%mul3A_0, %dma_start3A] : memref<10000x128xf32, #tpu.memory_space<vmem_shared>> -> memref<632x128xf32, #tpu.memory_space<vmem_shared>>
        %dma_start3A_28 = arith.constant 0 : i32
        %dma_start3A_29 = tpu.memref_slice %arg7[%mul3A_0, %dma_start3A_28] : memref<10000x128xf32, #tpu.memory_space<hbm>> -> memref<632x128xf32, #tpu.memory_space<hbm>>
        tpu.enqueue_dma source(%dma_start3A_29 : memref<632x128xf32, #tpu.memory_space<hbm>>) target(%dma_start3A_27 : memref<632x128xf32, #tpu.memory_space<vmem_shared>>) target_semaphore(%run_scoped3A : memref<!tpu.dma_semaphore, #tpu.memory_space<semaphore_mem>>)
        %dma_wait3A = arith.constant 0 : i32
        %dma_wait3A_30 = tpu.memref_slice %arg9[%mul3A_0, %dma_wait3A] : memref<10000x128xf32, #tpu.memory_space<vmem_shared>> -> memref<632x128xf32, #tpu.memory_space<vmem_shared>>
        %dma_wait3A_31 = arith.constant 0 : i32
        %dma_wait3A_32 = tpu.memref_slice %arg7[%mul3A_0, %dma_wait3A_31] : memref<10000x128xf32, #tpu.memory_space<hbm>> -> memref<632x128xf32, #tpu.memory_space<hbm>>
        tpu.wait_dma2 semaphore(%run_scoped3A : memref<!tpu.dma_semaphore, #tpu.memory_space<semaphore_mem>>) src(%dma_wait3A_32 : memref<632x128xf32, #tpu.memory_space<hbm>>) dst(%dma_wait3A_30 : memref<632x128xf32, #tpu.memory_space<vmem_shared>>)
        tpu.yield
      }) : () -> ()
    } else {
    }
    %eq3A = arith.constant 15 : i32
    %eq3A_3 = arith.cmpi eq, %arg1, %eq3A : i32
    %convert_element_type3A_4 = arith.extui %eq3A_3 : i1 to i32
    %cond3A_5 = arith.constant 0 : i32
    %cond3A_6 = arith.cmpi ne, %convert_element_type3A_4, %cond3A_5 : i32
    scf.if %cond3A_6 {
      "tpu.region"() ({
        %run_scoped3A = tpu.sem_alloc : memref<!tpu.dma_semaphore, #tpu.memory_space<semaphore_mem>>
        %dma_start3A = arith.constant 0 : i32
        %dma_start3A_27 = tpu.memref_slice %arg9[%mul3A_0, %dma_start3A] : memref<10000x128xf32, #tpu.memory_space<vmem_shared>> -> memref<520x128xf32, #tpu.memory_space<vmem_shared>>
        %dma_start3A_28 = arith.constant 0 : i32
        %dma_start3A_29 = tpu.memref_slice %arg7[%mul3A_0, %dma_start3A_28] : memref<10000x128xf32, #tpu.memory_space<hbm>> -> memref<520x128xf32, #tpu.memory_space<hbm>>
        tpu.enqueue_dma source(%dma_start3A_29 : memref<520x128xf32, #tpu.memory_space<hbm>>) target(%dma_start3A_27 : memref<520x128xf32, #tpu.memory_space<vmem_shared>>) target_semaphore(%run_scoped3A : memref<!tpu.dma_semaphore, #tpu.memory_space<semaphore_mem>>)
        %dma_wait3A = arith.constant 0 : i32
        %dma_wait3A_30 = tpu.memref_slice %arg9[%mul3A_0, %dma_wait3A] : memref<10000x128xf32, #tpu.memory_space<vmem_shared>> -> memref<520x128xf32, #tpu.memory_space<vmem_shared>>
        %dma_wait3A_31 = arith.constant 0 : i32
        %dma_wait3A_32 = tpu.memref_slice %arg7[%mul3A_0, %dma_wait3A_31] : memref<10000x128xf32, #tpu.memory_space<hbm>> -> memref<520x128xf32, #tpu.memory_space<hbm>>
        tpu.wait_dma2 semaphore(%run_scoped3A : memref<!tpu.dma_semaphore, #tpu.memory_space<semaphore_mem>>) src(%dma_wait3A_32 : memref<520x128xf32, #tpu.memory_space<hbm>>) dst(%dma_wait3A_30 : memref<520x128xf32, #tpu.memory_space<vmem_shared>>)
        tpu.yield
      }) : () -> ()
    } else {
    }
    %barrier3A = arith.constant 0 : index
    tpu.barrier barrier_id(%barrier3A)
    %broadcast_in_dim3A = arith.constant 0 : i32
    %broadcast_in_dim3A_7 = vector.broadcast %broadcast_in_dim3A : i32 to vector<16xi32>
    %mul3A_8 = arith.constant 1 : i32
    %mul3A_9 = arith.muli %arg1, %mul3A_8 : i32
    %add3A = arith.constant 0 : i32
    %add3A_10 = arith.addi %add3A, %mul3A_9 : i32
    %mul3A_11 = arith.constant 16 : i32
    %mul3A_12 = arith.muli %arg0, %mul3A_11 : i32
    %add3A_13 = arith.addi %add3A_10, %mul3A_12 : i32
    %mul3A_14 = arith.constant 79 : i32
    %mul3A_15 = arith.muli %add3A_13, %mul3A_14 : i32
    "tpu.region"() ({
      %run_scoped3A = memref.alloca() : memref<2x1x128xi32, #tpu.memory_space<vmem>>
      %run_scoped3A_27 = tpu.sem_alloc : memref<2x!tpu.dma_semaphore, #tpu.memory_space<semaphore_mem>>
      %run_scoped3A_28 = memref.alloca() : memref<2x128x128xf32, #tpu.memory_space<vmem>>
      %run_scoped3A_29 = tpu.sem_alloc : memref<2x!tpu.dma_semaphore, #tpu.memory_space<semaphore_mem>>
      %run_scoped3A_30 = memref.alloca() : memref<2x1x128xf32, #tpu.memory_space<vmem>>
      %run_scoped3A_31 = tpu.sem_alloc : memref<2x!tpu.dma_semaphore, #tpu.memory_space<semaphore_mem>>
      %run_scoped3A_32 = memref.alloca() : memref<2x1x128xi32, #tpu.memory_space<vmem>>
      %run_scoped3A_33 = tpu.sem_alloc : memref<2x!tpu.dma_semaphore, #tpu.memory_space<semaphore_mem>>
      %add3A_34 = arith.constant 0 : i32
      %add3A_35 = arith.addi %add3A_34, %mul3A_15 : i32
      %select_n3A = arith.constant true
      %select_n3A_36 = arith.constant 0 : i32
      %select_n3A_37 = arith.constant -1 : i32
      %select_n3A_38 = arith.select %select_n3A, %select_n3A_37, %select_n3A_36 : i32
      %eq3A_39 = arith.constant -1 : i32
      %eq3A_40 = arith.cmpi eq, %select_n3A_38, %eq3A_39 : i32
      %select_n3A_41 = arith.constant 78 : i32
      %select_n3A_42 = arith.select %eq3A_40, %select_n3A_41, %select_n3A_38 : i32
      %add3A_43 = arith.addi %select_n3A_42, %mul3A_15 : i32
      %select_n3A_44 = arith.constant true
      %select_n3A_45 = arith.constant 0 : i32
      %select_n3A_46 = arith.constant 1 : i32
      %select_n3A_47 = arith.select %select_n3A_44, %select_n3A_46, %select_n3A_45 : i32
      %eq3A_48 = arith.constant 79 : i32
      %eq3A_49 = arith.cmpi eq, %select_n3A_47, %eq3A_48 : i32
      %select_n3A_50 = arith.constant 0 : i32
      %select_n3A_51 = arith.select %eq3A_49, %select_n3A_50, %select_n3A_47 : i32
      %add3A_52 = arith.addi %select_n3A_51, %mul3A_15 : i32
      %add3A_53 = arith.constant 1 : i32
      %add3A_54 = arith.addi %select_n3A_51, %add3A_53 : i32
      %select_n3A_55 = arith.constant true
      %select_n3A_56 = arith.select %select_n3A_55, %add3A_54, %select_n3A_51 : i32
      %eq3A_57 = arith.constant 79 : i32
      %eq3A_58 = arith.cmpi eq, %select_n3A_56, %eq3A_57 : i32
      %select_n3A_59 = arith.constant 0 : i32
      %select_n3A_60 = arith.select %eq3A_58, %select_n3A_59, %select_n3A_56 : i32
      %add3A_61 = arith.addi %select_n3A_60, %mul3A_15 : i32
      "tpu.trace_start"() <{level = 10 : i32, message = "ep_initialize_0"}> : () -> ()
      %rem3A = arith.constant 0 : i32
      %rem3A_62 = arith.constant 2 : i32
      %rem3A_63 = arith.remui %rem3A, %rem3A_62 : i32
      %min3A = arith.constant 2499 : i32
      %min3A_64 = arith.minsi %add3A_35, %min3A : i32
      %mul3A_65 = arith.constant 128 : i32
      %mul3A_66 = arith.muli %mul3A_65, %min3A_64 : i32
      %dma_start3A = arith.constant 0 : i32
      %dma_start3A_67 = arith.constant 0 : i32
      %dma_start3A_68 = tpu.memref_slice %run_scoped3A[%rem3A_63, %dma_start3A, %dma_start3A_67] : memref<2x1x128xi32, #tpu.memory_space<vmem>> -> memref<1x1x128xi32, #tpu.memory_space<vmem>>
      %dma_start3A_69 = tpu.memref_squeeze %dma_start3A_68 : memref<1x1x128xi32, #tpu.memory_space<vmem>> -> memref<1x128xi32, #tpu.memory_space<vmem>>
      %dma_start3A_70 = arith.constant 0 : i32
      %dma_start3A_71 = tpu.memref_slice %arg4[%dma_start3A_70, %mul3A_66] : memref<1x320000xi32, #tpu.memory_space<hbm>> -> memref<1x128xi32, #tpu.memory_space<hbm>>
      %dma_start3A_72 = tpu.memref_slice %run_scoped3A_27[%rem3A_63] : memref<2x!tpu.dma_semaphore, #tpu.memory_space<semaphore_mem>> -> memref<1x!tpu.dma_semaphore, #tpu.memory_space<semaphore_mem>>
      %dma_start3A_73 = tpu.memref_squeeze %dma_start3A_72 : memref<1x!tpu.dma_semaphore, #tpu.memory_space<semaphore_mem>> -> memref<!tpu.dma_semaphore, #tpu.memory_space<semaphore_mem>>
      %dma_start3A_74 = arith.constant 0 : i32
      %dma_start3A_75 = arith.constant 0 : i32
      %dma_start3A_76 = tpu.memref_slice %run_scoped3A[%rem3A_63, %dma_start3A_74, %dma_start3A_75] : memref<2x1x128xi32, #tpu.memory_space<vmem>> -> memref<1x1x128xi32, #tpu.memory_space<vmem>>
      %dma_start3A_77 = tpu.memref_squeeze %dma_start3A_76 : memref<1x1x128xi32, #tpu.memory_space<vmem>> -> memref<1x128xi32, #tpu.memory_space<vmem>>
      %dma_start3A_78 = arith.constant 0 : i32
      %dma_start3A_79 = tpu.memref_slice %arg4[%dma_start3A_78, %mul3A_66] : memref<1x320000xi32, #tpu.memory_space<hbm>> -> memref<1x128xi32, #tpu.memory_space<hbm>>
      tpu.enqueue_dma source(%dma_start3A_79 : memref<1x128xi32, #tpu.memory_space<hbm>>) target(%dma_start3A_77 : memref<1x128xi32, #tpu.memory_space<vmem>>) target_semaphore(%dma_start3A_73 : memref<!tpu.dma_semaphore, #tpu.memory_space<semaphore_mem>>)
      %add3A_80 = arith.constant 0 : i32
      %add3A_81 = arith.constant 1 : i32
      %add3A_82 = arith.addi %add3A_80, %add3A_81 : i32
      %select_n3A_83 = arith.constant true
      %select_n3A_84 = arith.constant 0 : i32
      %select_n3A_85 = arith.select %select_n3A_83, %add3A_82, %select_n3A_84 : i32
      %rem3A_86 = arith.constant 0 : i32
      %rem3A_87 = arith.constant 2 : i32
      %rem3A_88 = arith.remui %rem3A_86, %rem3A_87 : i32
      %min3A_89 = arith.constant 2499 : i32
      %min3A_90 = arith.minsi %add3A_35, %min3A_89 : i32
      %mul3A_91 = arith.constant 128 : i32
      %mul3A_92 = arith.muli %mul3A_91, %min3A_90 : i32
      %dma_start3A_93 = arith.constant 0 : i32
      %dma_start3A_94 = arith.constant 0 : i32
      %dma_start3A_95 = tpu.memref_slice %run_scoped3A_28[%rem3A_88, %dma_start3A_93, %dma_start3A_94] : memref<2x128x128xf32, #tpu.memory_space<vmem>> -> memref<1x128x128xf32, #tpu.memory_space<vmem>>
      %dma_start3A_96 = tpu.memref_squeeze %dma_start3A_95 : memref<1x128x128xf32, #tpu.memory_space<vmem>> -> memref<128x128xf32, #tpu.memory_space<vmem>>
      %dma_start3A_97 = arith.constant 0 : i32
      %dma_start3A_98 = tpu.memref_slice %arg3[%mul3A_92, %dma_start3A_97] : memref<320000x128xf32, #tpu.memory_space<hbm>> -> memref<128x128xf32, #tpu.memory_space<hbm>>
      %dma_start3A_99 = tpu.memref_slice %run_scoped3A_29[%rem3A_88] : memref<2x!tpu.dma_semaphore, #tpu.memory_space<semaphore_mem>> -> memref<1x!tpu.dma_semaphore, #tpu.memory_space<semaphore_mem>>
      %dma_start3A_100 = tpu.memref_squeeze %dma_start3A_99 : memref<1x!tpu.dma_semaphore, #tpu.memory_space<semaphore_mem>> -> memref<!tpu.dma_semaphore, #tpu.memory_space<semaphore_mem>>
      %dma_start3A_101 = arith.constant 0 : i32
      %dma_start3A_102 = arith.constant 0 : i32
      %dma_start3A_103 = tpu.memref_slice %run_scoped3A_28[%rem3A_88, %dma_start3A_101, %dma_start3A_102] : memref<2x128x128xf32, #tpu.memory_space<vmem>> -> memref<1x128x128xf32, #tpu.memory_space<vmem>>
      %dma_start3A_104 = tpu.memref_squeeze %dma_start3A_103 : memref<1x128x128xf32, #tpu.memory_space<vmem>> -> memref<128x128xf32, #tpu.memory_space<vmem>>
      %dma_start3A_105 = arith.constant 0 : i32
      %dma_start3A_106 = tpu.memref_slice %arg3[%mul3A_92, %dma_start3A_105] : memref<320000x128xf32, #tpu.memory_space<hbm>> -> memref<128x128xf32, #tpu.memory_space<hbm>>
      tpu.enqueue_dma source(%dma_start3A_106 : memref<128x128xf32, #tpu.memory_space<hbm>>) target(%dma_start3A_104 : memref<128x128xf32, #tpu.memory_space<vmem>>) target_semaphore(%dma_start3A_100 : memref<!tpu.dma_semaphore, #tpu.memory_space<semaphore_mem>>)
      %add3A_107 = arith.constant 0 : i32
      %add3A_108 = arith.constant 1 : i32
      %add3A_109 = arith.addi %add3A_107, %add3A_108 : i32
      %select_n3A_110 = arith.constant true
      %select_n3A_111 = arith.constant 0 : i32
      %select_n3A_112 = arith.select %select_n3A_110, %add3A_109, %select_n3A_111 : i32
      %rem3A_113 = arith.constant 0 : i32
      %rem3A_114 = arith.constant 2 : i32
      %rem3A_115 = arith.remui %rem3A_113, %rem3A_114 : i32
      %mul3A_116 = arith.constant 1 : i32
      %mul3A_117 = arith.muli %mul3A_116, %add3A_35 : i32
      %dma_start3A_118 = arith.constant 0 : i32
      %dma_start3A_119 = arith.constant 0 : i32
      %dma_start3A_120 = tpu.memref_slice %run_scoped3A_30[%rem3A_115, %dma_start3A_118, %dma_start3A_119] : memref<2x1x128xf32, #tpu.memory_space<vmem>> -> memref<1x1x128xf32, #tpu.memory_space<vmem>>
      %dma_start3A_121 = tpu.memref_squeeze %dma_start3A_120 : memref<1x1x128xf32, #tpu.memory_space<vmem>> -> memref<1x128xf32, #tpu.memory_space<vmem>>
      %dma_start3A_122 = arith.constant 0 : i32
      %dma_start3A_123 = tpu.memref_slice %arg6[%mul3A_117, %dma_start3A_122] : memref<2528x128xf32, #tpu.memory_space<hbm>> -> memref<1x128xf32, #tpu.memory_space<hbm>>
      %dma_start3A_124 = tpu.memref_slice %run_scoped3A_31[%rem3A_115] : memref<2x!tpu.dma_semaphore, #tpu.memory_space<semaphore_mem>> -> memref<1x!tpu.dma_semaphore, #tpu.memory_space<semaphore_mem>>
      %dma_start3A_125 = tpu.memref_squeeze %dma_start3A_124 : memref<1x!tpu.dma_semaphore, #tpu.memory_space<semaphore_mem>> -> memref<!tpu.dma_semaphore, #tpu.memory_space<semaphore_mem>>
      %dma_start3A_126 = arith.constant 0 : i32
      %dma_start3A_127 = arith.constant 0 : i32
      %dma_start3A_128 = tpu.memref_slice %run_scoped3A_30[%rem3A_115, %dma_start3A_126, %dma_start3A_127] : memref<2x1x128xf32, #tpu.memory_space<vmem>> -> memref<1x1x128xf32, #tpu.memory_space<vmem>>
      %dma_start3A_129 = tpu.memref_squeeze %dma_start3A_128 : memref<1x1x128xf32, #tpu.memory_space<vmem>> -> memref<1x128xf32, #tpu.memory_space<vmem>>
      %dma_start3A_130 = arith.constant 0 : i32
      %dma_start3A_131 = tpu.memref_slice %arg6[%mul3A_117, %dma_start3A_130] : memref<2528x128xf32, #tpu.memory_space<hbm>> -> memref<1x128xf32, #tpu.memory_space<hbm>>
      tpu.enqueue_dma source(%dma_start3A_131 : memref<1x128xf32, #tpu.memory_space<hbm>>) target(%dma_start3A_129 : memref<1x128xf32, #tpu.memory_space<vmem>>) target_semaphore(%dma_start3A_125 : memref<!tpu.dma_semaphore, #tpu.memory_space<semaphore_mem>>)
      %add3A_132 = arith.constant 0 : i32
      %add3A_133 = arith.constant 1 : i32
      %add3A_134 = arith.addi %add3A_132, %add3A_133 : i32
      %select_n3A_135 = arith.constant true
      %select_n3A_136 = arith.constant 0 : i32
      %select_n3A_137 = arith.select %select_n3A_135, %add3A_134, %select_n3A_136 : i32
      %rem3A_138 = arith.constant 0 : i32
      %rem3A_139 = arith.constant 2 : i32
      %rem3A_140 = arith.remui %rem3A_138, %rem3A_139 : i32
      %min3A_141 = arith.constant 2499 : i32
      %min3A_142 = arith.minsi %add3A_35, %min3A_141 : i32
      %mul3A_143 = arith.constant 128 : i32
      %mul3A_144 = arith.muli %mul3A_143, %min3A_142 : i32
      %dma_start3A_145 = arith.constant 0 : i32
      %dma_start3A_146 = arith.constant 0 : i32
      %dma_start3A_147 = tpu.memref_slice %run_scoped3A_32[%rem3A_140, %dma_start3A_145, %dma_start3A_146] : memref<2x1x128xi32, #tpu.memory_space<vmem>> -> memref<1x1x128xi32, #tpu.memory_space<vmem>>
      %dma_start3A_148 = tpu.memref_squeeze %dma_start3A_147 : memref<1x1x128xi32, #tpu.memory_space<vmem>> -> memref<1x128xi32, #tpu.memory_space<vmem>>
      %dma_start3A_149 = arith.constant 0 : i32
      %dma_start3A_150 = tpu.memref_slice %arg5[%dma_start3A_149, %mul3A_144] : memref<1x320000xi32, #tpu.memory_space<hbm>> -> memref<1x128xi32, #tpu.memory_space<hbm>>
      %dma_start3A_151 = tpu.memref_slice %run_scoped3A_33[%rem3A_140] : memref<2x!tpu.dma_semaphore, #tpu.memory_space<semaphore_mem>> -> memref<1x!tpu.dma_semaphore, #tpu.memory_space<semaphore_mem>>
      %dma_start3A_152 = tpu.memref_squeeze %dma_start3A_151 : memref<1x!tpu.dma_semaphore, #tpu.memory_space<semaphore_mem>> -> memref<!tpu.dma_semaphore, #tpu.memory_space<semaphore_mem>>
      %dma_start3A_153 = arith.constant 0 : i32
      %dma_start3A_154 = arith.constant 0 : i32
      %dma_start3A_155 = tpu.memref_slice %run_scoped3A_32[%rem3A_140, %dma_start3A_153, %dma_start3A_154] : memref<2x1x128xi32, #tpu.memory_space<vmem>> -> memref<1x1x128xi32, #tpu.memory_space<vmem>>
      %dma_start3A_156 = tpu.memref_squeeze %dma_start3A_155 : memref<1x1x128xi32, #tpu.memory_space<vmem>> -> memref<1x128xi32, #tpu.memory_space<vmem>>
      %dma_start3A_157 = arith.constant 0 : i32
      %dma_start3A_158 = tpu.memref_slice %arg5[%dma_start3A_157, %mul3A_144] : memref<1x320000xi32, #tpu.memory_space<hbm>> -> memref<1x128xi32, #tpu.memory_space<hbm>>
      tpu.enqueue_dma source(%dma_start3A_158 : memref<1x128xi32, #tpu.memory_space<hbm>>) target(%dma_start3A_156 : memref<1x128xi32, #tpu.memory_space<vmem>>) target_semaphore(%dma_start3A_152 : memref<!tpu.dma_semaphore, #tpu.memory_space<semaphore_mem>>)
      %add3A_159 = arith.constant 0 : i32
      %add3A_160 = arith.constant 1 : i32
      %add3A_161 = arith.addi %add3A_159, %add3A_160 : i32
      %select_n3A_162 = arith.constant true
      %select_n3A_163 = arith.constant 0 : i32
      %select_n3A_164 = arith.select %select_n3A_162, %add3A_161, %select_n3A_163 : i32
      "tpu.trace_stop"() : () -> ()
      %scan3A = arith.constant 0 : i32
      %scan3A_165 = arith.constant 0 : i32
      %scan3A_166 = arith.constant 0 : i32
      %scan3A_167 = arith.constant 0 : i32
      %scan3A_168 = arith.constant 0 : i32
      %scan3A_169 = arith.constant 0 : i32
      %scan3A_170 = arith.constant 79 : i32
      %scan3A_171 = arith.addi %scan3A_169, %scan3A_170 : i32
      %scan3A_172 = arith.constant 1 : i32
      %scan3A_173:9 = scf.for %scan3A_210 = %scan3A_169 to %scan3A_171 step %scan3A_172 iter_args(%scan3A_211 = %select_n3A_85, %scan3A_212 = %scan3A, %scan3A_213 = %select_n3A_112, %scan3A_214 = %scan3A_165, %scan3A_215 = %select_n3A_137, %scan3A_216 = %scan3A_166, %scan3A_217 = %select_n3A_164, %scan3A_218 = %scan3A_167, %scan3A_219 = %scan3A_168) -> (i32, i32, i32, i32, i32, i32, i32, i32, i32)  : i32 {
        %eq3A_220 = arith.constant 0 : i32
        %eq3A_221 = arith.cmpi eq, %scan3A_210, %eq3A_220 : i32
        %eq3A_222 = arith.constant 78 : i32
        %eq3A_223 = arith.cmpi eq, %scan3A_210, %eq3A_222 : i32
        %add3A_224 = arith.addi %scan3A_219, %mul3A_15 : i32
        %sub3A_225 = arith.constant 1 : i32
        %sub3A_226 = arith.subi %scan3A_219, %sub3A_225 : i32
        %select_n3A_227 = arith.constant true
        %select_n3A_228 = arith.select %select_n3A_227, %sub3A_226, %scan3A_219 : i32
        %eq3A_229 = arith.constant -1 : i32
        %eq3A_230 = arith.cmpi eq, %select_n3A_228, %eq3A_229 : i32
        %select_n3A_231 = arith.constant 78 : i32
        %select_n3A_232 = arith.select %eq3A_230, %select_n3A_231, %select_n3A_228 : i32
        %add3A_233 = arith.addi %select_n3A_232, %mul3A_15 : i32
        %add3A_234 = arith.constant 1 : i32
        %add3A_235 = arith.addi %scan3A_219, %add3A_234 : i32
        %select_n3A_236 = arith.constant true
        %select_n3A_237 = arith.select %select_n3A_236, %add3A_235, %scan3A_219 : i32
        %eq3A_238 = arith.constant 79 : i32
        %eq3A_239 = arith.cmpi eq, %select_n3A_237, %eq3A_238 : i32
        %select_n3A_240 = arith.constant 0 : i32
        %select_n3A_241 = arith.select %eq3A_239, %select_n3A_240, %select_n3A_237 : i32
        %add3A_242 = arith.addi %select_n3A_241, %mul3A_15 : i32
        %add3A_243 = arith.constant 1 : i32
        %add3A_244 = arith.addi %select_n3A_241, %add3A_243 : i32
        %select_n3A_245 = arith.constant true
        %select_n3A_246 = arith.select %select_n3A_245, %add3A_244, %select_n3A_241 : i32
        %eq3A_247 = arith.constant 79 : i32
        %eq3A_248 = arith.cmpi eq, %select_n3A_246, %eq3A_247 : i32
        %select_n3A_249 = arith.constant 0 : i32
        %select_n3A_250 = arith.select %eq3A_248, %select_n3A_249, %select_n3A_246 : i32
        %add3A_251 = arith.addi %select_n3A_250, %mul3A_15 : i32
        %min3A_252 = arith.constant 2499 : i32
        %min3A_253 = arith.minsi %add3A_224, %min3A_252 : i32
        %min3A_254 = arith.constant 2499 : i32
        %min3A_255 = arith.minsi %add3A_242, %min3A_254 : i32
        %ne3A = arith.cmpi ne, %min3A_253, %min3A_255 : i32
        %or3A = arith.constant false
        %or3A_256 = arith.ori %or3A, %ne3A : i1
        %ge3A = arith.constant 78 : i32
        %ge3A_257 = arith.cmpi sge, %scan3A_210, %ge3A : i32
        %not3A = arith.constant true
        %not3A_258 = arith.xori %ge3A_257, %not3A : i1
        %and3A = arith.andi %or3A_256, %not3A_258 : i1
        %convert_element_type3A_259 = arith.extui %and3A : i1 to i32
        %cond3A_260 = arith.constant 0 : i32
        %cond3A_261 = arith.cmpi ne, %convert_element_type3A_259, %cond3A_260 : i32
        scf.if %cond3A_261 {
          "tpu.trace_start"() <{level = 10 : i32, message = "ep_copy_in"}> : () -> ()
          %rem3A_567 = arith.constant 2 : i32
          %rem3A_568 = arith.remui %scan3A_211, %rem3A_567 : i32
          %min3A_569 = arith.constant 2499 : i32
          %min3A_570 = arith.minsi %add3A_242, %min3A_569 : i32
          %mul3A_571 = arith.constant 128 : i32
          %mul3A_572 = arith.muli %mul3A_571, %min3A_570 : i32
          %dma_start3A_573 = arith.constant 0 : i32
          %dma_start3A_574 = arith.constant 0 : i32
          %dma_start3A_575 = tpu.memref_slice %run_scoped3A[%rem3A_568, %dma_start3A_573, %dma_start3A_574] : memref<2x1x128xi32, #tpu.memory_space<vmem>> -> memref<1x1x128xi32, #tpu.memory_space<vmem>>
          %dma_start3A_576 = tpu.memref_squeeze %dma_start3A_575 : memref<1x1x128xi32, #tpu.memory_space<vmem>> -> memref<1x128xi32, #tpu.memory_space<vmem>>
          %dma_start3A_577 = arith.constant 0 : i32
          %dma_start3A_578 = tpu.memref_slice %arg4[%dma_start3A_577, %mul3A_572] : memref<1x320000xi32, #tpu.memory_space<hbm>> -> memref<1x128xi32, #tpu.memory_space<hbm>>
          %dma_start3A_579 = tpu.memref_slice %run_scoped3A_27[%rem3A_568] : memref<2x!tpu.dma_semaphore, #tpu.memory_space<semaphore_mem>> -> memref<1x!tpu.dma_semaphore, #tpu.memory_space<semaphore_mem>>
          %dma_start3A_580 = tpu.memref_squeeze %dma_start3A_579 : memref<1x!tpu.dma_semaphore, #tpu.memory_space<semaphore_mem>> -> memref<!tpu.dma_semaphore, #tpu.memory_space<semaphore_mem>>
          %dma_start3A_581 = arith.constant 0 : i32
          %dma_start3A_582 = arith.constant 0 : i32
          %dma_start3A_583 = tpu.memref_slice %run_scoped3A[%rem3A_568, %dma_start3A_581, %dma_start3A_582] : memref<2x1x128xi32, #tpu.memory_space<vmem>> -> memref<1x1x128xi32, #tpu.memory_space<vmem>>
          %dma_start3A_584 = tpu.memref_squeeze %dma_start3A_583 : memref<1x1x128xi32, #tpu.memory_space<vmem>> -> memref<1x128xi32, #tpu.memory_space<vmem>>
          %dma_start3A_585 = arith.constant 0 : i32
          %dma_start3A_586 = tpu.memref_slice %arg4[%dma_start3A_585, %mul3A_572] : memref<1x320000xi32, #tpu.memory_space<hbm>> -> memref<1x128xi32, #tpu.memory_space<hbm>>
          tpu.enqueue_dma source(%dma_start3A_586 : memref<1x128xi32, #tpu.memory_space<hbm>>) target(%dma_start3A_584 : memref<1x128xi32, #tpu.memory_space<vmem>>) target_semaphore(%dma_start3A_580 : memref<!tpu.dma_semaphore, #tpu.memory_space<semaphore_mem>>)
          "tpu.trace_stop"() : () -> ()
        } else {
        }
        %and3A_262 = arith.constant true
        %and3A_263 = arith.andi %and3A, %and3A_262 : i1
        %add3A_264 = arith.constant 1 : i32
        %add3A_265 = arith.addi %scan3A_211, %add3A_264 : i32
        %select_n3A_266 = arith.select %and3A_263, %add3A_265, %scan3A_211 : i32
        %min3A_267 = arith.constant 2499 : i32
        %min3A_268 = arith.minsi %add3A_224, %min3A_267 : i32
        %min3A_269 = arith.constant 2499 : i32
        %min3A_270 = arith.minsi %add3A_242, %min3A_269 : i32
        %ne3A_271 = arith.cmpi ne, %min3A_268, %min3A_270 : i32
        %or3A_272 = arith.constant false
        %or3A_273 = arith.ori %or3A_272, %ne3A_271 : i1
        %or3A_274 = arith.constant false
        %or3A_275 = arith.ori %or3A_273, %or3A_274 : i1
        %ge3A_276 = arith.constant 78 : i32
        %ge3A_277 = arith.cmpi sge, %scan3A_210, %ge3A_276 : i32
        %not3A_278 = arith.constant true
        %not3A_279 = arith.xori %ge3A_277, %not3A_278 : i1
        %and3A_280 = arith.andi %or3A_275, %not3A_279 : i1
        %convert_element_type3A_281 = arith.extui %and3A_280 : i1 to i32
        %cond3A_282 = arith.constant 0 : i32
        %cond3A_283 = arith.cmpi ne, %convert_element_type3A_281, %cond3A_282 : i32
        scf.if %cond3A_283 {
          "tpu.trace_start"() <{level = 10 : i32, message = "ep_copy_in"}> : () -> ()
          %rem3A_567 = arith.constant 2 : i32
          %rem3A_568 = arith.remui %scan3A_213, %rem3A_567 : i32
          %min3A_569 = arith.constant 2499 : i32
          %min3A_570 = arith.minsi %add3A_242, %min3A_569 : i32
          %mul3A_571 = arith.constant 128 : i32
          %mul3A_572 = arith.muli %mul3A_571, %min3A_570 : i32
          %dma_start3A_573 = arith.constant 0 : i32
          %dma_start3A_574 = arith.constant 0 : i32
          %dma_start3A_575 = tpu.memref_slice %run_scoped3A_28[%rem3A_568, %dma_start3A_573, %dma_start3A_574] : memref<2x128x128xf32, #tpu.memory_space<vmem>> -> memref<1x128x128xf32, #tpu.memory_space<vmem>>
          %dma_start3A_576 = tpu.memref_squeeze %dma_start3A_575 : memref<1x128x128xf32, #tpu.memory_space<vmem>> -> memref<128x128xf32, #tpu.memory_space<vmem>>
          %dma_start3A_577 = arith.constant 0 : i32
          %dma_start3A_578 = tpu.memref_slice %arg3[%mul3A_572, %dma_start3A_577] : memref<320000x128xf32, #tpu.memory_space<hbm>> -> memref<128x128xf32, #tpu.memory_space<hbm>>
          %dma_start3A_579 = tpu.memref_slice %run_scoped3A_29[%rem3A_568] : memref<2x!tpu.dma_semaphore, #tpu.memory_space<semaphore_mem>> -> memref<1x!tpu.dma_semaphore, #tpu.memory_space<semaphore_mem>>
          %dma_start3A_580 = tpu.memref_squeeze %dma_start3A_579 : memref<1x!tpu.dma_semaphore, #tpu.memory_space<semaphore_mem>> -> memref<!tpu.dma_semaphore, #tpu.memory_space<semaphore_mem>>
          %dma_start3A_581 = arith.constant 0 : i32
          %dma_start3A_582 = arith.constant 0 : i32
          %dma_start3A_583 = tpu.memref_slice %run_scoped3A_28[%rem3A_568, %dma_start3A_581, %dma_start3A_582] : memref<2x128x128xf32, #tpu.memory_space<vmem>> -> memref<1x128x128xf32, #tpu.memory_space<vmem>>
          %dma_start3A_584 = tpu.memref_squeeze %dma_start3A_583 : memref<1x128x128xf32, #tpu.memory_space<vmem>> -> memref<128x128xf32, #tpu.memory_space<vmem>>
          %dma_start3A_585 = arith.constant 0 : i32
          %dma_start3A_586 = tpu.memref_slice %arg3[%mul3A_572, %dma_start3A_585] : memref<320000x128xf32, #tpu.memory_space<hbm>> -> memref<128x128xf32, #tpu.memory_space<hbm>>
          tpu.enqueue_dma source(%dma_start3A_586 : memref<128x128xf32, #tpu.memory_space<hbm>>) target(%dma_start3A_584 : memref<128x128xf32, #tpu.memory_space<vmem>>) target_semaphore(%dma_start3A_580 : memref<!tpu.dma_semaphore, #tpu.memory_space<semaphore_mem>>)
          "tpu.trace_stop"() : () -> ()
        } else {
        }
        %and3A_284 = arith.constant true
        %and3A_285 = arith.andi %and3A_280, %and3A_284 : i1
        %add3A_286 = arith.constant 1 : i32
        %add3A_287 = arith.addi %scan3A_213, %add3A_286 : i32
        %select_n3A_288 = arith.select %and3A_285, %add3A_287, %scan3A_213 : i32
        %ne3A_289 = arith.cmpi ne, %add3A_224, %add3A_242 : i32
        %or3A_290 = arith.constant false
        %or3A_291 = arith.ori %or3A_290, %ne3A_289 : i1
        %or3A_292 = arith.constant false
        %or3A_293 = arith.ori %or3A_291, %or3A_292 : i1
        %ge3A_294 = arith.constant 78 : i32
        %ge3A_295 = arith.cmpi sge, %scan3A_210, %ge3A_294 : i32
        %not3A_296 = arith.constant true
        %not3A_297 = arith.xori %ge3A_295, %not3A_296 : i1
        %and3A_298 = arith.andi %or3A_293, %not3A_297 : i1
        %convert_element_type3A_299 = arith.extui %and3A_298 : i1 to i32
        %cond3A_300 = arith.constant 0 : i32
        %cond3A_301 = arith.cmpi ne, %convert_element_type3A_299, %cond3A_300 : i32
        scf.if %cond3A_301 {
          "tpu.trace_start"() <{level = 10 : i32, message = "ep_copy_in"}> : () -> ()
          %rem3A_567 = arith.constant 2 : i32
          %rem3A_568 = arith.remui %scan3A_215, %rem3A_567 : i32
          %mul3A_569 = arith.constant 1 : i32
          %mul3A_570 = arith.muli %mul3A_569, %add3A_242 : i32
          %dma_start3A_571 = arith.constant 0 : i32
          %dma_start3A_572 = arith.constant 0 : i32
          %dma_start3A_573 = tpu.memref_slice %run_scoped3A_30[%rem3A_568, %dma_start3A_571, %dma_start3A_572] : memref<2x1x128xf32, #tpu.memory_space<vmem>> -> memref<1x1x128xf32, #tpu.memory_space<vmem>>
          %dma_start3A_574 = tpu.memref_squeeze %dma_start3A_573 : memref<1x1x128xf32, #tpu.memory_space<vmem>> -> memref<1x128xf32, #tpu.memory_space<vmem>>
          %dma_start3A_575 = arith.constant 0 : i32
          %dma_start3A_576 = tpu.memref_slice %arg6[%mul3A_570, %dma_start3A_575] : memref<2528x128xf32, #tpu.memory_space<hbm>> -> memref<1x128xf32, #tpu.memory_space<hbm>>
          %dma_start3A_577 = tpu.memref_slice %run_scoped3A_31[%rem3A_568] : memref<2x!tpu.dma_semaphore, #tpu.memory_space<semaphore_mem>> -> memref<1x!tpu.dma_semaphore, #tpu.memory_space<semaphore_mem>>
          %dma_start3A_578 = tpu.memref_squeeze %dma_start3A_577 : memref<1x!tpu.dma_semaphore, #tpu.memory_space<semaphore_mem>> -> memref<!tpu.dma_semaphore, #tpu.memory_space<semaphore_mem>>
          %dma_start3A_579 = arith.constant 0 : i32
          %dma_start3A_580 = arith.constant 0 : i32
          %dma_start3A_581 = tpu.memref_slice %run_scoped3A_30[%rem3A_568, %dma_start3A_579, %dma_start3A_580] : memref<2x1x128xf32, #tpu.memory_space<vmem>> -> memref<1x1x128xf32, #tpu.memory_space<vmem>>
          %dma_start3A_582 = tpu.memref_squeeze %dma_start3A_581 : memref<1x1x128xf32, #tpu.memory_space<vmem>> -> memref<1x128xf32, #tpu.memory_space<vmem>>
          %dma_start3A_583 = arith.constant 0 : i32
          %dma_start3A_584 = tpu.memref_slice %arg6[%mul3A_570, %dma_start3A_583] : memref<2528x128xf32, #tpu.memory_space<hbm>> -> memref<1x128xf32, #tpu.memory_space<hbm>>
          tpu.enqueue_dma source(%dma_start3A_584 : memref<1x128xf32, #tpu.memory_space<hbm>>) target(%dma_start3A_582 : memref<1x128xf32, #tpu.memory_space<vmem>>) target_semaphore(%dma_start3A_578 : memref<!tpu.dma_semaphore, #tpu.memory_space<semaphore_mem>>)
          "tpu.trace_stop"() : () -> ()
        } else {
        }
        %and3A_302 = arith.constant true
        %and3A_303 = arith.andi %and3A_298, %and3A_302 : i1
        %add3A_304 = arith.constant 1 : i32
        %add3A_305 = arith.addi %scan3A_215, %add3A_304 : i32
        %select_n3A_306 = arith.select %and3A_303, %add3A_305, %scan3A_215 : i32
        %min3A_307 = arith.constant 2499 : i32
        %min3A_308 = arith.minsi %add3A_224, %min3A_307 : i32
        %min3A_309 = arith.constant 2499 : i32
        %min3A_310 = arith.minsi %add3A_242, %min3A_309 : i32
        %ne3A_311 = arith.cmpi ne, %min3A_308, %min3A_310 : i32
        %or3A_312 = arith.constant false
        %or3A_313 = arith.ori %or3A_312, %ne3A_311 : i1
        %ge3A_314 = arith.constant 78 : i32
        %ge3A_315 = arith.cmpi sge, %scan3A_210, %ge3A_314 : i32
        %not3A_316 = arith.constant true
        %not3A_317 = arith.xori %ge3A_315, %not3A_316 : i1
        %and3A_318 = arith.andi %or3A_313, %not3A_317 : i1
        %convert_element_type3A_319 = arith.extui %and3A_318 : i1 to i32
        %cond3A_320 = arith.constant 0 : i32
        %cond3A_321 = arith.cmpi ne, %convert_element_type3A_319, %cond3A_320 : i32
        scf.if %cond3A_321 {
          "tpu.trace_start"() <{level = 10 : i32, message = "ep_copy_in"}> : () -> ()
          %rem3A_567 = arith.constant 2 : i32
          %rem3A_568 = arith.remui %scan3A_217, %rem3A_567 : i32
          %min3A_569 = arith.constant 2499 : i32
          %min3A_570 = arith.minsi %add3A_242, %min3A_569 : i32
          %mul3A_571 = arith.constant 128 : i32
          %mul3A_572 = arith.muli %mul3A_571, %min3A_570 : i32
          %dma_start3A_573 = arith.constant 0 : i32
          %dma_start3A_574 = arith.constant 0 : i32
          %dma_start3A_575 = tpu.memref_slice %run_scoped3A_32[%rem3A_568, %dma_start3A_573, %dma_start3A_574] : memref<2x1x128xi32, #tpu.memory_space<vmem>> -> memref<1x1x128xi32, #tpu.memory_space<vmem>>
          %dma_start3A_576 = tpu.memref_squeeze %dma_start3A_575 : memref<1x1x128xi32, #tpu.memory_space<vmem>> -> memref<1x128xi32, #tpu.memory_space<vmem>>
          %dma_start3A_577 = arith.constant 0 : i32
          %dma_start3A_578 = tpu.memref_slice %arg5[%dma_start3A_577, %mul3A_572] : memref<1x320000xi32, #tpu.memory_space<hbm>> -> memref<1x128xi32, #tpu.memory_space<hbm>>
          %dma_start3A_579 = tpu.memref_slice %run_scoped3A_33[%rem3A_568] : memref<2x!tpu.dma_semaphore, #tpu.memory_space<semaphore_mem>> -> memref<1x!tpu.dma_semaphore, #tpu.memory_space<semaphore_mem>>
          %dma_start3A_580 = tpu.memref_squeeze %dma_start3A_579 : memref<1x!tpu.dma_semaphore, #tpu.memory_space<semaphore_mem>> -> memref<!tpu.dma_semaphore, #tpu.memory_space<semaphore_mem>>
          %dma_start3A_581 = arith.constant 0 : i32
          %dma_start3A_582 = arith.constant 0 : i32
          %dma_start3A_583 = tpu.memref_slice %run_scoped3A_32[%rem3A_568, %dma_start3A_581, %dma_start3A_582] : memref<2x1x128xi32, #tpu.memory_space<vmem>> -> memref<1x1x128xi32, #tpu.memory_space<vmem>>
          %dma_start3A_584 = tpu.memref_squeeze %dma_start3A_583 : memref<1x1x128xi32, #tpu.memory_space<vmem>> -> memref<1x128xi32, #tpu.memory_space<vmem>>
          %dma_start3A_585 = arith.constant 0 : i32
          %dma_start3A_586 = tpu.memref_slice %arg5[%dma_start3A_585, %mul3A_572] : memref<1x320000xi32, #tpu.memory_space<hbm>> -> memref<1x128xi32, #tpu.memory_space<hbm>>
          tpu.enqueue_dma source(%dma_start3A_586 : memref<1x128xi32, #tpu.memory_space<hbm>>) target(%dma_start3A_584 : memref<1x128xi32, #tpu.memory_space<vmem>>) target_semaphore(%dma_start3A_580 : memref<!tpu.dma_semaphore, #tpu.memory_space<semaphore_mem>>)
          "tpu.trace_stop"() : () -> ()
        } else {
        }
        %and3A_322 = arith.constant true
        %and3A_323 = arith.andi %and3A_318, %and3A_322 : i1
        %add3A_324 = arith.constant 1 : i32
        %add3A_325 = arith.addi %scan3A_217, %add3A_324 : i32
        %select_n3A_326 = arith.select %and3A_323, %add3A_325, %scan3A_217 : i32
        %min3A_327 = arith.constant 2499 : i32
        %min3A_328 = arith.minsi %add3A_224, %min3A_327 : i32
        %min3A_329 = arith.constant 2499 : i32
        %min3A_330 = arith.minsi %add3A_233, %min3A_329 : i32
        %ne3A_331 = arith.cmpi ne, %min3A_328, %min3A_330 : i32
        %or3A_332 = arith.constant false
        %or3A_333 = arith.ori %or3A_332, %ne3A_331 : i1
        %or3A_334 = arith.ori %or3A_333, %eq3A_221 : i1
        %convert_element_type3A_335 = arith.extui %or3A_334 : i1 to i32
        %cond3A_336 = arith.constant 0 : i32
        %cond3A_337 = arith.cmpi ne, %convert_element_type3A_335, %cond3A_336 : i32
        scf.if %cond3A_337 {
          "tpu.trace_start"() <{level = 10 : i32, message = "ep_wait_in"}> : () -> ()
          %min3A_567 = arith.constant 2499 : i32
          %min3A_568 = arith.minsi %add3A_224, %min3A_567 : i32
          %mul3A_569 = arith.constant 128 : i32
          %mul3A_570 = arith.muli %mul3A_569, %min3A_568 : i32
          %rem3A_571 = arith.constant 2 : i32
          %rem3A_572 = arith.remui %scan3A_212, %rem3A_571 : i32
          %dma_wait3A_573 = arith.constant 0 : i32
          %dma_wait3A_574 = arith.constant 0 : i32
          %dma_wait3A_575 = tpu.memref_slice %run_scoped3A[%rem3A_572, %dma_wait3A_573, %dma_wait3A_574] : memref<2x1x128xi32, #tpu.memory_space<vmem>> -> memref<1x1x128xi32, #tpu.memory_space<vmem>>
          %dma_wait3A_576 = tpu.memref_squeeze %dma_wait3A_575 : memref<1x1x128xi32, #tpu.memory_space<vmem>> -> memref<1x128xi32, #tpu.memory_space<vmem>>
          %dma_wait3A_577 = arith.constant 0 : i32
          %dma_wait3A_578 = tpu.memref_slice %arg4[%dma_wait3A_577, %mul3A_570] : memref<1x320000xi32, #tpu.memory_space<hbm>> -> memref<1x128xi32, #tpu.memory_space<hbm>>
          %dma_wait3A_579 = tpu.memref_slice %run_scoped3A_27[%rem3A_572] : memref<2x!tpu.dma_semaphore, #tpu.memory_space<semaphore_mem>> -> memref<1x!tpu.dma_semaphore, #tpu.memory_space<semaphore_mem>>
          %dma_wait3A_580 = tpu.memref_squeeze %dma_wait3A_579 : memref<1x!tpu.dma_semaphore, #tpu.memory_space<semaphore_mem>> -> memref<!tpu.dma_semaphore, #tpu.memory_space<semaphore_mem>>
          %dma_wait3A_581 = arith.constant 0 : i32
          %dma_wait3A_582 = arith.constant 0 : i32
          %dma_wait3A_583 = tpu.memref_slice %run_scoped3A[%rem3A_572, %dma_wait3A_581, %dma_wait3A_582] : memref<2x1x128xi32, #tpu.memory_space<vmem>> -> memref<1x1x128xi32, #tpu.memory_space<vmem>>
          %dma_wait3A_584 = tpu.memref_squeeze %dma_wait3A_583 : memref<1x1x128xi32, #tpu.memory_space<vmem>> -> memref<1x128xi32, #tpu.memory_space<vmem>>
          %dma_wait3A_585 = arith.constant 0 : i32
          %dma_wait3A_586 = tpu.memref_slice %arg4[%dma_wait3A_585, %mul3A_570] : memref<1x320000xi32, #tpu.memory_space<hbm>> -> memref<1x128xi32, #tpu.memory_space<hbm>>
          tpu.wait_dma2 semaphore(%dma_wait3A_580 : memref<!tpu.dma_semaphore, #tpu.memory_space<semaphore_mem>>) src(%dma_wait3A_586 : memref<1x128xi32, #tpu.memory_space<hbm>>) dst(%dma_wait3A_584 : memref<1x128xi32, #tpu.memory_space<vmem>>)
          "tpu.trace_stop"() : () -> ()
        } else {
        }
        %min3A_338 = arith.constant 2499 : i32
        %min3A_339 = arith.minsi %add3A_224, %min3A_338 : i32
        %min3A_340 = arith.constant 2499 : i32
        %min3A_341 = arith.minsi %add3A_233, %min3A_340 : i32
        %ne3A_342 = arith.cmpi ne, %min3A_339, %min3A_341 : i32
        %or3A_343 = arith.constant false
        %or3A_344 = arith.ori %or3A_343, %ne3A_342 : i1
        %or3A_345 = arith.constant false
        %or3A_346 = arith.ori %or3A_344, %or3A_345 : i1
        %or3A_347 = arith.ori %or3A_346, %eq3A_221 : i1
        %convert_element_type3A_348 = arith.extui %or3A_347 : i1 to i32
        %cond3A_349 = arith.constant 0 : i32
        %cond3A_350 = arith.cmpi ne, %convert_element_type3A_348, %cond3A_349 : i32
        scf.if %cond3A_350 {
          "tpu.trace_start"() <{level = 10 : i32, message = "ep_wait_in"}> : () -> ()
          %min3A_567 = arith.constant 2499 : i32
          %min3A_568 = arith.minsi %add3A_224, %min3A_567 : i32
          %mul3A_569 = arith.constant 128 : i32
          %mul3A_570 = arith.muli %mul3A_569, %min3A_568 : i32
          %rem3A_571 = arith.constant 2 : i32
          %rem3A_572 = arith.remui %scan3A_214, %rem3A_571 : i32
          %dma_wait3A_573 = arith.constant 0 : i32
          %dma_wait3A_574 = arith.constant 0 : i32
          %dma_wait3A_575 = tpu.memref_slice %run_scoped3A_28[%rem3A_572, %dma_wait3A_573, %dma_wait3A_574] : memref<2x128x128xf32, #tpu.memory_space<vmem>> -> memref<1x128x128xf32, #tpu.memory_space<vmem>>
          %dma_wait3A_576 = tpu.memref_squeeze %dma_wait3A_575 : memref<1x128x128xf32, #tpu.memory_space<vmem>> -> memref<128x128xf32, #tpu.memory_space<vmem>>
          %dma_wait3A_577 = arith.constant 0 : i32
          %dma_wait3A_578 = tpu.memref_slice %arg3[%mul3A_570, %dma_wait3A_577] : memref<320000x128xf32, #tpu.memory_space<hbm>> -> memref<128x128xf32, #tpu.memory_space<hbm>>
          %dma_wait3A_579 = tpu.memref_slice %run_scoped3A_29[%rem3A_572] : memref<2x!tpu.dma_semaphore, #tpu.memory_space<semaphore_mem>> -> memref<1x!tpu.dma_semaphore, #tpu.memory_space<semaphore_mem>>
          %dma_wait3A_580 = tpu.memref_squeeze %dma_wait3A_579 : memref<1x!tpu.dma_semaphore, #tpu.memory_space<semaphore_mem>> -> memref<!tpu.dma_semaphore, #tpu.memory_space<semaphore_mem>>
          %dma_wait3A_581 = arith.constant 0 : i32
          %dma_wait3A_582 = arith.constant 0 : i32
          %dma_wait3A_583 = tpu.memref_slice %run_scoped3A_28[%rem3A_572, %dma_wait3A_581, %dma_wait3A_582] : memref<2x128x128xf32, #tpu.memory_space<vmem>> -> memref<1x128x128xf32, #tpu.memory_space<vmem>>
          %dma_wait3A_584 = tpu.memref_squeeze %dma_wait3A_583 : memref<1x128x128xf32, #tpu.memory_space<vmem>> -> memref<128x128xf32, #tpu.memory_space<vmem>>
          %dma_wait3A_585 = arith.constant 0 : i32
          %dma_wait3A_586 = tpu.memref_slice %arg3[%mul3A_570, %dma_wait3A_585] : memref<320000x128xf32, #tpu.memory_space<hbm>> -> memref<128x128xf32, #tpu.memory_space<hbm>>
          tpu.wait_dma2 semaphore(%dma_wait3A_580 : memref<!tpu.dma_semaphore, #tpu.memory_space<semaphore_mem>>) src(%dma_wait3A_586 : memref<128x128xf32, #tpu.memory_space<hbm>>) dst(%dma_wait3A_584 : memref<128x128xf32, #tpu.memory_space<vmem>>)
          "tpu.trace_stop"() : () -> ()
        } else {
        }
        %ne3A_351 = arith.cmpi ne, %add3A_224, %add3A_233 : i32
        %or3A_352 = arith.constant false
        %or3A_353 = arith.ori %or3A_352, %ne3A_351 : i1
        %or3A_354 = arith.constant false
        %or3A_355 = arith.ori %or3A_353, %or3A_354 : i1
        %or3A_356 = arith.ori %or3A_355, %eq3A_221 : i1
        %convert_element_type3A_357 = arith.extui %or3A_356 : i1 to i32
        %cond3A_358 = arith.constant 0 : i32
        %cond3A_359 = arith.cmpi ne, %convert_element_type3A_357, %cond3A_358 : i32
        scf.if %cond3A_359 {
          "tpu.trace_start"() <{level = 10 : i32, message = "ep_wait_in"}> : () -> ()
          %mul3A_567 = arith.constant 1 : i32
          %mul3A_568 = arith.muli %mul3A_567, %add3A_224 : i32
          %rem3A_569 = arith.constant 2 : i32
          %rem3A_570 = arith.remui %scan3A_216, %rem3A_569 : i32
          %dma_wait3A_571 = arith.constant 0 : i32
          %dma_wait3A_572 = arith.constant 0 : i32
          %dma_wait3A_573 = tpu.memref_slice %run_scoped3A_30[%rem3A_570, %dma_wait3A_571, %dma_wait3A_572] : memref<2x1x128xf32, #tpu.memory_space<vmem>> -> memref<1x1x128xf32, #tpu.memory_space<vmem>>
          %dma_wait3A_574 = tpu.memref_squeeze %dma_wait3A_573 : memref<1x1x128xf32, #tpu.memory_space<vmem>> -> memref<1x128xf32, #tpu.memory_space<vmem>>
          %dma_wait3A_575 = arith.constant 0 : i32
          %dma_wait3A_576 = tpu.memref_slice %arg6[%mul3A_568, %dma_wait3A_575] : memref<2528x128xf32, #tpu.memory_space<hbm>> -> memref<1x128xf32, #tpu.memory_space<hbm>>
          %dma_wait3A_577 = tpu.memref_slice %run_scoped3A_31[%rem3A_570] : memref<2x!tpu.dma_semaphore, #tpu.memory_space<semaphore_mem>> -> memref<1x!tpu.dma_semaphore, #tpu.memory_space<semaphore_mem>>
          %dma_wait3A_578 = tpu.memref_squeeze %dma_wait3A_577 : memref<1x!tpu.dma_semaphore, #tpu.memory_space<semaphore_mem>> -> memref<!tpu.dma_semaphore, #tpu.memory_space<semaphore_mem>>
          %dma_wait3A_579 = arith.constant 0 : i32
          %dma_wait3A_580 = arith.constant 0 : i32
          %dma_wait3A_581 = tpu.memref_slice %run_scoped3A_30[%rem3A_570, %dma_wait3A_579, %dma_wait3A_580] : memref<2x1x128xf32, #tpu.memory_space<vmem>> -> memref<1x1x128xf32, #tpu.memory_space<vmem>>
          %dma_wait3A_582 = tpu.memref_squeeze %dma_wait3A_581 : memref<1x1x128xf32, #tpu.memory_space<vmem>> -> memref<1x128xf32, #tpu.memory_space<vmem>>
          %dma_wait3A_583 = arith.constant 0 : i32
          %dma_wait3A_584 = tpu.memref_slice %arg6[%mul3A_568, %dma_wait3A_583] : memref<2528x128xf32, #tpu.memory_space<hbm>> -> memref<1x128xf32, #tpu.memory_space<hbm>>
          tpu.wait_dma2 semaphore(%dma_wait3A_578 : memref<!tpu.dma_semaphore, #tpu.memory_space<semaphore_mem>>) src(%dma_wait3A_584 : memref<1x128xf32, #tpu.memory_space<hbm>>) dst(%dma_wait3A_582 : memref<1x128xf32, #tpu.memory_space<vmem>>)
          "tpu.trace_stop"() : () -> ()
        } else {
        }
        %min3A_360 = arith.constant 2499 : i32
        %min3A_361 = arith.minsi %add3A_224, %min3A_360 : i32
        %min3A_362 = arith.constant 2499 : i32
        %min3A_363 = arith.minsi %add3A_233, %min3A_362 : i32
        %ne3A_364 = arith.cmpi ne, %min3A_361, %min3A_363 : i32
        %or3A_365 = arith.constant false
        %or3A_366 = arith.ori %or3A_365, %ne3A_364 : i1
        %or3A_367 = arith.ori %or3A_366, %eq3A_221 : i1
        %convert_element_type3A_368 = arith.extui %or3A_367 : i1 to i32
        %cond3A_369 = arith.constant 0 : i32
        %cond3A_370 = arith.cmpi ne, %convert_element_type3A_368, %cond3A_369 : i32
        scf.if %cond3A_370 {
          "tpu.trace_start"() <{level = 10 : i32, message = "ep_wait_in"}> : () -> ()
          %min3A_567 = arith.constant 2499 : i32
          %min3A_568 = arith.minsi %add3A_224, %min3A_567 : i32
          %mul3A_569 = arith.constant 128 : i32
          %mul3A_570 = arith.muli %mul3A_569, %min3A_568 : i32
          %rem3A_571 = arith.constant 2 : i32
          %rem3A_572 = arith.remui %scan3A_218, %rem3A_571 : i32
          %dma_wait3A_573 = arith.constant 0 : i32
          %dma_wait3A_574 = arith.constant 0 : i32
          %dma_wait3A_575 = tpu.memref_slice %run_scoped3A_32[%rem3A_572, %dma_wait3A_573, %dma_wait3A_574] : memref<2x1x128xi32, #tpu.memory_space<vmem>> -> memref<1x1x128xi32, #tpu.memory_space<vmem>>
          %dma_wait3A_576 = tpu.memref_squeeze %dma_wait3A_575 : memref<1x1x128xi32, #tpu.memory_space<vmem>> -> memref<1x128xi32, #tpu.memory_space<vmem>>
          %dma_wait3A_577 = arith.constant 0 : i32
          %dma_wait3A_578 = tpu.memref_slice %arg5[%dma_wait3A_577, %mul3A_570] : memref<1x320000xi32, #tpu.memory_space<hbm>> -> memref<1x128xi32, #tpu.memory_space<hbm>>
          %dma_wait3A_579 = tpu.memref_slice %run_scoped3A_33[%rem3A_572] : memref<2x!tpu.dma_semaphore, #tpu.memory_space<semaphore_mem>> -> memref<1x!tpu.dma_semaphore, #tpu.memory_space<semaphore_mem>>
          %dma_wait3A_580 = tpu.memref_squeeze %dma_wait3A_579 : memref<1x!tpu.dma_semaphore, #tpu.memory_space<semaphore_mem>> -> memref<!tpu.dma_semaphore, #tpu.memory_space<semaphore_mem>>
          %dma_wait3A_581 = arith.constant 0 : i32
          %dma_wait3A_582 = arith.constant 0 : i32
          %dma_wait3A_583 = tpu.memref_slice %run_scoped3A_32[%rem3A_572, %dma_wait3A_581, %dma_wait3A_582] : memref<2x1x128xi32, #tpu.memory_space<vmem>> -> memref<1x1x128xi32, #tpu.memory_space<vmem>>
          %dma_wait3A_584 = tpu.memref_squeeze %dma_wait3A_583 : memref<1x1x128xi32, #tpu.memory_space<vmem>> -> memref<1x128xi32, #tpu.memory_space<vmem>>
          %dma_wait3A_585 = arith.constant 0 : i32
          %dma_wait3A_586 = tpu.memref_slice %arg5[%dma_wait3A_585, %mul3A_570] : memref<1x320000xi32, #tpu.memory_space<hbm>> -> memref<1x128xi32, #tpu.memory_space<hbm>>
          tpu.wait_dma2 semaphore(%dma_wait3A_580 : memref<!tpu.dma_semaphore, #tpu.memory_space<semaphore_mem>>) src(%dma_wait3A_586 : memref<1x128xi32, #tpu.memory_space<hbm>>) dst(%dma_wait3A_584 : memref<1x128xi32, #tpu.memory_space<vmem>>)
          "tpu.trace_stop"() : () -> ()
        } else {
        }
        %rem3A_371 = arith.constant 2 : i32
        %rem3A_372 = arith.remui %scan3A_212, %rem3A_371 : i32
        %rem3A_373 = arith.constant 2 : i32
        %rem3A_374 = arith.remui %scan3A_214, %rem3A_373 : i32
        %rem3A_375 = arith.constant 2 : i32
        %rem3A_376 = arith.remui %scan3A_216, %rem3A_375 : i32
        %rem3A_377 = arith.constant 2 : i32
        %rem3A_378 = arith.remui %scan3A_218, %rem3A_377 : i32
        %dma_start3A_379 = arith.constant 0 : i32
        "tpu.trace_start"() <{level = 10 : i32, message = "ep_run_kernel"}> : () -> ()
        %dma_start3A_380 = arith.constant 0 : i32
        %dma_start3A_381 = arith.constant 0 : i32
        %dma_start3A_382 = tpu.memref_slice %run_scoped3A[%rem3A_372, %dma_start3A_380, %dma_start3A_381] : memref<2x1x128xi32, #tpu.memory_space<vmem>> -> memref<1x1x128xi32, #tpu.memory_space<vmem>>
        %dma_start3A_383 = tpu.memref_squeeze %dma_start3A_382 : memref<1x1x128xi32, #tpu.memory_space<vmem>> -> memref<1x128xi32, #tpu.memory_space<vmem>>
        %dma_start3A_384 = arith.constant 0 : i32
        %dma_start3A_385 = tpu.memref_slice %dma_start3A_383[%dma_start3A_379, %dma_start3A_384] : memref<1x128xi32, #tpu.memory_space<vmem>> -> memref<1x128xi32, #tpu.memory_space<vmem>>
        %dma_start3A_386 = tpu.memref_squeeze %dma_start3A_385 : memref<1x128xi32, #tpu.memory_space<vmem>> -> memref<128xi32, #tpu.memory_space<vmem>>
        %dma_start3A_387 = arith.constant 0 : i32
        %dma_start3A_388 = arith.constant 0 : i32
        %dma_start3A_389 = tpu.memref_slice %arg2[%dma_start3A_387, %dma_start3A_388] : memref<10000x128xf32, #tpu.memory_space<hbm>> -> memref<10000x128xf32, #tpu.memory_space<hbm>>
        tpu.enqueue_indirect_dma source(%dma_start3A_389 : memref<10000x128xf32, #tpu.memory_space<hbm>>) target(%arg10 : memref<128x128xf32, #tpu.memory_space<vmem>>) offsets(%dma_start3A_386 : memref<128xi32, #tpu.memory_space<vmem>>) semaphore(%arg11 : memref<!tpu.dma_semaphore, #tpu.memory_space<semaphore_mem>>)
        %dma_wait3A = arith.constant 0 : i32
        %dma_wait3A_390 = arith.constant 0 : i32
        %dma_wait3A_391 = arith.constant 0 : i32
        %dma_wait3A_392 = tpu.memref_slice %run_scoped3A[%rem3A_372, %dma_wait3A_390, %dma_wait3A_391] : memref<2x1x128xi32, #tpu.memory_space<vmem>> -> memref<1x1x128xi32, #tpu.memory_space<vmem>>
        %dma_wait3A_393 = tpu.memref_squeeze %dma_wait3A_392 : memref<1x1x128xi32, #tpu.memory_space<vmem>> -> memref<1x128xi32, #tpu.memory_space<vmem>>
        %dma_wait3A_394 = arith.constant 0 : i32
        %dma_wait3A_395 = tpu.memref_slice %dma_wait3A_393[%dma_wait3A, %dma_wait3A_394] : memref<1x128xi32, #tpu.memory_space<vmem>> -> memref<1x128xi32, #tpu.memory_space<vmem>>
        %dma_wait3A_396 = tpu.memref_squeeze %dma_wait3A_395 : memref<1x128xi32, #tpu.memory_space<vmem>> -> memref<128xi32, #tpu.memory_space<vmem>>
        %dma_wait3A_397 = arith.constant 0 : i32
        %dma_wait3A_398 = arith.constant 0 : i32
        %dma_wait3A_399 = tpu.memref_slice %arg2[%dma_wait3A_397, %dma_wait3A_398] : memref<10000x128xf32, #tpu.memory_space<hbm>> -> memref<10000x128xf32, #tpu.memory_space<hbm>>
        tpu.wait_indirect_dma semaphore(%arg11 : memref<!tpu.dma_semaphore, #tpu.memory_space<semaphore_mem>>) src(%dma_wait3A_399 : memref<10000x128xf32, #tpu.memory_space<hbm>>) dst(%arg10 : memref<128x128xf32, #tpu.memory_space<vmem>>)
        %parallel_loop3A = arith.constant 0 : i32
        %parallel_loop3A_400 = arith.constant 128 : i32
        %parallel_loop3A_401 = arith.constant 1 : i32
        scf.for %parallel_loop3A_567 = %parallel_loop3A to %parallel_loop3A_400 step %parallel_loop3A_401  : i32 {
          %parallel_loop3A_568 = vector.broadcast %parallel_loop3A_567 : i32 to vector<16xi32>
          %parallel_loop3A_569 = arith.constant 0 : i32
          %parallel_loop3A_570 = arith.constant 0 : i32
          %parallel_loop3A_571 = tpu.memref_slice %run_scoped3A_30[%rem3A_376, %parallel_loop3A_569, %parallel_loop3A_570] : memref<2x1x128xf32, #tpu.memory_space<vmem>> -> memref<1x1x128xf32, #tpu.memory_space<vmem>>
          %parallel_loop3A_572 = tpu.memref_squeeze %parallel_loop3A_571 : memref<1x1x128xf32, #tpu.memory_space<vmem>> -> memref<1x128xf32, #tpu.memory_space<vmem>>
          %parallel_loop3A_573 = tpu.vector_load_idx %parallel_loop3A_572[%broadcast_in_dim3A_7, %parallel_loop3A_568] : memref<1x128xf32, #tpu.memory_space<vmem>>[vector<16xi32>, vector<16xi32>], vector<16xf32>,
          %parallel_loop3A_574 = arith.index_cast %parallel_loop3A_567 : i32 to index
          %parallel_loop3A_575 = arith.constant 0 : index
          %parallel_loop3A_576 = tpu.vector_load %arg10[%parallel_loop3A_574, %parallel_loop3A_575] {strides = array<i32>} : memref<128x128xf32, #tpu.memory_space<vmem>>, vector<16xf32>,
          %parallel_loop3A_577 = arith.constant 0 : i32
          %parallel_loop3A_578 = arith.constant 0 : i32
          %parallel_loop3A_579 = tpu.memref_slice %run_scoped3A_28[%rem3A_374, %parallel_loop3A_577, %parallel_loop3A_578] : memref<2x128x128xf32, #tpu.memory_space<vmem>> -> memref<1x128x128xf32, #tpu.memory_space<vmem>>
          %parallel_loop3A_580 = tpu.memref_squeeze %parallel_loop3A_579 : memref<1x128x128xf32, #tpu.memory_space<vmem>> -> memref<128x128xf32, #tpu.memory_space<vmem>>
          %parallel_loop3A_581 = arith.index_cast %parallel_loop3A_567 : i32 to index
          %parallel_loop3A_582 = arith.constant 0 : index
          %parallel_loop3A_583 = tpu.vector_load %parallel_loop3A_580[%parallel_loop3A_581, %parallel_loop3A_582] {strides = array<i32>} : memref<128x128xf32, #tpu.memory_space<vmem>>, vector<16xf32>,
          %parallel_loop3A_584 = arith.addf %parallel_loop3A_576, %parallel_loop3A_583 : vector<16xf32>
          %parallel_loop3A_585 = arith.constant 0.000000e+00 : f32
          %parallel_loop3A_586 = vector.broadcast %parallel_loop3A_585 : f32 to vector<16xf32>
          %parallel_loop3A_587 = arith.maximumf %parallel_loop3A_584, %parallel_loop3A_586 : vector<16xf32>
          %parallel_loop3A_588 = arith.mulf %parallel_loop3A_587, %parallel_loop3A_573 : vector<16xf32>
          %parallel_loop3A_589 = arith.index_cast %parallel_loop3A_567 : i32 to index
          %parallel_loop3A_590 = arith.constant 0 : index
          %parallel_loop3A_591 = tpu.vector_load %arg10[%parallel_loop3A_589, %parallel_loop3A_590] {strides = array<i32>} : memref<128x128xf32, #tpu.memory_space<vmem>>, vector<16xf32>,
          tpu.vector_store %arg10[%parallel_loop3A_589, %parallel_loop3A_590], %parallel_loop3A_588 {strides = array<i32>} : memref<128x128xf32, #tpu.memory_space<vmem>>, vector<16xf32>,
          %parallel_loop3A_592 = arith.index_cast %parallel_loop3A_567 : i32 to index
          %parallel_loop3A_593 = arith.constant 16 : index
          %parallel_loop3A_594 = tpu.vector_load %arg10[%parallel_loop3A_592, %parallel_loop3A_593] {strides = array<i32>} : memref<128x128xf32, #tpu.memory_space<vmem>>, vector<16xf32>,
          %parallel_loop3A_595 = arith.constant 0 : i32
          %parallel_loop3A_596 = arith.constant 0 : i32
          %parallel_loop3A_597 = tpu.memref_slice %run_scoped3A_28[%rem3A_374, %parallel_loop3A_595, %parallel_loop3A_596] : memref<2x128x128xf32, #tpu.memory_space<vmem>> -> memref<1x128x128xf32, #tpu.memory_space<vmem>>
          %parallel_loop3A_598 = tpu.memref_squeeze %parallel_loop3A_597 : memref<1x128x128xf32, #tpu.memory_space<vmem>> -> memref<128x128xf32, #tpu.memory_space<vmem>>
          %parallel_loop3A_599 = arith.index_cast %parallel_loop3A_567 : i32 to index
          %parallel_loop3A_600 = arith.constant 16 : index
          %parallel_loop3A_601 = tpu.vector_load %parallel_loop3A_598[%parallel_loop3A_599, %parallel_loop3A_600] {strides = array<i32>} : memref<128x128xf32, #tpu.memory_space<vmem>>, vector<16xf32>,
          %parallel_loop3A_602 = arith.addf %parallel_loop3A_594, %parallel_loop3A_601 : vector<16xf32>
          %parallel_loop3A_603 = arith.constant 0.000000e+00 : f32
          %parallel_loop3A_604 = vector.broadcast %parallel_loop3A_603 : f32 to vector<16xf32>
          %parallel_loop3A_605 = arith.maximumf %parallel_loop3A_602, %parallel_loop3A_604 : vector<16xf32>
          %parallel_loop3A_606 = arith.mulf %parallel_loop3A_605, %parallel_loop3A_573 : vector<16xf32>
          %parallel_loop3A_607 = arith.index_cast %parallel_loop3A_567 : i32 to index
          %parallel_loop3A_608 = arith.constant 16 : index
          %parallel_loop3A_609 = tpu.vector_load %arg10[%parallel_loop3A_607, %parallel_loop3A_608] {strides = array<i32>} : memref<128x128xf32, #tpu.memory_space<vmem>>, vector<16xf32>,
          tpu.vector_store %arg10[%parallel_loop3A_607, %parallel_loop3A_608], %parallel_loop3A_606 {strides = array<i32>} : memref<128x128xf32, #tpu.memory_space<vmem>>, vector<16xf32>,
          %parallel_loop3A_610 = arith.index_cast %parallel_loop3A_567 : i32 to index
          %parallel_loop3A_611 = arith.constant 32 : index
          %parallel_loop3A_612 = tpu.vector_load %arg10[%parallel_loop3A_610, %parallel_loop3A_611] {strides = array<i32>} : memref<128x128xf32, #tpu.memory_space<vmem>>, vector<16xf32>,
          %parallel_loop3A_613 = arith.constant 0 : i32
          %parallel_loop3A_614 = arith.constant 0 : i32
          %parallel_loop3A_615 = tpu.memref_slice %run_scoped3A_28[%rem3A_374, %parallel_loop3A_613, %parallel_loop3A_614] : memref<2x128x128xf32, #tpu.memory_space<vmem>> -> memref<1x128x128xf32, #tpu.memory_space<vmem>>
          %parallel_loop3A_616 = tpu.memref_squeeze %parallel_loop3A_615 : memref<1x128x128xf32, #tpu.memory_space<vmem>> -> memref<128x128xf32, #tpu.memory_space<vmem>>
          %parallel_loop3A_617 = arith.index_cast %parallel_loop3A_567 : i32 to index
          %parallel_loop3A_618 = arith.constant 32 : index
          %parallel_loop3A_619 = tpu.vector_load %parallel_loop3A_616[%parallel_loop3A_617, %parallel_loop3A_618] {strides = array<i32>} : memref<128x128xf32, #tpu.memory_space<vmem>>, vector<16xf32>,
          %parallel_loop3A_620 = arith.addf %parallel_loop3A_612, %parallel_loop3A_619 : vector<16xf32>
          %parallel_loop3A_621 = arith.constant 0.000000e+00 : f32
          %parallel_loop3A_622 = vector.broadcast %parallel_loop3A_621 : f32 to vector<16xf32>
          %parallel_loop3A_623 = arith.maximumf %parallel_loop3A_620, %parallel_loop3A_622 : vector<16xf32>
          %parallel_loop3A_624 = arith.mulf %parallel_loop3A_623, %parallel_loop3A_573 : vector<16xf32>
          %parallel_loop3A_625 = arith.index_cast %parallel_loop3A_567 : i32 to index
          %parallel_loop3A_626 = arith.constant 32 : index
          %parallel_loop3A_627 = tpu.vector_load %arg10[%parallel_loop3A_625, %parallel_loop3A_626] {strides = array<i32>} : memref<128x128xf32, #tpu.memory_space<vmem>>, vector<16xf32>,
          tpu.vector_store %arg10[%parallel_loop3A_625, %parallel_loop3A_626], %parallel_loop3A_624 {strides = array<i32>} : memref<128x128xf32, #tpu.memory_space<vmem>>, vector<16xf32>,
          %parallel_loop3A_628 = arith.index_cast %parallel_loop3A_567 : i32 to index
          %parallel_loop3A_629 = arith.constant 48 : index
          %parallel_loop3A_630 = tpu.vector_load %arg10[%parallel_loop3A_628, %parallel_loop3A_629] {strides = array<i32>} : memref<128x128xf32, #tpu.memory_space<vmem>>, vector<16xf32>,
          %parallel_loop3A_631 = arith.constant 0 : i32
          %parallel_loop3A_632 = arith.constant 0 : i32
          %parallel_loop3A_633 = tpu.memref_slice %run_scoped3A_28[%rem3A_374, %parallel_loop3A_631, %parallel_loop3A_632] : memref<2x128x128xf32, #tpu.memory_space<vmem>> -> memref<1x128x128xf32, #tpu.memory_space<vmem>>
          %parallel_loop3A_634 = tpu.memref_squeeze %parallel_loop3A_633 : memref<1x128x128xf32, #tpu.memory_space<vmem>> -> memref<128x128xf32, #tpu.memory_space<vmem>>
          %parallel_loop3A_635 = arith.index_cast %parallel_loop3A_567 : i32 to index
          %parallel_loop3A_636 = arith.constant 48 : index
          %parallel_loop3A_637 = tpu.vector_load %parallel_loop3A_634[%parallel_loop3A_635, %parallel_loop3A_636] {strides = array<i32>} : memref<128x128xf32, #tpu.memory_space<vmem>>, vector<16xf32>,
          %parallel_loop3A_638 = arith.addf %parallel_loop3A_630, %parallel_loop3A_637 : vector<16xf32>
          %parallel_loop3A_639 = arith.constant 0.000000e+00 : f32
          %parallel_loop3A_640 = vector.broadcast %parallel_loop3A_639 : f32 to vector<16xf32>
          %parallel_loop3A_641 = arith.maximumf %parallel_loop3A_638, %parallel_loop3A_640 : vector<16xf32>
          %parallel_loop3A_642 = arith.mulf %parallel_loop3A_641, %parallel_loop3A_573 : vector<16xf32>
          %parallel_loop3A_643 = arith.index_cast %parallel_loop3A_567 : i32 to index
          %parallel_loop3A_644 = arith.constant 48 : index
          %parallel_loop3A_645 = tpu.vector_load %arg10[%parallel_loop3A_643, %parallel_loop3A_644] {strides = array<i32>} : memref<128x128xf32, #tpu.memory_space<vmem>>, vector<16xf32>,
          tpu.vector_store %arg10[%parallel_loop3A_643, %parallel_loop3A_644], %parallel_loop3A_642 {strides = array<i32>} : memref<128x128xf32, #tpu.memory_space<vmem>>, vector<16xf32>,
          %parallel_loop3A_646 = arith.index_cast %parallel_loop3A_567 : i32 to index
          %parallel_loop3A_647 = arith.constant 64 : index
          %parallel_loop3A_648 = tpu.vector_load %arg10[%parallel_loop3A_646, %parallel_loop3A_647] {strides = array<i32>} : memref<128x128xf32, #tpu.memory_space<vmem>>, vector<16xf32>,
          %parallel_loop3A_649 = arith.constant 0 : i32
          %parallel_loop3A_650 = arith.constant 0 : i32
          %parallel_loop3A_651 = tpu.memref_slice %run_scoped3A_28[%rem3A_374, %parallel_loop3A_649, %parallel_loop3A_650] : memref<2x128x128xf32, #tpu.memory_space<vmem>> -> memref<1x128x128xf32, #tpu.memory_space<vmem>>
          %parallel_loop3A_652 = tpu.memref_squeeze %parallel_loop3A_651 : memref<1x128x128xf32, #tpu.memory_space<vmem>> -> memref<128x128xf32, #tpu.memory_space<vmem>>
          %parallel_loop3A_653 = arith.index_cast %parallel_loop3A_567 : i32 to index
          %parallel_loop3A_654 = arith.constant 64 : index
          %parallel_loop3A_655 = tpu.vector_load %parallel_loop3A_652[%parallel_loop3A_653, %parallel_loop3A_654] {strides = array<i32>} : memref<128x128xf32, #tpu.memory_space<vmem>>, vector<16xf32>,
          %parallel_loop3A_656 = arith.addf %parallel_loop3A_648, %parallel_loop3A_655 : vector<16xf32>
          %parallel_loop3A_657 = arith.constant 0.000000e+00 : f32
          %parallel_loop3A_658 = vector.broadcast %parallel_loop3A_657 : f32 to vector<16xf32>
          %parallel_loop3A_659 = arith.maximumf %parallel_loop3A_656, %parallel_loop3A_658 : vector<16xf32>
          %parallel_loop3A_660 = arith.mulf %parallel_loop3A_659, %parallel_loop3A_573 : vector<16xf32>
          %parallel_loop3A_661 = arith.index_cast %parallel_loop3A_567 : i32 to index
          %parallel_loop3A_662 = arith.constant 64 : index
          %parallel_loop3A_663 = tpu.vector_load %arg10[%parallel_loop3A_661, %parallel_loop3A_662] {strides = array<i32>} : memref<128x128xf32, #tpu.memory_space<vmem>>, vector<16xf32>,
          tpu.vector_store %arg10[%parallel_loop3A_661, %parallel_loop3A_662], %parallel_loop3A_660 {strides = array<i32>} : memref<128x128xf32, #tpu.memory_space<vmem>>, vector<16xf32>,
          %parallel_loop3A_664 = arith.index_cast %parallel_loop3A_567 : i32 to index
          %parallel_loop3A_665 = arith.constant 80 : index
          %parallel_loop3A_666 = tpu.vector_load %arg10[%parallel_loop3A_664, %parallel_loop3A_665] {strides = array<i32>} : memref<128x128xf32, #tpu.memory_space<vmem>>, vector<16xf32>,
          %parallel_loop3A_667 = arith.constant 0 : i32
          %parallel_loop3A_668 = arith.constant 0 : i32
          %parallel_loop3A_669 = tpu.memref_slice %run_scoped3A_28[%rem3A_374, %parallel_loop3A_667, %parallel_loop3A_668] : memref<2x128x128xf32, #tpu.memory_space<vmem>> -> memref<1x128x128xf32, #tpu.memory_space<vmem>>
          %parallel_loop3A_670 = tpu.memref_squeeze %parallel_loop3A_669 : memref<1x128x128xf32, #tpu.memory_space<vmem>> -> memref<128x128xf32, #tpu.memory_space<vmem>>
          %parallel_loop3A_671 = arith.index_cast %parallel_loop3A_567 : i32 to index
          %parallel_loop3A_672 = arith.constant 80 : index
          %parallel_loop3A_673 = tpu.vector_load %parallel_loop3A_670[%parallel_loop3A_671, %parallel_loop3A_672] {strides = array<i32>} : memref<128x128xf32, #tpu.memory_space<vmem>>, vector<16xf32>,
          %parallel_loop3A_674 = arith.addf %parallel_loop3A_666, %parallel_loop3A_673 : vector<16xf32>
          %parallel_loop3A_675 = arith.constant 0.000000e+00 : f32
          %parallel_loop3A_676 = vector.broadcast %parallel_loop3A_675 : f32 to vector<16xf32>
          %parallel_loop3A_677 = arith.maximumf %parallel_loop3A_674, %parallel_loop3A_676 : vector<16xf32>
          %parallel_loop3A_678 = arith.mulf %parallel_loop3A_677, %parallel_loop3A_573 : vector<16xf32>
          %parallel_loop3A_679 = arith.index_cast %parallel_loop3A_567 : i32 to index
          %parallel_loop3A_680 = arith.constant 80 : index
          %parallel_loop3A_681 = tpu.vector_load %arg10[%parallel_loop3A_679, %parallel_loop3A_680] {strides = array<i32>} : memref<128x128xf32, #tpu.memory_space<vmem>>, vector<16xf32>,
          tpu.vector_store %arg10[%parallel_loop3A_679, %parallel_loop3A_680], %parallel_loop3A_678 {strides = array<i32>} : memref<128x128xf32, #tpu.memory_space<vmem>>, vector<16xf32>,
          %parallel_loop3A_682 = arith.index_cast %parallel_loop3A_567 : i32 to index
          %parallel_loop3A_683 = arith.constant 96 : index
          %parallel_loop3A_684 = tpu.vector_load %arg10[%parallel_loop3A_682, %parallel_loop3A_683] {strides = array<i32>} : memref<128x128xf32, #tpu.memory_space<vmem>>, vector<16xf32>,
          %parallel_loop3A_685 = arith.constant 0 : i32
          %parallel_loop3A_686 = arith.constant 0 : i32
          %parallel_loop3A_687 = tpu.memref_slice %run_scoped3A_28[%rem3A_374, %parallel_loop3A_685, %parallel_loop3A_686] : memref<2x128x128xf32, #tpu.memory_space<vmem>> -> memref<1x128x128xf32, #tpu.memory_space<vmem>>
          %parallel_loop3A_688 = tpu.memref_squeeze %parallel_loop3A_687 : memref<1x128x128xf32, #tpu.memory_space<vmem>> -> memref<128x128xf32, #tpu.memory_space<vmem>>
          %parallel_loop3A_689 = arith.index_cast %parallel_loop3A_567 : i32 to index
          %parallel_loop3A_690 = arith.constant 96 : index
          %parallel_loop3A_691 = tpu.vector_load %parallel_loop3A_688[%parallel_loop3A_689, %parallel_loop3A_690] {strides = array<i32>} : memref<128x128xf32, #tpu.memory_space<vmem>>, vector<16xf32>,
          %parallel_loop3A_692 = arith.addf %parallel_loop3A_684, %parallel_loop3A_691 : vector<16xf32>
          %parallel_loop3A_693 = arith.constant 0.000000e+00 : f32
          %parallel_loop3A_694 = vector.broadcast %parallel_loop3A_693 : f32 to vector<16xf32>
          %parallel_loop3A_695 = arith.maximumf %parallel_loop3A_692, %parallel_loop3A_694 : vector<16xf32>
          %parallel_loop3A_696 = arith.mulf %parallel_loop3A_695, %parallel_loop3A_573 : vector<16xf32>
          %parallel_loop3A_697 = arith.index_cast %parallel_loop3A_567 : i32 to index
          %parallel_loop3A_698 = arith.constant 96 : index
          %parallel_loop3A_699 = tpu.vector_load %arg10[%parallel_loop3A_697, %parallel_loop3A_698] {strides = array<i32>} : memref<128x128xf32, #tpu.memory_space<vmem>>, vector<16xf32>,
          tpu.vector_store %arg10[%parallel_loop3A_697, %parallel_loop3A_698], %parallel_loop3A_696 {strides = array<i32>} : memref<128x128xf32, #tpu.memory_space<vmem>>, vector<16xf32>,
          %parallel_loop3A_700 = arith.index_cast %parallel_loop3A_567 : i32 to index
          %parallel_loop3A_701 = arith.constant 112 : index
          %parallel_loop3A_702 = tpu.vector_load %arg10[%parallel_loop3A_700, %parallel_loop3A_701] {strides = array<i32>} : memref<128x128xf32, #tpu.memory_space<vmem>>, vector<16xf32>,
          %parallel_loop3A_703 = arith.constant 0 : i32
          %parallel_loop3A_704 = arith.constant 0 : i32
          %parallel_loop3A_705 = tpu.memref_slice %run_scoped3A_28[%rem3A_374, %parallel_loop3A_703, %parallel_loop3A_704] : memref<2x128x128xf32, #tpu.memory_space<vmem>> -> memref<1x128x128xf32, #tpu.memory_space<vmem>>
          %parallel_loop3A_706 = tpu.memref_squeeze %parallel_loop3A_705 : memref<1x128x128xf32, #tpu.memory_space<vmem>> -> memref<128x128xf32, #tpu.memory_space<vmem>>
          %parallel_loop3A_707 = arith.index_cast %parallel_loop3A_567 : i32 to index
          %parallel_loop3A_708 = arith.constant 112 : index
          %parallel_loop3A_709 = tpu.vector_load %parallel_loop3A_706[%parallel_loop3A_707, %parallel_loop3A_708] {strides = array<i32>} : memref<128x128xf32, #tpu.memory_space<vmem>>, vector<16xf32>,
          %parallel_loop3A_710 = arith.addf %parallel_loop3A_702, %parallel_loop3A_709 : vector<16xf32>
          %parallel_loop3A_711 = arith.constant 0.000000e+00 : f32
          %parallel_loop3A_712 = vector.broadcast %parallel_loop3A_711 : f32 to vector<16xf32>
          %parallel_loop3A_713 = arith.maximumf %parallel_loop3A_710, %parallel_loop3A_712 : vector<16xf32>
          %parallel_loop3A_714 = arith.mulf %parallel_loop3A_713, %parallel_loop3A_573 : vector<16xf32>
          %parallel_loop3A_715 = arith.index_cast %parallel_loop3A_567 : i32 to index
          %parallel_loop3A_716 = arith.constant 112 : index
          %parallel_loop3A_717 = tpu.vector_load %arg10[%parallel_loop3A_715, %parallel_loop3A_716] {strides = array<i32>} : memref<128x128xf32, #tpu.memory_space<vmem>>, vector<16xf32>,
          tpu.vector_store %arg10[%parallel_loop3A_715, %parallel_loop3A_716], %parallel_loop3A_714 {strides = array<i32>} : memref<128x128xf32, #tpu.memory_space<vmem>>, vector<16xf32>,
        } {sc.loop_unroll_factor = 4 : i64, sc.parallel_access}
        %run_scoped3A_402 = arith.constant 0 : i32
        "tpu.region"() ({
          %run_scoped3A_567 = tpu.sem_alloc : memref<!tpu.dma_semaphore, #tpu.memory_space<semaphore_mem>>
          %dma_start3A_568 = arith.constant 0 : i32
          %dma_start3A_569 = arith.constant 0 : i32
          %dma_start3A_570 = tpu.memref_slice %run_scoped3A_32[%rem3A_378, %dma_start3A_568, %dma_start3A_569] : memref<2x1x128xi32, #tpu.memory_space<vmem>> -> memref<1x1x128xi32, #tpu.memory_space<vmem>>
          %dma_start3A_571 = tpu.memref_squeeze %dma_start3A_570 : memref<1x1x128xi32, #tpu.memory_space<vmem>> -> memref<1x128xi32, #tpu.memory_space<vmem>>
          %dma_start3A_572 = arith.constant 0 : i32
          %dma_start3A_573 = tpu.memref_slice %dma_start3A_571[%run_scoped3A_402, %dma_start3A_572] : memref<1x128xi32, #tpu.memory_space<vmem>> -> memref<1x128xi32, #tpu.memory_space<vmem>>
          %dma_start3A_574 = tpu.memref_squeeze %dma_start3A_573 : memref<1x128xi32, #tpu.memory_space<vmem>> -> memref<128xi32, #tpu.memory_space<vmem>>
          %dma_start3A_575 = arith.constant 0 : i32
          %dma_start3A_576 = arith.constant 0 : i32
          %dma_start3A_577 = tpu.memref_slice %arg9[%dma_start3A_575, %dma_start3A_576] : memref<10000x128xf32, #tpu.memory_space<vmem_shared>> -> memref<10000x128xf32, #tpu.memory_space<vmem_shared>>
          tpu.enqueue_indirect_dma source(%arg10 : memref<128x128xf32, #tpu.memory_space<vmem>>) target(%dma_start3A_577 : memref<10000x128xf32, #tpu.memory_space<vmem_shared>>) offsets(%dma_start3A_574 : memref<128xi32, #tpu.memory_space<vmem>>) semaphore(%run_scoped3A_567 : memref<!tpu.dma_semaphore, #tpu.memory_space<semaphore_mem>>) {add = true}
          %dma_wait3A_578 = arith.constant 0 : i32
          %dma_wait3A_579 = arith.constant 0 : i32
          %dma_wait3A_580 = tpu.memref_slice %run_scoped3A_32[%rem3A_378, %dma_wait3A_578, %dma_wait3A_579] : memref<2x1x128xi32, #tpu.memory_space<vmem>> -> memref<1x1x128xi32, #tpu.memory_space<vmem>>
          %dma_wait3A_581 = tpu.memref_squeeze %dma_wait3A_580 : memref<1x1x128xi32, #tpu.memory_space<vmem>> -> memref<1x128xi32, #tpu.memory_space<vmem>>
          %dma_wait3A_582 = arith.constant 0 : i32
          %dma_wait3A_583 = tpu.memref_slice %dma_wait3A_581[%run_scoped3A_402, %dma_wait3A_582] : memref<1x128xi32, #tpu.memory_space<vmem>> -> memref<1x128xi32, #tpu.memory_space<vmem>>
          %dma_wait3A_584 = tpu.memref_squeeze %dma_wait3A_583 : memref<1x128xi32, #tpu.memory_space<vmem>> -> memref<128xi32, #tpu.memory_space<vmem>>
          %dma_wait3A_585 = arith.constant 0 : i32
          %dma_wait3A_586 = arith.constant 0 : i32
          %dma_wait3A_587 = tpu.memref_slice %arg9[%dma_wait3A_585, %dma_wait3A_586] : memref<10000x128xf32, #tpu.memory_space<vmem_shared>> -> memref<10000x128xf32, #tpu.memory_space<vmem_shared>>
          tpu.wait_indirect_dma semaphore(%run_scoped3A_567 : memref<!tpu.dma_semaphore, #tpu.memory_space<semaphore_mem>>) src(%arg10 : memref<128x128xf32, #tpu.memory_space<vmem>>) dst(%dma_wait3A_587 : memref<10000x128xf32, #tpu.memory_space<vmem_shared>>)
          tpu.yield
        }) : () -> ()
        "tpu.trace_stop"() : () -> ()
        %min3A_403 = arith.constant 2499 : i32
        %min3A_404 = arith.minsi %add3A_224, %min3A_403 : i32
        %min3A_405 = arith.constant 2499 : i32
        %min3A_406 = arith.minsi %add3A_242, %min3A_405 : i32
        %ne3A_407 = arith.cmpi ne, %min3A_404, %min3A_406 : i32
        %or3A_408 = arith.constant false
        %or3A_409 = arith.ori %or3A_408, %ne3A_407 : i1
        %or3A_410 = arith.ori %or3A_409, %eq3A_223 : i1
        %convert_element_type3A_411 = arith.extui %or3A_410 : i1 to i32
        %cond3A_412 = arith.constant 0 : i32
        %cond3A_413 = arith.cmpi ne, %convert_element_type3A_411, %cond3A_412 : i32
        scf.if %cond3A_413 {
        } else {
        }
        %and3A_414 = arith.constant false
        %and3A_415 = arith.andi %or3A_410, %and3A_414 : i1
        %min3A_416 = arith.constant 2499 : i32
        %min3A_417 = arith.minsi %add3A_224, %min3A_416 : i32
        %min3A_418 = arith.constant 2499 : i32
        %min3A_419 = arith.minsi %add3A_242, %min3A_418 : i32
        %ne3A_420 = arith.cmpi ne, %min3A_417, %min3A_419 : i32
        %or3A_421 = arith.constant false
        %or3A_422 = arith.ori %or3A_421, %ne3A_420 : i1
        %or3A_423 = arith.constant false
        %or3A_424 = arith.ori %or3A_422, %or3A_423 : i1
        %or3A_425 = arith.ori %or3A_424, %eq3A_223 : i1
        %convert_element_type3A_426 = arith.extui %or3A_425 : i1 to i32
        %cond3A_427 = arith.constant 0 : i32
        %cond3A_428 = arith.cmpi ne, %convert_element_type3A_426, %cond3A_427 : i32
        scf.if %cond3A_428 {
        } else {
        }
        %and3A_429 = arith.constant false
        %and3A_430 = arith.andi %or3A_425, %and3A_429 : i1
        %ne3A_431 = arith.cmpi ne, %add3A_224, %add3A_242 : i32
        %or3A_432 = arith.constant false
        %or3A_433 = arith.ori %or3A_432, %ne3A_431 : i1
        %or3A_434 = arith.constant false
        %or3A_435 = arith.ori %or3A_433, %or3A_434 : i1
        %or3A_436 = arith.ori %or3A_435, %eq3A_223 : i1
        %convert_element_type3A_437 = arith.extui %or3A_436 : i1 to i32
        %cond3A_438 = arith.constant 0 : i32
        %cond3A_439 = arith.cmpi ne, %convert_element_type3A_437, %cond3A_438 : i32
        scf.if %cond3A_439 {
        } else {
        }
        %and3A_440 = arith.constant false
        %and3A_441 = arith.andi %or3A_436, %and3A_440 : i1
        %min3A_442 = arith.constant 2499 : i32
        %min3A_443 = arith.minsi %add3A_224, %min3A_442 : i32
        %min3A_444 = arith.constant 2499 : i32
        %min3A_445 = arith.minsi %add3A_242, %min3A_444 : i32
        %ne3A_446 = arith.cmpi ne, %min3A_443, %min3A_445 : i32
        %or3A_447 = arith.constant false
        %or3A_448 = arith.ori %or3A_447, %ne3A_446 : i1
        %or3A_449 = arith.ori %or3A_448, %eq3A_223 : i1
        %convert_element_type3A_450 = arith.extui %or3A_449 : i1 to i32
        %cond3A_451 = arith.constant 0 : i32
        %cond3A_452 = arith.cmpi ne, %convert_element_type3A_450, %cond3A_451 : i32
        scf.if %cond3A_452 {
        } else {
        }
        %and3A_453 = arith.constant false
        %and3A_454 = arith.andi %or3A_449, %and3A_453 : i1
        %min3A_455 = arith.constant 2499 : i32
        %min3A_456 = arith.minsi %add3A_224, %min3A_455 : i32
        %min3A_457 = arith.constant 2499 : i32
        %min3A_458 = arith.minsi %add3A_233, %min3A_457 : i32
        %ne3A_459 = arith.cmpi ne, %min3A_456, %min3A_458 : i32
        %or3A_460 = arith.constant false
        %or3A_461 = arith.ori %or3A_460, %ne3A_459 : i1
        %not3A_462 = arith.constant true
        %not3A_463 = arith.xori %eq3A_221, %not3A_462 : i1
        %and3A_464 = arith.andi %or3A_461, %not3A_463 : i1
        %convert_element_type3A_465 = arith.extui %and3A_464 : i1 to i32
        %cond3A_466 = arith.constant 0 : i32
        %cond3A_467 = arith.cmpi ne, %convert_element_type3A_465, %cond3A_466 : i32
        scf.if %cond3A_467 {
        } else {
        }
        %and3A_468 = arith.constant false
        %and3A_469 = arith.andi %and3A_464, %and3A_468 : i1
        %min3A_470 = arith.constant 2499 : i32
        %min3A_471 = arith.minsi %add3A_224, %min3A_470 : i32
        %min3A_472 = arith.constant 2499 : i32
        %min3A_473 = arith.minsi %add3A_233, %min3A_472 : i32
        %ne3A_474 = arith.cmpi ne, %min3A_471, %min3A_473 : i32
        %or3A_475 = arith.constant false
        %or3A_476 = arith.ori %or3A_475, %ne3A_474 : i1
        %or3A_477 = arith.constant false
        %or3A_478 = arith.ori %or3A_476, %or3A_477 : i1
        %not3A_479 = arith.constant true
        %not3A_480 = arith.xori %eq3A_221, %not3A_479 : i1
        %and3A_481 = arith.andi %or3A_478, %not3A_480 : i1
        %convert_element_type3A_482 = arith.extui %and3A_481 : i1 to i32
        %cond3A_483 = arith.constant 0 : i32
        %cond3A_484 = arith.cmpi ne, %convert_element_type3A_482, %cond3A_483 : i32
        scf.if %cond3A_484 {
        } else {
        }
        %and3A_485 = arith.constant false
        %and3A_486 = arith.andi %and3A_481, %and3A_485 : i1
        %ne3A_487 = arith.cmpi ne, %add3A_224, %add3A_233 : i32
        %or3A_488 = arith.constant false
        %or3A_489 = arith.ori %or3A_488, %ne3A_487 : i1
        %or3A_490 = arith.constant false
        %or3A_491 = arith.ori %or3A_489, %or3A_490 : i1
        %not3A_492 = arith.constant true
        %not3A_493 = arith.xori %eq3A_221, %not3A_492 : i1
        %and3A_494 = arith.andi %or3A_491, %not3A_493 : i1
        %convert_element_type3A_495 = arith.extui %and3A_494 : i1 to i32
        %cond3A_496 = arith.constant 0 : i32
        %cond3A_497 = arith.cmpi ne, %convert_element_type3A_495, %cond3A_496 : i32
        scf.if %cond3A_497 {
        } else {
        }
        %and3A_498 = arith.constant false
        %and3A_499 = arith.andi %and3A_494, %and3A_498 : i1
        %min3A_500 = arith.constant 2499 : i32
        %min3A_501 = arith.minsi %add3A_224, %min3A_500 : i32
        %min3A_502 = arith.constant 2499 : i32
        %min3A_503 = arith.minsi %add3A_233, %min3A_502 : i32
        %ne3A_504 = arith.cmpi ne, %min3A_501, %min3A_503 : i32
        %or3A_505 = arith.constant false
        %or3A_506 = arith.ori %or3A_505, %ne3A_504 : i1
        %not3A_507 = arith.constant true
        %not3A_508 = arith.xori %eq3A_221, %not3A_507 : i1
        %and3A_509 = arith.andi %or3A_506, %not3A_508 : i1
        %convert_element_type3A_510 = arith.extui %and3A_509 : i1 to i32
        %cond3A_511 = arith.constant 0 : i32
        %cond3A_512 = arith.cmpi ne, %convert_element_type3A_510, %cond3A_511 : i32
        scf.if %cond3A_512 {
        } else {
        }
        %and3A_513 = arith.constant false
        %and3A_514 = arith.andi %and3A_509, %and3A_513 : i1
        %min3A_515 = arith.constant 2499 : i32
        %min3A_516 = arith.minsi %add3A_224, %min3A_515 : i32
        %min3A_517 = arith.constant 2499 : i32
        %min3A_518 = arith.minsi %add3A_242, %min3A_517 : i32
        %ne3A_519 = arith.cmpi ne, %min3A_516, %min3A_518 : i32
        %or3A_520 = arith.constant false
        %or3A_521 = arith.ori %or3A_520, %ne3A_519 : i1
        %or3A_522 = arith.ori %or3A_521, %eq3A_223 : i1
        %add3A_523 = arith.constant 1 : i32
        %add3A_524 = arith.addi %scan3A_212, %add3A_523 : i32
        %select_n3A_525 = arith.select %or3A_522, %add3A_524, %scan3A_212 : i32
        %min3A_526 = arith.constant 2499 : i32
        %min3A_527 = arith.minsi %add3A_224, %min3A_526 : i32
        %min3A_528 = arith.constant 2499 : i32
        %min3A_529 = arith.minsi %add3A_242, %min3A_528 : i32
        %ne3A_530 = arith.cmpi ne, %min3A_527, %min3A_529 : i32
        %or3A_531 = arith.constant false
        %or3A_532 = arith.ori %or3A_531, %ne3A_530 : i1
        %or3A_533 = arith.constant false
        %or3A_534 = arith.ori %or3A_532, %or3A_533 : i1
        %or3A_535 = arith.ori %or3A_534, %eq3A_223 : i1
        %add3A_536 = arith.constant 1 : i32
        %add3A_537 = arith.addi %scan3A_214, %add3A_536 : i32
        %select_n3A_538 = arith.select %or3A_535, %add3A_537, %scan3A_214 : i32
        %ne3A_539 = arith.cmpi ne, %add3A_224, %add3A_242 : i32
        %or3A_540 = arith.constant false
        %or3A_541 = arith.ori %or3A_540, %ne3A_539 : i1
        %or3A_542 = arith.constant false
        %or3A_543 = arith.ori %or3A_541, %or3A_542 : i1
        %or3A_544 = arith.ori %or3A_543, %eq3A_223 : i1
        %add3A_545 = arith.constant 1 : i32
        %add3A_546 = arith.addi %scan3A_216, %add3A_545 : i32
        %select_n3A_547 = arith.select %or3A_544, %add3A_546, %scan3A_216 : i32
        %min3A_548 = arith.constant 2499 : i32
        %min3A_549 = arith.minsi %add3A_224, %min3A_548 : i32
        %min3A_550 = arith.constant 2499 : i32
        %min3A_551 = arith.minsi %add3A_242, %min3A_550 : i32
        %ne3A_552 = arith.cmpi ne, %min3A_549, %min3A_551 : i32
        %or3A_553 = arith.constant false
        %or3A_554 = arith.ori %or3A_553, %ne3A_552 : i1
        %or3A_555 = arith.ori %or3A_554, %eq3A_223 : i1
        %add3A_556 = arith.constant 1 : i32
        %add3A_557 = arith.addi %scan3A_218, %add3A_556 : i32
        %select_n3A_558 = arith.select %or3A_555, %add3A_557, %scan3A_218 : i32
        %add3A_559 = arith.constant 1 : i32
        %add3A_560 = arith.addi %scan3A_219, %add3A_559 : i32
        %select_n3A_561 = arith.constant true
        %select_n3A_562 = arith.select %select_n3A_561, %add3A_560, %scan3A_219 : i32
        %eq3A_563 = arith.constant 79 : i32
        %eq3A_564 = arith.cmpi eq, %select_n3A_562, %eq3A_563 : i32
        %select_n3A_565 = arith.constant 0 : i32
        %select_n3A_566 = arith.select %eq3A_564, %select_n3A_565, %select_n3A_562 : i32
        scf.yield %select_n3A_266, %select_n3A_525, %select_n3A_288, %select_n3A_538, %select_n3A_306, %select_n3A_547, %select_n3A_326, %select_n3A_558, %select_n3A_566 : i32, i32, i32, i32, i32, i32, i32, i32, i32
      }
      %scan3A_174 = arith.constant 79 : i32
      %sub3A = arith.constant 1 : i32
      %sub3A_175 = arith.subi %scan3A_173#8, %sub3A : i32
      %select_n3A_176 = arith.constant true
      %select_n3A_177 = arith.select %select_n3A_176, %sub3A_175, %scan3A_173#8 : i32
      %eq3A_178 = arith.constant -1 : i32
      %eq3A_179 = arith.cmpi eq, %select_n3A_177, %eq3A_178 : i32
      %select_n3A_180 = arith.constant 78 : i32
      %select_n3A_181 = arith.select %eq3A_179, %select_n3A_180, %select_n3A_177 : i32
      %add3A_182 = arith.addi %select_n3A_181, %mul3A_15 : i32
      %sub3A_183 = arith.constant 1 : i32
      %sub3A_184 = arith.subi %select_n3A_181, %sub3A_183 : i32
      %select_n3A_185 = arith.constant true
      %select_n3A_186 = arith.select %select_n3A_185, %sub3A_184, %select_n3A_181 : i32
      %eq3A_187 = arith.constant -1 : i32
      %eq3A_188 = arith.cmpi eq, %select_n3A_186, %eq3A_187 : i32
      %select_n3A_189 = arith.constant 78 : i32
      %select_n3A_190 = arith.select %eq3A_188, %select_n3A_189, %select_n3A_186 : i32
      %add3A_191 = arith.addi %select_n3A_190, %mul3A_15 : i32
      %add3A_192 = arith.constant 1 : i32
      %add3A_193 = arith.addi %select_n3A_181, %add3A_192 : i32
      %select_n3A_194 = arith.constant true
      %select_n3A_195 = arith.select %select_n3A_194, %add3A_193, %select_n3A_181 : i32
      %eq3A_196 = arith.constant 79 : i32
      %eq3A_197 = arith.cmpi eq, %select_n3A_195, %eq3A_196 : i32
      %select_n3A_198 = arith.constant 0 : i32
      %select_n3A_199 = arith.select %eq3A_197, %select_n3A_198, %select_n3A_195 : i32
      %add3A_200 = arith.addi %select_n3A_199, %mul3A_15 : i32
      %add3A_201 = arith.constant 1 : i32
      %add3A_202 = arith.addi %select_n3A_199, %add3A_201 : i32
      %select_n3A_203 = arith.constant true
      %select_n3A_204 = arith.select %select_n3A_203, %add3A_202, %select_n3A_199 : i32
      %eq3A_205 = arith.constant 79 : i32
      %eq3A_206 = arith.cmpi eq, %select_n3A_204, %eq3A_205 : i32
      %select_n3A_207 = arith.constant 0 : i32
      %select_n3A_208 = arith.select %eq3A_206, %select_n3A_207, %select_n3A_204 : i32
      %add3A_209 = arith.addi %select_n3A_208, %mul3A_15 : i32
      tpu.yield
    }) : () -> ()
    %barrier3A_16 = arith.constant 0 : index
    tpu.barrier barrier_id(%barrier3A_16)
    %lt3A_17 = arith.constant 15 : i32
    %lt3A_18 = arith.cmpi slt, %arg1, %lt3A_17 : i32
    %convert_element_type3A_19 = arith.extui %lt3A_18 : i1 to i32
    %cond3A_20 = arith.constant 0 : i32
    %cond3A_21 = arith.cmpi ne, %convert_element_type3A_19, %cond3A_20 : i32
    scf.if %cond3A_21 {
      "tpu.region"() ({
        %run_scoped3A = tpu.sem_alloc : memref<!tpu.dma_semaphore, #tpu.memory_space<semaphore_mem>>
        %dma_start3A = arith.constant 0 : i32
        %dma_start3A_27 = tpu.memref_slice %arg8[%arg0, %mul3A_0, %dma_start3A] : memref<2x10000x128xf32, #tpu.memory_space<hbm>> -> memref<1x632x128xf32, #tpu.memory_space<hbm>>
        %dma_start3A_28 = tpu.memref_squeeze %dma_start3A_27 : memref<1x632x128xf32, #tpu.memory_space<hbm>> -> memref<632x128xf32, #tpu.memory_space<hbm>>
        %dma_start3A_29 = arith.constant 0 : i32
        %dma_start3A_30 = tpu.memref_slice %arg9[%mul3A_0, %dma_start3A_29] : memref<10000x128xf32, #tpu.memory_space<vmem_shared>> -> memref<632x128xf32, #tpu.memory_space<vmem_shared>>
        tpu.enqueue_dma source(%dma_start3A_30 : memref<632x128xf32, #tpu.memory_space<vmem_shared>>) target(%dma_start3A_28 : memref<632x128xf32, #tpu.memory_space<hbm>>) target_semaphore(%run_scoped3A : memref<!tpu.dma_semaphore, #tpu.memory_space<semaphore_mem>>)
        %dma_wait3A = arith.constant 0 : i32
        %dma_wait3A_31 = tpu.memref_slice %arg8[%arg0, %mul3A_0, %dma_wait3A] : memref<2x10000x128xf32, #tpu.memory_space<hbm>> -> memref<1x632x128xf32, #tpu.memory_space<hbm>>
        %dma_wait3A_32 = tpu.memref_squeeze %dma_wait3A_31 : memref<1x632x128xf32, #tpu.memory_space<hbm>> -> memref<632x128xf32, #tpu.memory_space<hbm>>
        %dma_wait3A_33 = arith.constant 0 : i32
        %dma_wait3A_34 = tpu.memref_slice %arg9[%mul3A_0, %dma_wait3A_33] : memref<10000x128xf32, #tpu.memory_space<vmem_shared>> -> memref<632x128xf32, #tpu.memory_space<vmem_shared>>
        tpu.wait_dma2 semaphore(%run_scoped3A : memref<!tpu.dma_semaphore, #tpu.memory_space<semaphore_mem>>) src(%dma_wait3A_34 : memref<632x128xf32, #tpu.memory_space<vmem_shared>>) dst(%dma_wait3A_32 : memref<632x128xf32, #tpu.memory_space<hbm>>)
        tpu.yield
      }) : () -> ()
    } else {
    }
    %eq3A_22 = arith.constant 15 : i32
    %eq3A_23 = arith.cmpi eq, %arg1, %eq3A_22 : i32
    %convert_element_type3A_24 = arith.extui %eq3A_23 : i1 to i32
    %cond3A_25 = arith.constant 0 : i32
    %cond3A_26 = arith.cmpi ne, %convert_element_type3A_24, %cond3A_25 : i32
    scf.if %cond3A_26 {
      "tpu.region"() ({
        %run_scoped3A = tpu.sem_alloc : memref<!tpu.dma_semaphore, #tpu.memory_space<semaphore_mem>>
        %dma_start3A = arith.constant 0 : i32
        %dma_start3A_27 = tpu.memref_slice %arg8[%arg0, %mul3A_0, %dma_start3A] : memref<2x10000x128xf32, #tpu.memory_space<hbm>> -> memref<1x520x128xf32, #tpu.memory_space<hbm>>
        %dma_start3A_28 = tpu.memref_squeeze %dma_start3A_27 : memref<1x520x128xf32, #tpu.memory_space<hbm>> -> memref<520x128xf32, #tpu.memory_space<hbm>>
        %dma_start3A_29 = arith.constant 0 : i32
        %dma_start3A_30 = tpu.memref_slice %arg9[%mul3A_0, %dma_start3A_29] : memref<10000x128xf32, #tpu.memory_space<vmem_shared>> -> memref<520x128xf32, #tpu.memory_space<vmem_shared>>
        tpu.enqueue_dma source(%dma_start3A_30 : memref<520x128xf32, #tpu.memory_space<vmem_shared>>) target(%dma_start3A_28 : memref<520x128xf32, #tpu.memory_space<hbm>>) target_semaphore(%run_scoped3A : memref<!tpu.dma_semaphore, #tpu.memory_space<semaphore_mem>>)
        %dma_wait3A = arith.constant 0 : i32
        %dma_wait3A_31 = tpu.memref_slice %arg8[%arg0, %mul3A_0, %dma_wait3A] : memref<2x10000x128xf32, #tpu.memory_space<hbm>> -> memref<1x520x128xf32, #tpu.memory_space<hbm>>
        %dma_wait3A_32 = tpu.memref_squeeze %dma_wait3A_31 : memref<1x520x128xf32, #tpu.memory_space<hbm>> -> memref<520x128xf32, #tpu.memory_space<hbm>>
        %dma_wait3A_33 = arith.constant 0 : i32
        %dma_wait3A_34 = tpu.memref_slice %arg9[%mul3A_0, %dma_wait3A_33] : memref<10000x128xf32, #tpu.memory_space<vmem_shared>> -> memref<520x128xf32, #tpu.memory_space<vmem_shared>>
        tpu.wait_dma2 semaphore(%run_scoped3A : memref<!tpu.dma_semaphore, #tpu.memory_space<semaphore_mem>>) src(%dma_wait3A_34 : memref<520x128xf32, #tpu.memory_space<vmem_shared>>) dst(%dma_wait3A_32 : memref<520x128xf32, #tpu.memory_space<hbm>>)
        tpu.yield
      }) : () -> ()
    } else {
    }
    return
  }
}

module attributes {stable_mosaic.version = 14 : i64} {
  func.func @body(%arg0: i32, %arg1: memref<8000x16xf32, #tpu.memory_space<vmem>>, %arg2: memref<16x128xf32, #tpu.memory_space<vmem>>, %arg3: memref<1x128xf32, #tpu.memory_space<vmem>>, %arg4: memref<128x128xf32, #tpu.memory_space<vmem>>, %arg5: memref<1x128xf32, #tpu.memory_space<vmem>>, %arg6: memref<8000x128xf32, #tpu.memory_space<vmem>>) attributes {dimension_semantics = [#tpu.dimension_semantics<arbitrary>], iteration_bounds = array<i64: 40>, scalar_prefetch = 0 : i64, scratch_operands = 0 : i64, tpu.core_type = #tpu.core_type<tc>, window_params = [{transform_indices = @transform_0, window_bounds = array<i64: 8000, 16>}, {pipeline_mode = #tpu.pipeline_mode<synchronous>, transform_indices = @transform_1, window_bounds = array<i64: 16, 128>}, {pipeline_mode = #tpu.pipeline_mode<synchronous>, transform_indices = @transform_2, window_bounds = array<i64: 1, 128>}, {pipeline_mode = #tpu.pipeline_mode<synchronous>, transform_indices = @transform_3, window_bounds = array<i64: 128, 128>}, {pipeline_mode = #tpu.pipeline_mode<synchronous>, transform_indices = @transform_4, window_bounds = array<i64: 1, 128>}, {transform_indices = @transform_5, window_bounds = array<i64: 8000, 128>}]} {
    %get3A = arith.constant 0 : index
    %get3A_0 = arith.constant 0 : index
    %get3A_1 = vector.load %arg1[%get3A, %get3A_0] : memref<8000x16xf32, #tpu.memory_space<vmem>>, vector<8000x16xf32>
    %get3A_2 = arith.constant 0 : index
    %get3A_3 = arith.constant 0 : index
    %get3A_4 = vector.load %arg2[%get3A_2, %get3A_3] : memref<16x128xf32, #tpu.memory_space<vmem>>, vector<16x128xf32>
    %dot_general3A = arith.constant dense<0.000000e+00> : vector<8000x128xf32>
    %dot_general3A_5 = tpu.matmul %get3A_1, %get3A_4, %dot_general3A {dimension_numbers = #tpu.dot_dimension_numbers<[1], [0], [0], [1], [0, 0, 1, 1], [], []>, transpose_lhs_hint = false} : vector<8000x16xf32>, vector<16x128xf32>, vector<8000x128xf32> -> vector<8000x128xf32>
    %get3A_6 = arith.constant 0 : index
    %get3A_7 = arith.constant 0 : index
    %get3A_8 = vector.load %arg3[%get3A_6, %get3A_7] : memref<1x128xf32, #tpu.memory_space<vmem>>, vector<1x128xf32>
    %add3A = vector.broadcast %get3A_8 : vector<1x128xf32> to vector<8000x128xf32>
    %add3A_9 = arith.addf %dot_general3A_5, %add3A : vector<8000x128xf32>
    %max3A = arith.constant 0.000000e+00 : f32
    %max3A_10 = vector.broadcast %max3A : f32 to vector<8000x128xf32>
    %max3A_11 = arith.maximumf %add3A_9, %max3A_10 : vector<8000x128xf32>
    %get3A_12 = arith.constant 0 : index
    %get3A_13 = arith.constant 0 : index
    %get3A_14 = vector.load %arg4[%get3A_12, %get3A_13] : memref<128x128xf32, #tpu.memory_space<vmem>>, vector<128x128xf32>
    %dot_general3A_15 = arith.constant dense<0.000000e+00> : vector<8000x128xf32>
    %dot_general3A_16 = tpu.matmul %max3A_11, %get3A_14, %dot_general3A_15 {dimension_numbers = #tpu.dot_dimension_numbers<[1], [0], [0], [1], [0, 0, 1, 1], [], []>, transpose_lhs_hint = false} : vector<8000x128xf32>, vector<128x128xf32>, vector<8000x128xf32> -> vector<8000x128xf32>
    %get3A_17 = arith.constant 0 : index
    %get3A_18 = arith.constant 0 : index
    %get3A_19 = vector.load %arg5[%get3A_17, %get3A_18] : memref<1x128xf32, #tpu.memory_space<vmem>>, vector<1x128xf32>
    %add3A_20 = vector.broadcast %get3A_19 : vector<1x128xf32> to vector<8000x128xf32>
    %add3A_21 = arith.addf %dot_general3A_16, %add3A_20 : vector<8000x128xf32>
    %swap3A = arith.constant 0 : index
    %swap3A_22 = arith.constant 0 : index
    %swap3A_23 = vector.load %arg6[%swap3A, %swap3A_22] : memref<8000x128xf32, #tpu.memory_space<vmem>>, vector<8000x128xf32>
    tpu.vector_store %arg6[%swap3A, %swap3A_22], %add3A_21 {strides = array<i32>} : memref<8000x128xf32, #tpu.memory_space<vmem>>, vector<8000x128xf32>,
    return
  }
  func.func @transform_0(%arg0: i32) -> (i32, i32) {
    %c0_i32 = arith.constant 0 : i32
    %c0_i32_0 = arith.constant 0 : i32
    return %arg0, %c0_i32 : i32, i32
  }
  func.func @transform_1(%arg0: i32) -> (i32, i32) {
    %c0_i32 = arith.constant 0 : i32
    %c0_i32_0 = arith.constant 0 : i32
    %c0_i32_1 = arith.constant 0 : i32
    return %c0_i32, %c0_i32_0 : i32, i32
  }
  func.func @transform_2(%arg0: i32) -> (i32, i32) {
    %c0_i32 = arith.constant 0 : i32
    %c0_i32_0 = arith.constant 0 : i32
    %c0_i32_1 = arith.constant 0 : i32
    return %c0_i32, %c0_i32_0 : i32, i32
  }
  func.func @transform_3(%arg0: i32) -> (i32, i32) {
    %c0_i32 = arith.constant 0 : i32
    %c0_i32_0 = arith.constant 0 : i32
    %c0_i32_1 = arith.constant 0 : i32
    return %c0_i32, %c0_i32_0 : i32, i32
  }
  func.func @transform_4(%arg0: i32) -> (i32, i32) {
    %c0_i32 = arith.constant 0 : i32
    %c0_i32_0 = arith.constant 0 : i32
    %c0_i32_1 = arith.constant 0 : i32
    return %c0_i32, %c0_i32_0 : i32, i32
  }
  func.func @transform_5(%arg0: i32) -> (i32, i32) {
    %c0_i32 = arith.constant 0 : i32
    %c0_i32_0 = arith.constant 0 : i32
    return %arg0, %c0_i32 : i32, i32
  }
}

module attributes {stable_mosaic.version = 14 : i64} {
  func.func @body(%arg0: memref<10000x128xf32, #tpu.memory_space<vmem>>, %arg1: memref<2x10000x128xf32, #tpu.memory_space<vmem>>, %arg2: memref<1x1xf32, #tpu.memory_space<vmem>>, %arg3: memref<128x128xf32, #tpu.memory_space<vmem>>, %arg4: memref<1x128xf32, #tpu.memory_space<vmem>>, %arg5: memref<128x128xf32, #tpu.memory_space<vmem>>, %arg6: memref<1x128xf32, #tpu.memory_space<vmem>>, %arg7: memref<1x128xf32, #tpu.memory_space<vmem>>, %arg8: memref<1x128xf32, #tpu.memory_space<vmem>>, %arg9: memref<128x128xf32, #tpu.memory_space<vmem>>, %arg10: memref<1x128xf32, #tpu.memory_space<vmem>>, %arg11: memref<128x128xf32, #tpu.memory_space<vmem>>, %arg12: memref<1x128xf32, #tpu.memory_space<vmem>>, %arg13: memref<128x128xf32, #tpu.memory_space<vmem>>, %arg14: memref<1x128xf32, #tpu.memory_space<vmem>>, %arg15: memref<128x1xf32, #tpu.memory_space<vmem>>, %arg16: memref<1x1xf32, #tpu.memory_space<vmem>>, %arg17: memref<1x1xf32, #tpu.memory_space<vmem>>) attributes {dimension_semantics = [], scalar_prefetch = 0 : i64, scratch_operands = 0 : i64, tpu.core_type = #tpu.core_type<tc>} {
    %get3A = arith.constant 0 : index
    %get3A_0 = arith.constant 0 : index
    %get3A_1 = vector.load %arg0[%get3A, %get3A_0] : memref<10000x128xf32, #tpu.memory_space<vmem>>, vector<10000x128xf32>
    %get3A_2 = arith.constant 0 : index
    %get3A_3 = arith.constant 0 : index
    %get3A_4 = vector.load %arg2[%get3A_2, %get3A_3] : memref<1x1xf32, #tpu.memory_space<vmem>>, vector<1x1xf32>
    %get3A_5 = arith.constant 0 : index
    %get3A_6 = arith.constant 0 : index
    %get3A_7 = vector.load %arg3[%get3A_5, %get3A_6] : memref<128x128xf32, #tpu.memory_space<vmem>>, vector<128x128xf32>
    %get3A_8 = arith.constant 0 : index
    %get3A_9 = arith.constant 0 : index
    %get3A_10 = vector.load %arg4[%get3A_8, %get3A_9] : memref<1x128xf32, #tpu.memory_space<vmem>>, vector<1x128xf32>
    %get3A_11 = arith.constant 0 : index
    %get3A_12 = arith.constant 0 : index
    %get3A_13 = vector.load %arg5[%get3A_11, %get3A_12] : memref<128x128xf32, #tpu.memory_space<vmem>>, vector<128x128xf32>
    %get3A_14 = arith.constant 0 : index
    %get3A_15 = arith.constant 0 : index
    %get3A_16 = vector.load %arg6[%get3A_14, %get3A_15] : memref<1x128xf32, #tpu.memory_space<vmem>>, vector<1x128xf32>
    %get3A_17 = arith.constant 0 : index
    %get3A_18 = arith.constant 0 : index
    %get3A_19 = vector.load %arg7[%get3A_17, %get3A_18] : memref<1x128xf32, #tpu.memory_space<vmem>>, vector<1x128xf32>
    %get3A_20 = arith.constant 0 : index
    %get3A_21 = arith.constant 0 : index
    %get3A_22 = vector.load %arg8[%get3A_20, %get3A_21] : memref<1x128xf32, #tpu.memory_space<vmem>>, vector<1x128xf32>
    %mul3A = vector.broadcast %get3A_4 : vector<1x1xf32> to vector<10000x128xf32>
    %mul3A_23 = arith.mulf %get3A_1, %mul3A : vector<10000x128xf32>
    %get3A_24 = arith.constant 0 : index
    %get3A_25 = arith.constant 0 : index
    %get3A_26 = arith.constant 0 : index
    %get3A_27 = vector.load %arg1[%get3A_24, %get3A_25, %get3A_26] : memref<2x10000x128xf32, #tpu.memory_space<vmem>>, vector<1x10000x128xf32>
    %get3A_28 = vector.shape_cast %get3A_27 : vector<1x10000x128xf32> to vector<10000x128xf32>
    %add3A = arith.addf %mul3A_23, %get3A_28 : vector<10000x128xf32>
    %get3A_29 = arith.constant 1 : index
    %get3A_30 = arith.constant 0 : index
    %get3A_31 = arith.constant 0 : index
    %get3A_32 = vector.load %arg1[%get3A_29, %get3A_30, %get3A_31] : memref<2x10000x128xf32, #tpu.memory_space<vmem>>, vector<1x10000x128xf32>
    %get3A_33 = vector.shape_cast %get3A_32 : vector<1x10000x128xf32> to vector<10000x128xf32>
    %add3A_34 = arith.addf %add3A, %get3A_33 : vector<10000x128xf32>
    %dot_general3A = arith.constant dense<0.000000e+00> : vector<10000x128xf32>
    %dot_general3A_35 = tpu.matmul %add3A_34, %get3A_7, %dot_general3A {dimension_numbers = #tpu.dot_dimension_numbers<[1], [0], [0], [1], [0, 0, 1, 1], [], []>, transpose_lhs_hint = false} : vector<10000x128xf32>, vector<128x128xf32>, vector<10000x128xf32> -> vector<10000x128xf32>
    %add3A_36 = vector.broadcast %get3A_10 : vector<1x128xf32> to vector<10000x128xf32>
    %add3A_37 = arith.addf %dot_general3A_35, %add3A_36 : vector<10000x128xf32>
    %max3A = arith.constant 0.000000e+00 : f32
    %max3A_38 = vector.broadcast %max3A : f32 to vector<10000x128xf32>
    %max3A_39 = arith.maximumf %add3A_37, %max3A_38 : vector<10000x128xf32>
    %dot_general3A_40 = arith.constant dense<0.000000e+00> : vector<10000x128xf32>
    %dot_general3A_41 = tpu.matmul %max3A_39, %get3A_13, %dot_general3A_40 {dimension_numbers = #tpu.dot_dimension_numbers<[1], [0], [0], [1], [0, 0, 1, 1], [], []>, transpose_lhs_hint = false} : vector<10000x128xf32>, vector<128x128xf32>, vector<10000x128xf32> -> vector<10000x128xf32>
    %add3A_42 = vector.broadcast %get3A_16 : vector<1x128xf32> to vector<10000x128xf32>
    %add3A_43 = arith.addf %dot_general3A_41, %add3A_42 : vector<10000x128xf32>
    %reduce_sum3A = arith.constant dense<0.000000e+00> : vector<128xf32>
    %reduce_sum3A_44 = vector.multi_reduction <add>, %add3A_43, %reduce_sum3A [0] : vector<10000x128xf32> to vector<128xf32>
    %broadcast_in_dim3A = vector.shape_cast %reduce_sum3A_44 : vector<128xf32> to vector<1x128xf32>
    %div3A = arith.constant 1.000000e+04 : f32
    %div3A_45 = vector.broadcast %div3A : f32 to vector<1x128xf32>
    %div3A_46 = arith.divf %broadcast_in_dim3A, %div3A_45 : vector<1x128xf32>
    %sub3A = vector.broadcast %div3A_46 : vector<1x128xf32> to vector<10000x128xf32>
    %sub3A_47 = arith.subf %add3A_43, %sub3A : vector<10000x128xf32>
    %square3A = arith.mulf %sub3A_47, %sub3A_47 : vector<10000x128xf32>
    %reduce_sum3A_48 = arith.constant dense<0.000000e+00> : vector<128xf32>
    %reduce_sum3A_49 = vector.multi_reduction <add>, %square3A, %reduce_sum3A_48 [0] : vector<10000x128xf32> to vector<128xf32>
    %broadcast_in_dim3A_50 = vector.shape_cast %reduce_sum3A_49 : vector<128xf32> to vector<1x128xf32>
    %div3A_51 = arith.constant 1.000000e+04 : f32
    %div3A_52 = vector.broadcast %div3A_51 : f32 to vector<1x128xf32>
    %div3A_53 = arith.divf %broadcast_in_dim3A_50, %div3A_52 : vector<1x128xf32>
    %sub3A_54 = vector.broadcast %div3A_46 : vector<1x128xf32> to vector<10000x128xf32>
    %sub3A_55 = arith.subf %add3A_43, %sub3A_54 : vector<10000x128xf32>
    %add3A_56 = arith.constant 9.99999974E-6 : f32
    %add3A_57 = vector.broadcast %add3A_56 : f32 to vector<1x128xf32>
    %add3A_58 = arith.addf %div3A_53, %add3A_57 : vector<1x128xf32>
    %rsqrt3A = math.rsqrt %add3A_58 : vector<1x128xf32>
    %mul3A_59 = vector.broadcast %rsqrt3A : vector<1x128xf32> to vector<10000x128xf32>
    %mul3A_60 = arith.mulf %sub3A_55, %mul3A_59 : vector<10000x128xf32>
    %mul3A_61 = vector.broadcast %get3A_19 : vector<1x128xf32> to vector<10000x128xf32>
    %mul3A_62 = arith.mulf %mul3A_60, %mul3A_61 : vector<10000x128xf32>
    %add3A_63 = vector.broadcast %get3A_22 : vector<1x128xf32> to vector<10000x128xf32>
    %add3A_64 = arith.addf %mul3A_62, %add3A_63 : vector<10000x128xf32>
    %max3A_65 = arith.constant 0.000000e+00 : f32
    %max3A_66 = vector.broadcast %max3A_65 : f32 to vector<10000x128xf32>
    %max3A_67 = arith.maximumf %add3A_64, %max3A_66 : vector<10000x128xf32>
    %reduce_sum3A_68 = arith.constant dense<0.000000e+00> : vector<128xf32>
    %reduce_sum3A_69 = vector.multi_reduction <add>, %max3A_67, %reduce_sum3A_68 [0] : vector<10000x128xf32> to vector<128xf32>
    %broadcast_in_dim3A_70 = vector.shape_cast %reduce_sum3A_69 : vector<128xf32> to vector<1x128xf32>
    %div3A_71 = arith.constant 1.000000e+04 : f32
    %div3A_72 = vector.broadcast %div3A_71 : f32 to vector<1x128xf32>
    %div3A_73 = arith.divf %broadcast_in_dim3A_70, %div3A_72 : vector<1x128xf32>
    %get3A_74 = arith.constant 0 : index
    %get3A_75 = arith.constant 0 : index
    %get3A_76 = vector.load %arg9[%get3A_74, %get3A_75] : memref<128x128xf32, #tpu.memory_space<vmem>>, vector<128x128xf32>
    %dot_general3A_77 = arith.constant dense<0.000000e+00> : vector<1x128xf32>
    %dot_general3A_78 = tpu.matmul %div3A_73, %get3A_76, %dot_general3A_77 {dimension_numbers = #tpu.dot_dimension_numbers<[1], [0], [0], [1], [0, 0, 1, 1], [], []>, transpose_lhs_hint = false} : vector<1x128xf32>, vector<128x128xf32>, vector<1x128xf32> -> vector<1x128xf32>
    %get3A_79 = arith.constant 0 : index
    %get3A_80 = arith.constant 0 : index
    %get3A_81 = vector.load %arg10[%get3A_79, %get3A_80] : memref<1x128xf32, #tpu.memory_space<vmem>>, vector<1x128xf32>
    %add3A_82 = arith.addf %dot_general3A_78, %get3A_81 : vector<1x128xf32>
    %max3A_83 = arith.constant 0.000000e+00 : f32
    %max3A_84 = vector.broadcast %max3A_83 : f32 to vector<1x128xf32>
    %max3A_85 = arith.maximumf %add3A_82, %max3A_84 : vector<1x128xf32>
    %get3A_86 = arith.constant 0 : index
    %get3A_87 = arith.constant 0 : index
    %get3A_88 = vector.load %arg11[%get3A_86, %get3A_87] : memref<128x128xf32, #tpu.memory_space<vmem>>, vector<128x128xf32>
    %dot_general3A_89 = arith.constant dense<0.000000e+00> : vector<1x128xf32>
    %dot_general3A_90 = tpu.matmul %max3A_85, %get3A_88, %dot_general3A_89 {dimension_numbers = #tpu.dot_dimension_numbers<[1], [0], [0], [1], [0, 0, 1, 1], [], []>, transpose_lhs_hint = false} : vector<1x128xf32>, vector<128x128xf32>, vector<1x128xf32> -> vector<1x128xf32>
    %get3A_91 = arith.constant 0 : index
    %get3A_92 = arith.constant 0 : index
    %get3A_93 = vector.load %arg12[%get3A_91, %get3A_92] : memref<1x128xf32, #tpu.memory_space<vmem>>, vector<1x128xf32>
    %add3A_94 = arith.addf %dot_general3A_90, %get3A_93 : vector<1x128xf32>
    %max3A_95 = arith.constant 0.000000e+00 : f32
    %max3A_96 = vector.broadcast %max3A_95 : f32 to vector<1x128xf32>
    %max3A_97 = arith.maximumf %add3A_94, %max3A_96 : vector<1x128xf32>
    %get3A_98 = arith.constant 0 : index
    %get3A_99 = arith.constant 0 : index
    %get3A_100 = vector.load %arg13[%get3A_98, %get3A_99] : memref<128x128xf32, #tpu.memory_space<vmem>>, vector<128x128xf32>
    %dot_general3A_101 = arith.constant dense<0.000000e+00> : vector<1x128xf32>
    %dot_general3A_102 = tpu.matmul %max3A_97, %get3A_100, %dot_general3A_101 {dimension_numbers = #tpu.dot_dimension_numbers<[1], [0], [0], [1], [0, 0, 1, 1], [], []>, transpose_lhs_hint = false} : vector<1x128xf32>, vector<128x128xf32>, vector<1x128xf32> -> vector<1x128xf32>
    %get3A_103 = arith.constant 0 : index
    %get3A_104 = arith.constant 0 : index
    %get3A_105 = vector.load %arg14[%get3A_103, %get3A_104] : memref<1x128xf32, #tpu.memory_space<vmem>>, vector<1x128xf32>
    %add3A_106 = arith.addf %dot_general3A_102, %get3A_105 : vector<1x128xf32>
    %max3A_107 = arith.constant 0.000000e+00 : f32
    %max3A_108 = vector.broadcast %max3A_107 : f32 to vector<1x128xf32>
    %max3A_109 = arith.maximumf %add3A_106, %max3A_108 : vector<1x128xf32>
    %get3A_110 = arith.constant 0 : index
    %get3A_111 = arith.constant 0 : index
    %get3A_112 = vector.load %arg15[%get3A_110, %get3A_111] : memref<128x1xf32, #tpu.memory_space<vmem>>, vector<128x1xf32>
    %dot_general3A_113 = arith.constant dense<0.000000e+00> : vector<1x1xf32>
    %dot_general3A_114 = tpu.matmul %max3A_109, %get3A_112, %dot_general3A_113 {dimension_numbers = #tpu.dot_dimension_numbers<[1], [0], [0], [1], [0, 0, 1, 1], [], []>, transpose_lhs_hint = false} : vector<1x128xf32>, vector<128x1xf32>, vector<1x1xf32> -> vector<1x1xf32>
    %get3A_115 = arith.constant 0 : index
    %get3A_116 = arith.constant 0 : index
    %get3A_117 = vector.load %arg16[%get3A_115, %get3A_116] : memref<1x1xf32, #tpu.memory_space<vmem>>, vector<1x1xf32>
    %add3A_118 = arith.addf %dot_general3A_114, %get3A_117 : vector<1x1xf32>
    %swap3A = arith.constant 0 : index
    %swap3A_119 = arith.constant 0 : index
    %swap3A_120 = vector.load %arg17[%swap3A, %swap3A_119] : memref<1x1xf32, #tpu.memory_space<vmem>>, vector<1x1xf32>
    tpu.vector_store %arg17[%swap3A, %swap3A_119], %add3A_118 {strides = array<i32>} : memref<1x1xf32, #tpu.memory_space<vmem>>, vector<1x1xf32>,
    return
  }
}

module attributes {stable_mosaic.version = 14 : i64} {
  func.func @body(%arg0: memref<10000x128xf32, #tpu.memory_space<vmem>>, %arg1: memref<2x10000x128xf32, #tpu.memory_space<vmem>>, %arg2: memref<1x1xf32, #tpu.memory_space<vmem>>, %arg3: memref<128x128xf32, #tpu.memory_space<vmem>>, %arg4: memref<1x128xf32, #tpu.memory_space<vmem>>, %arg5: memref<128x128xf32, #tpu.memory_space<vmem>>, %arg6: memref<1x128xf32, #tpu.memory_space<vmem>>, %arg7: memref<1x128xf32, #tpu.memory_space<vmem>>, %arg8: memref<1x128xf32, #tpu.memory_space<vmem>>, %arg9: memref<10000x128xf32, #tpu.memory_space<vmem>>) attributes {dimension_semantics = [], scalar_prefetch = 0 : i64, scratch_operands = 0 : i64, tpu.core_type = #tpu.core_type<tc>} {
    %get3A = arith.constant 0 : index
    %get3A_0 = arith.constant 0 : index
    %get3A_1 = vector.load %arg0[%get3A, %get3A_0] : memref<10000x128xf32, #tpu.memory_space<vmem>>, vector<10000x128xf32>
    %get3A_2 = arith.constant 0 : index
    %get3A_3 = arith.constant 0 : index
    %get3A_4 = vector.load %arg2[%get3A_2, %get3A_3] : memref<1x1xf32, #tpu.memory_space<vmem>>, vector<1x1xf32>
    %get3A_5 = arith.constant 0 : index
    %get3A_6 = arith.constant 0 : index
    %get3A_7 = vector.load %arg3[%get3A_5, %get3A_6] : memref<128x128xf32, #tpu.memory_space<vmem>>, vector<128x128xf32>
    %get3A_8 = arith.constant 0 : index
    %get3A_9 = arith.constant 0 : index
    %get3A_10 = vector.load %arg4[%get3A_8, %get3A_9] : memref<1x128xf32, #tpu.memory_space<vmem>>, vector<1x128xf32>
    %get3A_11 = arith.constant 0 : index
    %get3A_12 = arith.constant 0 : index
    %get3A_13 = vector.load %arg5[%get3A_11, %get3A_12] : memref<128x128xf32, #tpu.memory_space<vmem>>, vector<128x128xf32>
    %get3A_14 = arith.constant 0 : index
    %get3A_15 = arith.constant 0 : index
    %get3A_16 = vector.load %arg6[%get3A_14, %get3A_15] : memref<1x128xf32, #tpu.memory_space<vmem>>, vector<1x128xf32>
    %get3A_17 = arith.constant 0 : index
    %get3A_18 = arith.constant 0 : index
    %get3A_19 = vector.load %arg7[%get3A_17, %get3A_18] : memref<1x128xf32, #tpu.memory_space<vmem>>, vector<1x128xf32>
    %get3A_20 = arith.constant 0 : index
    %get3A_21 = arith.constant 0 : index
    %get3A_22 = vector.load %arg8[%get3A_20, %get3A_21] : memref<1x128xf32, #tpu.memory_space<vmem>>, vector<1x128xf32>
    %mul3A = vector.broadcast %get3A_4 : vector<1x1xf32> to vector<10000x128xf32>
    %mul3A_23 = arith.mulf %get3A_1, %mul3A : vector<10000x128xf32>
    %get3A_24 = arith.constant 0 : index
    %get3A_25 = arith.constant 0 : index
    %get3A_26 = arith.constant 0 : index
    %get3A_27 = vector.load %arg1[%get3A_24, %get3A_25, %get3A_26] : memref<2x10000x128xf32, #tpu.memory_space<vmem>>, vector<1x10000x128xf32>
    %get3A_28 = vector.shape_cast %get3A_27 : vector<1x10000x128xf32> to vector<10000x128xf32>
    %add3A = arith.addf %mul3A_23, %get3A_28 : vector<10000x128xf32>
    %get3A_29 = arith.constant 1 : index
    %get3A_30 = arith.constant 0 : index
    %get3A_31 = arith.constant 0 : index
    %get3A_32 = vector.load %arg1[%get3A_29, %get3A_30, %get3A_31] : memref<2x10000x128xf32, #tpu.memory_space<vmem>>, vector<1x10000x128xf32>
    %get3A_33 = vector.shape_cast %get3A_32 : vector<1x10000x128xf32> to vector<10000x128xf32>
    %add3A_34 = arith.addf %add3A, %get3A_33 : vector<10000x128xf32>
    %dot_general3A = arith.constant dense<0.000000e+00> : vector<10000x128xf32>
    %dot_general3A_35 = tpu.matmul %add3A_34, %get3A_7, %dot_general3A {dimension_numbers = #tpu.dot_dimension_numbers<[1], [0], [0], [1], [0, 0, 1, 1], [], []>, transpose_lhs_hint = false} : vector<10000x128xf32>, vector<128x128xf32>, vector<10000x128xf32> -> vector<10000x128xf32>
    %add3A_36 = vector.broadcast %get3A_10 : vector<1x128xf32> to vector<10000x128xf32>
    %add3A_37 = arith.addf %dot_general3A_35, %add3A_36 : vector<10000x128xf32>
    %max3A = arith.constant 0.000000e+00 : f32
    %max3A_38 = vector.broadcast %max3A : f32 to vector<10000x128xf32>
    %max3A_39 = arith.maximumf %add3A_37, %max3A_38 : vector<10000x128xf32>
    %dot_general3A_40 = arith.constant dense<0.000000e+00> : vector<10000x128xf32>
    %dot_general3A_41 = tpu.matmul %max3A_39, %get3A_13, %dot_general3A_40 {dimension_numbers = #tpu.dot_dimension_numbers<[1], [0], [0], [1], [0, 0, 1, 1], [], []>, transpose_lhs_hint = false} : vector<10000x128xf32>, vector<128x128xf32>, vector<10000x128xf32> -> vector<10000x128xf32>
    %add3A_42 = vector.broadcast %get3A_16 : vector<1x128xf32> to vector<10000x128xf32>
    %add3A_43 = arith.addf %dot_general3A_41, %add3A_42 : vector<10000x128xf32>
    %reduce_sum3A = arith.constant dense<0.000000e+00> : vector<128xf32>
    %reduce_sum3A_44 = vector.multi_reduction <add>, %add3A_43, %reduce_sum3A [0] : vector<10000x128xf32> to vector<128xf32>
    %broadcast_in_dim3A = vector.shape_cast %reduce_sum3A_44 : vector<128xf32> to vector<1x128xf32>
    %div3A = arith.constant 1.000000e+04 : f32
    %div3A_45 = vector.broadcast %div3A : f32 to vector<1x128xf32>
    %div3A_46 = arith.divf %broadcast_in_dim3A, %div3A_45 : vector<1x128xf32>
    %sub3A = vector.broadcast %div3A_46 : vector<1x128xf32> to vector<10000x128xf32>
    %sub3A_47 = arith.subf %add3A_43, %sub3A : vector<10000x128xf32>
    %square3A = arith.mulf %sub3A_47, %sub3A_47 : vector<10000x128xf32>
    %reduce_sum3A_48 = arith.constant dense<0.000000e+00> : vector<128xf32>
    %reduce_sum3A_49 = vector.multi_reduction <add>, %square3A, %reduce_sum3A_48 [0] : vector<10000x128xf32> to vector<128xf32>
    %broadcast_in_dim3A_50 = vector.shape_cast %reduce_sum3A_49 : vector<128xf32> to vector<1x128xf32>
    %div3A_51 = arith.constant 1.000000e+04 : f32
    %div3A_52 = vector.broadcast %div3A_51 : f32 to vector<1x128xf32>
    %div3A_53 = arith.divf %broadcast_in_dim3A_50, %div3A_52 : vector<1x128xf32>
    %sub3A_54 = vector.broadcast %div3A_46 : vector<1x128xf32> to vector<10000x128xf32>
    %sub3A_55 = arith.subf %add3A_43, %sub3A_54 : vector<10000x128xf32>
    %add3A_56 = arith.constant 9.99999974E-6 : f32
    %add3A_57 = vector.broadcast %add3A_56 : f32 to vector<1x128xf32>
    %add3A_58 = arith.addf %div3A_53, %add3A_57 : vector<1x128xf32>
    %rsqrt3A = math.rsqrt %add3A_58 : vector<1x128xf32>
    %mul3A_59 = vector.broadcast %rsqrt3A : vector<1x128xf32> to vector<10000x128xf32>
    %mul3A_60 = arith.mulf %sub3A_55, %mul3A_59 : vector<10000x128xf32>
    %mul3A_61 = vector.broadcast %get3A_19 : vector<1x128xf32> to vector<10000x128xf32>
    %mul3A_62 = arith.mulf %mul3A_60, %mul3A_61 : vector<10000x128xf32>
    %add3A_63 = vector.broadcast %get3A_22 : vector<1x128xf32> to vector<10000x128xf32>
    %add3A_64 = arith.addf %mul3A_62, %add3A_63 : vector<10000x128xf32>
    %max3A_65 = arith.constant 0.000000e+00 : f32
    %max3A_66 = vector.broadcast %max3A_65 : f32 to vector<10000x128xf32>
    %max3A_67 = arith.maximumf %add3A_64, %max3A_66 : vector<10000x128xf32>
    %swap3A = arith.constant 0 : index
    %swap3A_68 = arith.constant 0 : index
    %swap3A_69 = vector.load %arg9[%swap3A, %swap3A_68] : memref<10000x128xf32, #tpu.memory_space<vmem>>, vector<10000x128xf32>
    tpu.vector_store %arg9[%swap3A, %swap3A_68], %max3A_67 {strides = array<i32>} : memref<10000x128xf32, #tpu.memory_space<vmem>>, vector<10000x128xf32>,
    return
  }
}

</mosaic_0001>

<sc_bundles>
// kernel: kernel.11.cloned.1.call-start
scs
__scs_entry_jumppad:
0x0: {  	(pc) =	sbr.rel $0x88, $3  }
0x1: {  	(tag) =	ssettag $0x0;
	lr =	simm.s32 $0x1  }
0x2: {  	[smem:$0x3F8A] =	sst lr;
	_ =	strace $0xD0000000  }
0x3: {  	_ = 	snop  }
0x4: {  	_ = 	snop  }
0x5: {  	_ = 	snop  }
0x6: {  	_ = 	snop  }
0x7: {  	_ = 	snop  }
__scs_overlays_trampoline_lowered:
0x8: {  	[smem:$0x3F99] =	sst s0  }
0x9: {  	[smem:$0x3F9A] =	sst s1  }
0xa: {  	[smem:$0x3F9B] =	sst s2  }
0xb: {  	[smem:$0x3F9C] =	sst s3  }
0xc: {  	[smem:$0x3F9D] =	sst s4  }
0xd: {  	[smem:$0x3F9E] =	sst s5  }
0xe: {  	[smem:$0x3F9F] =	sst s6  }
0xf: {  	[smem:$0x3FA0] =	sst s7  }
0x10: {  	[smem:$0x3FA1] =	sst s8  }
0x11: {  	[smem:$0x3FA2] =	sst s9;
	s0 =	simm.s32 @!p0 $0x0  }
0x12: {  	s1 =	sld [smem:$0x3F88];
	s0 =	simm.s32 @p0 $0x1  }
0x13: {  	[smem:$0x3FA3] =	sst s0;
	s0 =	simm.s32 @!p1 $0x0  }
0x14: {  	s2 =	sld [smem:$0x3F87];
	s0 =	simm.s32 @p1 $0x1  }
0x15: {  	[smem:$0x3FA4] =	sst s0;
	s0 =	simm.s32 @!p2 $0x0  }
0x16: {  	s3 =	sld [smem:$0x3FDB];
	s0 =	simm.s32 @p2 $0x1  }
0x17: {  	s4 =	simm.s32 $0x1BF5;
	[smem:$0x3FA6] =	sst s0  }
0x18: {  	s0 =	sld [smem:$0x3F89];
	_ =	swait.ge [sflag:s4], $0x0  }
0x19: {  	s7 =	sld [smem:$0x3F8A]  }
0x1a: {  	s8 =	sadd.s32 $0xFFFFE003, lr  }
0x1b: {  	s9 =	sadd.s32 $0xFFFFFEF7, lr;
	s5 =	simm.s32 $0xFFFFFFFF;
	p2 =	slt.u32 s8, $0xFFFFF086  }
0x1c: {  	p1 =	slt.u32 s9, $0xF7A;
	s5 =	simm.s32 @!p2 $0x0  }
0x1d: {  	s5 =	simm.s32 @p1 $0x1;
	p0 =	seq.s32 s7, s2  }
0x1e: {  	s7 =	smul.u32 @!p0 $0xF7A, s2;
	p2 =	seq.s32 @!p0 s5, $0x0  }
0x1f: {  	s9 =	smul.u32 $0xF7A, s1;
	s8 =	simm.s32 @!p0 $0x1BF5;
	p2 =	por !p2, p0  }
0x20: {  	[sflag:s8] =	ssyncset.s32 @!p0 $0xFFFFF086;
	s6 =	sadd.s32 @!p0 s3, s7;
	s7 =	simm.s32 @!p0 $0x108  }
0x21: {  	s3 =	sadd.s32 s3, s9;
	s6 =	sadd.s32 @!p0 $0x88, s6;
	s7 =	simm.s32 @p2 $0x1082  }
0x22: {  	[simem:s7], [sflag:s8] =	dma.local @!p0 [hbm:s6], $0xF7A  }
0x23: {  	s9 =	sor.u32 $0xD0000000, s2;
	s6 =	simm.s32 $0x108;
	_ =	swait.ge @!p0 [sflag:s8], $0x0  }
0x24: {  	s3 =	sadd.s32 $0x88, s3;
	s6 =	simm.s32 @!p1 $0x1082;
	[sflag:s4] =	ssyncset.s32 $0xFFFFF086  }
0x25: {  	[simem:s6], [sflag:s4] =	dma.local [hbm:s3], $0xF7A  }
0x26: {  	[smem:$0x3F8A] =	sst s1;
	(tag) =	ssettag s2;
	_ =	strace s9  }
0x27: {  	s1 =	sld [smem:$0x3F9A]  }
0x28: {  	s2 =	sld [smem:$0x3F9B]  }
0x29: {  	s4 =	sld [smem:$0x3F9D]  }
0x2a: {  	p0 =	seq.s32 s5, $0x0;
	s5 =	sld [smem:$0x3F9E]  }
0x2b: {  	s6 =	sld [smem:$0x3F9F]  }
0x2c: {  	s7 =	sld [smem:$0x3FA0]  }
0x2d: {  	s3 =	simm.s32 $0x108;
	s8 =	sld [smem:$0x3FA1]  }
0x2e: {  	s3 =	simm.s32 @!p0 $0x1082;
	s9 =	sld [smem:$0x3FA2]  }
0x2f: {  	lr =	sadd.s32 s0, s3;
	s0 =	sld [smem:$0x3F99]  }
0x30: {  	s3 =	sld [smem:$0x3F9C]  }
0x31: {  	[smem:$0x3FA5] =	sst s10  }
0x32: {  	s10 =	sld [smem:$0x3FA3];
	_ =	sdelay $0x3  }
0x33: {  	p0 =	seq.s32 s10, $0x1;
	s10 =	sld [smem:$0x3FA5];
	_ =	sdelay $0x3  }
0x34: {  	[smem:$0x3FA5] =	sst s10  }
0x35: {  	s10 =	sld [smem:$0x3FA4];
	_ =	sdelay $0x3  }
0x36: {  	p1 =	seq.s32 s10, $0x1;
	s10 =	sld [smem:$0x3FA5];
	_ =	sdelay $0x3  }
0x37: {  	[smem:$0x3FA5] =	sst s10  }
0x38: {  	s10 =	sld [smem:$0x3FA6]  }
0x39: {  	_ = 	snop;
	(pc) =	sbr.ind lr, $3  }
0x3a: {  	_ = 	snop  }
0x3b: {  	_ = 	snop  }
0x3c: {  	p2 =	seq.s32 s10, $0x1;
	s10 =	sld [smem:$0x3FA5]  }
0x3d: {  	_ =	shalt  }
0x3e: {  	_ =	shalt  }
0x3f: {  	_ =	shalt  }
0x40: {  	_ =	shalt  }
0x41: {  	_ =	shalt  }
0x42: {  	_ =	shalt  }
0x43: {  	_ =	shalt  }
0x44: {  	_ =	shalt  }
0x45: {  	_ =	shalt  }
0x46: {  	_ =	shalt  }
0x47: {  	_ =	shalt  }
0x48: {  	_ =	shalt  }
0x49: {  	_ =	shalt  }
0x4a: {  	_ =	shalt  }
0x4b: {  	_ =	shalt  }
0x4c: {  	_ =	shalt  }
0x4d: {  	_ =	shalt  }
0x4e: {  	_ =	shalt  }
0x4f: {  	_ =	shalt  }
0x50: {  	_ =	shalt  }
0x51: {  	_ =	shalt  }
0x52: {  	_ =	shalt  }
0x53: {  	_ =	shalt  }
0x54: {  	_ =	shalt  }
0x55: {  	_ =	shalt  }
0x56: {  	_ =	shalt  }
0x57: {  	_ =	shalt  }
0x58: {  	_ =	shalt  }
0x59: {  	_ =	shalt  }
0x5a: {  	_ =	shalt  }
0x5b: {  	_ =	shalt  }
0x5c: {  	_ =	shalt  }
0x5d: {  	_ =	shalt  }
0x5e: {  	_ =	shalt  }
0x5f: {  	_ =	shalt  }
0x60: {  	_ =	shalt  }
0x61: {  	_ =	shalt  }
0x62: {  	_ =	shalt  }
0x63: {  	_ =	shalt  }
0x64: {  	_ =	shalt  }
0x65: {  	_ =	shalt  }
0x66: {  	_ =	shalt  }
0x67: {  	_ =	shalt  }
0x68: {  	_ =	shalt  }
0x69: {  	_ =	shalt  }
0x6a: {  	_ =	shalt  }
0x6b: {  	_ =	shalt  }
0x6c: {  	_ =	shalt  }
0x6d: {  	_ =	shalt  }
0x6e: {  	_ =	shalt  }
0x6f: {  	_ =	shalt  }
0x70: {  	_ =	shalt  }
0x71: {  	_ =	shalt  }
0x72: {  	_ =	shalt  }
0x73: {  	_ =	shalt  }
0x74: {  	_ =	shalt  }
0x75: {  	_ =	shalt  }
0x76: {  	_ =	shalt  }
0x77: {  	_ =	shalt  }
0x78: {  	_ =	shalt  }
0x79: {  	_ =	shalt  }
0x7a: {  	_ =	shalt  }
0x7b: {  	_ =	shalt  }
0x7c: {  	_ =	shalt  }
0x7d: {  	_ =	shalt  }
0x7e: {  	_ =	shalt  }
0x7f: {  	_ =	shalt  }
0x80: {  	_ =	shalt  }
0x81: {  	_ =	shalt  }
0x82: {  	_ =	shalt  }
0x83: {  	_ =	shalt  }
0x84: {  	_ =	shalt  }
0x85: {  	_ =	shalt  }
0x86: {  	_ =	shalt  }
0x87: {  	_ =	shalt  }
.Lfunc_end0:
.L_simem_size_0:
called_computation_lowered:
.L_overlay_start_0:
0x88: {  	s2 =	sld [smem:$0x3FD9]  }
0x89: {  	s3 =	sld [smem:$0x3FFE];
	_ =	sdelay $0x1  }
0x8a: {  	s1 =	srdreg.scid  }
0x8b: {  	s0 =	sand.u32 $0x1, s1  }
0x8c: {  	s17 =	sshll.u32 s0, $0xA;
	s2 =	sadd.s32 s3, s2  }
0x8d: {  	s2 =	sadd.s32 s2, s17  }
0x8e: {  	[smem:$0x3FB1] =	sst s2  }
0x8f: {  	_ = 	snop  }
0x90: {  	s2 =	sld [smem:$0x3FC9];
	(tm) =	ssettm $0x1  }
0x91: {  	s18 =	sld [smem:$0x3FFB];
	_ =	sdelay $0x3  }
0x92: {  	_ =	strace s18  }
0x93: {  	s3 =	sld [smem:$0x3FFC];
	_ =	sdelay $0x3  }
0x94: {  	_ =	strace s3  }
0x95: {  	s3 =	sld [smem:$0x3FFD];
	_ =	sdelay $0x3  }
0x96: {  	_ =	strace s3  }
0x97: {  	_ =	strace $0x8FFFFFFF  }
0x98: {  	s19 =	sld [smem:$0x3FDB];
	_ =	sdelay $0x1  }
0x99: {  	s4 =	simm.s32 $_scs_section_size  }
0x9a: {  	s5 =	simm.s32 $_size__tile_overlayer_lowered;
	s6 =	simm.s32 $_tile_overlayer_lowered  }
0x9b: {  	s22 =	simm.s32 $0x1BFF;
	s21 =	sshll.u32 s6, $0x1;
	s3 =	sadd.s32 s4, s19  }
0x9c: {  	s7 =	simm.s32 $0x0;
	s20 =	sshll.u32 s5, $0x1;
	s5 =	sadd.s32 s21, s3  }
0x9d: {  	[timem:s7], [sflag:s22] =	dma.local [hbm:s5], s20  }
0x9e: {  	_ =	swait.ge [sflag:s22], s20  }
0x9f: {  	s4 =	ssub.s32 $0x0, s20;
	[sflag:s22] =	ssyncset.done $0x0  }
0xa0: {  	[sflag:s22] =	ssyncadd.s32 s4;
	_ =	sdelay $0x1  }
0xa1: {  	s23 =	simm.s32 $0x1B8B  }
0xa2: {  	_ =	swait.ge [sflag:s23], $0x1  }
0xa3: {  	[sflag:s23] =	ssyncset.done $0x0  }
0xa4: {  	s25 =	simm.s32 $0x1B8E;
	s24 =	sld [smem:$0x3FFE];
	[sflag:s23] =	ssyncadd.s32 $0xFFFFFFFF  }
0xa5: {  	s26 =	simm.s32 $execute0_lowered;
	[smem:$0x3FD2] =	sst s25  }
0xa6: {  	s5 =	sshll.u32 s26, $0x1;
	_ =	strace $0x80000046;
	[dreg:$0x1] =	wrdreg $0xFFFFFFFF  }
0xa7: {  	s28 =	simm.s32 $_size_execute0_lowered;
	s3 =	sadd.s32 s3, s5;
	[dreg:$0x0] =	wrdreg $0x0  }
0xa8: {  	s5 =	sshll.u32 s28, $0x1;
	[dreg:$0x2] =	wrdreg s3  }
0xa9: {  	[dreg:$0x3] =	wrdreg s5  }
0xaa: {  	[dreg:$0x4] =	wrdreg $0xC0  }
0xab: {  	_ =	task [dreg:s7], $0x5FFFF  }
0xac: {  	[dreg:$0x1] =	wrdreg $0xFFFFFFFF  }
0xad: {  	[dreg:$0x0] =	wrdreg $0x60  }
0xae: {  	[dreg:$0x2] =	wrdreg s2  }
0xaf: {  	[dreg:$0x3] =	wrdreg s24  }
0xb0: {  	[dreg:$0x4] =	wrdreg $0x0  }
0xb1: {  	[dreg:$0x5] =	wrdreg $0x9  }
0xb2: {  	_ =	task.clear_ibuf [dreg:s7], $0x6FFFF;
	_ =	strace $0x90000046  }
0xb3: {  	s29 =	simm.s32 $0x9;
	_ =	strace $0x80000052  }
0xb4: {  	_ =	swait.ge [sflag:s29], $0x1  }
0xb5: {  	[sflag:s29] =	ssyncadd.s32 $0xFFFFFFFF  }
0xb6: {  	_ =	strace $0x90000052  }
0xb7: {  	_ =	sfence  }
0xb8: {  	s30 =	sld [smem:$0x0];
	_ =	sdelay $0x2  }
0xb9: {  	s31 =	sshll.u32 s1, $0xD;
	s1 =	sshrl.u32 s1, $0x2  }
0xba: {  	s3 =	sand.u32 $0x4000, s31;
	s1 =	sadd.s32 s1, s30  }
0xbb: {  	s0 =	sor.u32 s3, s0;
	s1 =	sshll.u32 s1, $0x11  }
0xbc: {  	s0 =	sor.u32 s1, s0  }
0xbd: {  	s0 =	sadd.s32 $0x8F2B, s0  }
0xbe: {  	[sflag:s0] =	ssyncadd.remote.s32 $0x1  }
0xbf: {  	_ =	sfence.sel $0xFFFF  }
0xc0: {  	[dreg:$0x0] =	wrdreg $0xFFFFFFFF;
	(pc) =	sbr.abs _section_cstart, $3  }
0xc1: {  	[dreg:$0x1] =	wrdreg $0xFFFFFFFF  }
0xc2: {  	_ =	task.clear_ibuf [dreg:s7], $0x2FFFF;
	_ =	strace $0x9FFFFFFF  }
0xc3: {  	(tm) =	ssettm $0x7FFFFFFF  }
tec
execute0_lowered:
.L_overlay_start_1:
0x0: {  	(tag) =	ssettag $0x1  }
0x1: {  	s1 =	rddreg [dreg:$0x0]  }
0x2: {  	s0 =	rddreg [dreg:$0x1]  }
0x3: {  	s2 =	rddreg [dreg:$0x2];
	s3 =	simm.s32 $0x0;
	s17 =	stileid.u32  }
0x4: {  	s16 =	srdreg.scid;
	s28 =	simm.s32 $0x80;
	s29 =	simm.s32 $0x13880  }
0x5: {  	s30 =	simm.s32 $0xA;
	[smem:$0x7FF] =	sst s3;
	s5 =	sadd.s32 $0x509000, s0  }
0x6: {  	s6 =	sadd.s32 $0x4F4E00, s0;
	s4 =	smul.u32 $0x2780, s17;
	s3 =	sand.u32 $0x1, s16  }
0x7: {  	s7 =	sadd.s32 $0x4EB000, s0;
	s8 =	sadd.s32 $0x4FF200, s0;
	s10 =	smul.u32 $0x4F000, s17  }
0x8: {  	s12 =	sadd.s32 $0xA12200, s0;
	s20 =	smul.u32 $0x13C00, s17;
	p0 =	seq.s32 s17, $0xF  }
0x9: {  	_ =	strace $0x80000047;
	s9 =	sshll.u32 s3, $0x4;
	s11 =	ssub.s32 $0x2, s3  }
0xa: {  	s3 =	smul.u32 $0x138800, s3;
	s4 =	sadd.s32 s4, s0;
	s9 =	sor.u32 s17, s9  }
0xb: {  	s14 =	sshrl.u32 s11, $0x1;
	s10 =	sshrl.u32 s10, $0x2;
	s13 =	smul.u32 $0x4F0, s9  }
0xc: {  	s0 =	sadd.s32 $0xA10080, s0;
	s15 =	smul.u32 $0x2780, s9;
	s14 =	ssub.s32 s11, s14  }
0xd: {  	s10 =	sadd.s32 s10, s2;
	s18 =	smul.u32 $0x380, s9;
	s4 =	sadd.s32 $0x9EB000, s4  }
0xe: {  	s16 =	smul.u32 $0x27800, s9;
	[dreg:$0x5] =	wrdreg s0;
	s23 =	sadd.s32 s20, s3  }
0xf: {  	[dreg:$0x4] =	wrdreg s4;
	s26 =	smax.u32 s14, $0x1;
	s10 =	sshrl.u32 @!p0 s10, $0x3  }
0x10: {  	s15 =	sand.u32 $0x7FC00, s15;
	s11 =	sand.u32 $0x380, s18;
	[dreg:$0xc] =	wrdreg s26  }
0x11: {  	s21 =	sadd.s32 s6, s13;
	[dreg:$0xf] =	wrdreg s10;
	s19 =	sor.u32 s11, s15  }
0x12: {  	s22 =	sadd.s32 s5, s16;
	[dreg:$0x6] =	wrdreg s21;
	s0 =	sshrl.u32 s19, $0x3  }
0x13: {  	s3 =	sshrl.u32 s3, $0x3;
	[dreg:$0x7] =	wrdreg s22;
	s0 =	sadd.s32 s8, s0  }
0x14: {  	s24 =	sadd.s32 s7, s13;
	[dreg:$0x8] =	wrdreg s0;
	s0 =	sshrl.u32 s23, $0x3  }
0x15: {  	s25 =	sadd.s32 s12, s3;
	[dreg:$0x9] =	wrdreg s24;
	s0 =	sadd.s32 s12, s0  }
0x16: {  	s4 =	sadd.s32 $0x128400, s2;
	[dreg:$0xa] =	wrdreg s0;
	s0 =	sadd.s32 $0x25080, s25  }
0x17: {  	s4 =	sshrl.u32 @p0 s4, $0x3;
	[dreg:$0xb] =	wrdreg s0;
	s0 =	sshll.u32 @!p0 s17, $0x6  }
0x18: {  	s11 =	smul.u32 $0x4F, s9;
	[dreg:$0xd] =	wrdreg s4;
	s9 =	sor.u32 @!p0 $0x1C02, s0  }
0x19: {  	s31 =	simm.s32 $0x0;
	s26 =	simm.s32 $0x1;
	[dreg:$0xe] =	wrdreg s9  }
.LBB2_1:
0x1a: {  	s0 =	simm.s32 @p0 $0x1FC2;
	s3 =	rddreg [dreg:$0x5]  }
0x1b: {  	[spmem:s4], [sflag:s0] =	dma.local @p0 [hbm:s3], $0x2080  }
0x1c: {  	s0 =	simm.s32 @p0 $0x2  }
0x1d: {  	_ =	swait.ge @p0 [sflag:s0], $0x2080  }
0x1e: {  	[sflag:s0] =	ssyncset.done @p0 $0x0  }
0x1f: {  	[sflag:s0] =	ssyncadd.s32 @p0 $0xFFFFDF80;
	s0 =	rddreg [dreg:$0x4]  }
0x20: {  	[spmem:s10], [sflag:s9] =	dma.local @!p0 [hbm:s0], $0x2780  }
0x21: {  	s0 =	simm.s32 @!p0 $0x2  }
0x22: {  	_ =	swait.ge @!p0 [sflag:s0], $0x2780  }
0x23: {  	[sflag:s0] =	ssyncset.done @!p0 $0x0  }
0x24: {  	s17 =	simm.s32 $0x0;
	[sflag:s0] =	ssyncadd.s32 @!p0 $0xFFFFD880  }
0x25: {  	s19 =	simm.s32 $0x17880;
	s21 =	simm.s32 $0x17980;
	[bflag:$0x0] =	sbarrier.arrive $0xFFFF  }
0x26: {  	s23 =	simm.s32 $0x1F980;
	s25 =	simm.s32 $0x1FA80;
	_ =	strace $0x80000048  }
0x27: {  	s12 =	simm.s32 $0x1;
	s13 =	simm.s32 $0x0;
	s18 =	rddreg [dreg:$0x6]  }
0x28: {  	[tilespmem:s19], [sflag:$0x2] =	stream.linear.gather [hbm4b:s18+s17], $0x80, $0x200038;
	[tilespmem:$0x1FB80] =	vst v63  }
0x29: {  	s3 =	simm.s32 $0x0;
	s9 =	simm.s32 $0x1;
	s20 =	rddreg [dreg:$0x7]  }
0x2a: {  	[tilespmem:s21], [sflag:$0x4] =	stream.linear.gather [hbm4b:s20+s17], $0x4000, $0x200038;
	[tilespmem:$0x1FB80] =	vst v63  }
0x2b: {  	s10 =	simm.s32 $0x0;
	s0 =	simm.s32 $0x0;
	s22 =	rddreg [dreg:$0x8]  }
0x2c: {  	[tilespmem:s23], [sflag:$0x6] =	stream.linear.gather [hbm4b:s22+s17], $0x80, $0x200038;
	[tilespmem:$0x1FB80] =	vst v63  }
0x2d: {  	s24 =	rddreg [dreg:$0x9];
	s22 =	simm.s32 $0x1;
	s23 =	simm.s32 $0x0  }
0x2e: {  	[tilespmem:s25], [sflag:$0x8] =	stream.linear.gather [hbm4b:s24+s17], $0x80, $0x200038;
	[tilespmem:$0x1FB80] =	vst v63  }
0x2f: {  	s24 =	simm.s32 $0x1;
	s25 =	simm.s32 $0x0;
	_ =	strace $0x90000048  }
.LBB2_2:
0x30: {  	s4 =	smov.u32 s0;
	s0 =	sadd.s32 $0x1, s0  }
0x31: {  	p1 =	seq.s32 s0, $0x4F  }
0x32: {  	s0 =	simm.s32 @p1 $0x0  }
0x33: {  	s14 =	sadd.s32 s11, s4;
	s15 =	sadd.s32 s11, s0  }
0x34: {  	p1 =	slt.s32 s14, $0x9C3;
	p2 =	slt.s32 s15, $0x9C3;
	s16 =	smov.u32 s15  }
0x35: {  	s14 =	simm.s32 @!p1 $0x9C3;
	s16 =	simm.s32 @!p2 $0x9C3  }
0x36: {  	p4 =	sne.s32 s13, $0x4E;
	p1 =	sne.s32 s14, s16  }
0x37: {  	p2 =	sne.s32 s4, s0;
	p6 =	por !p4, !p1  }
0x38: {  	p5 =	seq.s32 s4, $0x0;
	p4 =	por !p4, !p2;
	p3 =	por !p6, !p6  }
0x39: {  	p4 =	por !p4, !p4;
	s17 =	sand.u32 @p3 $0x1, s12;
	_ =	strace @p3 $0x80000049  }
0x3a: {  	s19 =	sshll.u32 @p3 s16, $0x4;
	s21 =	simm.s32 @p3 $0x0;
	s16 =	sshll.u32 @p3 s16, $0xB  }
0x3b: {  	s15 =	sshll.u32 @p4 s15, $0x4;
	s18 =	sshll.u32 @p3 s17, $0x7;
	s19 =	sand.u32 @p3 $0x1FFFFFF0, s19  }
0x3c: {  	s17 =	sor.u32 @p3 $0x2, s17;
	s18 =	sadd.s32 @p3 $0x17880, s18;
	s20 =	sadd.s32 @p3 s6, s19  }
0x3d: {  	[tilespmem:s18], [sflag:s17] =	stream.linear.gather @p3 [hbm4b:s20+s21], $0x80, $0x200038;
	[tilespmem:$0x1FB80] =	vst v63  }
0x3e: {  	s16 =	sand.u32 @p3 $0x1FFFF800, s16;
	s15 =	sand.u32 @p4 $0x1FFFFFF0, s15;
	s17 =	sand.u32 @p3 $0x1, s9  }
0x3f: {  	s16 =	sadd.s32 @p3 s5, s16;
	_ =	strace @p3 $0x90000049;
	s18 =	sshll.u32 @p3 s17, $0xE  }
0x40: {  	s17 =	sor.u32 @p3 $0x4, s17;
	_ =	strace @p3 $0x8000004A;
	s18 =	sadd.s32 @p3 $0x17980, s18  }
0x41: {  	[tilespmem:s18], [sflag:s17] =	stream.linear.gather @p3 [hbm4b:s16+s21], $0x4000, $0x200038;
	[tilespmem:$0x1FB80] =	vst v63  }
0x42: {  	s15 =	sadd.s32 @p4 s8, s15;
	s16 =	sadd.s32 $0xFFFFFFFF, s4;
	s17 =	sand.u32 @p4 $0x1, s24  }
0x43: {  	_ =	strace @p3 $0x9000004A;
	s18 =	sshll.u32 @p4 s17, $0x7;
	s17 =	sor.u32 @p4 $0x6, s17  }
0x44: {  	_ =	strace @p4 $0x8000004B;
	s4 =	sadd.s32 @p4 $0x1F980, s18;
	s18 =	simm.s32 @p4 $0x0  }
0x45: {  	[tilespmem:s4], [sflag:s17] =	stream.linear.gather @p4 [hbm4b:s15+s18], $0x80, $0x200038;
	[tilespmem:$0x1FB80] =	vst v63  }
0x46: {  	p6 =	seq.s32 s13, $0x0;
	s16 =	simm.s32 @p5 $0x4E;
	s4 =	sand.u32 @p3 $0x1, s22  }
0x47: {  	s15 =	sadd.s32 s11, s16;
	s17 =	sadd.s32 @p3 s7, s19;
	_ =	strace @p4 $0x9000004B  }
0x48: {  	s16 =	sshll.u32 @p3 s4, $0x7;
	s4 =	sor.u32 @p3 $0x8, s4;
	p5 =	slt.s32 s15, $0x9C3  }
0x49: {  	_ =	strace @p3 $0x8000004C;
	s16 =	sadd.s32 @p3 $0x1FA80, s16;
	s15 =	simm.s32 @!p5 $0x9C3  }
0x4a: {  	[tilespmem:s16], [sflag:s4] =	stream.linear.gather @p3 [hbm4b:s17+s21], $0x80, $0x200038;
	[tilespmem:$0x1FB80] =	vst v63  }
0x4b: {  	p5 =	seq.s32 @!p6 s14, s15  }
0x4c: {  	p5 =	por p6, !p5  }
0x4d: {  	_ =	strace @p3 $0x9000004C;
	s4 =	sand.u32 @!p5 $0x1, s23  }
0x4e: {  	_ =	strace @!p5 $0x8000004F;
	s4 =	sor.u32 @!p5 $0x6, s4  }
0x4f: {  	_ =	swait.ge @!p5 [sflag:s4], $0x80  }
0x50: {  	[sflag:s4] =	ssyncset.done @!p5 $0x0  }
0x51: {  	[sflag:s4] =	ssyncadd.s32 @!p5 $0xFFFFFF80  }
0x52: {  	s4 =	sand.u32 @p5 $0x1, s10;
	_ =	strace @!p5 $0x9000004F  }
0x53: {  	s4 =	sor.u32 @p5 $0x2, s4;
	_ =	strace @p5 $0x8000004D  }
0x54: {  	_ =	swait.ge @p5 [sflag:s4], $0x80  }
0x55: {  	[sflag:s4] =	ssyncset.done @p5 $0x0  }
0x56: {  	[sflag:s4] =	ssyncadd.s32 @p5 $0xFFFFFF80  }
0x57: {  	s4 =	sand.u32 @p5 $0x1, s25;
	_ =	strace @p5 $0x9000004D  }
0x58: {  	s4 =	sor.u32 @p5 $0x4, s4;
	_ =	strace @p5 $0x8000004E  }
0x59: {  	_ =	swait.ge @p5 [sflag:s4], $0x4000  }
0x5a: {  	[sflag:s4] =	ssyncset.done @p5 $0x0  }
0x5b: {  	[sflag:s4] =	ssyncadd.s32 @p5 $0xFFFFC000  }
0x5c: {  	s4 =	sand.u32 @p5 $0x1, s23;
	_ =	strace @p5 $0x9000004E  }
0x5d: {  	s4 =	sor.u32 @p5 $0x6, s4;
	_ =	strace @p5 $0x8000004F  }
0x5e: {  	_ =	swait.ge @p5 [sflag:s4], $0x80  }
0x5f: {  	[sflag:s4] =	ssyncset.done @p5 $0x0  }
0x60: {  	[sflag:s4] =	ssyncadd.s32 @p5 $0xFFFFFF80  }
0x61: {  	s4 =	sand.u32 @p5 $0x1, s3;
	_ =	strace @p5 $0x9000004F  }
0x62: {  	s4 =	sor.u32 @p5 $0x8, s4;
	_ =	strace @p5 $0x80000050  }
0x63: {  	_ =	swait.ge @p5 [sflag:s4], $0x80  }
0x64: {  	[sflag:s4] =	ssyncset.done @p5 $0x0  }
0x65: {  	s16 =	sshll.u32 s10, $0x7;
	[sflag:s4] =	ssyncadd.s32 @p5 $0xFFFFFF80  }
0x66: {  	s4 =	sand.u32 $0x80, s16;
	_ =	strace @p5 $0x90000050  }
0x67: {  	s17 =	simm.s32 $0x2;
	s4 =	sadd.s32 $0x17880, s4;
	_ =	strace $0x80000051  }
0x68: {  	[tilespmem:s29], [sflag:$0x1] =	stream.indirect.gather [hbm4b:s1+s28], $0x80, s4, s28, $0x2000b8;
	[tilespmem:$0x1FB80] =	vst v63  }
0x69: {  	v0 =	vmov s17;
	_ =	swait.ge [sflag:s26], $0x4000  }
0x6a: {  	s18 =	sand.u32 $0x1, s25;
	s19 =	simm.s32 $0x0;
	v0 =	vand.u32 $0xFFFFFFFE, v0;
	[sflag:s26] =	ssyncset.done $0x0  }
0x6b: {  	v1 =	vmov s19;
	s14 =	simm.s32 $0x13980;
	v0 =	vbroadcast v0, $0x0;
	s4 =	sshll.u32 s18, $0xE;
	[sflag:s26] =	ssyncadd.s32 $0xFFFFC000  }
0x6c: {  	v1 =	vand.u32 $0xFFFFFFFC, v1;
	s18 =	sadd.s32 $0x17A80, s4;
	v2 =	vld [tilespmem:s14+$0x0]  }
0x6d: {  	v1 =	vbroadcast v1, $0x0;
	v3 =	vld [tilespmem:s18+$0x0]  }
0x6e: {  	s20 =	sshll.u32 s23, $0x7  }
0x6f: {  	s4 =	sand.u32 $0x80, s20  }
0x70: {  	s16 =	sadd.s32 $0x1F980, s4  }
0x71: {  	s21 =	simm.s32 $0x1;
	v6 =	vld.idx.msk [tilespmem:v0+s16+$0x0], $0xffff  }
0x72: {  	v0 =	vadd.f32 v3, v2;
	v2 =	vmov s21  }
0x73: {  	v4 =	vld.idx.msk [tilespmem:v1+s16+$0x0], $0xffff;
	v1 =	vand.u32 $0xFFFFFFFD, v2  }
0x74: {  	v3 =	vld [tilespmem:s18+$0xFFFFFF00];
	v1 =	vbroadcast v1, $0x0  }
0x75: {  	v2 =	vld [tilespmem:s14+$0xFFFFFF00];
	v0 =	vmax.f32 v0, $0.0e+00  }
0x76: {  	v5 =	vld [tilespmem:s14+$0xFFFFFF80];
	v0 =	vmul.f32 v0, v6  }
0x77: {  	v7 =	vld [tilespmem:s18+$0xFFFFFF80]  }
0x78: {  	s15 =	simm.s32 $0x3;
	[tilespmem:s14+$0x0] =	vst v0;
	v0 =	vld [tilespmem:s14+$0x10]  }
0x79: {  	v9 =	vmov s15;
	v10 =	vld [tilespmem:s18+$0x10]  }
0x7a: {  	v8 =	vld.idx.msk [tilespmem:v1+s16+$0x0], $0xffff;
	v1 =	vadd.f32 v3, v2;
	_ =	sdelay $0x1  }
0x7b: {  	v5 =	vadd.f32 v7, v5;
	v2 =	vld [tilespmem:s14+$0x80];
	v1 =	vmax.f32 v1, $0.0e+00  }
0x7c: {  	v3 =	vld [tilespmem:s18+$0x80];
	v1 =	vmul.f32 v1, v4  }
0x7d: {  	v14 =	vld.idx.msk [tilespmem:v9+s16+$0x0], $0xffff;
	v5 =	vmax.f32 v5, $0.0e+00  }
0x7e: {  	v7 =	vld [tilespmem:s14+$0xFFFFFF10];
	v0 =	vadd.f32 v10, v0;
	[tilespmem:s14+$0xFFFFFF00] =	vst v1;
	v1 =	vmul.f32 v5, v8  }
0x7f: {  	v9 =	vld [tilespmem:s18+$0xFFFFFF10]  }
0x80: {  	v5 =	vld [tilespmem:s14+$0xFFFFFF90];
	v0 =	vmax.f32 v0, $0.0e+00;
	[tilespmem:s14+$0xFFFFFF80] =	vst v1  }
0x81: {  	v2 =	vadd.f32 v3, v2;
	v0 =	vmul.f32 v0, v6;
	v1 =	vld [tilespmem:s18+$0xFFFFFF90];
	_ =	sdelay $0x1  }
0x82: {  	[tilespmem:s14+$0x10] =	vst v0;
	v0 =	vmax.f32 v2, $0.0e+00;
	v2 =	vld [tilespmem:s14+$0x20]  }
0x83: {  	v0 =	vmul.f32 v0, v14;
	v3 =	vld [tilespmem:s18+$0x20];
	v7 =	vadd.f32 v9, v7;
	_ =	sdelay $0x1  }
0x84: {  	v10 =	vld [tilespmem:s14+$0x90];
	[tilespmem:s14+$0x80] =	vst v0;
	v7 =	vmax.f32 v7, $0.0e+00;
	v1 =	vadd.f32 v1, v5  }
0x85: {  	v0 =	vld [tilespmem:s18+$0x90];
	v7 =	vmul.f32 v7, v4  }
0x86: {  	v13 =	vld [tilespmem:s14+$0xFFFFFF30];
	v1 =	vmax.f32 v1, $0.0e+00  }
0x87: {  	v9 =	vld [tilespmem:s14+$0xFFFFFF20];
	v2 =	vadd.f32 v3, v2;
	[tilespmem:s14+$0xFFFFFF10] =	vst v7;
	v1 =	vmul.f32 v1, v8  }
0x88: {  	v7 =	vld [tilespmem:s18+$0xFFFFFF20]  }
0x89: {  	v5 =	vld [tilespmem:s14+$0xFFFFFFA0];
	v2 =	vmax.f32 v2, $0.0e+00;
	[tilespmem:s14+$0xFFFFFF90] =	vst v1  }
0x8a: {  	v0 =	vadd.f32 v0, v10;
	v1 =	vmul.f32 v2, v6;
	v2 =	vld [tilespmem:s18+$0xFFFFFFA0]  }
0x8b: {  	v12 =	vld [tilespmem:s14+$0xA0]  }
0x8c: {  	v16 =	vld [tilespmem:s14+$0xFFFFFF40];
	v0 =	vmax.f32 v0, $0.0e+00  }
0x8d: {  	[tilespmem:s14+$0x20] =	vst v1;
	v0 =	vmul.f32 v0, v14;
	v1 =	vld [tilespmem:s14+$0x30];
	v7 =	vadd.f32 v7, v9  }
0x8e: {  	v15 =	vld [tilespmem:s18+$0x30]  }
0x8f: {  	v18 =	vld [tilespmem:s14+$0xFFFFFFC0];
	[tilespmem:s14+$0x90] =	vst v0;
	v7 =	vmax.f32 v7, $0.0e+00;
	v2 =	vadd.f32 v2, v5  }
0x90: {  	v0 =	vld [tilespmem:s18+$0xA0];
	v5 =	vmul.f32 v7, v4  }
0x91: {  	v11 =	vld [tilespmem:s14+$0xFFFFFFD0];
	v2 =	vmax.f32 v2, $0.0e+00  }
0x92: {  	v19 =	vld [tilespmem:s14+$0xC0];
	[tilespmem:s14+$0xFFFFFF20] =	vst v5;
	v2 =	vmul.f32 v2, v8  }
0x93: {  	v1 =	vadd.f32 v15, v1;
	v5 =	vld [tilespmem:s18+$0xFFFFFF30]  }
0x94: {  	v3 =	vld [tilespmem:s14+$0xFFFFFFB0];
	[tilespmem:s14+$0xFFFFFFA0] =	vst v2  }
0x95: {  	v1 =	vmax.f32 v1, $0.0e+00;
	v0 =	vadd.f32 v0, v12;
	v2 =	vld [tilespmem:s18+$0xFFFFFFB0]  }
0x96: {  	s15 =	simm.s32 $0x13B80;
	v17 =	vld [tilespmem:s14+$0xE0];
	v1 =	vmul.f32 v1, v6  }
0x97: {  	v22 =	vld [tilespmem:s15+$0x0];
	v0 =	vmax.f32 v0, $0.0e+00  }
0x98: {  	v10 =	vld [tilespmem:s14+$0xB0];
	[tilespmem:s14+$0x30] =	vst v1;
	v0 =	vmul.f32 v0, v14;
	v1 =	vadd.f32 v5, v13  }
0x99: {  	v15 =	vld [tilespmem:s18+$0x40]  }
0x9a: {  	v13 =	vld [tilespmem:s14+$0x40];
	[tilespmem:s14+$0xA0] =	vst v0;
	v0 =	vmax.f32 v1, $0.0e+00;
	v1 =	vadd.f32 v2, v3  }
0x9b: {  	v2 =	vld [tilespmem:s18+$0xB0];
	v0 =	vmul.f32 v0, v4  }
0x9c: {  	v24 =	vld [tilespmem:s15+$0xFFFFFF00];
	v1 =	vmax.f32 v1, $0.0e+00  }
0x9d: {  	v25 =	vld [tilespmem:s15+$0xFFFFFF80];
	[tilespmem:s14+$0xFFFFFF30] =	vst v0;
	v0 =	vmul.f32 v1, v8  }
0x9e: {  	v1 =	vld [tilespmem:s18+$0xFFFFFF40]  }
0x9f: {  	v41 =	vld [tilespmem:s14+$0x70];
	v3 =	vadd.f32 v15, v13;
	[tilespmem:s14+$0xFFFFFFB0] =	vst v0  }
0xa0: {  	v0 =	vadd.f32 v2, v10;
	v2 =	vld [tilespmem:s18+$0xFFFFFFC0]  }
0xa1: {  	v42 =	vld [tilespmem:s15+$0xFFFFFF10];
	v3 =	vmax.f32 v3, $0.0e+00  }
0xa2: {  	v45 =	vld [tilespmem:s15+$0xFFFFFF20];
	v3 =	vmul.f32 v3, v6;
	v0 =	vmax.f32 v0, $0.0e+00  }
0xa3: {  	s17 =	simm.s32 $0x4;
	v46 =	vld [tilespmem:s15+$0x20];
	v0 =	vmul.f32 v0, v14;
	v1 =	vadd.f32 v1, v16  }
0xa4: {  	v13 =	vld [tilespmem:s14+$0x50];
	[tilespmem:s14+$0x40] =	vst v3;
	v3 =	vmov s17  }
0xa5: {  	[tilespmem:s14+$0xB0] =	vst v0;
	v0 =	vand.u32 $0xFFFFFFFC, v3;
	v3 =	vld [tilespmem:s18+$0x50];
	v1 =	vmax.f32 v1, $0.0e+00;
	v2 =	vadd.f32 v2, v18  }
0xa6: {  	s19 =	simm.s32 $0x5;
	v29 =	vld [tilespmem:s15+$0xFFFFFFA0];
	v1 =	vmul.f32 v1, v4  }
0xa7: {  	v48 =	vld [tilespmem:s15+$0xA0];
	v10 =	vmov s19;
	v2 =	vmax.f32 v2, $0.0e+00  }
0xa8: {  	s20 =	simm.s32 $0x6;
	v30 =	vld [tilespmem:s15+$0xFFFFFF30];
	v16 =	vand.u32 $0xFFFFFFFD, v10;
	[tilespmem:s14+$0xFFFFFF40] =	vst v1;
	v1 =	vmul.f32 v2, v8  }
0xa9: {  	v21 =	vmov s20;
	v31 =	vld [tilespmem:s15+$0xFFFFFF40];
	v2 =	vbroadcast v16, $0x0  }
0xaa: {  	v51 =	vld [tilespmem:s15+$0xFFFFFFC0];
	[tilespmem:s14+$0xFFFFFFC0] =	vst v1;
	v1 =	vadd.f32 v3, v13;
	v3 =	vand.u32 $0xFFFFFFFE, v21  }
0xab: {  	v32 =	vld [tilespmem:s15+$0xC0];
	v3 =	vbroadcast v3, $0x0  }
0xac: {  	v9 =	vld [tilespmem:s14+$0xFFFFFF50];
	s17 =	sadd.s32 $0x200, s18  }
0xad: {  	v23 =	vld [tilespmem:s17+$0x0];
	v1 =	vmax.f32 v1, $0.0e+00  }
0xae: {  	v18 =	vld [tilespmem:s18+$0xC0];
	v21 =	vmul.f32 v1, v6  }
0xaf: {  	v1 =	vld.idx.msk [tilespmem:v2+s16+$0x0], $0xffff  }
0xb0: {  	v0 =	vbroadcast v0, $0x0;
	[tilespmem:s14+$0x50] =	vst v21;
	v21 =	vld [tilespmem:s14+$0x60]  }
0xb1: {  	v2 =	vld.idx.msk [tilespmem:v3+s16+$0x0], $0xffff  }
0xb2: {  	v3 =	vld [tilespmem:s18+$0x60]  }
0xb3: {  	v22 =	vadd.f32 v23, v22;
	v23 =	vld [tilespmem:s17+$0xFFFFFF00]  }
0xb4: {  	s21 =	simm.s32 $0x7;
	v27 =	vld [tilespmem:s17+$0x80]  }
0xb5: {  	v26 =	vmov s21;
	v22 =	vmax.f32 v22, $0.0e+00;
	v18 =	vadd.f32 v18, v19;
	v19 =	vld [tilespmem:s17+$0xFFFFFF80]  }
0xb6: {  	v0 =	vld.idx.msk [tilespmem:v0+s16+$0x0], $0xffff;
	v22 =	vmul.f32 v22, v2  }
0xb7: {  	v3 =	vadd.f32 v3, v21;
	v21 =	vld [tilespmem:s15+$0x80]  }
0xb8: {  	v18 =	vmax.f32 v18, $0.0e+00;
	v23 =	vadd.f32 v23, v24;
	[tilespmem:s15+$0x0] =	vst v22;
	v22 =	vld [tilespmem:s15+$0x10]  }
0xb9: {  	v18 =	vmul.f32 v18, v14;
	v3 =	vmax.f32 v3, $0.0e+00;
	v40 =	vld [tilespmem:s17+$0x10]  }
0xba: {  	v23 =	vmax.f32 v23, $0.0e+00;
	v19 =	vadd.f32 v19, v25;
	v28 =	vmul.f32 v3, v6;
	v3 =	vld.idx.msk [tilespmem:v26+s16+$0x0], $0xffff  }
0xbb: {  	v12 =	vld [tilespmem:s14+$0xD0];
	v23 =	vmul.f32 v23, v0  }
0xbc: {  	v20 =	vld [tilespmem:s18+$0xFFFFFF50];
	[tilespmem:s14+$0xC0] =	vst v18;
	v19 =	vmax.f32 v19, $0.0e+00;
	v21 =	vadd.f32 v27, v21  }
0xbd: {  	v18 =	vld [tilespmem:s18+$0xD0];
	[tilespmem:s15+$0xFFFFFF00] =	vst v23;
	v19 =	vmul.f32 v19, v1  }
0xbe: {  	v43 =	vld [tilespmem:s17+$0xFFFFFF10];
	v21 =	vmax.f32 v21, $0.0e+00;
	v22 =	vadd.f32 v40, v22  }
0xbf: {  	v23 =	vld [tilespmem:s15+$0xFFFFFF90];
	[tilespmem:s15+$0xFFFFFF80] =	vst v19;
	v19 =	vmul.f32 v21, v3  }
0xc0: {  	v44 =	vld [tilespmem:s17+$0xFFFFFF90];
	v22 =	vmax.f32 v22, $0.0e+00  }
0xc1: {  	v9 =	vadd.f32 v20, v9;
	v21 =	vld [tilespmem:s15+$0x90];
	[tilespmem:s15+$0x80] =	vst v19;
	v22 =	vmul.f32 v22, v2  }
0xc2: {  	v18 =	vadd.f32 v18, v12;
	v19 =	vld [tilespmem:s17+$0x90]  }
0xc3: {  	v7 =	vld [tilespmem:s14+$0xFFFFFFE0];
	v9 =	vmax.f32 v9, $0.0e+00;
	[tilespmem:s15+$0x10] =	vst v22;
	v22 =	vadd.f32 v43, v42  }
0xc4: {  	v5 =	vld [tilespmem:s14+$0xFFFFFF60];
	v9 =	vmul.f32 v9, v4;
	v18 =	vmax.f32 v18, $0.0e+00  }
0xc5: {  	v18 =	vmul.f32 v18, v14;
	v23 =	vadd.f32 v44, v23;
	v47 =	vld [tilespmem:s17+$0x20];
	v22 =	vmax.f32 v22, $0.0e+00  }
0xc6: {  	v15 =	vld [tilespmem:s14+$0xFFFFFF70];
	[tilespmem:s14+$0xFFFFFF50] =	vst v9;
	v22 =	vmul.f32 v22, v0  }
0xc7: {  	[tilespmem:s14+$0xD0] =	vst v18;
	v18 =	vld [tilespmem:s18+$0xFFFFFF60];
	v23 =	vmax.f32 v23, $0.0e+00;
	v19 =	vadd.f32 v19, v21  }
0xc8: {  	v13 =	vld [tilespmem:s18+$0xFFFFFFD0];
	v21 =	vmul.f32 v23, v1;
	[tilespmem:s15+$0xFFFFFF10] =	vst v22  }
0xc9: {  	v19 =	vmax.f32 v19, $0.0e+00;
	v23 =	vld [tilespmem:s17+$0xFFFFFF20]  }
0xca: {  	v10 =	vld [tilespmem:s14+$0xFFFFFFF0];
	[tilespmem:s15+$0xFFFFFF90] =	vst v21;
	v24 =	vadd.f32 v47, v46;
	v19 =	vmul.f32 v19, v3  }
0xcb: {  	v49 =	vld [tilespmem:s17+$0xFFFFFFA0]  }
0xcc: {  	v16 =	vld [tilespmem:s14+$0xF0];
	v18 =	vadd.f32 v18, v5;
	v24 =	vmax.f32 v24, $0.0e+00;
	[tilespmem:s15+$0x90] =	vst v19  }
0xcd: {  	v19 =	vmul.f32 v24, v2;
	v50 =	vld [tilespmem:s17+$0xA0]  }
0xce: {  	v13 =	vadd.f32 v13, v11;
	v11 =	vld [tilespmem:s15+$0xFFFFFF50];
	v18 =	vmax.f32 v18, $0.0e+00;
	v23 =	vadd.f32 v23, v45  }
0xcf: {  	v18 =	vmul.f32 v18, v4;
	[tilespmem:s15+$0x20] =	vst v19;
	v19 =	vld [tilespmem:s15+$0x30]  }
0xd0: {  	v26 =	vadd.f32 v49, v29;
	v52 =	vld [tilespmem:s17+$0x30];
	v23 =	vmax.f32 v23, $0.0e+00  }
0xd1: {  	v55 =	vld [tilespmem:s18+$0xE0];
	[tilespmem:s14+$0xFFFFFF60] =	vst v18;
	v23 =	vmul.f32 v23, v0  }
0xd2: {  	v59 =	vld [tilespmem:s18+$0xFFFFFF70];
	v26 =	vmax.f32 v26, $0.0e+00;
	v24 =	vadd.f32 v50, v48  }
0xd3: {  	v20 =	vmax.f32 v13, $0.0e+00;
	v22 =	vld [tilespmem:s15+$0xFFFFFFB0];
	[tilespmem:s15+$0xFFFFFF20] =	vst v23;
	v23 =	vmul.f32 v26, v1  }
0xd4: {  	v20 =	vmul.f32 v20, v8;
	v12 =	vmax.f32 v24, $0.0e+00;
	v53 =	vld [tilespmem:s17+$0xFFFFFF30]  }
0xd5: {  	v21 =	vld [tilespmem:s15+$0xB0];
	v19 =	vadd.f32 v52, v19;
	[tilespmem:s15+$0xFFFFFFA0] =	vst v23;
	v23 =	vmul.f32 v12, v3  }
0xd6: {  	[tilespmem:s14+$0xFFFFFFD0] =	vst v20;
	v20 =	vld [tilespmem:s17+$0xFFFFFFB0]  }
0xd7: {  	v17 =	vadd.f32 v55, v17;
	v19 =	vmax.f32 v19, $0.0e+00;
	[tilespmem:s15+$0xA0] =	vst v23;
	v23 =	vld [tilespmem:s18+$0xFFFFFFE0]  }
0xd8: {  	s21 =	simm.s32 $0xB;
	v19 =	vmul.f32 v19, v2;
	v9 =	vld [tilespmem:s17+$0xB0]  }
0xd9: {  	v61 =	vmov s21;
	v13 =	vld [tilespmem:s15+$0xFFFFFFD0];
	v17 =	vmax.f32 v17, $0.0e+00;
	v54 =	vadd.f32 v53, v30  }
0xda: {  	v17 =	vmul.f32 v17, v14;
	[tilespmem:s15+$0x30] =	vst v19;
	v19 =	vld [tilespmem:s15+$0x40]  }
0xdb: {  	[tilespmem:s14+$0x60] =	vst v28;
	v15 =	vadd.f32 v59, v15;
	v24 =	vmax.f32 v54, $0.0e+00;
	v20 =	vadd.f32 v20, v22;
	v22 =	vld [tilespmem:s17+$0x40]  }
0xdc: {  	v56 =	vld [tilespmem:s18+$0x70];
	[tilespmem:s14+$0xE0] =	vst v17;
	v23 =	vadd.f32 v23, v7;
	v7 =	vmul.f32 v24, v0  }
0xdd: {  	v60 =	vld [tilespmem:s18+$0xF0];
	v15 =	vmax.f32 v15, $0.0e+00;
	v21 =	vadd.f32 v9, v21;
	v20 =	vmax.f32 v20, $0.0e+00  }
0xde: {  	v15 =	vmul.f32 v15, v4;
	v4 =	vld.idx.msk [tilespmem:v61+s16+$0x0], $0xffff;
	[tilespmem:s15+$0xFFFFFF30] =	vst v7;
	v20 =	vmul.f32 v20, v1;
	v5 =	vmax.f32 v23, $0.0e+00  }
0xdf: {  	v23 =	vld [tilespmem:s17+$0xFFFFFF40];
	v21 =	vmax.f32 v21, $0.0e+00;
	v57 =	vmul.f32 v5, v8  }
0xe0: {  	v12 =	vld [tilespmem:s15+$0xD0];
	[tilespmem:s15+$0xFFFFFFB0] =	vst v20;
	v20 =	vmul.f32 v21, v3;
	v19 =	vadd.f32 v22, v19  }
0xe1: {  	[tilespmem:s14+$0xFFFFFFE0] =	vst v57;
	v21 =	vld [tilespmem:s17+$0xFFFFFFC0]  }
0xe2: {  	v22 =	vadd.f32 v56, v41;
	[tilespmem:s15+$0xB0] =	vst v20;
	v20 =	vld [tilespmem:s18+$0xFFFFFFF0];
	v19 =	vmax.f32 v19, $0.0e+00  }
0xe3: {  	s19 =	simm.s32 $0x8;
	v58 =	vld [tilespmem:s17+$0xC0];
	v18 =	vmul.f32 v19, v2  }
0xe4: {  	v9 =	vld [tilespmem:s15+$0xFFFFFF60];
	v19 =	vmax.f32 v22, $0.0e+00;
	v22 =	vmov s19;
	v23 =	vadd.f32 v23, v31  }
0xe5: {  	s20 =	simm.s32 $0x9;
	v7 =	vld [tilespmem:s15+$0xFFFFFFE0];
	v19 =	vmul.f32 v19, v6;
	v6 =	vand.u32 $0xFFFFFFFC, v22  }
0xe6: {  	v22 =	vmov s20;
	[tilespmem:s15+$0x40] =	vst v18;
	v18 =	vmax.f32 v23, $0.0e+00;
	v21 =	vadd.f32 v21, v51;
	v23 =	vld [tilespmem:s15+$0x50]  }
0xe7: {  	v17 =	vbroadcast v6, $0x0;
	v62 =	vld [tilespmem:s17+$0x50];
	v6 =	vmul.f32 v18, v0;
	v18 =	vadd.f32 v20, v10  }
0xe8: {  	s4 =	simm.s32 $0x0;
	v5 =	vld [tilespmem:s15+$0xE0];
	v20 =	vand.u32 $0xFFFFFFFD, v22;
	v22 =	vadd.f32 v58, v32;
	v21 =	vmax.f32 v21, $0.0e+00  }
0xe9: {  	s4 =	simm.s32 @p3 $0x1;
	v16 =	vadd.f32 v60, v16;
	v10 =	vld [tilespmem:s15+$0xFFFFFF70];
	[tilespmem:s15+$0xFFFFFF40] =	vst v6;
	v21 =	vmul.f32 v21, v1;
	v18 =	vmax.f32 v18, $0.0e+00  }
0xea: {  	s9 =	sadd.s32 s9, s4;
	[tilespmem:s14+$0x70] =	vst v19;
	v19 =	vld [tilespmem:s17+$0xFFFFFF50];
	v22 =	vmax.f32 v22, $0.0e+00;
	v63 =	vmul.f32 v18, v8;
	v18 =	vbroadcast v20, $0x0  }
0xeb: {  	s22 =	sadd.s32 s22, s4;
	s18 =	simm.s32 $0x1;
	s19 =	sadd.s32 @p3 $0x1, s12;
	v6 =	vld [tilespmem:s15+$0xFFFFFFF0];
	[tilespmem:s15+$0xFFFFFFC0] =	vst v21;
	v22 =	vmul.f32 v22, v3  }
0xec: {  	s4 =	simm.s32 $0xC;
	v16 =	vmax.f32 v16, $0.0e+00;
	s18 =	simm.s32 @!p4 $0x0;
	s12 =	smov.u32 @p3 s19;
	v21 =	vadd.f32 v62, v23;
	v20 =	vld [tilespmem:s17+$0xFFFFFFD0];
	[tilespmem:s14+$0xFFFFFFF0] =	vst v63  }
0xed: {  	v16 =	vmul.f32 v16, v14;
	s24 =	sadd.s32 s18, s24;
	s19 =	simm.s32 $0xA;
	s18 =	smov.u32 s17;
	v8 =	vld [tilespmem:s15+$0xF0];
	[tilespmem:s15+$0xC0] =	vst v22  }
.LBB2_3:
0xee: {  	p3 =	slt.u32 s4, $0x7C;
	v22 =	vmov s19;
	v21 =	vmax.f32 v21, $0.0e+00;
	v23 =	vld [tilespmem:s17+$0xD0];
	[tilespmem:s14+$0xFFFFFF70] =	vst v15  }
0xef: {  	v14 =	vld.idx.msk [tilespmem:v17+s16+$0x0], $0xffff;
	v17 =	vand.u32 $0xFFFFFFFE, v22;
	v11 =	vadd.f32 v19, v11;
	v19 =	vmul.f32 v21, v2;
	[tilespmem:s14+$0xF0] =	vst v16;
	s14 =	smov.u32 s15  }
0xf0: {  	v15 =	vld.idx.msk [tilespmem:v18+s16+$0x0], $0xffff;
	v16 =	vbroadcast v17, $0x0  }
0xf1: {  	v11 =	vmax.f32 v11, $0.0e+00;
	v13 =	vadd.f32 v20, v13;
	[tilespmem:s15+$0x50] =	vst v19;
	v17 =	vld [tilespmem:s15+$0x60]  }
0xf2: {  	s15 =	sadd.s32 $0x200, s15;
	v11 =	vmul.f32 v11, v0;
	v18 =	vld [tilespmem:s17+$0x60]  }
0xf3: {  	s17 =	sadd.s32 $0x200, s17;
	v19 =	vld [tilespmem:s15+$0x0];
	v13 =	vmax.f32 v13, $0.0e+00;
	v12 =	vadd.f32 v23, v12  }
0xf4: {  	v20 =	vld [tilespmem:s17+$0x0];
	[tilespmem:s14+$0xFFFFFF50] =	vst v11;
	v11 =	vmul.f32 v13, v1  }
0xf5: {  	v13 =	vld [tilespmem:s15+$0xFFFFFF00];
	v12 =	vmax.f32 v12, $0.0e+00  }
0xf6: {  	v16 =	vld.idx.msk [tilespmem:v16+s16+$0x0], $0xffff;
	[tilespmem:s14+$0xFFFFFFD0] =	vst v11;
	v11 =	vmul.f32 v12, v3  }
0xf7: {  	v12 =	vld [tilespmem:s17+$0xFFFFFF00];
	v17 =	vadd.f32 v18, v17  }
0xf8: {  	v18 =	vld [tilespmem:s15+$0xFFFFFF80];
	[tilespmem:s14+$0xD0] =	vst v11  }
0xf9: {  	v11 =	vld [tilespmem:s17+$0xFFFFFF80];
	v19 =	vadd.f32 v20, v19;
	v17 =	vmax.f32 v17, $0.0e+00  }
0xfa: {  	v20 =	vld [tilespmem:s15+$0x80];
	v17 =	vmul.f32 v17, v2  }
0xfb: {  	v19 =	vmax.f32 v19, $0.0e+00;
	v21 =	vld [tilespmem:s17+$0x80]  }
0xfc: {  	v12 =	vadd.f32 v12, v13;
	v13 =	vmul.f32 v19, v16;
	[tilespmem:s14+$0x60] =	vst v17;
	v17 =	vld [tilespmem:s14+$0x70]  }
0xfd: {  	v19 =	vld [tilespmem:s18+$0x70]  }
0xfe: {  	v12 =	vmax.f32 v12, $0.0e+00;
	v11 =	vadd.f32 v11, v18;
	[tilespmem:s15+$0x0] =	vst v13;
	v13 =	vld [tilespmem:s15+$0x10]  }
0xff: {  	v12 =	vmul.f32 v12, v14;
	v18 =	vld [tilespmem:s17+$0x10]  }
0x100: {  	v22 =	vld [tilespmem:s15+$0xFFFFFF10];
	v11 =	vmax.f32 v11, $0.0e+00;
	v20 =	vadd.f32 v21, v20  }
0x101: {  	[tilespmem:s15+$0xFFFFFF00] =	vst v12;
	v11 =	vmul.f32 v11, v15;
	v12 =	vld [tilespmem:s15+$0xFFFFFF90]  }
0x102: {  	v21 =	vld [tilespmem:s17+$0xFFFFFF10];
	v20 =	vmax.f32 v20, $0.0e+00;
	v17 =	vadd.f32 v19, v17  }
0x103: {  	[tilespmem:s15+$0xFFFFFF80] =	vst v11;
	v11 =	vmul.f32 v20, v4;
	v19 =	vld [tilespmem:s15+$0x90]  }
0x104: {  	v20 =	vld [tilespmem:s17+$0xFFFFFF90];
	v13 =	vadd.f32 v18, v13;
	v17 =	vmax.f32 v17, $0.0e+00  }
0x105: {  	v18 =	vld [tilespmem:s15+$0xFFFFFF20];
	[tilespmem:s15+$0x80] =	vst v11;
	v11 =	vmul.f32 v17, v2;
	v2 =	vmov v16  }
0x106: {  	v13 =	vmax.f32 v13, $0.0e+00;
	v16 =	vld [tilespmem:s17+$0x90]  }
0x107: {  	v17 =	vadd.f32 v21, v22;
	v21 =	vld [tilespmem:s15+$0xFFFFFFA0];
	v13 =	vmul.f32 v13, v2;
	[tilespmem:s14+$0x70] =	vst v11  }
0x108: {  	v22 =	vld [tilespmem:s15+$0xA0]  }
0x109: {  	v11 =	vmax.f32 v17, $0.0e+00;
	v12 =	vadd.f32 v20, v12;
	[tilespmem:s15+$0x10] =	vst v13;
	v13 =	vld [tilespmem:s15+$0x20]  }
0x10a: {  	v11 =	vmul.f32 v11, v14;
	v17 =	vld [tilespmem:s17+$0x20]  }
0x10b: {  	v20 =	vld [tilespmem:s15+$0xFFFFFF30];
	v12 =	vmax.f32 v12, $0.0e+00;
	v16 =	vadd.f32 v16, v19  }
0x10c: {  	[tilespmem:s15+$0xFFFFFF10] =	vst v11;
	v11 =	vmul.f32 v12, v15;
	v19 =	vld [tilespmem:s15+$0xFFFFFFB0]  }
0x10d: {  	v12 =	vld [tilespmem:s17+$0xFFFFFF20];
	v16 =	vmax.f32 v16, $0.0e+00  }
0x10e: {  	[tilespmem:s15+$0xFFFFFF90] =	vst v11;
	v11 =	vmul.f32 v16, v4;
	v16 =	vld [tilespmem:s15+$0xB0]  }
0x10f: {  	v23 =	vld [tilespmem:s17+$0xFFFFFFA0];
	v13 =	vadd.f32 v17, v13  }
0x110: {  	v17 =	vld [tilespmem:s15+$0xFFFFFF40];
	[tilespmem:s15+$0x90] =	vst v11  }
0x111: {  	v11 =	vmax.f32 v13, $0.0e+00;
	v13 =	vld [tilespmem:s17+$0xA0]  }
0x112: {  	v12 =	vadd.f32 v12, v18;
	v18 =	vld [tilespmem:s15+$0xFFFFFFC0];
	v11 =	vmul.f32 v11, v2  }
0x113: {  	v24 =	vld [tilespmem:s15+$0xC0]  }
0x114: {  	v12 =	vmax.f32 v12, $0.0e+00;
	v21 =	vadd.f32 v23, v21;
	[tilespmem:s15+$0x20] =	vst v11;
	v23 =	vld [tilespmem:s15+$0x30]  }
0x115: {  	v12 =	vmul.f32 v12, v14;
	v25 =	vld [tilespmem:s17+$0x30]  }
0x116: {  	v11 =	vld [tilespmem:s15+$0xFFFFFF50];
	v21 =	vmax.f32 v21, $0.0e+00;
	v22 =	vadd.f32 v13, v22  }
0x117: {  	[tilespmem:s15+$0xFFFFFF20] =	vst v12;
	v12 =	vmul.f32 v21, v15;
	v13 =	vld [tilespmem:s15+$0xFFFFFFD0]  }
0x118: {  	v21 =	vld [tilespmem:s17+$0xFFFFFF30];
	v22 =	vmax.f32 v22, $0.0e+00  }
0x119: {  	[tilespmem:s15+$0xFFFFFFA0] =	vst v12;
	v22 =	vmul.f32 v22, v4;
	v12 =	vld [tilespmem:s15+$0xD0]  }
0x11a: {  	v26 =	vld [tilespmem:s17+$0xFFFFFFB0];
	v23 =	vadd.f32 v25, v23  }
0x11b: {  	[tilespmem:s15+$0xA0] =	vst v22;
	v22 =	vld [tilespmem:s18+$0xFFFFFFE0]  }
0x11c: {  	v23 =	vmax.f32 v23, $0.0e+00;
	v25 =	vld [tilespmem:s17+$0xB0]  }
0x11d: {  	v20 =	vadd.f32 v21, v20;
	v21 =	vmul.f32 v23, v2;
	v23 =	vld [tilespmem:s18+$0xFFFFFF60]  }
0x11e: {  	v27 =	vld [tilespmem:s18+$0xE0]  }
0x11f: {  	v20 =	vmax.f32 v20, $0.0e+00;
	v19 =	vadd.f32 v26, v19;
	[tilespmem:s15+$0x30] =	vst v21;
	v21 =	vld [tilespmem:s15+$0x40]  }
0x120: {  	v20 =	vmul.f32 v20, v14;
	v26 =	vld [tilespmem:s17+$0x40];
	v22 =	vadd.f32 v22, v7  }
0x121: {  	v28 =	vld [tilespmem:s15+$0xFFFFFF60];
	v7 =	vmax.f32 v19, $0.0e+00;
	v16 =	vadd.f32 v25, v16  }
0x122: {  	[tilespmem:s15+$0xFFFFFF30] =	vst v20;
	v19 =	vmul.f32 v7, v15;
	v7 =	vld [tilespmem:s15+$0xFFFFFFE0];
	v9 =	vadd.f32 v23, v9;
	v20 =	vmax.f32 v22, $0.0e+00  }
0x123: {  	v22 =	vld [tilespmem:s17+$0xFFFFFF40];
	v16 =	vmax.f32 v16, $0.0e+00;
	v20 =	vmul.f32 v20, v1;
	v23 =	vadd.f32 v27, v5  }
0x124: {  	[tilespmem:s15+$0xFFFFFFB0] =	vst v19;
	v16 =	vmul.f32 v16, v4;
	v5 =	vld [tilespmem:s15+$0xE0];
	v27 =	vmax.f32 v9, $0.0e+00  }
0x125: {  	v19 =	vld [tilespmem:s17+$0xFFFFFFC0];
	v21 =	vadd.f32 v26, v21;
	v25 =	vmul.f32 v27, v0;
	[tilespmem:s14+$0xFFFFFFE0] =	vst v20;
	v23 =	vmax.f32 v23, $0.0e+00  }
0x126: {  	[tilespmem:s15+$0xB0] =	vst v16;
	v16 =	vld [tilespmem:s18+$0xFFFFFFF0];
	v20 =	vmul.f32 v23, v3;
	v9 =	vmov v28  }
0x127: {  	v21 =	vmax.f32 v21, $0.0e+00;
	v23 =	vld [tilespmem:s17+$0xC0];
	[tilespmem:s14+$0xFFFFFF60] =	vst v25  }
0x128: {  	s19 =	sadd.s32 $0x1, s4;
	s20 =	sadd.s32 $0x3, s4;
	v25 =	vmov s4;
	v22 =	vadd.f32 v22, v17;
	v21 =	vmul.f32 v21, v2;
	v26 =	vld [tilespmem:s18+$0xFFFFFF70];
	[tilespmem:s14+$0xE0] =	vst v20  }
0x129: {  	v17 =	vand.u32 $0xFFFFFFFC, v25;
	v20 =	vmov s19;
	v25 =	vmov s20;
	v27 =	vld [tilespmem:s18+$0xF0];
	s18 =	smov.u32 s17  }
0x12a: {  	v17 =	vbroadcast v17, $0x0;
	v22 =	vmax.f32 v22, $0.0e+00;
	v19 =	vadd.f32 v19, v18;
	[tilespmem:s15+$0x40] =	vst v21;
	v21 =	vld [tilespmem:s15+$0x50]  }
0x12b: {  	v18 =	vand.u32 $0xFFFFFFFD, v20;
	v20 =	vmul.f32 v22, v14;
	v22 =	vld [tilespmem:s17+$0x50];
	v16 =	vadd.f32 v16, v6  }
0x12c: {  	v18 =	vbroadcast v18, $0x0;
	v28 =	vld [tilespmem:s15+$0xFFFFFF70];
	v6 =	vmax.f32 v19, $0.0e+00;
	v23 =	vadd.f32 v23, v24  }
.Ltmp0:
0x12d: {  	[tilespmem:s15+$0xFFFFFF40] =	vst v20;
	v20 =	vmul.f32 v6, v15;
	v6 =	vld [tilespmem:s15+$0xFFFFFFF0];
	v10 =	vadd.f32 v26, v10;
	v16 =	vmax.f32 v16, $0.0e+00;
	(pc) =	sbr.rel @p3 .LBB2_3-.Ltmp0, $4  }
0x12e: {  	v19 =	vld [tilespmem:s17+$0xFFFFFF50];
	v23 =	vmax.f32 v23, $0.0e+00;
	v16 =	vmul.f32 v16, v1;
	v24 =	vadd.f32 v27, v8;
	v1 =	vmovc v15  }
0x12f: {  	[tilespmem:s15+$0xFFFFFFC0] =	vst v20;
	v23 =	vmul.f32 v23, v4;
	v8 =	vld [tilespmem:s15+$0xF0];
	v26 =	vmax.f32 v10, $0.0e+00  }
0x130: {  	v20 =	vld [tilespmem:s17+$0xFFFFFFD0];
	v21 =	vadd.f32 v22, v21;
	v15 =	vmul.f32 v26, v0;
	[tilespmem:s14+$0xFFFFFFF0] =	vst v16;
	v22 =	vmax.f32 v24, $0.0e+00;
	v0 =	vmovc v14  }
0x131: {  	s19 =	sadd.s32 $0x2, s4;
	s4 =	sadd.s32 $0x4, s4;
	[tilespmem:s15+$0xC0] =	vst v23;
	v16 =	vmul.f32 v22, v3;
	v10 =	vmov v28;
	v3 =	vmov v4;
	v4 =	vld.idx.msk [tilespmem:v25+s16+$0x0], $0xffff  }
0x132: {  	s4 =	sadd.s32 $0x200, s15  }
0x133: {  	s21 =	sadd.s32 $0x200, s17;
	v23 =	vld [tilespmem:s4+$0x0]  }
0x134: {  	v24 =	vld [tilespmem:s21+$0x0]  }
0x135: {  	v25 =	vld [tilespmem:s4+$0xFFFFFF00]  }
0x136: {  	v14 =	vmov s19;
	v26 =	vld [tilespmem:s4+$0xFFFFFF80]  }
0x137: {  	v14 =	vand.u32 $0xFFFFFFFE, v14;
	v27 =	vld [tilespmem:s21+$0xFFFFFF80]  }
0x138: {  	v48 =	vld [tilespmem:s4+$0x80];
	v22 =	vbroadcast v14, $0x0  }
0x139: {  	v28 =	vld [tilespmem:s21+$0x80]  }
0x13a: {  	v47 =	vld [tilespmem:s21+$0xFFFFFF00]  }
0x13b: {  	v18 =	vld.idx.msk [tilespmem:v18+s16+$0x0], $0xffff;
	_ =	sdelay $0x1  }
0x13c: {  	v14 =	vld.idx.msk [tilespmem:v17+s16+$0x0], $0xffff;
	v49 =	vadd.f32 v27, v26  }
0x13d: {  	v23 =	vadd.f32 v24, v23;
	v24 =	vadd.f32 v28, v48;
	v17 =	vld.idx.msk [tilespmem:v22+s16+$0x0], $0xffff  }
0x13e: {  	v50 =	vld [tilespmem:s4+$0x10];
	v22 =	vadd.f32 v47, v25;
	v25 =	vmax.f32 v49, $0.0e+00  }
0x13f: {  	v52 =	vld [tilespmem:s4+$0xFFFFFF10];
	v24 =	vmax.f32 v24, $0.0e+00;
	v25 =	vmul.f32 v25, v18  }
0x140: {  	v53 =	vld [tilespmem:s4+$0xFFFFFF90];
	v24 =	vmul.f32 v24, v4;
	v22 =	vmax.f32 v22, $0.0e+00  }
0x141: {  	v29 =	vld [tilespmem:s4+$0x90];
	v23 =	vmax.f32 v23, $0.0e+00;
	v22 =	vmul.f32 v22, v14;
	[tilespmem:s4+$0xFFFFFF80] =	vst v25  }
0x142: {  	[tilespmem:s4+$0x80] =	vst v24;
	v25 =	vld [tilespmem:s21+$0xFFFFFF90];
	v23 =	vmul.f32 v23, v17  }
0x143: {  	v24 =	vld [tilespmem:s21+$0x90];
	[tilespmem:s4+$0xFFFFFF00] =	vst v22  }
0x144: {  	v54 =	vld [tilespmem:s21+$0xFFFFFF10];
	[tilespmem:s4+$0x0] =	vst v23  }
0x145: {  	v51 =	vld [tilespmem:s21+$0x10];
	_ =	sdelay $0x1  }
0x146: {  	v22 =	vadd.f32 v25, v53  }
0x147: {  	v24 =	vadd.f32 v24, v29  }
0x148: {  	v55 =	vld [tilespmem:s4+$0xFFFFFF20];
	v56 =	vadd.f32 v54, v52;
	v22 =	vmax.f32 v22, $0.0e+00  }
0x149: {  	v57 =	vld [tilespmem:s4+$0xFFFFFFA0];
	v24 =	vmax.f32 v24, $0.0e+00;
	v22 =	vmul.f32 v22, v18;
	v23 =	vadd.f32 v51, v50  }
0x14a: {  	v58 =	vld [tilespmem:s4+$0xA0];
	v61 =	vmul.f32 v24, v4;
	v26 =	vmax.f32 v56, $0.0e+00  }
0x14b: {  	v59 =	vld [tilespmem:s4+$0x20];
	v26 =	vmul.f32 v26, v14;
	[tilespmem:s4+$0xFFFFFF90] =	vst v22;
	v23 =	vmax.f32 v23, $0.0e+00  }
0x14c: {  	[tilespmem:s4+$0x90] =	vst v61;
	v62 =	vld [tilespmem:s21+$0xFFFFFFA0];
	v23 =	vmul.f32 v23, v17  }
0x14d: {  	v22 =	vld [tilespmem:s21+$0xA0];
	[tilespmem:s4+$0xFFFFFF10] =	vst v26  }
0x14e: {  	v26 =	vld [tilespmem:s21+$0xFFFFFF20];
	[tilespmem:s4+$0x10] =	vst v23  }
0x14f: {  	v60 =	vld [tilespmem:s21+$0x20];
	_ =	sdelay $0x1  }
0x150: {  	v24 =	vadd.f32 v62, v57  }
0x151: {  	v22 =	vadd.f32 v22, v58  }
0x152: {  	v63 =	vld [tilespmem:s4+$0xFFFFFF30];
	v25 =	vadd.f32 v26, v55;
	v24 =	vmax.f32 v24, $0.0e+00  }
0x153: {  	v32 =	vld [tilespmem:s4+$0xFFFFFFB0];
	v22 =	vmax.f32 v22, $0.0e+00;
	v24 =	vmul.f32 v24, v18;
	v23 =	vadd.f32 v60, v59  }
0x154: {  	v33 =	vld [tilespmem:s4+$0xB0];
	v22 =	vmul.f32 v22, v4;
	v25 =	vmax.f32 v25, $0.0e+00  }
0x155: {  	v34 =	vld [tilespmem:s4+$0x30];
	v25 =	vmul.f32 v25, v14;
	[tilespmem:s4+$0xFFFFFFA0] =	vst v24;
	v23 =	vmax.f32 v23, $0.0e+00  }
0x156: {  	[tilespmem:s4+$0xA0] =	vst v22;
	v24 =	vld [tilespmem:s21+$0xFFFFFFB0];
	v23 =	vmul.f32 v23, v17  }
0x157: {  	v36 =	vld [tilespmem:s21+$0xB0];
	[tilespmem:s4+$0xFFFFFF20] =	vst v25  }
0x158: {  	v25 =	vld [tilespmem:s21+$0xFFFFFF30];
	[tilespmem:s4+$0x20] =	vst v23  }
0x159: {  	v21 =	vmax.f32 v21, $0.0e+00;
	v35 =	vld [tilespmem:s21+$0x30]  }
0x15a: {  	v21 =	vmul.f32 v21, v2  }
0x15b: {  	v37 =	vld [tilespmem:s15+$0x60];
	v24 =	vadd.f32 v24, v32  }
0x15c: {  	v44 =	vld [tilespmem:s17+$0xD0];
	[tilespmem:s15+$0x50] =	vst v21;
	v21 =	vadd.f32 v36, v33  }
0x15d: {  	v39 =	vld [tilespmem:s4+$0xFFFFFF40];
	v25 =	vadd.f32 v25, v63;
	v24 =	vmax.f32 v24, $0.0e+00  }
0x15e: {  	v40 =	vld [tilespmem:s4+$0xFFFFFFC0];
	v21 =	vmax.f32 v21, $0.0e+00;
	v24 =	vmul.f32 v24, v18;
	v23 =	vadd.f32 v35, v34  }
0x15f: {  	v41 =	vld [tilespmem:s4+$0xC0];
	v21 =	vmul.f32 v21, v4;
	v25 =	vmax.f32 v25, $0.0e+00  }
0x160: {  	v42 =	vld [tilespmem:s4+$0x40];
	v25 =	vmul.f32 v25, v14;
	[tilespmem:s4+$0xFFFFFFB0] =	vst v24;
	v23 =	vmax.f32 v23, $0.0e+00  }
0x161: {  	[tilespmem:s4+$0xB0] =	vst v21;
	v24 =	vld [tilespmem:s21+$0xFFFFFFC0];
	v23 =	vmul.f32 v23, v17  }
0x162: {  	v21 =	vld [tilespmem:s21+$0xC0];
	[tilespmem:s4+$0xFFFFFF30] =	vst v25  }
0x163: {  	v25 =	vld [tilespmem:s21+$0xFFFFFF40];
	[tilespmem:s4+$0x30] =	vst v23  }
0x164: {  	v43 =	vld [tilespmem:s21+$0x40]  }
0x165: {  	v45 =	vld [tilespmem:s15+$0x70];
	v13 =	vadd.f32 v20, v13  }
0x166: {  	v38 =	vld [tilespmem:s17+$0x60];
	v24 =	vadd.f32 v24, v40  }
0x167: {  	v13 =	vmax.f32 v13, $0.0e+00;
	v48 =	vld [tilespmem:s4+$0xFFFFFFD0];
	v21 =	vadd.f32 v21, v41  }
0x168: {  	v13 =	vmul.f32 v13, v1;
	v47 =	vld [tilespmem:s4+$0xFFFFFF50];
	v25 =	vadd.f32 v25, v39;
	v24 =	vmax.f32 v24, $0.0e+00  }
0x169: {  	v49 =	vld [tilespmem:s4+$0xD0];
	v21 =	vmax.f32 v21, $0.0e+00;
	v24 =	vmul.f32 v24, v18;
	v23 =	vadd.f32 v43, v42  }
0x16a: {  	[tilespmem:s15+$0xFFFFFFD0] =	vst v13;
	v50 =	vld [tilespmem:s4+$0x50];
	v21 =	vmul.f32 v21, v4;
	v25 =	vmax.f32 v25, $0.0e+00  }
0x16b: {  	v11 =	vadd.f32 v19, v11;
	v56 =	vld [tilespmem:s18+$0xFFFFFFE0];
	v51 =	vmul.f32 v25, v14;
	[tilespmem:s4+$0xFFFFFFC0] =	vst v24;
	v23 =	vmax.f32 v23, $0.0e+00  }
0x16c: {  	v12 =	vadd.f32 v44, v12;
	[tilespmem:s4+$0xC0] =	vst v21;
	v53 =	vld [tilespmem:s21+$0xFFFFFFD0];
	v23 =	vmul.f32 v23, v17  }
0x16d: {  	v11 =	vmax.f32 v11, $0.0e+00;
	v55 =	vld [tilespmem:s21+$0xD0];
	[tilespmem:s4+$0xFFFFFF40] =	vst v51  }
0x16e: {  	v11 =	vmul.f32 v11, v0;
	v12 =	vmax.f32 v12, $0.0e+00;
	v54 =	vld [tilespmem:s21+$0xFFFFFF50];
	[tilespmem:s4+$0x40] =	vst v23  }
0x16f: {  	v12 =	vmul.f32 v12, v3;
	v52 =	vld [tilespmem:s21+$0x50]  }
0x170: {  	[tilespmem:s15+$0xFFFFFF50] =	vst v11;
	v61 =	vld [tilespmem:s4+$0xE0]  }
0x171: {  	[tilespmem:s15+$0xD0] =	vst v12;
	v57 =	vld [tilespmem:s18+$0xFFFFFF60];
	v23 =	vadd.f32 v53, v48  }
0x172: {  	v58 =	vld [tilespmem:s18+$0xE0];
	v13 =	vadd.f32 v55, v49  }
0x173: {  	v26 =	vld [tilespmem:s4+$0x60];
	v21 =	vadd.f32 v54, v47;
	v23 =	vmax.f32 v23, $0.0e+00  }
0x174: {  	v59 =	vld [tilespmem:s4+$0xFFFFFF60];
	v13 =	vmax.f32 v13, $0.0e+00;
	v63 =	vmul.f32 v23, v18;
	v19 =	vadd.f32 v52, v50  }
0x175: {  	v7 =	vadd.f32 v56, v7;
	v60 =	vld [tilespmem:s4+$0xFFFFFFE0];
	v13 =	vmul.f32 v13, v4;
	v62 =	vmax.f32 v21, $0.0e+00  }
0x176: {  	v22 =	vadd.f32 v38, v37;
	v37 =	vld [tilespmem:s4+$0xFFFFFF70];
	v28 =	vmul.f32 v62, v14;
	[tilespmem:s4+$0xFFFFFFD0] =	vst v63;
	v19 =	vmax.f32 v19, $0.0e+00  }
0x177: {  	v7 =	vmax.f32 v7, $0.0e+00;
	v9 =	vadd.f32 v57, v9;
	[tilespmem:s4+$0xD0] =	vst v13;
	v31 =	vld [tilespmem:s21+$0xFFFFFFE0];
	v19 =	vmul.f32 v19, v17  }
0x178: {  	v7 =	vmul.f32 v7, v1;
	v5 =	vadd.f32 v58, v5;
	v22 =	vmax.f32 v22, $0.0e+00;
	v33 =	vld [tilespmem:s21+$0xE0];
	[tilespmem:s4+$0xFFFFFF50] =	vst v28  }
0x179: {  	v9 =	vmax.f32 v9, $0.0e+00;
	v22 =	vmul.f32 v22, v2;
	v32 =	vld [tilespmem:s21+$0xFFFFFF60];
	[tilespmem:s4+$0x50] =	vst v19  }
0x17a: {  	[tilespmem:s15+$0xFFFFFFE0] =	vst v7;
	v5 =	vmax.f32 v5, $0.0e+00;
	v9 =	vmul.f32 v9, v0;
	v30 =	vld [tilespmem:s21+$0x60]  }
0x17b: {  	v38 =	vld [tilespmem:s4+$0xFFFFFFF0];
	v5 =	vmul.f32 v5, v3;
	[tilespmem:s15+$0x60] =	vst v22  }
0x17c: {  	[tilespmem:s15+$0xFFFFFF60] =	vst v9;
	v46 =	vld [tilespmem:s18+$0x70];
	v19 =	vadd.f32 v31, v60  }
0x17d: {  	[tilespmem:s15+$0xE0] =	vst v5;
	v9 =	vld [tilespmem:s18+$0xFFFFFF70];
	v7 =	vadd.f32 v33, v61  }
0x17e: {  	v36 =	vld [tilespmem:s18+$0xF0];
	v13 =	vadd.f32 v32, v59;
	v19 =	vmax.f32 v19, $0.0e+00  }
0x17f: {  	v34 =	vld [tilespmem:s18+$0xFFFFFFF0];
	v7 =	vmax.f32 v7, $0.0e+00;
	v19 =	vmul.f32 v19, v18;
	v35 =	vadd.f32 v30, v26  }
0x180: {  	v40 =	vld [tilespmem:s4+$0x70];
	v7 =	vmul.f32 v7, v4;
	v13 =	vmax.f32 v13, $0.0e+00  }
0x181: {  	v39 =	vld [tilespmem:s4+$0xF0];
	v13 =	vmul.f32 v13, v14;
	[tilespmem:s4+$0xFFFFFFE0] =	vst v19;
	v5 =	vmax.f32 v35, $0.0e+00  }
0x182: {  	[tilespmem:s4+$0xE0] =	vst v7;
	v43 =	vld [tilespmem:s21+$0xFFFFFFF0];
	v5 =	vmul.f32 v5, v17  }
0x183: {  	v42 =	vadd.f32 v46, v45;
	v45 =	vld [tilespmem:s21+$0xF0];
	[tilespmem:s4+$0xFFFFFF60] =	vst v13  }
0x184: {  	v6 =	vadd.f32 v34, v6;
	v13 =	vld [tilespmem:s21+$0xFFFFFF70];
	[tilespmem:s4+$0x60] =	vst v5  }
0x185: {  	v9 =	vadd.f32 v9, v10;
	v44 =	vmax.f32 v42, $0.0e+00;
	v41 =	vld [tilespmem:s21+$0x70]  }
0x186: {  	[tilespmem:s14+$0xFFFFFF70] =	vst v15;
	v6 =	vmax.f32 v6, $0.0e+00;
	v46 =	vmul.f32 v44, v2;
	v47 =	vadd.f32 v36, v8  }
0x187: {  	[tilespmem:s14+$0xF0] =	vst v16;
	v48 =	vmul.f32 v6, v1;
	v49 =	vmax.f32 v9, $0.0e+00;
	v52 =	vadd.f32 v43, v38  }
0x188: {  	[tilespmem:s15+$0x70] =	vst v46;
	v50 =	vmul.f32 v49, v0;
	v51 =	vmax.f32 v47, $0.0e+00;
	v58 =	vadd.f32 v45, v39  }
0x189: {  	[tilespmem:s15+$0xFFFFFFF0] =	vst v48;
	v53 =	vmul.f32 v51, v3;
	v55 =	vadd.f32 v13, v37;
	v57 =	vmax.f32 v52, $0.0e+00  }
0x18a: {  	[tilespmem:s15+$0xFFFFFF70] =	vst v50;
	v62 =	vmax.f32 v58, $0.0e+00;
	v59 =	vmul.f32 v57, v18;
	v5 =	vadd.f32 v41, v40  }
0x18b: {  	[tilespmem:s15+$0xF0] =	vst v53;
	v63 =	vmul.f32 v62, v4;
	v60 =	vmax.f32 v55, $0.0e+00  }
0x18c: {  	v61 =	vmul.f32 v60, v14;
	[tilespmem:s4+$0xFFFFFFF0] =	vst v59;
	v54 =	vmax.f32 v5, $0.0e+00  }
0x18d: {  	s20 =	sshll.u32 s3, $0x7;
	[tilespmem:s4+$0xF0] =	vst v63;
	v56 =	vmul.f32 v54, v17  }
0x18e: {  	p3 =	seq.s32 s13, $0x4E;
	s13 =	sadd.s32 $0x1, s13;
	s14 =	sand.u32 $0x80, s20;
	[tilespmem:s4+$0xFFFFFF70] =	vst v61  }
0x18f: {  	p1 =	por p3, p1;
	s21 =	sadd.s32 $0x1FA80, s14;
	[tilespmem:s4+$0x70] =	vst v56;
	s4 =	simm.s32 $0x1  }
0x190: {  	[spmem:s2] =	stream.indirect.scatter.add.f32 [tilespmem:s29], [sflag:$0xA], $0x80, s21, s28, $0x2000b8;
	[tilespmem:$0x1FB80] =	vst v63  }
0x191: {  	s14 =	simm.s32 $0x1;
	s4 =	simm.s32 @!p1 $0x0;
	p1 =	por p3, p2  }
0x192: {  	s14 =	simm.s32 @!p1 $0x0;
	p1 =	sne.s32 s13, $0x4F  }
.Ltmp1:
0x193: {  	_ = 	snop;
	(pc) =	sbr.rel @p1 .LBB2_2-.Ltmp1, $4  }
0x194: {  	_ =	swait.ge [sflag:s30], $0x4000  }
0x195: {  	[sflag:s30] =	ssyncset.done $0x0  }
0x196: {  	s10 =	sadd.s32 s4, s10;
	s25 =	sadd.s32 s4, s25;
	[sflag:s30] =	ssyncadd.s32 $0xFFFFC000  }
0x197: {  	s3 =	sadd.s32 s4, s3;
	s23 =	sadd.s32 s14, s23;
	_ =	strace $0x90000051  }
0x198: {  	[bflag:$0x0] =	sbarrier.arrive $0xFFFF  }
0x199: {  	s3 =	rddreg [dreg:$0xb]  }
0x19a: {  	s0 =	simm.s32 @p0 $0x1FC2;
	s4 =	rddreg [dreg:$0xd]  }
0x19b: {  	[hbm:s3], [sflag:s0] =	dma.local @p0 [spmem:s4], $0x2080  }
0x19c: {  	s0 =	simm.s32 @p0 $0x2  }
0x19d: {  	_ =	swait.ge @p0 [sflag:s0], $0x2080  }
0x19e: {  	s9 =	rddreg [dreg:$0xe]  }
0x19f: {  	[sflag:s0] =	ssyncset.done @p0 $0x0;
	s10 =	rddreg [dreg:$0xf]  }
0x1a0: {  	[sflag:s0] =	ssyncadd.s32 @p0 $0xFFFFDF80;
	s0 =	rddreg [dreg:$0xa]  }
0x1a1: {  	[hbm:s0], [sflag:s9] =	dma.local @!p0 [spmem:s10], $0x2780  }
0x1a2: {  	s0 =	simm.s32 @!p0 $0x2  }
0x1a3: {  	_ =	swait.ge @!p0 [sflag:s0], $0x2780  }
0x1a4: {  	s31 =	sadd.s32 $0x1, s31;
	s25 =	rddreg [dreg:$0xc]  }
0x1a5: {  	p1 =	sne.s32 s31, s25  }
.Ltmp2:
0x1a6: {  	_ = 	snop;
	(pc) =	sbr.rel @p1 .LBB2_1-.Ltmp2, $3  }
0x1a7: {  	_ =	sdelay $0x1  }
0x1a8: {  	[sflag:s0] =	ssyncset.done @!p0 $0x0  }
0x1a9: {  	[sflag:s0] =	ssyncadd.s32 @!p0 $0xFFFFD880  }
0x1aa: {  	_ =	sfence.sel $0x180000  }
0x1ab: {  	[bflag:$0x0] =	sbarrier.arrive $0xFFFF  }
0x1ac: {  	_ =	strace $0x90000047  }
0x1ad: {  	s0 =	stileid.u32;
	[bflag:$0x2] =	sbarrier.arrive $0xFFFF  }
0x1ae: {  	p0 =	sne.s32 s0, $0x0;
	s0 =	rddreg [dreg:$0x3]  }
0x1af: {  	s0 =	sadd.s32 @!p0 $0x100000, s0  }
0x1b0: {  	[sflag:s0] =	ssyncadd.tile.s32 @!p0 $0x1;
	_ =	shalt  }
.Lfunc_end2:
_tile_overlayer_lowered:
.L_overlay_start_2:
0x1b1: {  	(tag) =	ssettag $0x2  }
0x1b2: {  	s0 =	rddreg [dreg:$0x0];
	s2 =	stileid.u32  }
0x1b3: {  	s1 =	rddreg [dreg:$0x1];
	p0 =	sne.s32 s2, $0x0  }
0x1b4: {  	s3 =	rddreg [dreg:$0x2];
	[bflag:$0x3] =	sbarrier.arrive $0xFFFF;
	s2 =	simm.s32 @!p0 $0x1C02  }
0x1b5: {  	[timem:s3], [sflag:s2] =	dma.local @!p0 [hbm:s0], s1  }
0x1b6: {  	s0 =	simm.s32 @!p0 $0x2  }
0x1b7: {  	_ =	swait.ge @!p0 [sflag:s0], s1  }
0x1b8: {  	s1 =	ssub.s32 @!p0 $0x0, s1;
	[sflag:s0] =	ssyncset.done @!p0 $0x0  }
0x1b9: {  	[sflag:s0] =	ssyncadd.s32 @!p0 s1  }
0x1ba: {  	[bflag:$0x3] =	sbarrier.arrive $0xFFFF  }
0x1bb: {  	_ =	shalt  }

// kernel: kernel.14.cloned.1.call-start
scs
__scs_entry_jumppad:
0x0: {  	(pc) =	sbr.rel $0x88, $3  }
0x1: {  	(tag) =	ssettag $0x0;
	lr =	simm.s32 $0x1  }
0x2: {  	[smem:$0x3F8A] =	sst lr;
	_ =	strace $0xD0000000  }
0x3: {  	_ = 	snop  }
0x4: {  	_ = 	snop  }
0x5: {  	_ = 	snop  }
0x6: {  	_ = 	snop  }
0x7: {  	_ = 	snop  }
__scs_overlays_trampoline_lowered:
0x8: {  	[smem:$0x3F99] =	sst s0  }
0x9: {  	[smem:$0x3F9A] =	sst s1  }
0xa: {  	[smem:$0x3F9B] =	sst s2  }
0xb: {  	[smem:$0x3F9C] =	sst s3  }
0xc: {  	[smem:$0x3F9D] =	sst s4  }
0xd: {  	[smem:$0x3F9E] =	sst s5  }
0xe: {  	[smem:$0x3F9F] =	sst s6  }
0xf: {  	[smem:$0x3FA0] =	sst s7  }
0x10: {  	[smem:$0x3FA1] =	sst s8  }
0x11: {  	[smem:$0x3FA2] =	sst s9;
	s0 =	simm.s32 @!p0 $0x0  }
0x12: {  	s1 =	sld [smem:$0x3F88];
	s0 =	simm.s32 @p0 $0x1  }
0x13: {  	[smem:$0x3FA3] =	sst s0;
	s0 =	simm.s32 @!p1 $0x0  }
0x14: {  	s2 =	sld [smem:$0x3F87];
	s0 =	simm.s32 @p1 $0x1  }
0x15: {  	[smem:$0x3FA4] =	sst s0;
	s0 =	simm.s32 @!p2 $0x0  }
0x16: {  	s3 =	sld [smem:$0x3FDB];
	s0 =	simm.s32 @p2 $0x1  }
0x17: {  	s4 =	simm.s32 $0x1BF5;
	[smem:$0x3FA6] =	sst s0  }
0x18: {  	s0 =	sld [smem:$0x3F89];
	_ =	swait.ge [sflag:s4], $0x0  }
0x19: {  	s7 =	sld [smem:$0x3F8A]  }
0x1a: {  	s8 =	sadd.s32 $0xFFFFE003, lr  }
0x1b: {  	s9 =	sadd.s32 $0xFFFFFEF7, lr;
	s5 =	simm.s32 $0xFFFFFFFF;
	p2 =	slt.u32 s8, $0xFFFFF086  }
0x1c: {  	p1 =	slt.u32 s9, $0xF7A;
	s5 =	simm.s32 @!p2 $0x0  }
0x1d: {  	s5 =	simm.s32 @p1 $0x1;
	p0 =	seq.s32 s7, s2  }
0x1e: {  	s7 =	smul.u32 @!p0 $0xF7A, s2;
	p2 =	seq.s32 @!p0 s5, $0x0  }
0x1f: {  	s9 =	smul.u32 $0xF7A, s1;
	s8 =	simm.s32 @!p0 $0x1BF5;
	p2 =	por !p2, p0  }
0x20: {  	[sflag:s8] =	ssyncset.s32 @!p0 $0xFFFFF086;
	s6 =	sadd.s32 @!p0 s3, s7;
	s7 =	simm.s32 @!p0 $0x108  }
0x21: {  	s3 =	sadd.s32 s3, s9;
	s6 =	sadd.s32 @!p0 $0x88, s6;
	s7 =	simm.s32 @p2 $0x1082  }
0x22: {  	[simem:s7], [sflag:s8] =	dma.local @!p0 [hbm:s6], $0xF7A  }
0x23: {  	s9 =	sor.u32 $0xD0000000, s2;
	s6 =	simm.s32 $0x108;
	_ =	swait.ge @!p0 [sflag:s8], $0x0  }
0x24: {  	s3 =	sadd.s32 $0x88, s3;
	s6 =	simm.s32 @!p1 $0x1082;
	[sflag:s4] =	ssyncset.s32 $0xFFFFF086  }
0x25: {  	[simem:s6], [sflag:s4] =	dma.local [hbm:s3], $0xF7A  }
0x26: {  	[smem:$0x3F8A] =	sst s1;
	(tag) =	ssettag s2;
	_ =	strace s9  }
0x27: {  	s1 =	sld [smem:$0x3F9A]  }
0x28: {  	s2 =	sld [smem:$0x3F9B]  }
0x29: {  	s4 =	sld [smem:$0x3F9D]  }
0x2a: {  	p0 =	seq.s32 s5, $0x0;
	s5 =	sld [smem:$0x3F9E]  }
0x2b: {  	s6 =	sld [smem:$0x3F9F]  }
0x2c: {  	s7 =	sld [smem:$0x3FA0]  }
0x2d: {  	s3 =	simm.s32 $0x108;
	s8 =	sld [smem:$0x3FA1]  }
0x2e: {  	s3 =	simm.s32 @!p0 $0x1082;
	s9 =	sld [smem:$0x3FA2]  }
0x2f: {  	lr =	sadd.s32 s0, s3;
	s0 =	sld [smem:$0x3F99]  }
0x30: {  	s3 =	sld [smem:$0x3F9C]  }
0x31: {  	[smem:$0x3FA5] =	sst s10  }
0x32: {  	s10 =	sld [smem:$0x3FA3];
	_ =	sdelay $0x3  }
0x33: {  	p0 =	seq.s32 s10, $0x1;
	s10 =	sld [smem:$0x3FA5];
	_ =	sdelay $0x3  }
0x34: {  	[smem:$0x3FA5] =	sst s10  }
0x35: {  	s10 =	sld [smem:$0x3FA4];
	_ =	sdelay $0x3  }
0x36: {  	p1 =	seq.s32 s10, $0x1;
	s10 =	sld [smem:$0x3FA5];
	_ =	sdelay $0x3  }
0x37: {  	[smem:$0x3FA5] =	sst s10  }
0x38: {  	s10 =	sld [smem:$0x3FA6]  }
0x39: {  	_ = 	snop;
	(pc) =	sbr.ind lr, $3  }
0x3a: {  	_ = 	snop  }
0x3b: {  	_ = 	snop  }
0x3c: {  	p2 =	seq.s32 s10, $0x1;
	s10 =	sld [smem:$0x3FA5]  }
0x3d: {  	_ =	shalt  }
0x3e: {  	_ =	shalt  }
0x3f: {  	_ =	shalt  }
0x40: {  	_ =	shalt  }
0x41: {  	_ =	shalt  }
0x42: {  	_ =	shalt  }
0x43: {  	_ =	shalt  }
0x44: {  	_ =	shalt  }
0x45: {  	_ =	shalt  }
0x46: {  	_ =	shalt  }
0x47: {  	_ =	shalt  }
0x48: {  	_ =	shalt  }
0x49: {  	_ =	shalt  }
0x4a: {  	_ =	shalt  }
0x4b: {  	_ =	shalt  }
0x4c: {  	_ =	shalt  }
0x4d: {  	_ =	shalt  }
0x4e: {  	_ =	shalt  }
0x4f: {  	_ =	shalt  }
0x50: {  	_ =	shalt  }
0x51: {  	_ =	shalt  }
0x52: {  	_ =	shalt  }
0x53: {  	_ =	shalt  }
0x54: {  	_ =	shalt  }
0x55: {  	_ =	shalt  }
0x56: {  	_ =	shalt  }
0x57: {  	_ =	shalt  }
0x58: {  	_ =	shalt  }
0x59: {  	_ =	shalt  }
0x5a: {  	_ =	shalt  }
0x5b: {  	_ =	shalt  }
0x5c: {  	_ =	shalt  }
0x5d: {  	_ =	shalt  }
0x5e: {  	_ =	shalt  }
0x5f: {  	_ =	shalt  }
0x60: {  	_ =	shalt  }
0x61: {  	_ =	shalt  }
0x62: {  	_ =	shalt  }
0x63: {  	_ =	shalt  }
0x64: {  	_ =	shalt  }
0x65: {  	_ =	shalt  }
0x66: {  	_ =	shalt  }
0x67: {  	_ =	shalt  }
0x68: {  	_ =	shalt  }
0x69: {  	_ =	shalt  }
0x6a: {  	_ =	shalt  }
0x6b: {  	_ =	shalt  }
0x6c: {  	_ =	shalt  }
0x6d: {  	_ =	shalt  }
0x6e: {  	_ =	shalt  }
0x6f: {  	_ =	shalt  }
0x70: {  	_ =	shalt  }
0x71: {  	_ =	shalt  }
0x72: {  	_ =	shalt  }
0x73: {  	_ =	shalt  }
0x74: {  	_ =	shalt  }
0x75: {  	_ =	shalt  }
0x76: {  	_ =	shalt  }
0x77: {  	_ =	shalt  }
0x78: {  	_ =	shalt  }
0x79: {  	_ =	shalt  }
0x7a: {  	_ =	shalt  }
0x7b: {  	_ =	shalt  }
0x7c: {  	_ =	shalt  }
0x7d: {  	_ =	shalt  }
0x7e: {  	_ =	shalt  }
0x7f: {  	_ =	shalt  }
0x80: {  	_ =	shalt  }
0x81: {  	_ =	shalt  }
0x82: {  	_ =	shalt  }
0x83: {  	_ =	shalt  }
0x84: {  	_ =	shalt  }
0x85: {  	_ =	shalt  }
0x86: {  	_ =	shalt  }
0x87: {  	_ =	shalt  }
.Lfunc_end0:
.L_simem_size_0:
called_computation.1_lowered:
.L_overlay_start_0:
0x88: {  	s2 =	sld [smem:$0x3FD9]  }
0x89: {  	s3 =	sld [smem:$0x3FFE];
	_ =	sdelay $0x1  }
0x8a: {  	s1 =	srdreg.scid  }
0x8b: {  	s0 =	sand.u32 $0x1, s1  }
0x8c: {  	s16 =	sshll.u32 s0, $0xA;
	s2 =	sadd.s32 s3, s2  }
0x8d: {  	s2 =	sadd.s32 s2, s16  }
0x8e: {  	[smem:$0x3FB1] =	sst s2  }
0x8f: {  	_ = 	snop  }
0x90: {  	(tm) =	ssettm $0x1  }
0x91: {  	s17 =	sld [smem:$0x3FFB];
	_ =	sdelay $0x3  }
0x92: {  	_ =	strace s17  }
0x93: {  	s2 =	sld [smem:$0x3FFC];
	_ =	sdelay $0x3  }
0x94: {  	_ =	strace s2  }
0x95: {  	s2 =	sld [smem:$0x3FFD];
	_ =	sdelay $0x3  }
0x96: {  	_ =	strace s2  }
0x97: {  	_ =	strace $0x8FFFFFFF  }
0x98: {  	s18 =	sld [smem:$0x3FDB];
	_ =	sdelay $0x1  }
0x99: {  	s19 =	simm.s32 $_scs_section_size  }
0x9a: {  	s4 =	simm.s32 $_size__tile_overlayer_lowered;
	s5 =	simm.s32 $_tile_overlayer_lowered  }
0x9b: {  	s22 =	simm.s32 $0x1BFF;
	s21 =	sshll.u32 s5, $0x1;
	s2 =	sadd.s32 s19, s18  }
0x9c: {  	s6 =	simm.s32 $0x0;
	s20 =	sshll.u32 s4, $0x1;
	s4 =	sadd.s32 s21, s2  }
0x9d: {  	[timem:s6], [sflag:s22] =	dma.local [hbm:s4], s20  }
0x9e: {  	_ =	swait.ge [sflag:s22], s20  }
0x9f: {  	s3 =	ssub.s32 $0x0, s20;
	[sflag:s22] =	ssyncset.done $0x0  }
0xa0: {  	[sflag:s22] =	ssyncadd.s32 s3;
	_ =	sdelay $0x1  }
0xa1: {  	s23 =	simm.s32 $0x1B8B  }
0xa2: {  	_ =	swait.ge [sflag:s23], $0x1  }
0xa3: {  	[sflag:s23] =	ssyncset.done $0x0  }
0xa4: {  	s25 =	simm.s32 $0x1B8E;
	s24 =	sld [smem:$0x3FFE];
	[sflag:s23] =	ssyncadd.s32 $0xFFFFFFFF  }
0xa5: {  	s26 =	simm.s32 $execute0_lowered;
	[smem:$0x3FD2] =	sst s25  }
0xa6: {  	s4 =	sshll.u32 s26, $0x1;
	_ =	strace $0x80000053;
	[dreg:$0x1] =	wrdreg $0xFFFFFFFF  }
0xa7: {  	s28 =	simm.s32 $_size_execute0_lowered;
	s2 =	sadd.s32 s2, s4;
	[dreg:$0x0] =	wrdreg $0x0  }
0xa8: {  	s4 =	sshll.u32 s28, $0x1;
	[dreg:$0x2] =	wrdreg s2  }
0xa9: {  	[dreg:$0x3] =	wrdreg s4  }
0xaa: {  	[dreg:$0x4] =	wrdreg $0xC0  }
0xab: {  	_ =	task [dreg:s6], $0x5FFFF  }
0xac: {  	[dreg:$0x1] =	wrdreg $0xFFFFFFFF  }
0xad: {  	[dreg:$0x0] =	wrdreg $0x60  }
0xae: {  	[dreg:$0x2] =	wrdreg s24  }
0xaf: {  	[dreg:$0x3] =	wrdreg $0x0  }
0xb0: {  	[dreg:$0x4] =	wrdreg $0x9  }
0xb1: {  	_ =	task.clear_ibuf [dreg:s6], $0x5FFFF;
	_ =	strace $0x90000053  }
0xb2: {  	s29 =	simm.s32 $0x9;
	_ =	strace $0x8000005F  }
0xb3: {  	_ =	swait.ge [sflag:s29], $0x1  }
0xb4: {  	[sflag:s29] =	ssyncadd.s32 $0xFFFFFFFF  }
0xb5: {  	_ =	strace $0x9000005F  }
0xb6: {  	_ =	sfence  }
0xb7: {  	s30 =	sld [smem:$0x0];
	_ =	sdelay $0x2  }
0xb8: {  	s31 =	sshll.u32 s1, $0xD;
	s1 =	sshrl.u32 s1, $0x2  }
0xb9: {  	s3 =	sand.u32 $0x4000, s31;
	s1 =	sadd.s32 s1, s30  }
0xba: {  	s0 =	sor.u32 s3, s0;
	s1 =	sshll.u32 s1, $0x11  }
0xbb: {  	s0 =	sor.u32 s1, s0  }
0xbc: {  	s0 =	sadd.s32 $0x8F2B, s0  }
0xbd: {  	[sflag:s0] =	ssyncadd.remote.s32 $0x1  }
0xbe: {  	_ =	sfence.sel $0xFFFF  }
0xbf: {  	[dreg:$0x0] =	wrdreg $0xFFFFFFFF;
	(pc) =	sbr.abs _section_cstart, $3  }
0xc0: {  	[dreg:$0x1] =	wrdreg $0xFFFFFFFF  }
0xc1: {  	_ =	task.clear_ibuf [dreg:s6], $0x2FFFF;
	_ =	strace $0x9FFFFFFF  }
0xc2: {  	(tm) =	ssettm $0x7FFFFFFF  }
0xc3: {  	_ =	shalt  }
tec
execute0_lowered:
.L_overlay_start_1:
0x0: {  	(tag) =	ssettag $0x1  }
0x1: {  	s0 =	rddreg [dreg:$0x0]  }
0x2: {  	s1 =	rddreg [dreg:$0x1]  }
0x3: {  	s2 =	simm.s32 $0x0;
	s17 =	stileid.u32;
	s16 =	srdreg.scid  }
0x4: {  	s29 =	simm.s32 $0x13880;
	s30 =	simm.s32 $0xA;
	[smem:$0x7FF] =	sst s2  }
0x5: {  	s28 =	simm.s32 $0x80;
	s4 =	sadd.s32 $0xA12200, s0;
	s5 =	sadd.s32 $0xA60C00, s0  }
0x6: {  	s6 =	sadd.s32 $0x4F4E00, s0;
	s3 =	smul.u32 $0x2780, s17;
	s2 =	sand.u32 $0x1, s16  }
0x7: {  	s7 =	sadd.s32 $0x4EB000, s0;
	s8 =	sadd.s32 $0x4FF200, s0;
	s10 =	smul.u32 $0x4F000, s17  }
0x8: {  	s12 =	sadd.s32 $0x509000, s0;
	s20 =	smul.u32 $0x13C00, s17;
	p0 =	seq.s32 s17, $0xF  }
0x9: {  	_ =	strace $0x80000054;
	s9 =	sshll.u32 s2, $0x4;
	s11 =	ssub.s32 $0x2, s2  }
0xa: {  	s2 =	smul.u32 $0x138800, s2;
	s3 =	sadd.s32 s3, s0;
	s9 =	sor.u32 s17, s9  }
0xb: {  	s14 =	sshrl.u32 s11, $0x1;
	s10 =	sshrl.u32 s10, $0x2;
	s13 =	smul.u32 $0x4F0, s9  }
0xc: {  	s0 =	sadd.s32 $0xA10080, s0;
	s15 =	smul.u32 $0x2780, s9;
	s14 =	ssub.s32 s11, s14  }
0xd: {  	s10 =	sadd.s32 s10, s1;
	s18 =	smul.u32 $0x380, s9;
	s3 =	sadd.s32 $0x9EB000, s3  }
0xe: {  	s16 =	smul.u32 $0x27800, s9;
	[dreg:$0x4] =	wrdreg s0;
	s23 =	sadd.s32 s20, s2  }
0xf: {  	[dreg:$0x3] =	wrdreg s3;
	s26 =	smax.u32 s14, $0x1;
	s10 =	sshrl.u32 @!p0 s10, $0x3  }
0x10: {  	s15 =	sand.u32 $0x7FC00, s15;
	s11 =	sand.u32 $0x380, s18;
	[dreg:$0xb] =	wrdreg s26  }
0x11: {  	s21 =	sadd.s32 s6, s13;
	[dreg:$0xe] =	wrdreg s10;
	s19 =	sor.u32 s11, s15  }
0x12: {  	s22 =	sadd.s32 s5, s16;
	[dreg:$0x5] =	wrdreg s21;
	s0 =	sshrl.u32 s19, $0x3  }
0x13: {  	s2 =	sshrl.u32 s2, $0x3;
	[dreg:$0x6] =	wrdreg s22;
	s0 =	sadd.s32 s8, s0  }
0x14: {  	s24 =	sadd.s32 s7, s13;
	[dreg:$0x7] =	wrdreg s0;
	s0 =	sshrl.u32 s23, $0x3  }
0x15: {  	s25 =	sadd.s32 s12, s2;
	[dreg:$0x8] =	wrdreg s24;
	s0 =	sadd.s32 s12, s0  }
0x16: {  	s3 =	sadd.s32 $0x128400, s1;
	[dreg:$0x9] =	wrdreg s0;
	s0 =	sadd.s32 $0x25080, s25  }
0x17: {  	s3 =	sshrl.u32 @p0 s3, $0x3;
	[dreg:$0xa] =	wrdreg s0;
	s0 =	sshll.u32 @!p0 s17, $0x6  }
0x18: {  	s11 =	smul.u32 $0x4F, s9;
	[dreg:$0xc] =	wrdreg s3;
	s9 =	sor.u32 @!p0 $0x1C02, s0  }
0x19: {  	s31 =	simm.s32 $0x0;
	s26 =	simm.s32 $0x1;
	[dreg:$0xd] =	wrdreg s9  }
.LBB2_1:
0x1a: {  	s0 =	simm.s32 @p0 $0x1FC2;
	s2 =	rddreg [dreg:$0x4]  }
0x1b: {  	[spmem:s3], [sflag:s0] =	dma.local @p0 [hbm:s2], $0x2080  }
0x1c: {  	s0 =	simm.s32 @p0 $0x2  }
0x1d: {  	_ =	swait.ge @p0 [sflag:s0], $0x2080  }
0x1e: {  	[sflag:s0] =	ssyncset.done @p0 $0x0  }
0x1f: {  	[sflag:s0] =	ssyncadd.s32 @p0 $0xFFFFDF80;
	s0 =	rddreg [dreg:$0x3]  }
0x20: {  	[spmem:s10], [sflag:s9] =	dma.local @!p0 [hbm:s0], $0x2780  }
0x21: {  	s0 =	simm.s32 @!p0 $0x2  }
0x22: {  	_ =	swait.ge @!p0 [sflag:s0], $0x2780  }
0x23: {  	[sflag:s0] =	ssyncset.done @!p0 $0x0  }
0x24: {  	s17 =	simm.s32 $0x0;
	[sflag:s0] =	ssyncadd.s32 @!p0 $0xFFFFD880  }
0x25: {  	s19 =	simm.s32 $0x17880;
	s21 =	simm.s32 $0x17980;
	[bflag:$0x0] =	sbarrier.arrive $0xFFFF  }
0x26: {  	s23 =	simm.s32 $0x1F980;
	s25 =	simm.s32 $0x1FA80;
	_ =	strace $0x80000055  }
0x27: {  	s12 =	simm.s32 $0x1;
	s13 =	simm.s32 $0x0;
	s18 =	rddreg [dreg:$0x5]  }
0x28: {  	[tilespmem:s19], [sflag:$0x2] =	stream.linear.gather [hbm4b:s18+s17], $0x80, $0x200038;
	[tilespmem:$0x1FB80] =	vst v63  }
0x29: {  	s3 =	simm.s32 $0x0;
	s9 =	simm.s32 $0x1;
	s20 =	rddreg [dreg:$0x6]  }
0x2a: {  	[tilespmem:s21], [sflag:$0x4] =	stream.linear.gather [hbm4b:s20+s17], $0x4000, $0x200038;
	[tilespmem:$0x1FB80] =	vst v63  }
0x2b: {  	s10 =	simm.s32 $0x0;
	s0 =	simm.s32 $0x0;
	s22 =	rddreg [dreg:$0x7]  }
0x2c: {  	[tilespmem:s23], [sflag:$0x6] =	stream.linear.gather [hbm4b:s22+s17], $0x80, $0x200038;
	[tilespmem:$0x1FB80] =	vst v63  }
0x2d: {  	s24 =	rddreg [dreg:$0x8];
	s22 =	simm.s32 $0x1;
	s23 =	simm.s32 $0x0  }
0x2e: {  	[tilespmem:s25], [sflag:$0x8] =	stream.linear.gather [hbm4b:s24+s17], $0x80, $0x200038;
	[tilespmem:$0x1FB80] =	vst v63  }
0x2f: {  	s24 =	simm.s32 $0x1;
	s25 =	simm.s32 $0x0;
	_ =	strace $0x90000055  }
.LBB2_2:
0x30: {  	s2 =	smov.u32 s0;
	s0 =	sadd.s32 $0x1, s0  }
0x31: {  	p1 =	seq.s32 s0, $0x4F  }
0x32: {  	s0 =	simm.s32 @p1 $0x0  }
0x33: {  	s14 =	sadd.s32 s11, s2;
	s15 =	sadd.s32 s11, s0  }
0x34: {  	p1 =	slt.s32 s14, $0x9C3;
	p2 =	slt.s32 s15, $0x9C3;
	s16 =	smov.u32 s15  }
0x35: {  	s14 =	simm.s32 @!p1 $0x9C3;
	s16 =	simm.s32 @!p2 $0x9C3  }
0x36: {  	p4 =	sne.s32 s13, $0x4E;
	p1 =	sne.s32 s14, s16  }
0x37: {  	p2 =	sne.s32 s2, s0;
	p6 =	por !p4, !p1  }
0x38: {  	p5 =	seq.s32 s2, $0x0;
	p4 =	por !p4, !p2;
	p3 =	por !p6, !p6  }
0x39: {  	p4 =	por !p4, !p4;
	s17 =	sand.u32 @p3 $0x1, s12;
	_ =	strace @p3 $0x80000056  }
0x3a: {  	s19 =	sshll.u32 @p3 s16, $0x4;
	s21 =	simm.s32 @p3 $0x0;
	s16 =	sshll.u32 @p3 s16, $0xB  }
0x3b: {  	s15 =	sshll.u32 @p4 s15, $0x4;
	s18 =	sshll.u32 @p3 s17, $0x7;
	s19 =	sand.u32 @p3 $0x1FFFFFF0, s19  }
0x3c: {  	s17 =	sor.u32 @p3 $0x2, s17;
	s18 =	sadd.s32 @p3 $0x17880, s18;
	s20 =	sadd.s32 @p3 s6, s19  }
0x3d: {  	[tilespmem:s18], [sflag:s17] =	stream.linear.gather @p3 [hbm4b:s20+s21], $0x80, $0x200038;
	[tilespmem:$0x1FB80] =	vst v63  }
0x3e: {  	s16 =	sand.u32 @p3 $0x1FFFF800, s16;
	s15 =	sand.u32 @p4 $0x1FFFFFF0, s15;
	s17 =	sand.u32 @p3 $0x1, s9  }
0x3f: {  	s16 =	sadd.s32 @p3 s5, s16;
	_ =	strace @p3 $0x90000056;
	s18 =	sshll.u32 @p3 s17, $0xE  }
0x40: {  	s17 =	sor.u32 @p3 $0x4, s17;
	_ =	strace @p3 $0x80000057;
	s18 =	sadd.s32 @p3 $0x17980, s18  }
0x41: {  	[tilespmem:s18], [sflag:s17] =	stream.linear.gather @p3 [hbm4b:s16+s21], $0x4000, $0x200038;
	[tilespmem:$0x1FB80] =	vst v63  }
0x42: {  	s15 =	sadd.s32 @p4 s8, s15;
	s16 =	sadd.s32 $0xFFFFFFFF, s2;
	s17 =	sand.u32 @p4 $0x1, s24  }
0x43: {  	_ =	strace @p3 $0x90000057;
	s18 =	sshll.u32 @p4 s17, $0x7;
	s17 =	sor.u32 @p4 $0x6, s17  }
0x44: {  	_ =	strace @p4 $0x80000058;
	s2 =	sadd.s32 @p4 $0x1F980, s18;
	s18 =	simm.s32 @p4 $0x0  }
0x45: {  	[tilespmem:s2], [sflag:s17] =	stream.linear.gather @p4 [hbm4b:s15+s18], $0x80, $0x200038;
	[tilespmem:$0x1FB80] =	vst v63  }
0x46: {  	p6 =	seq.s32 s13, $0x0;
	s16 =	simm.s32 @p5 $0x4E;
	s2 =	sand.u32 @p3 $0x1, s22  }
0x47: {  	s15 =	sadd.s32 s11, s16;
	s17 =	sadd.s32 @p3 s7, s19;
	_ =	strace @p4 $0x90000058  }
0x48: {  	s16 =	sshll.u32 @p3 s2, $0x7;
	s2 =	sor.u32 @p3 $0x8, s2;
	p5 =	slt.s32 s15, $0x9C3  }
0x49: {  	_ =	strace @p3 $0x80000059;
	s16 =	sadd.s32 @p3 $0x1FA80, s16;
	s15 =	simm.s32 @!p5 $0x9C3  }
0x4a: {  	[tilespmem:s16], [sflag:s2] =	stream.linear.gather @p3 [hbm4b:s17+s21], $0x80, $0x200038;
	[tilespmem:$0x1FB80] =	vst v63  }
0x4b: {  	p5 =	seq.s32 @!p6 s14, s15  }
0x4c: {  	p5 =	por p6, !p5  }
0x4d: {  	_ =	strace @p3 $0x90000059;
	s2 =	sand.u32 @!p5 $0x1, s23  }
0x4e: {  	_ =	strace @!p5 $0x8000005C;
	s2 =	sor.u32 @!p5 $0x6, s2  }
0x4f: {  	_ =	swait.ge @!p5 [sflag:s2], $0x80  }
0x50: {  	[sflag:s2] =	ssyncset.done @!p5 $0x0  }
0x51: {  	[sflag:s2] =	ssyncadd.s32 @!p5 $0xFFFFFF80  }
0x52: {  	s2 =	sand.u32 @p5 $0x1, s10;
	_ =	strace @!p5 $0x9000005C  }
0x53: {  	s2 =	sor.u32 @p5 $0x2, s2;
	_ =	strace @p5 $0x8000005A  }
0x54: {  	_ =	swait.ge @p5 [sflag:s2], $0x80  }
0x55: {  	[sflag:s2] =	ssyncset.done @p5 $0x0  }
0x56: {  	[sflag:s2] =	ssyncadd.s32 @p5 $0xFFFFFF80  }
0x57: {  	s2 =	sand.u32 @p5 $0x1, s25;
	_ =	strace @p5 $0x9000005A  }
0x58: {  	s2 =	sor.u32 @p5 $0x4, s2;
	_ =	strace @p5 $0x8000005B  }
0x59: {  	_ =	swait.ge @p5 [sflag:s2], $0x4000  }
0x5a: {  	[sflag:s2] =	ssyncset.done @p5 $0x0  }
0x5b: {  	[sflag:s2] =	ssyncadd.s32 @p5 $0xFFFFC000  }
0x5c: {  	s2 =	sand.u32 @p5 $0x1, s23;
	_ =	strace @p5 $0x9000005B  }
0x5d: {  	s2 =	sor.u32 @p5 $0x6, s2;
	_ =	strace @p5 $0x8000005C  }
0x5e: {  	_ =	swait.ge @p5 [sflag:s2], $0x80  }
0x5f: {  	[sflag:s2] =	ssyncset.done @p5 $0x0  }
0x60: {  	[sflag:s2] =	ssyncadd.s32 @p5 $0xFFFFFF80  }
0x61: {  	s2 =	sand.u32 @p5 $0x1, s3;
	_ =	strace @p5 $0x9000005C  }
0x62: {  	s2 =	sor.u32 @p5 $0x8, s2;
	_ =	strace @p5 $0x8000005D  }
0x63: {  	_ =	swait.ge @p5 [sflag:s2], $0x80  }
0x64: {  	[sflag:s2] =	ssyncset.done @p5 $0x0  }
0x65: {  	s16 =	sshll.u32 s10, $0x7;
	[sflag:s2] =	ssyncadd.s32 @p5 $0xFFFFFF80  }
0x66: {  	s2 =	sand.u32 $0x80, s16;
	_ =	strace @p5 $0x9000005D  }
0x67: {  	s17 =	simm.s32 $0x2;
	s2 =	sadd.s32 $0x17880, s2;
	_ =	strace $0x8000005E  }
0x68: {  	[tilespmem:s29], [sflag:$0x1] =	stream.indirect.gather [hbm4b:s4+s28], $0x80, s2, s28, $0x2000b8;
	[tilespmem:$0x1FB80] =	vst v63  }
0x69: {  	v0 =	vmov s17;
	_ =	swait.ge [sflag:s26], $0x4000  }
0x6a: {  	s18 =	sand.u32 $0x1, s25;
	s19 =	simm.s32 $0x0;
	v0 =	vand.u32 $0xFFFFFFFE, v0;
	[sflag:s26] =	ssyncset.done $0x0  }
0x6b: {  	v1 =	vmov s19;
	s14 =	simm.s32 $0x13980;
	v0 =	vbroadcast v0, $0x0;
	s2 =	sshll.u32 s18, $0xE;
	[sflag:s26] =	ssyncadd.s32 $0xFFFFC000  }
0x6c: {  	v1 =	vand.u32 $0xFFFFFFFC, v1;
	s18 =	sadd.s32 $0x17A80, s2;
	v2 =	vld [tilespmem:s14+$0x0]  }
0x6d: {  	v1 =	vbroadcast v1, $0x0;
	v3 =	vld [tilespmem:s18+$0x0]  }
0x6e: {  	s20 =	sshll.u32 s23, $0x7  }
0x6f: {  	s2 =	sand.u32 $0x80, s20  }
0x70: {  	s16 =	sadd.s32 $0x1F980, s2  }
0x71: {  	s21 =	simm.s32 $0x1;
	v6 =	vld.idx.msk [tilespmem:v0+s16+$0x0], $0xffff  }
0x72: {  	v0 =	vadd.f32 v3, v2;
	v2 =	vmov s21  }
0x73: {  	v4 =	vld.idx.msk [tilespmem:v1+s16+$0x0], $0xffff;
	v1 =	vand.u32 $0xFFFFFFFD, v2  }
0x74: {  	v3 =	vld [tilespmem:s18+$0xFFFFFF00];
	v1 =	vbroadcast v1, $0x0  }
0x75: {  	v2 =	vld [tilespmem:s14+$0xFFFFFF00];
	v0 =	vmax.f32 v0, $0.0e+00  }
0x76: {  	v5 =	vld [tilespmem:s14+$0xFFFFFF80];
	v0 =	vmul.f32 v0, v6  }
0x77: {  	v7 =	vld [tilespmem:s18+$0xFFFFFF80]  }
0x78: {  	s15 =	simm.s32 $0x3;
	[tilespmem:s14+$0x0] =	vst v0;
	v0 =	vld [tilespmem:s14+$0x10]  }
0x79: {  	v9 =	vmov s15;
	v10 =	vld [tilespmem:s18+$0x10]  }
0x7a: {  	v8 =	vld.idx.msk [tilespmem:v1+s16+$0x0], $0xffff;
	v1 =	vadd.f32 v3, v2;
	_ =	sdelay $0x1  }
0x7b: {  	v5 =	vadd.f32 v7, v5;
	v2 =	vld [tilespmem:s14+$0x80];
	v1 =	vmax.f32 v1, $0.0e+00  }
0x7c: {  	v3 =	vld [tilespmem:s18+$0x80];
	v1 =	vmul.f32 v1, v4  }
0x7d: {  	v14 =	vld.idx.msk [tilespmem:v9+s16+$0x0], $0xffff;
	v5 =	vmax.f32 v5, $0.0e+00  }
0x7e: {  	v7 =	vld [tilespmem:s14+$0xFFFFFF10];
	v0 =	vadd.f32 v10, v0;
	[tilespmem:s14+$0xFFFFFF00] =	vst v1;
	v1 =	vmul.f32 v5, v8  }
0x7f: {  	v9 =	vld [tilespmem:s18+$0xFFFFFF10]  }
0x80: {  	v5 =	vld [tilespmem:s14+$0xFFFFFF90];
	v0 =	vmax.f32 v0, $0.0e+00;
	[tilespmem:s14+$0xFFFFFF80] =	vst v1  }
0x81: {  	v2 =	vadd.f32 v3, v2;
	v0 =	vmul.f32 v0, v6;
	v1 =	vld [tilespmem:s18+$0xFFFFFF90];
	_ =	sdelay $0x1  }
0x82: {  	[tilespmem:s14+$0x10] =	vst v0;
	v0 =	vmax.f32 v2, $0.0e+00;
	v2 =	vld [tilespmem:s14+$0x20]  }
0x83: {  	v0 =	vmul.f32 v0, v14;
	v3 =	vld [tilespmem:s18+$0x20];
	v7 =	vadd.f32 v9, v7;
	_ =	sdelay $0x1  }
0x84: {  	v10 =	vld [tilespmem:s14+$0x90];
	[tilespmem:s14+$0x80] =	vst v0;
	v7 =	vmax.f32 v7, $0.0e+00;
	v1 =	vadd.f32 v1, v5  }
0x85: {  	v0 =	vld [tilespmem:s18+$0x90];
	v7 =	vmul.f32 v7, v4  }
0x86: {  	v13 =	vld [tilespmem:s14+$0xFFFFFF30];
	v1 =	vmax.f32 v1, $0.0e+00  }
0x87: {  	v9 =	vld [tilespmem:s14+$0xFFFFFF20];
	v2 =	vadd.f32 v3, v2;
	[tilespmem:s14+$0xFFFFFF10] =	vst v7;
	v1 =	vmul.f32 v1, v8  }
0x88: {  	v7 =	vld [tilespmem:s18+$0xFFFFFF20]  }
0x89: {  	v5 =	vld [tilespmem:s14+$0xFFFFFFA0];
	v2 =	vmax.f32 v2, $0.0e+00;
	[tilespmem:s14+$0xFFFFFF90] =	vst v1  }
0x8a: {  	v0 =	vadd.f32 v0, v10;
	v1 =	vmul.f32 v2, v6;
	v2 =	vld [tilespmem:s18+$0xFFFFFFA0]  }
0x8b: {  	v12 =	vld [tilespmem:s14+$0xA0]  }
0x8c: {  	v16 =	vld [tilespmem:s14+$0xFFFFFF40];
	v0 =	vmax.f32 v0, $0.0e+00  }
0x8d: {  	[tilespmem:s14+$0x20] =	vst v1;
	v0 =	vmul.f32 v0, v14;
	v1 =	vld [tilespmem:s14+$0x30];
	v7 =	vadd.f32 v7, v9  }
0x8e: {  	v15 =	vld [tilespmem:s18+$0x30]  }
0x8f: {  	v18 =	vld [tilespmem:s14+$0xFFFFFFC0];
	[tilespmem:s14+$0x90] =	vst v0;
	v7 =	vmax.f32 v7, $0.0e+00;
	v2 =	vadd.f32 v2, v5  }
0x90: {  	v0 =	vld [tilespmem:s18+$0xA0];
	v5 =	vmul.f32 v7, v4  }
0x91: {  	v11 =	vld [tilespmem:s14+$0xFFFFFFD0];
	v2 =	vmax.f32 v2, $0.0e+00  }
0x92: {  	v19 =	vld [tilespmem:s14+$0xC0];
	[tilespmem:s14+$0xFFFFFF20] =	vst v5;
	v2 =	vmul.f32 v2, v8  }
0x93: {  	v1 =	vadd.f32 v15, v1;
	v5 =	vld [tilespmem:s18+$0xFFFFFF30]  }
0x94: {  	v3 =	vld [tilespmem:s14+$0xFFFFFFB0];
	[tilespmem:s14+$0xFFFFFFA0] =	vst v2  }
0x95: {  	v1 =	vmax.f32 v1, $0.0e+00;
	v0 =	vadd.f32 v0, v12;
	v2 =	vld [tilespmem:s18+$0xFFFFFFB0]  }
0x96: {  	s15 =	simm.s32 $0x13B80;
	v17 =	vld [tilespmem:s14+$0xE0];
	v1 =	vmul.f32 v1, v6  }
0x97: {  	v22 =	vld [tilespmem:s15+$0x0];
	v0 =	vmax.f32 v0, $0.0e+00  }
0x98: {  	v10 =	vld [tilespmem:s14+$0xB0];
	[tilespmem:s14+$0x30] =	vst v1;
	v0 =	vmul.f32 v0, v14;
	v1 =	vadd.f32 v5, v13  }
0x99: {  	v15 =	vld [tilespmem:s18+$0x40]  }
0x9a: {  	v13 =	vld [tilespmem:s14+$0x40];
	[tilespmem:s14+$0xA0] =	vst v0;
	v0 =	vmax.f32 v1, $0.0e+00;
	v1 =	vadd.f32 v2, v3  }
0x9b: {  	v2 =	vld [tilespmem:s18+$0xB0];
	v0 =	vmul.f32 v0, v4  }
0x9c: {  	v24 =	vld [tilespmem:s15+$0xFFFFFF00];
	v1 =	vmax.f32 v1, $0.0e+00  }
0x9d: {  	v25 =	vld [tilespmem:s15+$0xFFFFFF80];
	[tilespmem:s14+$0xFFFFFF30] =	vst v0;
	v0 =	vmul.f32 v1, v8  }
0x9e: {  	v1 =	vld [tilespmem:s18+$0xFFFFFF40]  }
0x9f: {  	v41 =	vld [tilespmem:s14+$0x70];
	v3 =	vadd.f32 v15, v13;
	[tilespmem:s14+$0xFFFFFFB0] =	vst v0  }
0xa0: {  	v0 =	vadd.f32 v2, v10;
	v2 =	vld [tilespmem:s18+$0xFFFFFFC0]  }
0xa1: {  	v42 =	vld [tilespmem:s15+$0xFFFFFF10];
	v3 =	vmax.f32 v3, $0.0e+00  }
0xa2: {  	v45 =	vld [tilespmem:s15+$0xFFFFFF20];
	v3 =	vmul.f32 v3, v6;
	v0 =	vmax.f32 v0, $0.0e+00  }
0xa3: {  	s17 =	simm.s32 $0x4;
	v46 =	vld [tilespmem:s15+$0x20];
	v0 =	vmul.f32 v0, v14;
	v1 =	vadd.f32 v1, v16  }
0xa4: {  	v13 =	vld [tilespmem:s14+$0x50];
	[tilespmem:s14+$0x40] =	vst v3;
	v3 =	vmov s17  }
0xa5: {  	[tilespmem:s14+$0xB0] =	vst v0;
	v0 =	vand.u32 $0xFFFFFFFC, v3;
	v3 =	vld [tilespmem:s18+$0x50];
	v1 =	vmax.f32 v1, $0.0e+00;
	v2 =	vadd.f32 v2, v18  }
0xa6: {  	s19 =	simm.s32 $0x5;
	v29 =	vld [tilespmem:s15+$0xFFFFFFA0];
	v1 =	vmul.f32 v1, v4  }
0xa7: {  	v48 =	vld [tilespmem:s15+$0xA0];
	v10 =	vmov s19;
	v2 =	vmax.f32 v2, $0.0e+00  }
0xa8: {  	s20 =	simm.s32 $0x6;
	v30 =	vld [tilespmem:s15+$0xFFFFFF30];
	v16 =	vand.u32 $0xFFFFFFFD, v10;
	[tilespmem:s14+$0xFFFFFF40] =	vst v1;
	v1 =	vmul.f32 v2, v8  }
0xa9: {  	v21 =	vmov s20;
	v31 =	vld [tilespmem:s15+$0xFFFFFF40];
	v2 =	vbroadcast v16, $0x0  }
0xaa: {  	v51 =	vld [tilespmem:s15+$0xFFFFFFC0];
	[tilespmem:s14+$0xFFFFFFC0] =	vst v1;
	v1 =	vadd.f32 v3, v13;
	v3 =	vand.u32 $0xFFFFFFFE, v21  }
0xab: {  	v32 =	vld [tilespmem:s15+$0xC0];
	v3 =	vbroadcast v3, $0x0  }
0xac: {  	v9 =	vld [tilespmem:s14+$0xFFFFFF50];
	s17 =	sadd.s32 $0x200, s18  }
0xad: {  	v23 =	vld [tilespmem:s17+$0x0];
	v1 =	vmax.f32 v1, $0.0e+00  }
0xae: {  	v18 =	vld [tilespmem:s18+$0xC0];
	v21 =	vmul.f32 v1, v6  }
0xaf: {  	v1 =	vld.idx.msk [tilespmem:v2+s16+$0x0], $0xffff  }
0xb0: {  	v0 =	vbroadcast v0, $0x0;
	[tilespmem:s14+$0x50] =	vst v21;
	v21 =	vld [tilespmem:s14+$0x60]  }
0xb1: {  	v2 =	vld.idx.msk [tilespmem:v3+s16+$0x0], $0xffff  }
0xb2: {  	v3 =	vld [tilespmem:s18+$0x60]  }
0xb3: {  	v22 =	vadd.f32 v23, v22;
	v23 =	vld [tilespmem:s17+$0xFFFFFF00]  }
0xb4: {  	s21 =	simm.s32 $0x7;
	v27 =	vld [tilespmem:s17+$0x80]  }
0xb5: {  	v26 =	vmov s21;
	v22 =	vmax.f32 v22, $0.0e+00;
	v18 =	vadd.f32 v18, v19;
	v19 =	vld [tilespmem:s17+$0xFFFFFF80]  }
0xb6: {  	v0 =	vld.idx.msk [tilespmem:v0+s16+$0x0], $0xffff;
	v22 =	vmul.f32 v22, v2  }
0xb7: {  	v3 =	vadd.f32 v3, v21;
	v21 =	vld [tilespmem:s15+$0x80]  }
0xb8: {  	v18 =	vmax.f32 v18, $0.0e+00;
	v23 =	vadd.f32 v23, v24;
	[tilespmem:s15+$0x0] =	vst v22;
	v22 =	vld [tilespmem:s15+$0x10]  }
0xb9: {  	v18 =	vmul.f32 v18, v14;
	v3 =	vmax.f32 v3, $0.0e+00;
	v40 =	vld [tilespmem:s17+$0x10]  }
0xba: {  	v23 =	vmax.f32 v23, $0.0e+00;
	v19 =	vadd.f32 v19, v25;
	v28 =	vmul.f32 v3, v6;
	v3 =	vld.idx.msk [tilespmem:v26+s16+$0x0], $0xffff  }
0xbb: {  	v12 =	vld [tilespmem:s14+$0xD0];
	v23 =	vmul.f32 v23, v0  }
0xbc: {  	v20 =	vld [tilespmem:s18+$0xFFFFFF50];
	[tilespmem:s14+$0xC0] =	vst v18;
	v19 =	vmax.f32 v19, $0.0e+00;
	v21 =	vadd.f32 v27, v21  }
0xbd: {  	v18 =	vld [tilespmem:s18+$0xD0];
	[tilespmem:s15+$0xFFFFFF00] =	vst v23;
	v19 =	vmul.f32 v19, v1  }
0xbe: {  	v43 =	vld [tilespmem:s17+$0xFFFFFF10];
	v21 =	vmax.f32 v21, $0.0e+00;
	v22 =	vadd.f32 v40, v22  }
0xbf: {  	v23 =	vld [tilespmem:s15+$0xFFFFFF90];
	[tilespmem:s15+$0xFFFFFF80] =	vst v19;
	v19 =	vmul.f32 v21, v3  }
0xc0: {  	v44 =	vld [tilespmem:s17+$0xFFFFFF90];
	v22 =	vmax.f32 v22, $0.0e+00  }
0xc1: {  	v9 =	vadd.f32 v20, v9;
	v21 =	vld [tilespmem:s15+$0x90];
	[tilespmem:s15+$0x80] =	vst v19;
	v22 =	vmul.f32 v22, v2  }
0xc2: {  	v18 =	vadd.f32 v18, v12;
	v19 =	vld [tilespmem:s17+$0x90]  }
0xc3: {  	v7 =	vld [tilespmem:s14+$0xFFFFFFE0];
	v9 =	vmax.f32 v9, $0.0e+00;
	[tilespmem:s15+$0x10] =	vst v22;
	v22 =	vadd.f32 v43, v42  }
0xc4: {  	v5 =	vld [tilespmem:s14+$0xFFFFFF60];
	v9 =	vmul.f32 v9, v4;
	v18 =	vmax.f32 v18, $0.0e+00  }
0xc5: {  	v18 =	vmul.f32 v18, v14;
	v23 =	vadd.f32 v44, v23;
	v47 =	vld [tilespmem:s17+$0x20];
	v22 =	vmax.f32 v22, $0.0e+00  }
0xc6: {  	v15 =	vld [tilespmem:s14+$0xFFFFFF70];
	[tilespmem:s14+$0xFFFFFF50] =	vst v9;
	v22 =	vmul.f32 v22, v0  }
0xc7: {  	[tilespmem:s14+$0xD0] =	vst v18;
	v18 =	vld [tilespmem:s18+$0xFFFFFF60];
	v23 =	vmax.f32 v23, $0.0e+00;
	v19 =	vadd.f32 v19, v21  }
0xc8: {  	v13 =	vld [tilespmem:s18+$0xFFFFFFD0];
	v21 =	vmul.f32 v23, v1;
	[tilespmem:s15+$0xFFFFFF10] =	vst v22  }
0xc9: {  	v19 =	vmax.f32 v19, $0.0e+00;
	v23 =	vld [tilespmem:s17+$0xFFFFFF20]  }
0xca: {  	v10 =	vld [tilespmem:s14+$0xFFFFFFF0];
	[tilespmem:s15+$0xFFFFFF90] =	vst v21;
	v24 =	vadd.f32 v47, v46;
	v19 =	vmul.f32 v19, v3  }
0xcb: {  	v49 =	vld [tilespmem:s17+$0xFFFFFFA0]  }
0xcc: {  	v16 =	vld [tilespmem:s14+$0xF0];
	v18 =	vadd.f32 v18, v5;
	v24 =	vmax.f32 v24, $0.0e+00;
	[tilespmem:s15+$0x90] =	vst v19  }
0xcd: {  	v19 =	vmul.f32 v24, v2;
	v50 =	vld [tilespmem:s17+$0xA0]  }
0xce: {  	v13 =	vadd.f32 v13, v11;
	v11 =	vld [tilespmem:s15+$0xFFFFFF50];
	v18 =	vmax.f32 v18, $0.0e+00;
	v23 =	vadd.f32 v23, v45  }
0xcf: {  	v18 =	vmul.f32 v18, v4;
	[tilespmem:s15+$0x20] =	vst v19;
	v19 =	vld [tilespmem:s15+$0x30]  }
0xd0: {  	v26 =	vadd.f32 v49, v29;
	v52 =	vld [tilespmem:s17+$0x30];
	v23 =	vmax.f32 v23, $0.0e+00  }
0xd1: {  	v55 =	vld [tilespmem:s18+$0xE0];
	[tilespmem:s14+$0xFFFFFF60] =	vst v18;
	v23 =	vmul.f32 v23, v0  }
0xd2: {  	v59 =	vld [tilespmem:s18+$0xFFFFFF70];
	v26 =	vmax.f32 v26, $0.0e+00;
	v24 =	vadd.f32 v50, v48  }
0xd3: {  	v20 =	vmax.f32 v13, $0.0e+00;
	v22 =	vld [tilespmem:s15+$0xFFFFFFB0];
	[tilespmem:s15+$0xFFFFFF20] =	vst v23;
	v23 =	vmul.f32 v26, v1  }
0xd4: {  	v20 =	vmul.f32 v20, v8;
	v12 =	vmax.f32 v24, $0.0e+00;
	v53 =	vld [tilespmem:s17+$0xFFFFFF30]  }
0xd5: {  	v21 =	vld [tilespmem:s15+$0xB0];
	v19 =	vadd.f32 v52, v19;
	[tilespmem:s15+$0xFFFFFFA0] =	vst v23;
	v23 =	vmul.f32 v12, v3  }
0xd6: {  	[tilespmem:s14+$0xFFFFFFD0] =	vst v20;
	v20 =	vld [tilespmem:s17+$0xFFFFFFB0]  }
0xd7: {  	v17 =	vadd.f32 v55, v17;
	v19 =	vmax.f32 v19, $0.0e+00;
	[tilespmem:s15+$0xA0] =	vst v23;
	v23 =	vld [tilespmem:s18+$0xFFFFFFE0]  }
0xd8: {  	s21 =	simm.s32 $0xB;
	v19 =	vmul.f32 v19, v2;
	v9 =	vld [tilespmem:s17+$0xB0]  }
0xd9: {  	v61 =	vmov s21;
	v13 =	vld [tilespmem:s15+$0xFFFFFFD0];
	v17 =	vmax.f32 v17, $0.0e+00;
	v54 =	vadd.f32 v53, v30  }
0xda: {  	v17 =	vmul.f32 v17, v14;
	[tilespmem:s15+$0x30] =	vst v19;
	v19 =	vld [tilespmem:s15+$0x40]  }
0xdb: {  	[tilespmem:s14+$0x60] =	vst v28;
	v15 =	vadd.f32 v59, v15;
	v24 =	vmax.f32 v54, $0.0e+00;
	v20 =	vadd.f32 v20, v22;
	v22 =	vld [tilespmem:s17+$0x40]  }
0xdc: {  	v56 =	vld [tilespmem:s18+$0x70];
	[tilespmem:s14+$0xE0] =	vst v17;
	v23 =	vadd.f32 v23, v7;
	v7 =	vmul.f32 v24, v0  }
0xdd: {  	v60 =	vld [tilespmem:s18+$0xF0];
	v15 =	vmax.f32 v15, $0.0e+00;
	v21 =	vadd.f32 v9, v21;
	v20 =	vmax.f32 v20, $0.0e+00  }
0xde: {  	v15 =	vmul.f32 v15, v4;
	v4 =	vld.idx.msk [tilespmem:v61+s16+$0x0], $0xffff;
	[tilespmem:s15+$0xFFFFFF30] =	vst v7;
	v20 =	vmul.f32 v20, v1;
	v5 =	vmax.f32 v23, $0.0e+00  }
0xdf: {  	v23 =	vld [tilespmem:s17+$0xFFFFFF40];
	v21 =	vmax.f32 v21, $0.0e+00;
	v57 =	vmul.f32 v5, v8  }
0xe0: {  	v12 =	vld [tilespmem:s15+$0xD0];
	[tilespmem:s15+$0xFFFFFFB0] =	vst v20;
	v20 =	vmul.f32 v21, v3;
	v19 =	vadd.f32 v22, v19  }
0xe1: {  	[tilespmem:s14+$0xFFFFFFE0] =	vst v57;
	v21 =	vld [tilespmem:s17+$0xFFFFFFC0]  }
0xe2: {  	v22 =	vadd.f32 v56, v41;
	[tilespmem:s15+$0xB0] =	vst v20;
	v20 =	vld [tilespmem:s18+$0xFFFFFFF0];
	v19 =	vmax.f32 v19, $0.0e+00  }
0xe3: {  	s19 =	simm.s32 $0x8;
	v58 =	vld [tilespmem:s17+$0xC0];
	v18 =	vmul.f32 v19, v2  }
0xe4: {  	v9 =	vld [tilespmem:s15+$0xFFFFFF60];
	v19 =	vmax.f32 v22, $0.0e+00;
	v22 =	vmov s19;
	v23 =	vadd.f32 v23, v31  }
0xe5: {  	s20 =	simm.s32 $0x9;
	v7 =	vld [tilespmem:s15+$0xFFFFFFE0];
	v19 =	vmul.f32 v19, v6;
	v6 =	vand.u32 $0xFFFFFFFC, v22  }
0xe6: {  	v22 =	vmov s20;
	[tilespmem:s15+$0x40] =	vst v18;
	v18 =	vmax.f32 v23, $0.0e+00;
	v21 =	vadd.f32 v21, v51;
	v23 =	vld [tilespmem:s15+$0x50]  }
0xe7: {  	v17 =	vbroadcast v6, $0x0;
	v62 =	vld [tilespmem:s17+$0x50];
	v6 =	vmul.f32 v18, v0;
	v18 =	vadd.f32 v20, v10  }
0xe8: {  	s2 =	simm.s32 $0x0;
	v5 =	vld [tilespmem:s15+$0xE0];
	v20 =	vand.u32 $0xFFFFFFFD, v22;
	v22 =	vadd.f32 v58, v32;
	v21 =	vmax.f32 v21, $0.0e+00  }
0xe9: {  	s2 =	simm.s32 @p3 $0x1;
	v16 =	vadd.f32 v60, v16;
	v10 =	vld [tilespmem:s15+$0xFFFFFF70];
	[tilespmem:s15+$0xFFFFFF40] =	vst v6;
	v21 =	vmul.f32 v21, v1;
	v18 =	vmax.f32 v18, $0.0e+00  }
0xea: {  	s9 =	sadd.s32 s9, s2;
	[tilespmem:s14+$0x70] =	vst v19;
	v19 =	vld [tilespmem:s17+$0xFFFFFF50];
	v22 =	vmax.f32 v22, $0.0e+00;
	v63 =	vmul.f32 v18, v8;
	v18 =	vbroadcast v20, $0x0  }
0xeb: {  	s22 =	sadd.s32 s22, s2;
	s18 =	simm.s32 $0x1;
	s19 =	sadd.s32 @p3 $0x1, s12;
	v6 =	vld [tilespmem:s15+$0xFFFFFFF0];
	[tilespmem:s15+$0xFFFFFFC0] =	vst v21;
	v22 =	vmul.f32 v22, v3  }
0xec: {  	s2 =	simm.s32 $0xC;
	v16 =	vmax.f32 v16, $0.0e+00;
	s18 =	simm.s32 @!p4 $0x0;
	s12 =	smov.u32 @p3 s19;
	v21 =	vadd.f32 v62, v23;
	v20 =	vld [tilespmem:s17+$0xFFFFFFD0];
	[tilespmem:s14+$0xFFFFFFF0] =	vst v63  }
0xed: {  	v16 =	vmul.f32 v16, v14;
	s24 =	sadd.s32 s18, s24;
	s19 =	simm.s32 $0xA;
	s18 =	smov.u32 s17;
	v8 =	vld [tilespmem:s15+$0xF0];
	[tilespmem:s15+$0xC0] =	vst v22  }
.LBB2_3:
0xee: {  	p3 =	slt.u32 s2, $0x7C;
	v22 =	vmov s19;
	v21 =	vmax.f32 v21, $0.0e+00;
	v23 =	vld [tilespmem:s17+$0xD0];
	[tilespmem:s14+$0xFFFFFF70] =	vst v15  }
0xef: {  	v14 =	vld.idx.msk [tilespmem:v17+s16+$0x0], $0xffff;
	v17 =	vand.u32 $0xFFFFFFFE, v22;
	v11 =	vadd.f32 v19, v11;
	v19 =	vmul.f32 v21, v2;
	[tilespmem:s14+$0xF0] =	vst v16;
	s14 =	smov.u32 s15  }
0xf0: {  	v15 =	vld.idx.msk [tilespmem:v18+s16+$0x0], $0xffff;
	v16 =	vbroadcast v17, $0x0  }
0xf1: {  	v11 =	vmax.f32 v11, $0.0e+00;
	v13 =	vadd.f32 v20, v13;
	[tilespmem:s15+$0x50] =	vst v19;
	v17 =	vld [tilespmem:s15+$0x60]  }
0xf2: {  	s15 =	sadd.s32 $0x200, s15;
	v11 =	vmul.f32 v11, v0;
	v18 =	vld [tilespmem:s17+$0x60]  }
0xf3: {  	s17 =	sadd.s32 $0x200, s17;
	v19 =	vld [tilespmem:s15+$0x0];
	v13 =	vmax.f32 v13, $0.0e+00;
	v12 =	vadd.f32 v23, v12  }
0xf4: {  	v20 =	vld [tilespmem:s17+$0x0];
	[tilespmem:s14+$0xFFFFFF50] =	vst v11;
	v11 =	vmul.f32 v13, v1  }
0xf5: {  	v13 =	vld [tilespmem:s15+$0xFFFFFF00];
	v12 =	vmax.f32 v12, $0.0e+00  }
0xf6: {  	v16 =	vld.idx.msk [tilespmem:v16+s16+$0x0], $0xffff;
	[tilespmem:s14+$0xFFFFFFD0] =	vst v11;
	v11 =	vmul.f32 v12, v3  }
0xf7: {  	v12 =	vld [tilespmem:s17+$0xFFFFFF00];
	v17 =	vadd.f32 v18, v17  }
0xf8: {  	v18 =	vld [tilespmem:s15+$0xFFFFFF80];
	[tilespmem:s14+$0xD0] =	vst v11  }
0xf9: {  	v11 =	vld [tilespmem:s17+$0xFFFFFF80];
	v19 =	vadd.f32 v20, v19;
	v17 =	vmax.f32 v17, $0.0e+00  }
0xfa: {  	v20 =	vld [tilespmem:s15+$0x80];
	v17 =	vmul.f32 v17, v2  }
0xfb: {  	v19 =	vmax.f32 v19, $0.0e+00;
	v21 =	vld [tilespmem:s17+$0x80]  }
0xfc: {  	v12 =	vadd.f32 v12, v13;
	v13 =	vmul.f32 v19, v16;
	[tilespmem:s14+$0x60] =	vst v17;
	v17 =	vld [tilespmem:s14+$0x70]  }
0xfd: {  	v19 =	vld [tilespmem:s18+$0x70]  }
0xfe: {  	v12 =	vmax.f32 v12, $0.0e+00;
	v11 =	vadd.f32 v11, v18;
	[tilespmem:s15+$0x0] =	vst v13;
	v13 =	vld [tilespmem:s15+$0x10]  }
0xff: {  	v12 =	vmul.f32 v12, v14;
	v18 =	vld [tilespmem:s17+$0x10]  }
0x100: {  	v22 =	vld [tilespmem:s15+$0xFFFFFF10];
	v11 =	vmax.f32 v11, $0.0e+00;
	v20 =	vadd.f32 v21, v20  }
0x101: {  	[tilespmem:s15+$0xFFFFFF00] =	vst v12;
	v11 =	vmul.f32 v11, v15;
	v12 =	vld [tilespmem:s15+$0xFFFFFF90]  }
0x102: {  	v21 =	vld [tilespmem:s17+$0xFFFFFF10];
	v20 =	vmax.f32 v20, $0.0e+00;
	v17 =	vadd.f32 v19, v17  }
0x103: {  	[tilespmem:s15+$0xFFFFFF80] =	vst v11;
	v11 =	vmul.f32 v20, v4;
	v19 =	vld [tilespmem:s15+$0x90]  }
0x104: {  	v20 =	vld [tilespmem:s17+$0xFFFFFF90];
	v13 =	vadd.f32 v18, v13;
	v17 =	vmax.f32 v17, $0.0e+00  }
0x105: {  	v18 =	vld [tilespmem:s15+$0xFFFFFF20];
	[tilespmem:s15+$0x80] =	vst v11;
	v11 =	vmul.f32 v17, v2;
	v2 =	vmov v16  }
0x106: {  	v13 =	vmax.f32 v13, $0.0e+00;
	v16 =	vld [tilespmem:s17+$0x90]  }
0x107: {  	v17 =	vadd.f32 v21, v22;
	v21 =	vld [tilespmem:s15+$0xFFFFFFA0];
	v13 =	vmul.f32 v13, v2;
	[tilespmem:s14+$0x70] =	vst v11  }
0x108: {  	v22 =	vld [tilespmem:s15+$0xA0]  }
0x109: {  	v11 =	vmax.f32 v17, $0.0e+00;
	v12 =	vadd.f32 v20, v12;
	[tilespmem:s15+$0x10] =	vst v13;
	v13 =	vld [tilespmem:s15+$0x20]  }
0x10a: {  	v11 =	vmul.f32 v11, v14;
	v17 =	vld [tilespmem:s17+$0x20]  }
0x10b: {  	v20 =	vld [tilespmem:s15+$0xFFFFFF30];
	v12 =	vmax.f32 v12, $0.0e+00;
	v16 =	vadd.f32 v16, v19  }
0x10c: {  	[tilespmem:s15+$0xFFFFFF10] =	vst v11;
	v11 =	vmul.f32 v12, v15;
	v19 =	vld [tilespmem:s15+$0xFFFFFFB0]  }
0x10d: {  	v12 =	vld [tilespmem:s17+$0xFFFFFF20];
	v16 =	vmax.f32 v16, $0.0e+00  }
0x10e: {  	[tilespmem:s15+$0xFFFFFF90] =	vst v11;
	v11 =	vmul.f32 v16, v4;
	v16 =	vld [tilespmem:s15+$0xB0]  }
0x10f: {  	v23 =	vld [tilespmem:s17+$0xFFFFFFA0];
	v13 =	vadd.f32 v17, v13  }
0x110: {  	v17 =	vld [tilespmem:s15+$0xFFFFFF40];
	[tilespmem:s15+$0x90] =	vst v11  }
0x111: {  	v11 =	vmax.f32 v13, $0.0e+00;
	v13 =	vld [tilespmem:s17+$0xA0]  }
0x112: {  	v12 =	vadd.f32 v12, v18;
	v18 =	vld [tilespmem:s15+$0xFFFFFFC0];
	v11 =	vmul.f32 v11, v2  }
0x113: {  	v24 =	vld [tilespmem:s15+$0xC0]  }
0x114: {  	v12 =	vmax.f32 v12, $0.0e+00;
	v21 =	vadd.f32 v23, v21;
	[tilespmem:s15+$0x20] =	vst v11;
	v23 =	vld [tilespmem:s15+$0x30]  }
0x115: {  	v12 =	vmul.f32 v12, v14;
	v25 =	vld [tilespmem:s17+$0x30]  }
0x116: {  	v11 =	vld [tilespmem:s15+$0xFFFFFF50];
	v21 =	vmax.f32 v21, $0.0e+00;
	v22 =	vadd.f32 v13, v22  }
0x117: {  	[tilespmem:s15+$0xFFFFFF20] =	vst v12;
	v12 =	vmul.f32 v21, v15;
	v13 =	vld [tilespmem:s15+$0xFFFFFFD0]  }
0x118: {  	v21 =	vld [tilespmem:s17+$0xFFFFFF30];
	v22 =	vmax.f32 v22, $0.0e+00  }
0x119: {  	[tilespmem:s15+$0xFFFFFFA0] =	vst v12;
	v22 =	vmul.f32 v22, v4;
	v12 =	vld [tilespmem:s15+$0xD0]  }
0x11a: {  	v26 =	vld [tilespmem:s17+$0xFFFFFFB0];
	v23 =	vadd.f32 v25, v23  }
0x11b: {  	[tilespmem:s15+$0xA0] =	vst v22;
	v22 =	vld [tilespmem:s18+$0xFFFFFFE0]  }
0x11c: {  	v23 =	vmax.f32 v23, $0.0e+00;
	v25 =	vld [tilespmem:s17+$0xB0]  }
0x11d: {  	v20 =	vadd.f32 v21, v20;
	v21 =	vmul.f32 v23, v2;
	v23 =	vld [tilespmem:s18+$0xFFFFFF60]  }
0x11e: {  	v27 =	vld [tilespmem:s18+$0xE0]  }
0x11f: {  	v20 =	vmax.f32 v20, $0.0e+00;
	v19 =	vadd.f32 v26, v19;
	[tilespmem:s15+$0x30] =	vst v21;
	v21 =	vld [tilespmem:s15+$0x40]  }
0x120: {  	v20 =	vmul.f32 v20, v14;
	v26 =	vld [tilespmem:s17+$0x40];
	v22 =	vadd.f32 v22, v7  }
0x121: {  	v28 =	vld [tilespmem:s15+$0xFFFFFF60];
	v7 =	vmax.f32 v19, $0.0e+00;
	v16 =	vadd.f32 v25, v16  }
0x122: {  	[tilespmem:s15+$0xFFFFFF30] =	vst v20;
	v19 =	vmul.f32 v7, v15;
	v7 =	vld [tilespmem:s15+$0xFFFFFFE0];
	v9 =	vadd.f32 v23, v9;
	v20 =	vmax.f32 v22, $0.0e+00  }
0x123: {  	v22 =	vld [tilespmem:s17+$0xFFFFFF40];
	v16 =	vmax.f32 v16, $0.0e+00;
	v20 =	vmul.f32 v20, v1;
	v23 =	vadd.f32 v27, v5  }
0x124: {  	[tilespmem:s15+$0xFFFFFFB0] =	vst v19;
	v16 =	vmul.f32 v16, v4;
	v5 =	vld [tilespmem:s15+$0xE0];
	v27 =	vmax.f32 v9, $0.0e+00  }
0x125: {  	v19 =	vld [tilespmem:s17+$0xFFFFFFC0];
	v21 =	vadd.f32 v26, v21;
	v25 =	vmul.f32 v27, v0;
	[tilespmem:s14+$0xFFFFFFE0] =	vst v20;
	v23 =	vmax.f32 v23, $0.0e+00  }
0x126: {  	[tilespmem:s15+$0xB0] =	vst v16;
	v16 =	vld [tilespmem:s18+$0xFFFFFFF0];
	v20 =	vmul.f32 v23, v3;
	v9 =	vmov v28  }
0x127: {  	v21 =	vmax.f32 v21, $0.0e+00;
	v23 =	vld [tilespmem:s17+$0xC0];
	[tilespmem:s14+$0xFFFFFF60] =	vst v25  }
0x128: {  	s19 =	sadd.s32 $0x1, s2;
	s20 =	sadd.s32 $0x3, s2;
	v25 =	vmov s2;
	v22 =	vadd.f32 v22, v17;
	v21 =	vmul.f32 v21, v2;
	v26 =	vld [tilespmem:s18+$0xFFFFFF70];
	[tilespmem:s14+$0xE0] =	vst v20  }
0x129: {  	v17 =	vand.u32 $0xFFFFFFFC, v25;
	v20 =	vmov s19;
	v25 =	vmov s20;
	v27 =	vld [tilespmem:s18+$0xF0];
	s18 =	smov.u32 s17  }
0x12a: {  	v17 =	vbroadcast v17, $0x0;
	v22 =	vmax.f32 v22, $0.0e+00;
	v19 =	vadd.f32 v19, v18;
	[tilespmem:s15+$0x40] =	vst v21;
	v21 =	vld [tilespmem:s15+$0x50]  }
0x12b: {  	v18 =	vand.u32 $0xFFFFFFFD, v20;
	v20 =	vmul.f32 v22, v14;
	v22 =	vld [tilespmem:s17+$0x50];
	v16 =	vadd.f32 v16, v6  }
0x12c: {  	v18 =	vbroadcast v18, $0x0;
	v28 =	vld [tilespmem:s15+$0xFFFFFF70];
	v6 =	vmax.f32 v19, $0.0e+00;
	v23 =	vadd.f32 v23, v24  }
.Ltmp0:
0x12d: {  	[tilespmem:s15+$0xFFFFFF40] =	vst v20;
	v20 =	vmul.f32 v6, v15;
	v6 =	vld [tilespmem:s15+$0xFFFFFFF0];
	v10 =	vadd.f32 v26, v10;
	v16 =	vmax.f32 v16, $0.0e+00;
	(pc) =	sbr.rel @p3 .LBB2_3-.Ltmp0, $4  }
0x12e: {  	v19 =	vld [tilespmem:s17+$0xFFFFFF50];
	v23 =	vmax.f32 v23, $0.0e+00;
	v16 =	vmul.f32 v16, v1;
	v24 =	vadd.f32 v27, v8;
	v1 =	vmovc v15  }
0x12f: {  	[tilespmem:s15+$0xFFFFFFC0] =	vst v20;
	v23 =	vmul.f32 v23, v4;
	v8 =	vld [tilespmem:s15+$0xF0];
	v26 =	vmax.f32 v10, $0.0e+00  }
0x130: {  	v20 =	vld [tilespmem:s17+$0xFFFFFFD0];
	v21 =	vadd.f32 v22, v21;
	v15 =	vmul.f32 v26, v0;
	[tilespmem:s14+$0xFFFFFFF0] =	vst v16;
	v22 =	vmax.f32 v24, $0.0e+00;
	v0 =	vmovc v14  }
0x131: {  	s19 =	sadd.s32 $0x2, s2;
	s2 =	sadd.s32 $0x4, s2;
	[tilespmem:s15+$0xC0] =	vst v23;
	v16 =	vmul.f32 v22, v3;
	v10 =	vmov v28;
	v3 =	vmov v4;
	v4 =	vld.idx.msk [tilespmem:v25+s16+$0x0], $0xffff  }
0x132: {  	s2 =	sadd.s32 $0x200, s15  }
0x133: {  	s21 =	sadd.s32 $0x200, s17;
	v23 =	vld [tilespmem:s2+$0x0]  }
0x134: {  	v24 =	vld [tilespmem:s21+$0x0]  }
0x135: {  	v25 =	vld [tilespmem:s2+$0xFFFFFF00]  }
0x136: {  	v14 =	vmov s19;
	v26 =	vld [tilespmem:s2+$0xFFFFFF80]  }
0x137: {  	v14 =	vand.u32 $0xFFFFFFFE, v14;
	v27 =	vld [tilespmem:s21+$0xFFFFFF80]  }
0x138: {  	v48 =	vld [tilespmem:s2+$0x80];
	v22 =	vbroadcast v14, $0x0  }
0x139: {  	v28 =	vld [tilespmem:s21+$0x80]  }
0x13a: {  	v47 =	vld [tilespmem:s21+$0xFFFFFF00]  }
0x13b: {  	v18 =	vld.idx.msk [tilespmem:v18+s16+$0x0], $0xffff;
	_ =	sdelay $0x1  }
0x13c: {  	v14 =	vld.idx.msk [tilespmem:v17+s16+$0x0], $0xffff;
	v49 =	vadd.f32 v27, v26  }
0x13d: {  	v23 =	vadd.f32 v24, v23;
	v24 =	vadd.f32 v28, v48;
	v17 =	vld.idx.msk [tilespmem:v22+s16+$0x0], $0xffff  }
0x13e: {  	v50 =	vld [tilespmem:s2+$0x10];
	v22 =	vadd.f32 v47, v25;
	v25 =	vmax.f32 v49, $0.0e+00  }
0x13f: {  	v52 =	vld [tilespmem:s2+$0xFFFFFF10];
	v24 =	vmax.f32 v24, $0.0e+00;
	v25 =	vmul.f32 v25, v18  }
0x140: {  	v53 =	vld [tilespmem:s2+$0xFFFFFF90];
	v24 =	vmul.f32 v24, v4;
	v22 =	vmax.f32 v22, $0.0e+00  }
0x141: {  	v29 =	vld [tilespmem:s2+$0x90];
	v23 =	vmax.f32 v23, $0.0e+00;
	v22 =	vmul.f32 v22, v14;
	[tilespmem:s2+$0xFFFFFF80] =	vst v25  }
0x142: {  	[tilespmem:s2+$0x80] =	vst v24;
	v25 =	vld [tilespmem:s21+$0xFFFFFF90];
	v23 =	vmul.f32 v23, v17  }
0x143: {  	v24 =	vld [tilespmem:s21+$0x90];
	[tilespmem:s2+$0xFFFFFF00] =	vst v22  }
0x144: {  	v54 =	vld [tilespmem:s21+$0xFFFFFF10];
	[tilespmem:s2+$0x0] =	vst v23  }
0x145: {  	v51 =	vld [tilespmem:s21+$0x10];
	_ =	sdelay $0x1  }
0x146: {  	v22 =	vadd.f32 v25, v53  }
0x147: {  	v24 =	vadd.f32 v24, v29  }
0x148: {  	v55 =	vld [tilespmem:s2+$0xFFFFFF20];
	v56 =	vadd.f32 v54, v52;
	v22 =	vmax.f32 v22, $0.0e+00  }
0x149: {  	v57 =	vld [tilespmem:s2+$0xFFFFFFA0];
	v24 =	vmax.f32 v24, $0.0e+00;
	v22 =	vmul.f32 v22, v18;
	v23 =	vadd.f32 v51, v50  }
0x14a: {  	v58 =	vld [tilespmem:s2+$0xA0];
	v61 =	vmul.f32 v24, v4;
	v26 =	vmax.f32 v56, $0.0e+00  }
0x14b: {  	v59 =	vld [tilespmem:s2+$0x20];
	v26 =	vmul.f32 v26, v14;
	[tilespmem:s2+$0xFFFFFF90] =	vst v22;
	v23 =	vmax.f32 v23, $0.0e+00  }
0x14c: {  	[tilespmem:s2+$0x90] =	vst v61;
	v62 =	vld [tilespmem:s21+$0xFFFFFFA0];
	v23 =	vmul.f32 v23, v17  }
0x14d: {  	v22 =	vld [tilespmem:s21+$0xA0];
	[tilespmem:s2+$0xFFFFFF10] =	vst v26  }
0x14e: {  	v26 =	vld [tilespmem:s21+$0xFFFFFF20];
	[tilespmem:s2+$0x10] =	vst v23  }
0x14f: {  	v60 =	vld [tilespmem:s21+$0x20];
	_ =	sdelay $0x1  }
0x150: {  	v24 =	vadd.f32 v62, v57  }
0x151: {  	v22 =	vadd.f32 v22, v58  }
0x152: {  	v63 =	vld [tilespmem:s2+$0xFFFFFF30];
	v25 =	vadd.f32 v26, v55;
	v24 =	vmax.f32 v24, $0.0e+00  }
0x153: {  	v32 =	vld [tilespmem:s2+$0xFFFFFFB0];
	v22 =	vmax.f32 v22, $0.0e+00;
	v24 =	vmul.f32 v24, v18;
	v23 =	vadd.f32 v60, v59  }
0x154: {  	v33 =	vld [tilespmem:s2+$0xB0];
	v22 =	vmul.f32 v22, v4;
	v25 =	vmax.f32 v25, $0.0e+00  }
0x155: {  	v34 =	vld [tilespmem:s2+$0x30];
	v25 =	vmul.f32 v25, v14;
	[tilespmem:s2+$0xFFFFFFA0] =	vst v24;
	v23 =	vmax.f32 v23, $0.0e+00  }
0x156: {  	[tilespmem:s2+$0xA0] =	vst v22;
	v24 =	vld [tilespmem:s21+$0xFFFFFFB0];
	v23 =	vmul.f32 v23, v17  }
0x157: {  	v36 =	vld [tilespmem:s21+$0xB0];
	[tilespmem:s2+$0xFFFFFF20] =	vst v25  }
0x158: {  	v25 =	vld [tilespmem:s21+$0xFFFFFF30];
	[tilespmem:s2+$0x20] =	vst v23  }
0x159: {  	v21 =	vmax.f32 v21, $0.0e+00;
	v35 =	vld [tilespmem:s21+$0x30]  }
0x15a: {  	v21 =	vmul.f32 v21, v2  }
0x15b: {  	v37 =	vld [tilespmem:s15+$0x60];
	v24 =	vadd.f32 v24, v32  }
0x15c: {  	v44 =	vld [tilespmem:s17+$0xD0];
	[tilespmem:s15+$0x50] =	vst v21;
	v21 =	vadd.f32 v36, v33  }
0x15d: {  	v39 =	vld [tilespmem:s2+$0xFFFFFF40];
	v25 =	vadd.f32 v25, v63;
	v24 =	vmax.f32 v24, $0.0e+00  }
0x15e: {  	v40 =	vld [tilespmem:s2+$0xFFFFFFC0];
	v21 =	vmax.f32 v21, $0.0e+00;
	v24 =	vmul.f32 v24, v18;
	v23 =	vadd.f32 v35, v34  }
0x15f: {  	v41 =	vld [tilespmem:s2+$0xC0];
	v21 =	vmul.f32 v21, v4;
	v25 =	vmax.f32 v25, $0.0e+00  }
0x160: {  	v42 =	vld [tilespmem:s2+$0x40];
	v25 =	vmul.f32 v25, v14;
	[tilespmem:s2+$0xFFFFFFB0] =	vst v24;
	v23 =	vmax.f32 v23, $0.0e+00  }
0x161: {  	[tilespmem:s2+$0xB0] =	vst v21;
	v24 =	vld [tilespmem:s21+$0xFFFFFFC0];
	v23 =	vmul.f32 v23, v17  }
0x162: {  	v21 =	vld [tilespmem:s21+$0xC0];
	[tilespmem:s2+$0xFFFFFF30] =	vst v25  }
0x163: {  	v25 =	vld [tilespmem:s21+$0xFFFFFF40];
	[tilespmem:s2+$0x30] =	vst v23  }
0x164: {  	v43 =	vld [tilespmem:s21+$0x40]  }
0x165: {  	v45 =	vld [tilespmem:s15+$0x70];
	v13 =	vadd.f32 v20, v13  }
0x166: {  	v38 =	vld [tilespmem:s17+$0x60];
	v24 =	vadd.f32 v24, v40  }
0x167: {  	v13 =	vmax.f32 v13, $0.0e+00;
	v48 =	vld [tilespmem:s2+$0xFFFFFFD0];
	v21 =	vadd.f32 v21, v41  }
0x168: {  	v13 =	vmul.f32 v13, v1;
	v47 =	vld [tilespmem:s2+$0xFFFFFF50];
	v25 =	vadd.f32 v25, v39;
	v24 =	vmax.f32 v24, $0.0e+00  }
0x169: {  	v49 =	vld [tilespmem:s2+$0xD0];
	v21 =	vmax.f32 v21, $0.0e+00;
	v24 =	vmul.f32 v24, v18;
	v23 =	vadd.f32 v43, v42  }
0x16a: {  	[tilespmem:s15+$0xFFFFFFD0] =	vst v13;
	v50 =	vld [tilespmem:s2+$0x50];
	v21 =	vmul.f32 v21, v4;
	v25 =	vmax.f32 v25, $0.0e+00  }
0x16b: {  	v11 =	vadd.f32 v19, v11;
	v56 =	vld [tilespmem:s18+$0xFFFFFFE0];
	v51 =	vmul.f32 v25, v14;
	[tilespmem:s2+$0xFFFFFFC0] =	vst v24;
	v23 =	vmax.f32 v23, $0.0e+00  }
0x16c: {  	v12 =	vadd.f32 v44, v12;
	[tilespmem:s2+$0xC0] =	vst v21;
	v53 =	vld [tilespmem:s21+$0xFFFFFFD0];
	v23 =	vmul.f32 v23, v17  }
0x16d: {  	v11 =	vmax.f32 v11, $0.0e+00;
	v55 =	vld [tilespmem:s21+$0xD0];
	[tilespmem:s2+$0xFFFFFF40] =	vst v51  }
0x16e: {  	v11 =	vmul.f32 v11, v0;
	v12 =	vmax.f32 v12, $0.0e+00;
	v54 =	vld [tilespmem:s21+$0xFFFFFF50];
	[tilespmem:s2+$0x40] =	vst v23  }
0x16f: {  	v12 =	vmul.f32 v12, v3;
	v52 =	vld [tilespmem:s21+$0x50]  }
0x170: {  	[tilespmem:s15+$0xFFFFFF50] =	vst v11;
	v61 =	vld [tilespmem:s2+$0xE0]  }
0x171: {  	[tilespmem:s15+$0xD0] =	vst v12;
	v57 =	vld [tilespmem:s18+$0xFFFFFF60];
	v23 =	vadd.f32 v53, v48  }
0x172: {  	v58 =	vld [tilespmem:s18+$0xE0];
	v13 =	vadd.f32 v55, v49  }
0x173: {  	v26 =	vld [tilespmem:s2+$0x60];
	v21 =	vadd.f32 v54, v47;
	v23 =	vmax.f32 v23, $0.0e+00  }
0x174: {  	v59 =	vld [tilespmem:s2+$0xFFFFFF60];
	v13 =	vmax.f32 v13, $0.0e+00;
	v63 =	vmul.f32 v23, v18;
	v19 =	vadd.f32 v52, v50  }
0x175: {  	v7 =	vadd.f32 v56, v7;
	v60 =	vld [tilespmem:s2+$0xFFFFFFE0];
	v13 =	vmul.f32 v13, v4;
	v62 =	vmax.f32 v21, $0.0e+00  }
0x176: {  	v22 =	vadd.f32 v38, v37;
	v37 =	vld [tilespmem:s2+$0xFFFFFF70];
	v28 =	vmul.f32 v62, v14;
	[tilespmem:s2+$0xFFFFFFD0] =	vst v63;
	v19 =	vmax.f32 v19, $0.0e+00  }
0x177: {  	v7 =	vmax.f32 v7, $0.0e+00;
	v9 =	vadd.f32 v57, v9;
	[tilespmem:s2+$0xD0] =	vst v13;
	v31 =	vld [tilespmem:s21+$0xFFFFFFE0];
	v19 =	vmul.f32 v19, v17  }
0x178: {  	v7 =	vmul.f32 v7, v1;
	v5 =	vadd.f32 v58, v5;
	v22 =	vmax.f32 v22, $0.0e+00;
	v33 =	vld [tilespmem:s21+$0xE0];
	[tilespmem:s2+$0xFFFFFF50] =	vst v28  }
0x179: {  	v9 =	vmax.f32 v9, $0.0e+00;
	v22 =	vmul.f32 v22, v2;
	v32 =	vld [tilespmem:s21+$0xFFFFFF60];
	[tilespmem:s2+$0x50] =	vst v19  }
0x17a: {  	[tilespmem:s15+$0xFFFFFFE0] =	vst v7;
	v5 =	vmax.f32 v5, $0.0e+00;
	v9 =	vmul.f32 v9, v0;
	v30 =	vld [tilespmem:s21+$0x60]  }
0x17b: {  	v38 =	vld [tilespmem:s2+$0xFFFFFFF0];
	v5 =	vmul.f32 v5, v3;
	[tilespmem:s15+$0x60] =	vst v22  }
0x17c: {  	[tilespmem:s15+$0xFFFFFF60] =	vst v9;
	v46 =	vld [tilespmem:s18+$0x70];
	v19 =	vadd.f32 v31, v60  }
0x17d: {  	[tilespmem:s15+$0xE0] =	vst v5;
	v9 =	vld [tilespmem:s18+$0xFFFFFF70];
	v7 =	vadd.f32 v33, v61  }
0x17e: {  	v36 =	vld [tilespmem:s18+$0xF0];
	v13 =	vadd.f32 v32, v59;
	v19 =	vmax.f32 v19, $0.0e+00  }
0x17f: {  	v34 =	vld [tilespmem:s18+$0xFFFFFFF0];
	v7 =	vmax.f32 v7, $0.0e+00;
	v19 =	vmul.f32 v19, v18;
	v35 =	vadd.f32 v30, v26  }
0x180: {  	v40 =	vld [tilespmem:s2+$0x70];
	v7 =	vmul.f32 v7, v4;
	v13 =	vmax.f32 v13, $0.0e+00  }
0x181: {  	v39 =	vld [tilespmem:s2+$0xF0];
	v13 =	vmul.f32 v13, v14;
	[tilespmem:s2+$0xFFFFFFE0] =	vst v19;
	v5 =	vmax.f32 v35, $0.0e+00  }
0x182: {  	[tilespmem:s2+$0xE0] =	vst v7;
	v43 =	vld [tilespmem:s21+$0xFFFFFFF0];
	v5 =	vmul.f32 v5, v17  }
0x183: {  	v42 =	vadd.f32 v46, v45;
	v45 =	vld [tilespmem:s21+$0xF0];
	[tilespmem:s2+$0xFFFFFF60] =	vst v13  }
0x184: {  	v6 =	vadd.f32 v34, v6;
	v13 =	vld [tilespmem:s21+$0xFFFFFF70];
	[tilespmem:s2+$0x60] =	vst v5  }
0x185: {  	v9 =	vadd.f32 v9, v10;
	v44 =	vmax.f32 v42, $0.0e+00;
	v41 =	vld [tilespmem:s21+$0x70]  }
0x186: {  	[tilespmem:s14+$0xFFFFFF70] =	vst v15;
	v6 =	vmax.f32 v6, $0.0e+00;
	v46 =	vmul.f32 v44, v2;
	v47 =	vadd.f32 v36, v8  }
0x187: {  	[tilespmem:s14+$0xF0] =	vst v16;
	v48 =	vmul.f32 v6, v1;
	v49 =	vmax.f32 v9, $0.0e+00;
	v52 =	vadd.f32 v43, v38  }
0x188: {  	[tilespmem:s15+$0x70] =	vst v46;
	v50 =	vmul.f32 v49, v0;
	v51 =	vmax.f32 v47, $0.0e+00;
	v58 =	vadd.f32 v45, v39  }
0x189: {  	[tilespmem:s15+$0xFFFFFFF0] =	vst v48;
	v53 =	vmul.f32 v51, v3;
	v55 =	vadd.f32 v13, v37;
	v57 =	vmax.f32 v52, $0.0e+00  }
0x18a: {  	[tilespmem:s15+$0xFFFFFF70] =	vst v50;
	v62 =	vmax.f32 v58, $0.0e+00;
	v59 =	vmul.f32 v57, v18;
	v5 =	vadd.f32 v41, v40  }
0x18b: {  	[tilespmem:s15+$0xF0] =	vst v53;
	v63 =	vmul.f32 v62, v4;
	v60 =	vmax.f32 v55, $0.0e+00  }
0x18c: {  	v61 =	vmul.f32 v60, v14;
	[tilespmem:s2+$0xFFFFFFF0] =	vst v59;
	v54 =	vmax.f32 v5, $0.0e+00  }
0x18d: {  	s20 =	sshll.u32 s3, $0x7;
	[tilespmem:s2+$0xF0] =	vst v63;
	v56 =	vmul.f32 v54, v17  }
0x18e: {  	p3 =	seq.s32 s13, $0x4E;
	s13 =	sadd.s32 $0x1, s13;
	s14 =	sand.u32 $0x80, s20;
	[tilespmem:s2+$0xFFFFFF70] =	vst v61  }
0x18f: {  	p1 =	por p3, p1;
	s21 =	sadd.s32 $0x1FA80, s14;
	[tilespmem:s2+$0x70] =	vst v56;
	s2 =	simm.s32 $0x1  }
0x190: {  	[spmem:s1] =	stream.indirect.scatter.add.f32 [tilespmem:s29], [sflag:$0xA], $0x80, s21, s28, $0x2000b8;
	[tilespmem:$0x1FB80] =	vst v63  }
0x191: {  	s14 =	simm.s32 $0x1;
	s2 =	simm.s32 @!p1 $0x0;
	p1 =	por p3, p2  }
0x192: {  	s14 =	simm.s32 @!p1 $0x0;
	p1 =	sne.s32 s13, $0x4F  }
.Ltmp1:
0x193: {  	_ = 	snop;
	(pc) =	sbr.rel @p1 .LBB2_2-.Ltmp1, $4  }
0x194: {  	_ =	swait.ge [sflag:s30], $0x4000  }
0x195: {  	[sflag:s30] =	ssyncset.done $0x0  }
0x196: {  	s10 =	sadd.s32 s2, s10;
	s25 =	sadd.s32 s2, s25;
	[sflag:s30] =	ssyncadd.s32 $0xFFFFC000  }
0x197: {  	s3 =	sadd.s32 s2, s3;
	s23 =	sadd.s32 s14, s23;
	_ =	strace $0x9000005E  }
0x198: {  	[bflag:$0x0] =	sbarrier.arrive $0xFFFF  }
0x199: {  	s2 =	rddreg [dreg:$0xa]  }
0x19a: {  	s0 =	simm.s32 @p0 $0x1FC2;
	s3 =	rddreg [dreg:$0xc]  }
0x19b: {  	[hbm:s2], [sflag:s0] =	dma.local @p0 [spmem:s3], $0x2080  }
0x19c: {  	s0 =	simm.s32 @p0 $0x2  }
0x19d: {  	_ =	swait.ge @p0 [sflag:s0], $0x2080  }
0x19e: {  	s9 =	rddreg [dreg:$0xd]  }
0x19f: {  	[sflag:s0] =	ssyncset.done @p0 $0x0;
	s10 =	rddreg [dreg:$0xe]  }
0x1a0: {  	[sflag:s0] =	ssyncadd.s32 @p0 $0xFFFFDF80;
	s0 =	rddreg [dreg:$0x9]  }
0x1a1: {  	[hbm:s0], [sflag:s9] =	dma.local @!p0 [spmem:s10], $0x2780  }
0x1a2: {  	s0 =	simm.s32 @!p0 $0x2  }
0x1a3: {  	_ =	swait.ge @!p0 [sflag:s0], $0x2780  }
0x1a4: {  	s31 =	sadd.s32 $0x1, s31;
	s25 =	rddreg [dreg:$0xb]  }
0x1a5: {  	p1 =	sne.s32 s31, s25  }
.Ltmp2:
0x1a6: {  	_ = 	snop;
	(pc) =	sbr.rel @p1 .LBB2_1-.Ltmp2, $3  }
0x1a7: {  	_ =	sdelay $0x1  }
0x1a8: {  	[sflag:s0] =	ssyncset.done @!p0 $0x0  }
0x1a9: {  	[sflag:s0] =	ssyncadd.s32 @!p0 $0xFFFFD880  }
0x1aa: {  	_ =	sfence.sel $0x180000  }
0x1ab: {  	[bflag:$0x0] =	sbarrier.arrive $0xFFFF  }
0x1ac: {  	_ =	strace $0x90000054  }
0x1ad: {  	s0 =	stileid.u32;
	[bflag:$0x2] =	sbarrier.arrive $0xFFFF  }
0x1ae: {  	p0 =	sne.s32 s0, $0x0;
	s0 =	rddreg [dreg:$0x2]  }
0x1af: {  	s0 =	sadd.s32 @!p0 $0x100000, s0  }
0x1b0: {  	[sflag:s0] =	ssyncadd.tile.s32 @!p0 $0x1;
	_ =	shalt  }
.Lfunc_end2:
_tile_overlayer_lowered:
.L_overlay_start_2:
0x1b1: {  	(tag) =	ssettag $0x2  }
0x1b2: {  	s0 =	rddreg [dreg:$0x0];
	s2 =	stileid.u32  }
0x1b3: {  	s1 =	rddreg [dreg:$0x1];
	p0 =	sne.s32 s2, $0x0  }
0x1b4: {  	s3 =	rddreg [dreg:$0x2];
	[bflag:$0x3] =	sbarrier.arrive $0xFFFF;
	s2 =	simm.s32 @!p0 $0x1C02  }
0x1b5: {  	[timem:s3], [sflag:s2] =	dma.local @!p0 [hbm:s0], s1  }
0x1b6: {  	s0 =	simm.s32 @!p0 $0x2  }
0x1b7: {  	_ =	swait.ge @!p0 [sflag:s0], s1  }
0x1b8: {  	s1 =	ssub.s32 @!p0 $0x0, s1;
	[sflag:s0] =	ssyncset.done @!p0 $0x0  }
0x1b9: {  	[sflag:s0] =	ssyncadd.s32 @!p0 s1  }
0x1ba: {  	[bflag:$0x3] =	sbarrier.arrive $0xFFFF  }
0x1bb: {  	_ =	shalt  }

// kernel: kernel.17.cloned.1.call-start
scs
__scs_entry_jumppad:
0x0: {  	(pc) =	sbr.rel $0x88, $3  }
0x1: {  	(tag) =	ssettag $0x0;
	lr =	simm.s32 $0x1  }
0x2: {  	[smem:$0x3F8A] =	sst lr;
	_ =	strace $0xD0000000  }
0x3: {  	_ = 	snop  }
0x4: {  	_ = 	snop  }
0x5: {  	_ = 	snop  }
0x6: {  	_ = 	snop  }
0x7: {  	_ = 	snop  }
__scs_overlays_trampoline_lowered:
0x8: {  	[smem:$0x3F99] =	sst s0  }
0x9: {  	[smem:$0x3F9A] =	sst s1  }
0xa: {  	[smem:$0x3F9B] =	sst s2  }
0xb: {  	[smem:$0x3F9C] =	sst s3  }
0xc: {  	[smem:$0x3F9D] =	sst s4  }
0xd: {  	[smem:$0x3F9E] =	sst s5  }
0xe: {  	[smem:$0x3F9F] =	sst s6  }
0xf: {  	[smem:$0x3FA0] =	sst s7  }
0x10: {  	[smem:$0x3FA1] =	sst s8  }
0x11: {  	[smem:$0x3FA2] =	sst s9;
	s0 =	simm.s32 @!p0 $0x0  }
0x12: {  	s1 =	sld [smem:$0x3F88];
	s0 =	simm.s32 @p0 $0x1  }
0x13: {  	[smem:$0x3FA3] =	sst s0;
	s0 =	simm.s32 @!p1 $0x0  }
0x14: {  	s2 =	sld [smem:$0x3F87];
	s0 =	simm.s32 @p1 $0x1  }
0x15: {  	[smem:$0x3FA4] =	sst s0;
	s0 =	simm.s32 @!p2 $0x0  }
0x16: {  	s3 =	sld [smem:$0x3FDB];
	s0 =	simm.s32 @p2 $0x1  }
0x17: {  	s4 =	simm.s32 $0x1BF5;
	[smem:$0x3FA6] =	sst s0  }
0x18: {  	s0 =	sld [smem:$0x3F89];
	_ =	swait.ge [sflag:s4], $0x0  }
0x19: {  	s7 =	sld [smem:$0x3F8A]  }
0x1a: {  	s8 =	sadd.s32 $0xFFFFE003, lr  }
0x1b: {  	s9 =	sadd.s32 $0xFFFFFEF7, lr;
	s5 =	simm.s32 $0xFFFFFFFF;
	p2 =	slt.u32 s8, $0xFFFFF086  }
0x1c: {  	p1 =	slt.u32 s9, $0xF7A;
	s5 =	simm.s32 @!p2 $0x0  }
0x1d: {  	s5 =	simm.s32 @p1 $0x1;
	p0 =	seq.s32 s7, s2  }
0x1e: {  	s7 =	smul.u32 @!p0 $0xF7A, s2;
	p2 =	seq.s32 @!p0 s5, $0x0  }
0x1f: {  	s9 =	smul.u32 $0xF7A, s1;
	s8 =	simm.s32 @!p0 $0x1BF5;
	p2 =	por !p2, p0  }
0x20: {  	[sflag:s8] =	ssyncset.s32 @!p0 $0xFFFFF086;
	s6 =	sadd.s32 @!p0 s3, s7;
	s7 =	simm.s32 @!p0 $0x108  }
0x21: {  	s3 =	sadd.s32 s3, s9;
	s6 =	sadd.s32 @!p0 $0x88, s6;
	s7 =	simm.s32 @p2 $0x1082  }
0x22: {  	[simem:s7], [sflag:s8] =	dma.local @!p0 [hbm:s6], $0xF7A  }
0x23: {  	s9 =	sor.u32 $0xD0000000, s2;
	s6 =	simm.s32 $0x108;
	_ =	swait.ge @!p0 [sflag:s8], $0x0  }
0x24: {  	s3 =	sadd.s32 $0x88, s3;
	s6 =	simm.s32 @!p1 $0x1082;
	[sflag:s4] =	ssyncset.s32 $0xFFFFF086  }
0x25: {  	[simem:s6], [sflag:s4] =	dma.local [hbm:s3], $0xF7A  }
0x26: {  	[smem:$0x3F8A] =	sst s1;
	(tag) =	ssettag s2;
	_ =	strace s9  }
0x27: {  	s1 =	sld [smem:$0x3F9A]  }
0x28: {  	s2 =	sld [smem:$0x3F9B]  }
0x29: {  	s4 =	sld [smem:$0x3F9D]  }
0x2a: {  	p0 =	seq.s32 s5, $0x0;
	s5 =	sld [smem:$0x3F9E]  }
0x2b: {  	s6 =	sld [smem:$0x3F9F]  }
0x2c: {  	s7 =	sld [smem:$0x3FA0]  }
0x2d: {  	s3 =	simm.s32 $0x108;
	s8 =	sld [smem:$0x3FA1]  }
0x2e: {  	s3 =	simm.s32 @!p0 $0x1082;
	s9 =	sld [smem:$0x3FA2]  }
0x2f: {  	lr =	sadd.s32 s0, s3;
	s0 =	sld [smem:$0x3F99]  }
0x30: {  	s3 =	sld [smem:$0x3F9C]  }
0x31: {  	[smem:$0x3FA5] =	sst s10  }
0x32: {  	s10 =	sld [smem:$0x3FA3];
	_ =	sdelay $0x3  }
0x33: {  	p0 =	seq.s32 s10, $0x1;
	s10 =	sld [smem:$0x3FA5];
	_ =	sdelay $0x3  }
0x34: {  	[smem:$0x3FA5] =	sst s10  }
0x35: {  	s10 =	sld [smem:$0x3FA4];
	_ =	sdelay $0x3  }
0x36: {  	p1 =	seq.s32 s10, $0x1;
	s10 =	sld [smem:$0x3FA5];
	_ =	sdelay $0x3  }
0x37: {  	[smem:$0x3FA5] =	sst s10  }
0x38: {  	s10 =	sld [smem:$0x3FA6]  }
0x39: {  	_ = 	snop;
	(pc) =	sbr.ind lr, $3  }
0x3a: {  	_ = 	snop  }
0x3b: {  	_ = 	snop  }
0x3c: {  	p2 =	seq.s32 s10, $0x1;
	s10 =	sld [smem:$0x3FA5]  }
0x3d: {  	_ =	shalt  }
0x3e: {  	_ =	shalt  }
0x3f: {  	_ =	shalt  }
0x40: {  	_ =	shalt  }
0x41: {  	_ =	shalt  }
0x42: {  	_ =	shalt  }
0x43: {  	_ =	shalt  }
0x44: {  	_ =	shalt  }
0x45: {  	_ =	shalt  }
0x46: {  	_ =	shalt  }
0x47: {  	_ =	shalt  }
0x48: {  	_ =	shalt  }
0x49: {  	_ =	shalt  }
0x4a: {  	_ =	shalt  }
0x4b: {  	_ =	shalt  }
0x4c: {  	_ =	shalt  }
0x4d: {  	_ =	shalt  }
0x4e: {  	_ =	shalt  }
0x4f: {  	_ =	shalt  }
0x50: {  	_ =	shalt  }
0x51: {  	_ =	shalt  }
0x52: {  	_ =	shalt  }
0x53: {  	_ =	shalt  }
0x54: {  	_ =	shalt  }
0x55: {  	_ =	shalt  }
0x56: {  	_ =	shalt  }
0x57: {  	_ =	shalt  }
0x58: {  	_ =	shalt  }
0x59: {  	_ =	shalt  }
0x5a: {  	_ =	shalt  }
0x5b: {  	_ =	shalt  }
0x5c: {  	_ =	shalt  }
0x5d: {  	_ =	shalt  }
0x5e: {  	_ =	shalt  }
0x5f: {  	_ =	shalt  }
0x60: {  	_ =	shalt  }
0x61: {  	_ =	shalt  }
0x62: {  	_ =	shalt  }
0x63: {  	_ =	shalt  }
0x64: {  	_ =	shalt  }
0x65: {  	_ =	shalt  }
0x66: {  	_ =	shalt  }
0x67: {  	_ =	shalt  }
0x68: {  	_ =	shalt  }
0x69: {  	_ =	shalt  }
0x6a: {  	_ =	shalt  }
0x6b: {  	_ =	shalt  }
0x6c: {  	_ =	shalt  }
0x6d: {  	_ =	shalt  }
0x6e: {  	_ =	shalt  }
0x6f: {  	_ =	shalt  }
0x70: {  	_ =	shalt  }
0x71: {  	_ =	shalt  }
0x72: {  	_ =	shalt  }
0x73: {  	_ =	shalt  }
0x74: {  	_ =	shalt  }
0x75: {  	_ =	shalt  }
0x76: {  	_ =	shalt  }
0x77: {  	_ =	shalt  }
0x78: {  	_ =	shalt  }
0x79: {  	_ =	shalt  }
0x7a: {  	_ =	shalt  }
0x7b: {  	_ =	shalt  }
0x7c: {  	_ =	shalt  }
0x7d: {  	_ =	shalt  }
0x7e: {  	_ =	shalt  }
0x7f: {  	_ =	shalt  }
0x80: {  	_ =	shalt  }
0x81: {  	_ =	shalt  }
0x82: {  	_ =	shalt  }
0x83: {  	_ =	shalt  }
0x84: {  	_ =	shalt  }
0x85: {  	_ =	shalt  }
0x86: {  	_ =	shalt  }
0x87: {  	_ =	shalt  }
.Lfunc_end0:
.L_simem_size_0:
called_computation.2_lowered:
.L_overlay_start_0:
0x88: {  	s2 =	sld [smem:$0x3FD9]  }
0x89: {  	s3 =	sld [smem:$0x3FFE];
	_ =	sdelay $0x1  }
0x8a: {  	s1 =	srdreg.scid  }
0x8b: {  	s0 =	sand.u32 $0x1, s1  }
0x8c: {  	s16 =	sshll.u32 s0, $0xA;
	s2 =	sadd.s32 s3, s2  }
0x8d: {  	s2 =	sadd.s32 s2, s16  }
0x8e: {  	[smem:$0x3FB1] =	sst s2  }
0x8f: {  	_ = 	snop  }
0x90: {  	(tm) =	ssettm $0x1  }
0x91: {  	s17 =	sld [smem:$0x3FFB];
	_ =	sdelay $0x3  }
0x92: {  	_ =	strace s17  }
0x93: {  	s2 =	sld [smem:$0x3FFC];
	_ =	sdelay $0x3  }
0x94: {  	_ =	strace s2  }
0x95: {  	s2 =	sld [smem:$0x3FFD];
	_ =	sdelay $0x3  }
0x96: {  	_ =	strace s2  }
0x97: {  	_ =	strace $0x8FFFFFFF  }
0x98: {  	s18 =	sld [smem:$0x3FDB];
	_ =	sdelay $0x1  }
0x99: {  	s19 =	simm.s32 $_scs_section_size  }
0x9a: {  	s4 =	simm.s32 $_size__tile_overlayer_lowered;
	s5 =	simm.s32 $_tile_overlayer_lowered  }
0x9b: {  	s22 =	simm.s32 $0x1BFF;
	s21 =	sshll.u32 s5, $0x1;
	s2 =	sadd.s32 s19, s18  }
0x9c: {  	s6 =	simm.s32 $0x0;
	s20 =	sshll.u32 s4, $0x1;
	s4 =	sadd.s32 s21, s2  }
0x9d: {  	[timem:s6], [sflag:s22] =	dma.local [hbm:s4], s20  }
0x9e: {  	_ =	swait.ge [sflag:s22], s20  }
0x9f: {  	s3 =	ssub.s32 $0x0, s20;
	[sflag:s22] =	ssyncset.done $0x0  }
0xa0: {  	[sflag:s22] =	ssyncadd.s32 s3;
	_ =	sdelay $0x1  }
0xa1: {  	s23 =	simm.s32 $0x1B8B  }
0xa2: {  	_ =	swait.ge [sflag:s23], $0x1  }
0xa3: {  	[sflag:s23] =	ssyncset.done $0x0  }
0xa4: {  	s25 =	simm.s32 $0x1B8E;
	s24 =	sld [smem:$0x3FFE];
	[sflag:s23] =	ssyncadd.s32 $0xFFFFFFFF  }
0xa5: {  	s26 =	simm.s32 $execute0_lowered;
	[smem:$0x3FD2] =	sst s25  }
0xa6: {  	s4 =	sshll.u32 s26, $0x1;
	_ =	strace $0x80000060;
	[dreg:$0x1] =	wrdreg $0xFFFFFFFF  }
0xa7: {  	s28 =	simm.s32 $_size_execute0_lowered;
	s2 =	sadd.s32 s2, s4;
	[dreg:$0x0] =	wrdreg $0x0  }
0xa8: {  	s4 =	sshll.u32 s28, $0x1;
	[dreg:$0x2] =	wrdreg s2  }
0xa9: {  	[dreg:$0x3] =	wrdreg s4  }
0xaa: {  	[dreg:$0x4] =	wrdreg $0xC0  }
0xab: {  	_ =	task [dreg:s6], $0x5FFFF  }
0xac: {  	[dreg:$0x1] =	wrdreg $0xFFFFFFFF  }
0xad: {  	[dreg:$0x0] =	wrdreg $0x60  }
0xae: {  	[dreg:$0x2] =	wrdreg s24  }
0xaf: {  	[dreg:$0x3] =	wrdreg $0x0  }
0xb0: {  	[dreg:$0x4] =	wrdreg $0x9  }
0xb1: {  	_ =	task.clear_ibuf [dreg:s6], $0x5FFFF;
	_ =	strace $0x90000060  }
0xb2: {  	s29 =	simm.s32 $0x9;
	_ =	strace $0x8000006C  }
0xb3: {  	_ =	swait.ge [sflag:s29], $0x1  }
0xb4: {  	[sflag:s29] =	ssyncadd.s32 $0xFFFFFFFF  }
0xb5: {  	_ =	strace $0x9000006C  }
0xb6: {  	_ =	sfence  }
0xb7: {  	s30 =	sld [smem:$0x0];
	_ =	sdelay $0x2  }
0xb8: {  	s31 =	sshll.u32 s1, $0xD;
	s1 =	sshrl.u32 s1, $0x2  }
0xb9: {  	s3 =	sand.u32 $0x4000, s31;
	s1 =	sadd.s32 s1, s30  }
0xba: {  	s0 =	sor.u32 s3, s0;
	s1 =	sshll.u32 s1, $0x11  }
0xbb: {  	s0 =	sor.u32 s1, s0  }
0xbc: {  	s0 =	sadd.s32 $0x8F2B, s0  }
0xbd: {  	[sflag:s0] =	ssyncadd.remote.s32 $0x1  }
0xbe: {  	_ =	sfence.sel $0xFFFF  }
0xbf: {  	[dreg:$0x0] =	wrdreg $0xFFFFFFFF;
	(pc) =	sbr.abs _section_cstart, $3  }
0xc0: {  	[dreg:$0x1] =	wrdreg $0xFFFFFFFF  }
0xc1: {  	_ =	task.clear_ibuf [dreg:s6], $0x2FFFF;
	_ =	strace $0x9FFFFFFF  }
0xc2: {  	(tm) =	ssettm $0x7FFFFFFF  }
0xc3: {  	_ =	shalt  }
tec
execute0_lowered:
.L_overlay_start_1:
0x0: {  	(tag) =	ssettag $0x1  }
0x1: {  	s0 =	rddreg [dreg:$0x0]  }
0x2: {  	s1 =	rddreg [dreg:$0x1]  }
0x3: {  	s2 =	simm.s32 $0x0;
	s17 =	stileid.u32;
	s16 =	srdreg.scid  }
0x4: {  	s29 =	simm.s32 $0x13880;
	s30 =	simm.s32 $0xA;
	[smem:$0x7FF] =	sst s2  }
0x5: {  	s28 =	simm.s32 $0x80;
	s4 =	sadd.s32 $0xA12200, s0;
	s5 =	sadd.s32 $0xF44C00, s0  }
0x6: {  	s6 =	sadd.s32 $0x4F4E00, s0;
	s3 =	smul.u32 $0x2780, s17;
	s2 =	sand.u32 $0x1, s16  }
0x7: {  	s7 =	sadd.s32 $0x4EB000, s0;
	s8 =	sadd.s32 $0x4FF200, s0;
	s10 =	smul.u32 $0x4F000, s17  }
0x8: {  	s12 =	sadd.s32 $0x509000, s0;
	s20 =	smul.u32 $0x13C00, s17;
	p0 =	seq.s32 s17, $0xF  }
0x9: {  	_ =	strace $0x80000061;
	s9 =	sshll.u32 s2, $0x4;
	s11 =	ssub.s32 $0x2, s2  }
0xa: {  	s2 =	smul.u32 $0x138800, s2;
	s3 =	sadd.s32 s3, s0;
	s9 =	sor.u32 s17, s9  }
0xb: {  	s14 =	sshrl.u32 s11, $0x1;
	s10 =	sshrl.u32 s10, $0x2;
	s13 =	smul.u32 $0x4F0, s9  }
0xc: {  	s0 =	sadd.s32 $0xA10080, s0;
	s15 =	smul.u32 $0x2780, s9;
	s14 =	ssub.s32 s11, s14  }
0xd: {  	s10 =	sadd.s32 s10, s1;
	s18 =	smul.u32 $0x380, s9;
	s3 =	sadd.s32 $0x9EB000, s3  }
0xe: {  	s16 =	smul.u32 $0x27800, s9;
	[dreg:$0x4] =	wrdreg s0;
	s23 =	sadd.s32 s20, s2  }
0xf: {  	[dreg:$0x3] =	wrdreg s3;
	s26 =	smax.u32 s14, $0x1;
	s10 =	sshrl.u32 @!p0 s10, $0x3  }
0x10: {  	s15 =	sand.u32 $0x7FC00, s15;
	s11 =	sand.u32 $0x380, s18;
	[dreg:$0xb] =	wrdreg s26  }
0x11: {  	s21 =	sadd.s32 s6, s13;
	[dreg:$0xe] =	wrdreg s10;
	s19 =	sor.u32 s11, s15  }
0x12: {  	s22 =	sadd.s32 s5, s16;
	[dreg:$0x5] =	wrdreg s21;
	s0 =	sshrl.u32 s19, $0x3  }
0x13: {  	s2 =	sshrl.u32 s2, $0x3;
	[dreg:$0x6] =	wrdreg s22;
	s0 =	sadd.s32 s8, s0  }
0x14: {  	s24 =	sadd.s32 s7, s13;
	[dreg:$0x7] =	wrdreg s0;
	s0 =	sshrl.u32 s23, $0x3  }
0x15: {  	s25 =	sadd.s32 s12, s2;
	[dreg:$0x8] =	wrdreg s24;
	s0 =	sadd.s32 s12, s0  }
0x16: {  	s3 =	sadd.s32 $0x128400, s1;
	[dreg:$0x9] =	wrdreg s0;
	s0 =	sadd.s32 $0x25080, s25  }
0x17: {  	s3 =	sshrl.u32 @p0 s3, $0x3;
	[dreg:$0xa] =	wrdreg s0;
	s0 =	sshll.u32 @!p0 s17, $0x6  }
0x18: {  	s11 =	smul.u32 $0x4F, s9;
	[dreg:$0xc] =	wrdreg s3;
	s9 =	sor.u32 @!p0 $0x1C02, s0  }
0x19: {  	s31 =	simm.s32 $0x0;
	s26 =	simm.s32 $0x1;
	[dreg:$0xd] =	wrdreg s9  }
.LBB2_1:
0x1a: {  	s0 =	simm.s32 @p0 $0x1FC2;
	s2 =	rddreg [dreg:$0x4]  }
0x1b: {  	[spmem:s3], [sflag:s0] =	dma.local @p0 [hbm:s2], $0x2080  }
0x1c: {  	s0 =	simm.s32 @p0 $0x2  }
0x1d: {  	_ =	swait.ge @p0 [sflag:s0], $0x2080  }
0x1e: {  	[sflag:s0] =	ssyncset.done @p0 $0x0  }
0x1f: {  	[sflag:s0] =	ssyncadd.s32 @p0 $0xFFFFDF80;
	s0 =	rddreg [dreg:$0x3]  }
0x20: {  	[spmem:s10], [sflag:s9] =	dma.local @!p0 [hbm:s0], $0x2780  }
0x21: {  	s0 =	simm.s32 @!p0 $0x2  }
0x22: {  	_ =	swait.ge @!p0 [sflag:s0], $0x2780  }
0x23: {  	[sflag:s0] =	ssyncset.done @!p0 $0x0  }
0x24: {  	s17 =	simm.s32 $0x0;
	[sflag:s0] =	ssyncadd.s32 @!p0 $0xFFFFD880  }
0x25: {  	s19 =	simm.s32 $0x17880;
	s21 =	simm.s32 $0x17980;
	[bflag:$0x0] =	sbarrier.arrive $0xFFFF  }
0x26: {  	s23 =	simm.s32 $0x1F980;
	s25 =	simm.s32 $0x1FA80;
	_ =	strace $0x80000062  }
0x27: {  	s12 =	simm.s32 $0x1;
	s13 =	simm.s32 $0x0;
	s18 =	rddreg [dreg:$0x5]  }
0x28: {  	[tilespmem:s19], [sflag:$0x2] =	stream.linear.gather [hbm4b:s18+s17], $0x80, $0x200038;
	[tilespmem:$0x1FB80] =	vst v63  }
0x29: {  	s3 =	simm.s32 $0x0;
	s9 =	simm.s32 $0x1;
	s20 =	rddreg [dreg:$0x6]  }
0x2a: {  	[tilespmem:s21], [sflag:$0x4] =	stream.linear.gather [hbm4b:s20+s17], $0x4000, $0x200038;
	[tilespmem:$0x1FB80] =	vst v63  }
0x2b: {  	s10 =	simm.s32 $0x0;
	s0 =	simm.s32 $0x0;
	s22 =	rddreg [dreg:$0x7]  }
0x2c: {  	[tilespmem:s23], [sflag:$0x6] =	stream.linear.gather [hbm4b:s22+s17], $0x80, $0x200038;
	[tilespmem:$0x1FB80] =	vst v63  }
0x2d: {  	s24 =	rddreg [dreg:$0x8];
	s22 =	simm.s32 $0x1;
	s23 =	simm.s32 $0x0  }
0x2e: {  	[tilespmem:s25], [sflag:$0x8] =	stream.linear.gather [hbm4b:s24+s17], $0x80, $0x200038;
	[tilespmem:$0x1FB80] =	vst v63  }
0x2f: {  	s24 =	simm.s32 $0x1;
	s25 =	simm.s32 $0x0;
	_ =	strace $0x90000062  }
.LBB2_2:
0x30: {  	s2 =	smov.u32 s0;
	s0 =	sadd.s32 $0x1, s0  }
0x31: {  	p1 =	seq.s32 s0, $0x4F  }
0x32: {  	s0 =	simm.s32 @p1 $0x0  }
0x33: {  	s14 =	sadd.s32 s11, s2;
	s15 =	sadd.s32 s11, s0  }
0x34: {  	p1 =	slt.s32 s14, $0x9C3;
	p2 =	slt.s32 s15, $0x9C3;
	s16 =	smov.u32 s15  }
0x35: {  	s14 =	simm.s32 @!p1 $0x9C3;
	s16 =	simm.s32 @!p2 $0x9C3  }
0x36: {  	p4 =	sne.s32 s13, $0x4E;
	p1 =	sne.s32 s14, s16  }
0x37: {  	p2 =	sne.s32 s2, s0;
	p6 =	por !p4, !p1  }
0x38: {  	p5 =	seq.s32 s2, $0x0;
	p4 =	por !p4, !p2;
	p3 =	por !p6, !p6  }
0x39: {  	p4 =	por !p4, !p4;
	s17 =	sand.u32 @p3 $0x1, s12;
	_ =	strace @p3 $0x80000063  }
0x3a: {  	s19 =	sshll.u32 @p3 s16, $0x4;
	s21 =	simm.s32 @p3 $0x0;
	s16 =	sshll.u32 @p3 s16, $0xB  }
0x3b: {  	s15 =	sshll.u32 @p4 s15, $0x4;
	s18 =	sshll.u32 @p3 s17, $0x7;
	s19 =	sand.u32 @p3 $0x1FFFFFF0, s19  }
0x3c: {  	s17 =	sor.u32 @p3 $0x2, s17;
	s18 =	sadd.s32 @p3 $0x17880, s18;
	s20 =	sadd.s32 @p3 s6, s19  }
0x3d: {  	[tilespmem:s18], [sflag:s17] =	stream.linear.gather @p3 [hbm4b:s20+s21], $0x80, $0x200038;
	[tilespmem:$0x1FB80] =	vst v63  }
0x3e: {  	s16 =	sand.u32 @p3 $0x1FFFF800, s16;
	s15 =	sand.u32 @p4 $0x1FFFFFF0, s15;
	s17 =	sand.u32 @p3 $0x1, s9  }
0x3f: {  	s16 =	sadd.s32 @p3 s5, s16;
	_ =	strace @p3 $0x90000063;
	s18 =	sshll.u32 @p3 s17, $0xE  }
0x40: {  	s17 =	sor.u32 @p3 $0x4, s17;
	_ =	strace @p3 $0x80000064;
	s18 =	sadd.s32 @p3 $0x17980, s18  }
0x41: {  	[tilespmem:s18], [sflag:s17] =	stream.linear.gather @p3 [hbm4b:s16+s21], $0x4000, $0x200038;
	[tilespmem:$0x1FB80] =	vst v63  }
0x42: {  	s15 =	sadd.s32 @p4 s8, s15;
	s16 =	sadd.s32 $0xFFFFFFFF, s2;
	s17 =	sand.u32 @p4 $0x1, s24  }
0x43: {  	_ =	strace @p3 $0x90000064;
	s18 =	sshll.u32 @p4 s17, $0x7;
	s17 =	sor.u32 @p4 $0x6, s17  }
0x44: {  	_ =	strace @p4 $0x80000065;
	s2 =	sadd.s32 @p4 $0x1F980, s18;
	s18 =	simm.s32 @p4 $0x0  }
0x45: {  	[tilespmem:s2], [sflag:s17] =	stream.linear.gather @p4 [hbm4b:s15+s18], $0x80, $0x200038;
	[tilespmem:$0x1FB80] =	vst v63  }
0x46: {  	p6 =	seq.s32 s13, $0x0;
	s16 =	simm.s32 @p5 $0x4E;
	s2 =	sand.u32 @p3 $0x1, s22  }
0x47: {  	s15 =	sadd.s32 s11, s16;
	s17 =	sadd.s32 @p3 s7, s19;
	_ =	strace @p4 $0x90000065  }
0x48: {  	s16 =	sshll.u32 @p3 s2, $0x7;
	s2 =	sor.u32 @p3 $0x8, s2;
	p5 =	slt.s32 s15, $0x9C3  }
0x49: {  	_ =	strace @p3 $0x80000066;
	s16 =	sadd.s32 @p3 $0x1FA80, s16;
	s15 =	simm.s32 @!p5 $0x9C3  }
0x4a: {  	[tilespmem:s16], [sflag:s2] =	stream.linear.gather @p3 [hbm4b:s17+s21], $0x80, $0x200038;
	[tilespmem:$0x1FB80] =	vst v63  }
0x4b: {  	p5 =	seq.s32 @!p6 s14, s15  }
0x4c: {  	p5 =	por p6, !p5  }
0x4d: {  	_ =	strace @p3 $0x90000066;
	s2 =	sand.u32 @!p5 $0x1, s23  }
0x4e: {  	_ =	strace @!p5 $0x80000069;
	s2 =	sor.u32 @!p5 $0x6, s2  }
0x4f: {  	_ =	swait.ge @!p5 [sflag:s2], $0x80  }
0x50: {  	[sflag:s2] =	ssyncset.done @!p5 $0x0  }
0x51: {  	[sflag:s2] =	ssyncadd.s32 @!p5 $0xFFFFFF80  }
0x52: {  	s2 =	sand.u32 @p5 $0x1, s10;
	_ =	strace @!p5 $0x90000069  }
0x53: {  	s2 =	sor.u32 @p5 $0x2, s2;
	_ =	strace @p5 $0x80000067  }
0x54: {  	_ =	swait.ge @p5 [sflag:s2], $0x80  }
0x55: {  	[sflag:s2] =	ssyncset.done @p5 $0x0  }
0x56: {  	[sflag:s2] =	ssyncadd.s32 @p5 $0xFFFFFF80  }
0x57: {  	s2 =	sand.u32 @p5 $0x1, s25;
	_ =	strace @p5 $0x90000067  }
0x58: {  	s2 =	sor.u32 @p5 $0x4, s2;
	_ =	strace @p5 $0x80000068  }
0x59: {  	_ =	swait.ge @p5 [sflag:s2], $0x4000  }
0x5a: {  	[sflag:s2] =	ssyncset.done @p5 $0x0  }
0x5b: {  	[sflag:s2] =	ssyncadd.s32 @p5 $0xFFFFC000  }
0x5c: {  	s2 =	sand.u32 @p5 $0x1, s23;
	_ =	strace @p5 $0x90000068  }
0x5d: {  	s2 =	sor.u32 @p5 $0x6, s2;
	_ =	strace @p5 $0x80000069  }
0x5e: {  	_ =	swait.ge @p5 [sflag:s2], $0x80  }
0x5f: {  	[sflag:s2] =	ssyncset.done @p5 $0x0  }
0x60: {  	[sflag:s2] =	ssyncadd.s32 @p5 $0xFFFFFF80  }
0x61: {  	s2 =	sand.u32 @p5 $0x1, s3;
	_ =	strace @p5 $0x90000069  }
0x62: {  	s2 =	sor.u32 @p5 $0x8, s2;
	_ =	strace @p5 $0x8000006A  }
0x63: {  	_ =	swait.ge @p5 [sflag:s2], $0x80  }
0x64: {  	[sflag:s2] =	ssyncset.done @p5 $0x0  }
0x65: {  	s16 =	sshll.u32 s10, $0x7;
	[sflag:s2] =	ssyncadd.s32 @p5 $0xFFFFFF80  }
0x66: {  	s2 =	sand.u32 $0x80, s16;
	_ =	strace @p5 $0x9000006A  }
0x67: {  	s17 =	simm.s32 $0x2;
	s2 =	sadd.s32 $0x17880, s2;
	_ =	strace $0x8000006B  }
0x68: {  	[tilespmem:s29], [sflag:$0x1] =	stream.indirect.gather [hbm4b:s4+s28], $0x80, s2, s28, $0x2000b8;
	[tilespmem:$0x1FB80] =	vst v63  }
0x69: {  	v0 =	vmov s17;
	_ =	swait.ge [sflag:s26], $0x4000  }
0x6a: {  	s18 =	sand.u32 $0x1, s25;
	s19 =	simm.s32 $0x0;
	v0 =	vand.u32 $0xFFFFFFFE, v0;
	[sflag:s26] =	ssyncset.done $0x0  }
0x6b: {  	v1 =	vmov s19;
	s14 =	simm.s32 $0x13980;
	v0 =	vbroadcast v0, $0x0;
	s2 =	sshll.u32 s18, $0xE;
	[sflag:s26] =	ssyncadd.s32 $0xFFFFC000  }
0x6c: {  	v1 =	vand.u32 $0xFFFFFFFC, v1;
	s18 =	sadd.s32 $0x17A80, s2;
	v2 =	vld [tilespmem:s14+$0x0]  }
0x6d: {  	v1 =	vbroadcast v1, $0x0;
	v3 =	vld [tilespmem:s18+$0x0]  }
0x6e: {  	s20 =	sshll.u32 s23, $0x7  }
0x6f: {  	s2 =	sand.u32 $0x80, s20  }
0x70: {  	s16 =	sadd.s32 $0x1F980, s2  }
0x71: {  	s21 =	simm.s32 $0x1;
	v6 =	vld.idx.msk [tilespmem:v0+s16+$0x0], $0xffff  }
0x72: {  	v0 =	vadd.f32 v3, v2;
	v2 =	vmov s21  }
0x73: {  	v4 =	vld.idx.msk [tilespmem:v1+s16+$0x0], $0xffff;
	v1 =	vand.u32 $0xFFFFFFFD, v2  }
0x74: {  	v3 =	vld [tilespmem:s18+$0xFFFFFF00];
	v1 =	vbroadcast v1, $0x0  }
0x75: {  	v2 =	vld [tilespmem:s14+$0xFFFFFF00];
	v0 =	vmax.f32 v0, $0.0e+00  }
0x76: {  	v5 =	vld [tilespmem:s14+$0xFFFFFF80];
	v0 =	vmul.f32 v0, v6  }
0x77: {  	v7 =	vld [tilespmem:s18+$0xFFFFFF80]  }
0x78: {  	s15 =	simm.s32 $0x3;
	[tilespmem:s14+$0x0] =	vst v0;
	v0 =	vld [tilespmem:s14+$0x10]  }
0x79: {  	v9 =	vmov s15;
	v10 =	vld [tilespmem:s18+$0x10]  }
0x7a: {  	v8 =	vld.idx.msk [tilespmem:v1+s16+$0x0], $0xffff;
	v1 =	vadd.f32 v3, v2;
	_ =	sdelay $0x1  }
0x7b: {  	v5 =	vadd.f32 v7, v5;
	v2 =	vld [tilespmem:s14+$0x80];
	v1 =	vmax.f32 v1, $0.0e+00  }
0x7c: {  	v3 =	vld [tilespmem:s18+$0x80];
	v1 =	vmul.f32 v1, v4  }
0x7d: {  	v14 =	vld.idx.msk [tilespmem:v9+s16+$0x0], $0xffff;
	v5 =	vmax.f32 v5, $0.0e+00  }
0x7e: {  	v7 =	vld [tilespmem:s14+$0xFFFFFF10];
	v0 =	vadd.f32 v10, v0;
	[tilespmem:s14+$0xFFFFFF00] =	vst v1;
	v1 =	vmul.f32 v5, v8  }
0x7f: {  	v9 =	vld [tilespmem:s18+$0xFFFFFF10]  }
0x80: {  	v5 =	vld [tilespmem:s14+$0xFFFFFF90];
	v0 =	vmax.f32 v0, $0.0e+00;
	[tilespmem:s14+$0xFFFFFF80] =	vst v1  }
0x81: {  	v2 =	vadd.f32 v3, v2;
	v0 =	vmul.f32 v0, v6;
	v1 =	vld [tilespmem:s18+$0xFFFFFF90];
	_ =	sdelay $0x1  }
0x82: {  	[tilespmem:s14+$0x10] =	vst v0;
	v0 =	vmax.f32 v2, $0.0e+00;
	v2 =	vld [tilespmem:s14+$0x20]  }
0x83: {  	v0 =	vmul.f32 v0, v14;
	v3 =	vld [tilespmem:s18+$0x20];
	v7 =	vadd.f32 v9, v7;
	_ =	sdelay $0x1  }
0x84: {  	v10 =	vld [tilespmem:s14+$0x90];
	[tilespmem:s14+$0x80] =	vst v0;
	v7 =	vmax.f32 v7, $0.0e+00;
	v1 =	vadd.f32 v1, v5  }
0x85: {  	v0 =	vld [tilespmem:s18+$0x90];
	v7 =	vmul.f32 v7, v4  }
0x86: {  	v13 =	vld [tilespmem:s14+$0xFFFFFF30];
	v1 =	vmax.f32 v1, $0.0e+00  }
0x87: {  	v9 =	vld [tilespmem:s14+$0xFFFFFF20];
	v2 =	vadd.f32 v3, v2;
	[tilespmem:s14+$0xFFFFFF10] =	vst v7;
	v1 =	vmul.f32 v1, v8  }
0x88: {  	v7 =	vld [tilespmem:s18+$0xFFFFFF20]  }
0x89: {  	v5 =	vld [tilespmem:s14+$0xFFFFFFA0];
	v2 =	vmax.f32 v2, $0.0e+00;
	[tilespmem:s14+$0xFFFFFF90] =	vst v1  }
0x8a: {  	v0 =	vadd.f32 v0, v10;
	v1 =	vmul.f32 v2, v6;
	v2 =	vld [tilespmem:s18+$0xFFFFFFA0]  }
0x8b: {  	v12 =	vld [tilespmem:s14+$0xA0]  }
0x8c: {  	v16 =	vld [tilespmem:s14+$0xFFFFFF40];
	v0 =	vmax.f32 v0, $0.0e+00  }
0x8d: {  	[tilespmem:s14+$0x20] =	vst v1;
	v0 =	vmul.f32 v0, v14;
	v1 =	vld [tilespmem:s14+$0x30];
	v7 =	vadd.f32 v7, v9  }
0x8e: {  	v15 =	vld [tilespmem:s18+$0x30]  }
0x8f: {  	v18 =	vld [tilespmem:s14+$0xFFFFFFC0];
	[tilespmem:s14+$0x90] =	vst v0;
	v7 =	vmax.f32 v7, $0.0e+00;
	v2 =	vadd.f32 v2, v5  }
0x90: {  	v0 =	vld [tilespmem:s18+$0xA0];
	v5 =	vmul.f32 v7, v4  }
0x91: {  	v11 =	vld [tilespmem:s14+$0xFFFFFFD0];
	v2 =	vmax.f32 v2, $0.0e+00  }
0x92: {  	v19 =	vld [tilespmem:s14+$0xC0];
	[tilespmem:s14+$0xFFFFFF20] =	vst v5;
	v2 =	vmul.f32 v2, v8  }
0x93: {  	v1 =	vadd.f32 v15, v1;
	v5 =	vld [tilespmem:s18+$0xFFFFFF30]  }
0x94: {  	v3 =	vld [tilespmem:s14+$0xFFFFFFB0];
	[tilespmem:s14+$0xFFFFFFA0] =	vst v2  }
0x95: {  	v1 =	vmax.f32 v1, $0.0e+00;
	v0 =	vadd.f32 v0, v12;
	v2 =	vld [tilespmem:s18+$0xFFFFFFB0]  }
0x96: {  	s15 =	simm.s32 $0x13B80;
	v17 =	vld [tilespmem:s14+$0xE0];
	v1 =	vmul.f32 v1, v6  }
0x97: {  	v22 =	vld [tilespmem:s15+$0x0];
	v0 =	vmax.f32 v0, $0.0e+00  }
0x98: {  	v10 =	vld [tilespmem:s14+$0xB0];
	[tilespmem:s14+$0x30] =	vst v1;
	v0 =	vmul.f32 v0, v14;
	v1 =	vadd.f32 v5, v13  }
0x99: {  	v15 =	vld [tilespmem:s18+$0x40]  }
0x9a: {  	v13 =	vld [tilespmem:s14+$0x40];
	[tilespmem:s14+$0xA0] =	vst v0;
	v0 =	vmax.f32 v1, $0.0e+00;
	v1 =	vadd.f32 v2, v3  }
0x9b: {  	v2 =	vld [tilespmem:s18+$0xB0];
	v0 =	vmul.f32 v0, v4  }
0x9c: {  	v24 =	vld [tilespmem:s15+$0xFFFFFF00];
	v1 =	vmax.f32 v1, $0.0e+00  }
0x9d: {  	v25 =	vld [tilespmem:s15+$0xFFFFFF80];
	[tilespmem:s14+$0xFFFFFF30] =	vst v0;
	v0 =	vmul.f32 v1, v8  }
0x9e: {  	v1 =	vld [tilespmem:s18+$0xFFFFFF40]  }
0x9f: {  	v41 =	vld [tilespmem:s14+$0x70];
	v3 =	vadd.f32 v15, v13;
	[tilespmem:s14+$0xFFFFFFB0] =	vst v0  }
0xa0: {  	v0 =	vadd.f32 v2, v10;
	v2 =	vld [tilespmem:s18+$0xFFFFFFC0]  }
0xa1: {  	v42 =	vld [tilespmem:s15+$0xFFFFFF10];
	v3 =	vmax.f32 v3, $0.0e+00  }
0xa2: {  	v45 =	vld [tilespmem:s15+$0xFFFFFF20];
	v3 =	vmul.f32 v3, v6;
	v0 =	vmax.f32 v0, $0.0e+00  }
0xa3: {  	s17 =	simm.s32 $0x4;
	v46 =	vld [tilespmem:s15+$0x20];
	v0 =	vmul.f32 v0, v14;
	v1 =	vadd.f32 v1, v16  }
0xa4: {  	v13 =	vld [tilespmem:s14+$0x50];
	[tilespmem:s14+$0x40] =	vst v3;
	v3 =	vmov s17  }
0xa5: {  	[tilespmem:s14+$0xB0] =	vst v0;
	v0 =	vand.u32 $0xFFFFFFFC, v3;
	v3 =	vld [tilespmem:s18+$0x50];
	v1 =	vmax.f32 v1, $0.0e+00;
	v2 =	vadd.f32 v2, v18  }
0xa6: {  	s19 =	simm.s32 $0x5;
	v29 =	vld [tilespmem:s15+$0xFFFFFFA0];
	v1 =	vmul.f32 v1, v4  }
0xa7: {  	v48 =	vld [tilespmem:s15+$0xA0];
	v10 =	vmov s19;
	v2 =	vmax.f32 v2, $0.0e+00  }
0xa8: {  	s20 =	simm.s32 $0x6;
	v30 =	vld [tilespmem:s15+$0xFFFFFF30];
	v16 =	vand.u32 $0xFFFFFFFD, v10;
	[tilespmem:s14+$0xFFFFFF40] =	vst v1;
	v1 =	vmul.f32 v2, v8  }
0xa9: {  	v21 =	vmov s20;
	v31 =	vld [tilespmem:s15+$0xFFFFFF40];
	v2 =	vbroadcast v16, $0x0  }
0xaa: {  	v51 =	vld [tilespmem:s15+$0xFFFFFFC0];
	[tilespmem:s14+$0xFFFFFFC0] =	vst v1;
	v1 =	vadd.f32 v3, v13;
	v3 =	vand.u32 $0xFFFFFFFE, v21  }
0xab: {  	v32 =	vld [tilespmem:s15+$0xC0];
	v3 =	vbroadcast v3, $0x0  }
0xac: {  	v9 =	vld [tilespmem:s14+$0xFFFFFF50];
	s17 =	sadd.s32 $0x200, s18  }
0xad: {  	v23 =	vld [tilespmem:s17+$0x0];
	v1 =	vmax.f32 v1, $0.0e+00  }
0xae: {  	v18 =	vld [tilespmem:s18+$0xC0];
	v21 =	vmul.f32 v1, v6  }
0xaf: {  	v1 =	vld.idx.msk [tilespmem:v2+s16+$0x0], $0xffff  }
0xb0: {  	v0 =	vbroadcast v0, $0x0;
	[tilespmem:s14+$0x50] =	vst v21;
	v21 =	vld [tilespmem:s14+$0x60]  }
0xb1: {  	v2 =	vld.idx.msk [tilespmem:v3+s16+$0x0], $0xffff  }
0xb2: {  	v3 =	vld [tilespmem:s18+$0x60]  }
0xb3: {  	v22 =	vadd.f32 v23, v22;
	v23 =	vld [tilespmem:s17+$0xFFFFFF00]  }
0xb4: {  	s21 =	simm.s32 $0x7;
	v27 =	vld [tilespmem:s17+$0x80]  }
0xb5: {  	v26 =	vmov s21;
	v22 =	vmax.f32 v22, $0.0e+00;
	v18 =	vadd.f32 v18, v19;
	v19 =	vld [tilespmem:s17+$0xFFFFFF80]  }
0xb6: {  	v0 =	vld.idx.msk [tilespmem:v0+s16+$0x0], $0xffff;
	v22 =	vmul.f32 v22, v2  }
0xb7: {  	v3 =	vadd.f32 v3, v21;
	v21 =	vld [tilespmem:s15+$0x80]  }
0xb8: {  	v18 =	vmax.f32 v18, $0.0e+00;
	v23 =	vadd.f32 v23, v24;
	[tilespmem:s15+$0x0] =	vst v22;
	v22 =	vld [tilespmem:s15+$0x10]  }
0xb9: {  	v18 =	vmul.f32 v18, v14;
	v3 =	vmax.f32 v3, $0.0e+00;
	v40 =	vld [tilespmem:s17+$0x10]  }
0xba: {  	v23 =	vmax.f32 v23, $0.0e+00;
	v19 =	vadd.f32 v19, v25;
	v28 =	vmul.f32 v3, v6;
	v3 =	vld.idx.msk [tilespmem:v26+s16+$0x0], $0xffff  }
0xbb: {  	v12 =	vld [tilespmem:s14+$0xD0];
	v23 =	vmul.f32 v23, v0  }
0xbc: {  	v20 =	vld [tilespmem:s18+$0xFFFFFF50];
	[tilespmem:s14+$0xC0] =	vst v18;
	v19 =	vmax.f32 v19, $0.0e+00;
	v21 =	vadd.f32 v27, v21  }
0xbd: {  	v18 =	vld [tilespmem:s18+$0xD0];
	[tilespmem:s15+$0xFFFFFF00] =	vst v23;
	v19 =	vmul.f32 v19, v1  }
0xbe: {  	v43 =	vld [tilespmem:s17+$0xFFFFFF10];
	v21 =	vmax.f32 v21, $0.0e+00;
	v22 =	vadd.f32 v40, v22  }
0xbf: {  	v23 =	vld [tilespmem:s15+$0xFFFFFF90];
	[tilespmem:s15+$0xFFFFFF80] =	vst v19;
	v19 =	vmul.f32 v21, v3  }
0xc0: {  	v44 =	vld [tilespmem:s17+$0xFFFFFF90];
	v22 =	vmax.f32 v22, $0.0e+00  }
0xc1: {  	v9 =	vadd.f32 v20, v9;
	v21 =	vld [tilespmem:s15+$0x90];
	[tilespmem:s15+$0x80] =	vst v19;
	v22 =	vmul.f32 v22, v2  }
0xc2: {  	v18 =	vadd.f32 v18, v12;
	v19 =	vld [tilespmem:s17+$0x90]  }
0xc3: {  	v7 =	vld [tilespmem:s14+$0xFFFFFFE0];
	v9 =	vmax.f32 v9, $0.0e+00;
	[tilespmem:s15+$0x10] =	vst v22;
	v22 =	vadd.f32 v43, v42  }
0xc4: {  	v5 =	vld [tilespmem:s14+$0xFFFFFF60];
	v9 =	vmul.f32 v9, v4;
	v18 =	vmax.f32 v18, $0.0e+00  }
0xc5: {  	v18 =	vmul.f32 v18, v14;
	v23 =	vadd.f32 v44, v23;
	v47 =	vld [tilespmem:s17+$0x20];
	v22 =	vmax.f32 v22, $0.0e+00  }
0xc6: {  	v15 =	vld [tilespmem:s14+$0xFFFFFF70];
	[tilespmem:s14+$0xFFFFFF50] =	vst v9;
	v22 =	vmul.f32 v22, v0  }
0xc7: {  	[tilespmem:s14+$0xD0] =	vst v18;
	v18 =	vld [tilespmem:s18+$0xFFFFFF60];
	v23 =	vmax.f32 v23, $0.0e+00;
	v19 =	vadd.f32 v19, v21  }
0xc8: {  	v13 =	vld [tilespmem:s18+$0xFFFFFFD0];
	v21 =	vmul.f32 v23, v1;
	[tilespmem:s15+$0xFFFFFF10] =	vst v22  }
0xc9: {  	v19 =	vmax.f32 v19, $0.0e+00;
	v23 =	vld [tilespmem:s17+$0xFFFFFF20]  }
0xca: {  	v10 =	vld [tilespmem:s14+$0xFFFFFFF0];
	[tilespmem:s15+$0xFFFFFF90] =	vst v21;
	v24 =	vadd.f32 v47, v46;
	v19 =	vmul.f32 v19, v3  }
0xcb: {  	v49 =	vld [tilespmem:s17+$0xFFFFFFA0]  }
0xcc: {  	v16 =	vld [tilespmem:s14+$0xF0];
	v18 =	vadd.f32 v18, v5;
	v24 =	vmax.f32 v24, $0.0e+00;
	[tilespmem:s15+$0x90] =	vst v19  }
0xcd: {  	v19 =	vmul.f32 v24, v2;
	v50 =	vld [tilespmem:s17+$0xA0]  }
0xce: {  	v13 =	vadd.f32 v13, v11;
	v11 =	vld [tilespmem:s15+$0xFFFFFF50];
	v18 =	vmax.f32 v18, $0.0e+00;
	v23 =	vadd.f32 v23, v45  }
0xcf: {  	v18 =	vmul.f32 v18, v4;
	[tilespmem:s15+$0x20] =	vst v19;
	v19 =	vld [tilespmem:s15+$0x30]  }
0xd0: {  	v26 =	vadd.f32 v49, v29;
	v52 =	vld [tilespmem:s17+$0x30];
	v23 =	vmax.f32 v23, $0.0e+00  }
0xd1: {  	v55 =	vld [tilespmem:s18+$0xE0];
	[tilespmem:s14+$0xFFFFFF60] =	vst v18;
	v23 =	vmul.f32 v23, v0  }
0xd2: {  	v59 =	vld [tilespmem:s18+$0xFFFFFF70];
	v26 =	vmax.f32 v26, $0.0e+00;
	v24 =	vadd.f32 v50, v48  }
0xd3: {  	v20 =	vmax.f32 v13, $0.0e+00;
	v22 =	vld [tilespmem:s15+$0xFFFFFFB0];
	[tilespmem:s15+$0xFFFFFF20] =	vst v23;
	v23 =	vmul.f32 v26, v1  }
0xd4: {  	v20 =	vmul.f32 v20, v8;
	v12 =	vmax.f32 v24, $0.0e+00;
	v53 =	vld [tilespmem:s17+$0xFFFFFF30]  }
0xd5: {  	v21 =	vld [tilespmem:s15+$0xB0];
	v19 =	vadd.f32 v52, v19;
	[tilespmem:s15+$0xFFFFFFA0] =	vst v23;
	v23 =	vmul.f32 v12, v3  }
0xd6: {  	[tilespmem:s14+$0xFFFFFFD0] =	vst v20;
	v20 =	vld [tilespmem:s17+$0xFFFFFFB0]  }
0xd7: {  	v17 =	vadd.f32 v55, v17;
	v19 =	vmax.f32 v19, $0.0e+00;
	[tilespmem:s15+$0xA0] =	vst v23;
	v23 =	vld [tilespmem:s18+$0xFFFFFFE0]  }
0xd8: {  	s21 =	simm.s32 $0xB;
	v19 =	vmul.f32 v19, v2;
	v9 =	vld [tilespmem:s17+$0xB0]  }
0xd9: {  	v61 =	vmov s21;
	v13 =	vld [tilespmem:s15+$0xFFFFFFD0];
	v17 =	vmax.f32 v17, $0.0e+00;
	v54 =	vadd.f32 v53, v30  }
0xda: {  	v17 =	vmul.f32 v17, v14;
	[tilespmem:s15+$0x30] =	vst v19;
	v19 =	vld [tilespmem:s15+$0x40]  }
0xdb: {  	[tilespmem:s14+$0x60] =	vst v28;
	v15 =	vadd.f32 v59, v15;
	v24 =	vmax.f32 v54, $0.0e+00;
	v20 =	vadd.f32 v20, v22;
	v22 =	vld [tilespmem:s17+$0x40]  }
0xdc: {  	v56 =	vld [tilespmem:s18+$0x70];
	[tilespmem:s14+$0xE0] =	vst v17;
	v23 =	vadd.f32 v23, v7;
	v7 =	vmul.f32 v24, v0  }
0xdd: {  	v60 =	vld [tilespmem:s18+$0xF0];
	v15 =	vmax.f32 v15, $0.0e+00;
	v21 =	vadd.f32 v9, v21;
	v20 =	vmax.f32 v20, $0.0e+00  }
0xde: {  	v15 =	vmul.f32 v15, v4;
	v4 =	vld.idx.msk [tilespmem:v61+s16+$0x0], $0xffff;
	[tilespmem:s15+$0xFFFFFF30] =	vst v7;
	v20 =	vmul.f32 v20, v1;
	v5 =	vmax.f32 v23, $0.0e+00  }
0xdf: {  	v23 =	vld [tilespmem:s17+$0xFFFFFF40];
	v21 =	vmax.f32 v21, $0.0e+00;
	v57 =	vmul.f32 v5, v8  }
0xe0: {  	v12 =	vld [tilespmem:s15+$0xD0];
	[tilespmem:s15+$0xFFFFFFB0] =	vst v20;
	v20 =	vmul.f32 v21, v3;
	v19 =	vadd.f32 v22, v19  }
0xe1: {  	[tilespmem:s14+$0xFFFFFFE0] =	vst v57;
	v21 =	vld [tilespmem:s17+$0xFFFFFFC0]  }
0xe2: {  	v22 =	vadd.f32 v56, v41;
	[tilespmem:s15+$0xB0] =	vst v20;
	v20 =	vld [tilespmem:s18+$0xFFFFFFF0];
	v19 =	vmax.f32 v19, $0.0e+00  }
0xe3: {  	s19 =	simm.s32 $0x8;
	v58 =	vld [tilespmem:s17+$0xC0];
	v18 =	vmul.f32 v19, v2  }
0xe4: {  	v9 =	vld [tilespmem:s15+$0xFFFFFF60];
	v19 =	vmax.f32 v22, $0.0e+00;
	v22 =	vmov s19;
	v23 =	vadd.f32 v23, v31  }
0xe5: {  	s20 =	simm.s32 $0x9;
	v7 =	vld [tilespmem:s15+$0xFFFFFFE0];
	v19 =	vmul.f32 v19, v6;
	v6 =	vand.u32 $0xFFFFFFFC, v22  }
0xe6: {  	v22 =	vmov s20;
	[tilespmem:s15+$0x40] =	vst v18;
	v18 =	vmax.f32 v23, $0.0e+00;
	v21 =	vadd.f32 v21, v51;
	v23 =	vld [tilespmem:s15+$0x50]  }
0xe7: {  	v17 =	vbroadcast v6, $0x0;
	v62 =	vld [tilespmem:s17+$0x50];
	v6 =	vmul.f32 v18, v0;
	v18 =	vadd.f32 v20, v10  }
0xe8: {  	s2 =	simm.s32 $0x0;
	v5 =	vld [tilespmem:s15+$0xE0];
	v20 =	vand.u32 $0xFFFFFFFD, v22;
	v22 =	vadd.f32 v58, v32;
	v21 =	vmax.f32 v21, $0.0e+00  }
0xe9: {  	s2 =	simm.s32 @p3 $0x1;
	v16 =	vadd.f32 v60, v16;
	v10 =	vld [tilespmem:s15+$0xFFFFFF70];
	[tilespmem:s15+$0xFFFFFF40] =	vst v6;
	v21 =	vmul.f32 v21, v1;
	v18 =	vmax.f32 v18, $0.0e+00  }
0xea: {  	s9 =	sadd.s32 s9, s2;
	[tilespmem:s14+$0x70] =	vst v19;
	v19 =	vld [tilespmem:s17+$0xFFFFFF50];
	v22 =	vmax.f32 v22, $0.0e+00;
	v63 =	vmul.f32 v18, v8;
	v18 =	vbroadcast v20, $0x0  }
0xeb: {  	s22 =	sadd.s32 s22, s2;
	s18 =	simm.s32 $0x1;
	s19 =	sadd.s32 @p3 $0x1, s12;
	v6 =	vld [tilespmem:s15+$0xFFFFFFF0];
	[tilespmem:s15+$0xFFFFFFC0] =	vst v21;
	v22 =	vmul.f32 v22, v3  }
0xec: {  	s2 =	simm.s32 $0xC;
	v16 =	vmax.f32 v16, $0.0e+00;
	s18 =	simm.s32 @!p4 $0x0;
	s12 =	smov.u32 @p3 s19;
	v21 =	vadd.f32 v62, v23;
	v20 =	vld [tilespmem:s17+$0xFFFFFFD0];
	[tilespmem:s14+$0xFFFFFFF0] =	vst v63  }
0xed: {  	v16 =	vmul.f32 v16, v14;
	s24 =	sadd.s32 s18, s24;
	s19 =	simm.s32 $0xA;
	s18 =	smov.u32 s17;
	v8 =	vld [tilespmem:s15+$0xF0];
	[tilespmem:s15+$0xC0] =	vst v22  }
.LBB2_3:
0xee: {  	p3 =	slt.u32 s2, $0x7C;
	v22 =	vmov s19;
	v21 =	vmax.f32 v21, $0.0e+00;
	v23 =	vld [tilespmem:s17+$0xD0];
	[tilespmem:s14+$0xFFFFFF70] =	vst v15  }
0xef: {  	v14 =	vld.idx.msk [tilespmem:v17+s16+$0x0], $0xffff;
	v17 =	vand.u32 $0xFFFFFFFE, v22;
	v11 =	vadd.f32 v19, v11;
	v19 =	vmul.f32 v21, v2;
	[tilespmem:s14+$0xF0] =	vst v16;
	s14 =	smov.u32 s15  }
0xf0: {  	v15 =	vld.idx.msk [tilespmem:v18+s16+$0x0], $0xffff;
	v16 =	vbroadcast v17, $0x0  }
0xf1: {  	v11 =	vmax.f32 v11, $0.0e+00;
	v13 =	vadd.f32 v20, v13;
	[tilespmem:s15+$0x50] =	vst v19;
	v17 =	vld [tilespmem:s15+$0x60]  }
0xf2: {  	s15 =	sadd.s32 $0x200, s15;
	v11 =	vmul.f32 v11, v0;
	v18 =	vld [tilespmem:s17+$0x60]  }
0xf3: {  	s17 =	sadd.s32 $0x200, s17;
	v19 =	vld [tilespmem:s15+$0x0];
	v13 =	vmax.f32 v13, $0.0e+00;
	v12 =	vadd.f32 v23, v12  }
0xf4: {  	v20 =	vld [tilespmem:s17+$0x0];
	[tilespmem:s14+$0xFFFFFF50] =	vst v11;
	v11 =	vmul.f32 v13, v1  }
0xf5: {  	v13 =	vld [tilespmem:s15+$0xFFFFFF00];
	v12 =	vmax.f32 v12, $0.0e+00  }
0xf6: {  	v16 =	vld.idx.msk [tilespmem:v16+s16+$0x0], $0xffff;
	[tilespmem:s14+$0xFFFFFFD0] =	vst v11;
	v11 =	vmul.f32 v12, v3  }
0xf7: {  	v12 =	vld [tilespmem:s17+$0xFFFFFF00];
	v17 =	vadd.f32 v18, v17  }
0xf8: {  	v18 =	vld [tilespmem:s15+$0xFFFFFF80];
	[tilespmem:s14+$0xD0] =	vst v11  }
0xf9: {  	v11 =	vld [tilespmem:s17+$0xFFFFFF80];
	v19 =	vadd.f32 v20, v19;
	v17 =	vmax.f32 v17, $0.0e+00  }
0xfa: {  	v20 =	vld [tilespmem:s15+$0x80];
	v17 =	vmul.f32 v17, v2  }
0xfb: {  	v19 =	vmax.f32 v19, $0.0e+00;
	v21 =	vld [tilespmem:s17+$0x80]  }
0xfc: {  	v12 =	vadd.f32 v12, v13;
	v13 =	vmul.f32 v19, v16;
	[tilespmem:s14+$0x60] =	vst v17;
	v17 =	vld [tilespmem:s14+$0x70]  }
0xfd: {  	v19 =	vld [tilespmem:s18+$0x70]  }
0xfe: {  	v12 =	vmax.f32 v12, $0.0e+00;
	v11 =	vadd.f32 v11, v18;
	[tilespmem:s15+$0x0] =	vst v13;
	v13 =	vld [tilespmem:s15+$0x10]  }
0xff: {  	v12 =	vmul.f32 v12, v14;
	v18 =	vld [tilespmem:s17+$0x10]  }
0x100: {  	v22 =	vld [tilespmem:s15+$0xFFFFFF10];
	v11 =	vmax.f32 v11, $0.0e+00;
	v20 =	vadd.f32 v21, v20  }
0x101: {  	[tilespmem:s15+$0xFFFFFF00] =	vst v12;
	v11 =	vmul.f32 v11, v15;
	v12 =	vld [tilespmem:s15+$0xFFFFFF90]  }
0x102: {  	v21 =	vld [tilespmem:s17+$0xFFFFFF10];
	v20 =	vmax.f32 v20, $0.0e+00;
	v17 =	vadd.f32 v19, v17  }
0x103: {  	[tilespmem:s15+$0xFFFFFF80] =	vst v11;
	v11 =	vmul.f32 v20, v4;
	v19 =	vld [tilespmem:s15+$0x90]  }
0x104: {  	v20 =	vld [tilespmem:s17+$0xFFFFFF90];
	v13 =	vadd.f32 v18, v13;
	v17 =	vmax.f32 v17, $0.0e+00  }
0x105: {  	v18 =	vld [tilespmem:s15+$0xFFFFFF20];
	[tilespmem:s15+$0x80] =	vst v11;
	v11 =	vmul.f32 v17, v2;
	v2 =	vmov v16  }
0x106: {  	v13 =	vmax.f32 v13, $0.0e+00;
	v16 =	vld [tilespmem:s17+$0x90]  }
0x107: {  	v17 =	vadd.f32 v21, v22;
	v21 =	vld [tilespmem:s15+$0xFFFFFFA0];
	v13 =	vmul.f32 v13, v2;
	[tilespmem:s14+$0x70] =	vst v11  }
0x108: {  	v22 =	vld [tilespmem:s15+$0xA0]  }
0x109: {  	v11 =	vmax.f32 v17, $0.0e+00;
	v12 =	vadd.f32 v20, v12;
	[tilespmem:s15+$0x10] =	vst v13;
	v13 =	vld [tilespmem:s15+$0x20]  }
0x10a: {  	v11 =	vmul.f32 v11, v14;
	v17 =	vld [tilespmem:s17+$0x20]  }
0x10b: {  	v20 =	vld [tilespmem:s15+$0xFFFFFF30];
	v12 =	vmax.f32 v12, $0.0e+00;
	v16 =	vadd.f32 v16, v19  }
0x10c: {  	[tilespmem:s15+$0xFFFFFF10] =	vst v11;
	v11 =	vmul.f32 v12, v15;
	v19 =	vld [tilespmem:s15+$0xFFFFFFB0]  }
0x10d: {  	v12 =	vld [tilespmem:s17+$0xFFFFFF20];
	v16 =	vmax.f32 v16, $0.0e+00  }
0x10e: {  	[tilespmem:s15+$0xFFFFFF90] =	vst v11;
	v11 =	vmul.f32 v16, v4;
	v16 =	vld [tilespmem:s15+$0xB0]  }
0x10f: {  	v23 =	vld [tilespmem:s17+$0xFFFFFFA0];
	v13 =	vadd.f32 v17, v13  }
0x110: {  	v17 =	vld [tilespmem:s15+$0xFFFFFF40];
	[tilespmem:s15+$0x90] =	vst v11  }
0x111: {  	v11 =	vmax.f32 v13, $0.0e+00;
	v13 =	vld [tilespmem:s17+$0xA0]  }
0x112: {  	v12 =	vadd.f32 v12, v18;
	v18 =	vld [tilespmem:s15+$0xFFFFFFC0];
	v11 =	vmul.f32 v11, v2  }
0x113: {  	v24 =	vld [tilespmem:s15+$0xC0]  }
0x114: {  	v12 =	vmax.f32 v12, $0.0e+00;
	v21 =	vadd.f32 v23, v21;
	[tilespmem:s15+$0x20] =	vst v11;
	v23 =	vld [tilespmem:s15+$0x30]  }
0x115: {  	v12 =	vmul.f32 v12, v14;
	v25 =	vld [tilespmem:s17+$0x30]  }
0x116: {  	v11 =	vld [tilespmem:s15+$0xFFFFFF50];
	v21 =	vmax.f32 v21, $0.0e+00;
	v22 =	vadd.f32 v13, v22  }
0x117: {  	[tilespmem:s15+$0xFFFFFF20] =	vst v12;
	v12 =	vmul.f32 v21, v15;
	v13 =	vld [tilespmem:s15+$0xFFFFFFD0]  }
0x118: {  	v21 =	vld [tilespmem:s17+$0xFFFFFF30];
	v22 =	vmax.f32 v22, $0.0e+00  }
0x119: {  	[tilespmem:s15+$0xFFFFFFA0] =	vst v12;
	v22 =	vmul.f32 v22, v4;
	v12 =	vld [tilespmem:s15+$0xD0]  }
0x11a: {  	v26 =	vld [tilespmem:s17+$0xFFFFFFB0];
	v23 =	vadd.f32 v25, v23  }
0x11b: {  	[tilespmem:s15+$0xA0] =	vst v22;
	v22 =	vld [tilespmem:s18+$0xFFFFFFE0]  }
0x11c: {  	v23 =	vmax.f32 v23, $0.0e+00;
	v25 =	vld [tilespmem:s17+$0xB0]  }
0x11d: {  	v20 =	vadd.f32 v21, v20;
	v21 =	vmul.f32 v23, v2;
	v23 =	vld [tilespmem:s18+$0xFFFFFF60]  }
0x11e: {  	v27 =	vld [tilespmem:s18+$0xE0]  }
0x11f: {  	v20 =	vmax.f32 v20, $0.0e+00;
	v19 =	vadd.f32 v26, v19;
	[tilespmem:s15+$0x30] =	vst v21;
	v21 =	vld [tilespmem:s15+$0x40]  }
0x120: {  	v20 =	vmul.f32 v20, v14;
	v26 =	vld [tilespmem:s17+$0x40];
	v22 =	vadd.f32 v22, v7  }
0x121: {  	v28 =	vld [tilespmem:s15+$0xFFFFFF60];
	v7 =	vmax.f32 v19, $0.0e+00;
	v16 =	vadd.f32 v25, v16  }
0x122: {  	[tilespmem:s15+$0xFFFFFF30] =	vst v20;
	v19 =	vmul.f32 v7, v15;
	v7 =	vld [tilespmem:s15+$0xFFFFFFE0];
	v9 =	vadd.f32 v23, v9;
	v20 =	vmax.f32 v22, $0.0e+00  }
0x123: {  	v22 =	vld [tilespmem:s17+$0xFFFFFF40];
	v16 =	vmax.f32 v16, $0.0e+00;
	v20 =	vmul.f32 v20, v1;
	v23 =	vadd.f32 v27, v5  }
0x124: {  	[tilespmem:s15+$0xFFFFFFB0] =	vst v19;
	v16 =	vmul.f32 v16, v4;
	v5 =	vld [tilespmem:s15+$0xE0];
	v27 =	vmax.f32 v9, $0.0e+00  }
0x125: {  	v19 =	vld [tilespmem:s17+$0xFFFFFFC0];
	v21 =	vadd.f32 v26, v21;
	v25 =	vmul.f32 v27, v0;
	[tilespmem:s14+$0xFFFFFFE0] =	vst v20;
	v23 =	vmax.f32 v23, $0.0e+00  }
0x126: {  	[tilespmem:s15+$0xB0] =	vst v16;
	v16 =	vld [tilespmem:s18+$0xFFFFFFF0];
	v20 =	vmul.f32 v23, v3;
	v9 =	vmov v28  }
0x127: {  	v21 =	vmax.f32 v21, $0.0e+00;
	v23 =	vld [tilespmem:s17+$0xC0];
	[tilespmem:s14+$0xFFFFFF60] =	vst v25  }
0x128: {  	s19 =	sadd.s32 $0x1, s2;
	s20 =	sadd.s32 $0x3, s2;
	v25 =	vmov s2;
	v22 =	vadd.f32 v22, v17;
	v21 =	vmul.f32 v21, v2;
	v26 =	vld [tilespmem:s18+$0xFFFFFF70];
	[tilespmem:s14+$0xE0] =	vst v20  }
0x129: {  	v17 =	vand.u32 $0xFFFFFFFC, v25;
	v20 =	vmov s19;
	v25 =	vmov s20;
	v27 =	vld [tilespmem:s18+$0xF0];
	s18 =	smov.u32 s17  }
0x12a: {  	v17 =	vbroadcast v17, $0x0;
	v22 =	vmax.f32 v22, $0.0e+00;
	v19 =	vadd.f32 v19, v18;
	[tilespmem:s15+$0x40] =	vst v21;
	v21 =	vld [tilespmem:s15+$0x50]  }
0x12b: {  	v18 =	vand.u32 $0xFFFFFFFD, v20;
	v20 =	vmul.f32 v22, v14;
	v22 =	vld [tilespmem:s17+$0x50];
	v16 =	vadd.f32 v16, v6  }
0x12c: {  	v18 =	vbroadcast v18, $0x0;
	v28 =	vld [tilespmem:s15+$0xFFFFFF70];
	v6 =	vmax.f32 v19, $0.0e+00;
	v23 =	vadd.f32 v23, v24  }
.Ltmp0:
0x12d: {  	[tilespmem:s15+$0xFFFFFF40] =	vst v20;
	v20 =	vmul.f32 v6, v15;
	v6 =	vld [tilespmem:s15+$0xFFFFFFF0];
	v10 =	vadd.f32 v26, v10;
	v16 =	vmax.f32 v16, $0.0e+00;
	(pc) =	sbr.rel @p3 .LBB2_3-.Ltmp0, $4  }
0x12e: {  	v19 =	vld [tilespmem:s17+$0xFFFFFF50];
	v23 =	vmax.f32 v23, $0.0e+00;
	v16 =	vmul.f32 v16, v1;
	v24 =	vadd.f32 v27, v8;
	v1 =	vmovc v15  }
0x12f: {  	[tilespmem:s15+$0xFFFFFFC0] =	vst v20;
	v23 =	vmul.f32 v23, v4;
	v8 =	vld [tilespmem:s15+$0xF0];
	v26 =	vmax.f32 v10, $0.0e+00  }
0x130: {  	v20 =	vld [tilespmem:s17+$0xFFFFFFD0];
	v21 =	vadd.f32 v22, v21;
	v15 =	vmul.f32 v26, v0;
	[tilespmem:s14+$0xFFFFFFF0] =	vst v16;
	v22 =	vmax.f32 v24, $0.0e+00;
	v0 =	vmovc v14  }
0x131: {  	s19 =	sadd.s32 $0x2, s2;
	s2 =	sadd.s32 $0x4, s2;
	[tilespmem:s15+$0xC0] =	vst v23;
	v16 =	vmul.f32 v22, v3;
	v10 =	vmov v28;
	v3 =	vmov v4;
	v4 =	vld.idx.msk [tilespmem:v25+s16+$0x0], $0xffff  }
0x132: {  	s2 =	sadd.s32 $0x200, s15  }
0x133: {  	s21 =	sadd.s32 $0x200, s17;
	v23 =	vld [tilespmem:s2+$0x0]  }
0x134: {  	v24 =	vld [tilespmem:s21+$0x0]  }
0x135: {  	v25 =	vld [tilespmem:s2+$0xFFFFFF00]  }
0x136: {  	v14 =	vmov s19;
	v26 =	vld [tilespmem:s2+$0xFFFFFF80]  }
0x137: {  	v14 =	vand.u32 $0xFFFFFFFE, v14;
	v27 =	vld [tilespmem:s21+$0xFFFFFF80]  }
0x138: {  	v48 =	vld [tilespmem:s2+$0x80];
	v22 =	vbroadcast v14, $0x0  }
0x139: {  	v28 =	vld [tilespmem:s21+$0x80]  }
0x13a: {  	v47 =	vld [tilespmem:s21+$0xFFFFFF00]  }
0x13b: {  	v18 =	vld.idx.msk [tilespmem:v18+s16+$0x0], $0xffff;
	_ =	sdelay $0x1  }
0x13c: {  	v14 =	vld.idx.msk [tilespmem:v17+s16+$0x0], $0xffff;
	v49 =	vadd.f32 v27, v26  }
0x13d: {  	v23 =	vadd.f32 v24, v23;
	v24 =	vadd.f32 v28, v48;
	v17 =	vld.idx.msk [tilespmem:v22+s16+$0x0], $0xffff  }
0x13e: {  	v50 =	vld [tilespmem:s2+$0x10];
	v22 =	vadd.f32 v47, v25;
	v25 =	vmax.f32 v49, $0.0e+00  }
0x13f: {  	v52 =	vld [tilespmem:s2+$0xFFFFFF10];
	v24 =	vmax.f32 v24, $0.0e+00;
	v25 =	vmul.f32 v25, v18  }
0x140: {  	v53 =	vld [tilespmem:s2+$0xFFFFFF90];
	v24 =	vmul.f32 v24, v4;
	v22 =	vmax.f32 v22, $0.0e+00  }
0x141: {  	v29 =	vld [tilespmem:s2+$0x90];
	v23 =	vmax.f32 v23, $0.0e+00;
	v22 =	vmul.f32 v22, v14;
	[tilespmem:s2+$0xFFFFFF80] =	vst v25  }
0x142: {  	[tilespmem:s2+$0x80] =	vst v24;
	v25 =	vld [tilespmem:s21+$0xFFFFFF90];
	v23 =	vmul.f32 v23, v17  }
0x143: {  	v24 =	vld [tilespmem:s21+$0x90];
	[tilespmem:s2+$0xFFFFFF00] =	vst v22  }
0x144: {  	v54 =	vld [tilespmem:s21+$0xFFFFFF10];
	[tilespmem:s2+$0x0] =	vst v23  }
0x145: {  	v51 =	vld [tilespmem:s21+$0x10];
	_ =	sdelay $0x1  }
0x146: {  	v22 =	vadd.f32 v25, v53  }
0x147: {  	v24 =	vadd.f32 v24, v29  }
0x148: {  	v55 =	vld [tilespmem:s2+$0xFFFFFF20];
	v56 =	vadd.f32 v54, v52;
	v22 =	vmax.f32 v22, $0.0e+00  }
0x149: {  	v57 =	vld [tilespmem:s2+$0xFFFFFFA0];
	v24 =	vmax.f32 v24, $0.0e+00;
	v22 =	vmul.f32 v22, v18;
	v23 =	vadd.f32 v51, v50  }
0x14a: {  	v58 =	vld [tilespmem:s2+$0xA0];
	v61 =	vmul.f32 v24, v4;
	v26 =	vmax.f32 v56, $0.0e+00  }
0x14b: {  	v59 =	vld [tilespmem:s2+$0x20];
	v26 =	vmul.f32 v26, v14;
	[tilespmem:s2+$0xFFFFFF90] =	vst v22;
	v23 =	vmax.f32 v23, $0.0e+00  }
0x14c: {  	[tilespmem:s2+$0x90] =	vst v61;
	v62 =	vld [tilespmem:s21+$0xFFFFFFA0];
	v23 =	vmul.f32 v23, v17  }
0x14d: {  	v22 =	vld [tilespmem:s21+$0xA0];
	[tilespmem:s2+$0xFFFFFF10] =	vst v26  }
0x14e: {  	v26 =	vld [tilespmem:s21+$0xFFFFFF20];
	[tilespmem:s2+$0x10] =	vst v23  }
0x14f: {  	v60 =	vld [tilespmem:s21+$0x20];
	_ =	sdelay $0x1  }
0x150: {  	v24 =	vadd.f32 v62, v57  }
0x151: {  	v22 =	vadd.f32 v22, v58  }
0x152: {  	v63 =	vld [tilespmem:s2+$0xFFFFFF30];
	v25 =	vadd.f32 v26, v55;
	v24 =	vmax.f32 v24, $0.0e+00  }
0x153: {  	v32 =	vld [tilespmem:s2+$0xFFFFFFB0];
	v22 =	vmax.f32 v22, $0.0e+00;
	v24 =	vmul.f32 v24, v18;
	v23 =	vadd.f32 v60, v59  }
0x154: {  	v33 =	vld [tilespmem:s2+$0xB0];
	v22 =	vmul.f32 v22, v4;
	v25 =	vmax.f32 v25, $0.0e+00  }
0x155: {  	v34 =	vld [tilespmem:s2+$0x30];
	v25 =	vmul.f32 v25, v14;
	[tilespmem:s2+$0xFFFFFFA0] =	vst v24;
	v23 =	vmax.f32 v23, $0.0e+00  }
0x156: {  	[tilespmem:s2+$0xA0] =	vst v22;
	v24 =	vld [tilespmem:s21+$0xFFFFFFB0];
	v23 =	vmul.f32 v23, v17  }
0x157: {  	v36 =	vld [tilespmem:s21+$0xB0];
	[tilespmem:s2+$0xFFFFFF20] =	vst v25  }
0x158: {  	v25 =	vld [tilespmem:s21+$0xFFFFFF30];
	[tilespmem:s2+$0x20] =	vst v23  }
0x159: {  	v21 =	vmax.f32 v21, $0.0e+00;
	v35 =	vld [tilespmem:s21+$0x30]  }
0x15a: {  	v21 =	vmul.f32 v21, v2  }
0x15b: {  	v37 =	vld [tilespmem:s15+$0x60];
	v24 =	vadd.f32 v24, v32  }
0x15c: {  	v44 =	vld [tilespmem:s17+$0xD0];
	[tilespmem:s15+$0x50] =	vst v21;
	v21 =	vadd.f32 v36, v33  }
0x15d: {  	v39 =	vld [tilespmem:s2+$0xFFFFFF40];
	v25 =	vadd.f32 v25, v63;
	v24 =	vmax.f32 v24, $0.0e+00  }
0x15e: {  	v40 =	vld [tilespmem:s2+$0xFFFFFFC0];
	v21 =	vmax.f32 v21, $0.0e+00;
	v24 =	vmul.f32 v24, v18;
	v23 =	vadd.f32 v35, v34  }
0x15f: {  	v41 =	vld [tilespmem:s2+$0xC0];
	v21 =	vmul.f32 v21, v4;
	v25 =	vmax.f32 v25, $0.0e+00  }
0x160: {  	v42 =	vld [tilespmem:s2+$0x40];
	v25 =	vmul.f32 v25, v14;
	[tilespmem:s2+$0xFFFFFFB0] =	vst v24;
	v23 =	vmax.f32 v23, $0.0e+00  }
0x161: {  	[tilespmem:s2+$0xB0] =	vst v21;
	v24 =	vld [tilespmem:s21+$0xFFFFFFC0];
	v23 =	vmul.f32 v23, v17  }
0x162: {  	v21 =	vld [tilespmem:s21+$0xC0];
	[tilespmem:s2+$0xFFFFFF30] =	vst v25  }
0x163: {  	v25 =	vld [tilespmem:s21+$0xFFFFFF40];
	[tilespmem:s2+$0x30] =	vst v23  }
0x164: {  	v43 =	vld [tilespmem:s21+$0x40]  }
0x165: {  	v45 =	vld [tilespmem:s15+$0x70];
	v13 =	vadd.f32 v20, v13  }
0x166: {  	v38 =	vld [tilespmem:s17+$0x60];
	v24 =	vadd.f32 v24, v40  }
0x167: {  	v13 =	vmax.f32 v13, $0.0e+00;
	v48 =	vld [tilespmem:s2+$0xFFFFFFD0];
	v21 =	vadd.f32 v21, v41  }
0x168: {  	v13 =	vmul.f32 v13, v1;
	v47 =	vld [tilespmem:s2+$0xFFFFFF50];
	v25 =	vadd.f32 v25, v39;
	v24 =	vmax.f32 v24, $0.0e+00  }
0x169: {  	v49 =	vld [tilespmem:s2+$0xD0];
	v21 =	vmax.f32 v21, $0.0e+00;
	v24 =	vmul.f32 v24, v18;
	v23 =	vadd.f32 v43, v42  }
0x16a: {  	[tilespmem:s15+$0xFFFFFFD0] =	vst v13;
	v50 =	vld [tilespmem:s2+$0x50];
	v21 =	vmul.f32 v21, v4;
	v25 =	vmax.f32 v25, $0.0e+00  }
0x16b: {  	v11 =	vadd.f32 v19, v11;
	v56 =	vld [tilespmem:s18+$0xFFFFFFE0];
	v51 =	vmul.f32 v25, v14;
	[tilespmem:s2+$0xFFFFFFC0] =	vst v24;
	v23 =	vmax.f32 v23, $0.0e+00  }
0x16c: {  	v12 =	vadd.f32 v44, v12;
	[tilespmem:s2+$0xC0] =	vst v21;
	v53 =	vld [tilespmem:s21+$0xFFFFFFD0];
	v23 =	vmul.f32 v23, v17  }
0x16d: {  	v11 =	vmax.f32 v11, $0.0e+00;
	v55 =	vld [tilespmem:s21+$0xD0];
	[tilespmem:s2+$0xFFFFFF40] =	vst v51  }
0x16e: {  	v11 =	vmul.f32 v11, v0;
	v12 =	vmax.f32 v12, $0.0e+00;
	v54 =	vld [tilespmem:s21+$0xFFFFFF50];
	[tilespmem:s2+$0x40] =	vst v23  }
0x16f: {  	v12 =	vmul.f32 v12, v3;
	v52 =	vld [tilespmem:s21+$0x50]  }
0x170: {  	[tilespmem:s15+$0xFFFFFF50] =	vst v11;
	v61 =	vld [tilespmem:s2+$0xE0]  }
0x171: {  	[tilespmem:s15+$0xD0] =	vst v12;
	v57 =	vld [tilespmem:s18+$0xFFFFFF60];
	v23 =	vadd.f32 v53, v48  }
0x172: {  	v58 =	vld [tilespmem:s18+$0xE0];
	v13 =	vadd.f32 v55, v49  }
0x173: {  	v26 =	vld [tilespmem:s2+$0x60];
	v21 =	vadd.f32 v54, v47;
	v23 =	vmax.f32 v23, $0.0e+00  }
0x174: {  	v59 =	vld [tilespmem:s2+$0xFFFFFF60];
	v13 =	vmax.f32 v13, $0.0e+00;
	v63 =	vmul.f32 v23, v18;
	v19 =	vadd.f32 v52, v50  }
0x175: {  	v7 =	vadd.f32 v56, v7;
	v60 =	vld [tilespmem:s2+$0xFFFFFFE0];
	v13 =	vmul.f32 v13, v4;
	v62 =	vmax.f32 v21, $0.0e+00  }
0x176: {  	v22 =	vadd.f32 v38, v37;
	v37 =	vld [tilespmem:s2+$0xFFFFFF70];
	v28 =	vmul.f32 v62, v14;
	[tilespmem:s2+$0xFFFFFFD0] =	vst v63;
	v19 =	vmax.f32 v19, $0.0e+00  }
0x177: {  	v7 =	vmax.f32 v7, $0.0e+00;
	v9 =	vadd.f32 v57, v9;
	[tilespmem:s2+$0xD0] =	vst v13;
	v31 =	vld [tilespmem:s21+$0xFFFFFFE0];
	v19 =	vmul.f32 v19, v17  }
0x178: {  	v7 =	vmul.f32 v7, v1;
	v5 =	vadd.f32 v58, v5;
	v22 =	vmax.f32 v22, $0.0e+00;
	v33 =	vld [tilespmem:s21+$0xE0];
	[tilespmem:s2+$0xFFFFFF50] =	vst v28  }
0x179: {  	v9 =	vmax.f32 v9, $0.0e+00;
	v22 =	vmul.f32 v22, v2;
	v32 =	vld [tilespmem:s21+$0xFFFFFF60];
	[tilespmem:s2+$0x50] =	vst v19  }
0x17a: {  	[tilespmem:s15+$0xFFFFFFE0] =	vst v7;
	v5 =	vmax.f32 v5, $0.0e+00;
	v9 =	vmul.f32 v9, v0;
	v30 =	vld [tilespmem:s21+$0x60]  }
0x17b: {  	v38 =	vld [tilespmem:s2+$0xFFFFFFF0];
	v5 =	vmul.f32 v5, v3;
	[tilespmem:s15+$0x60] =	vst v22  }
0x17c: {  	[tilespmem:s15+$0xFFFFFF60] =	vst v9;
	v46 =	vld [tilespmem:s18+$0x70];
	v19 =	vadd.f32 v31, v60  }
0x17d: {  	[tilespmem:s15+$0xE0] =	vst v5;
	v9 =	vld [tilespmem:s18+$0xFFFFFF70];
	v7 =	vadd.f32 v33, v61  }
0x17e: {  	v36 =	vld [tilespmem:s18+$0xF0];
	v13 =	vadd.f32 v32, v59;
	v19 =	vmax.f32 v19, $0.0e+00  }
0x17f: {  	v34 =	vld [tilespmem:s18+$0xFFFFFFF0];
	v7 =	vmax.f32 v7, $0.0e+00;
	v19 =	vmul.f32 v19, v18;
	v35 =	vadd.f32 v30, v26  }
0x180: {  	v40 =	vld [tilespmem:s2+$0x70];
	v7 =	vmul.f32 v7, v4;
	v13 =	vmax.f32 v13, $0.0e+00  }
0x181: {  	v39 =	vld [tilespmem:s2+$0xF0];
	v13 =	vmul.f32 v13, v14;
	[tilespmem:s2+$0xFFFFFFE0] =	vst v19;
	v5 =	vmax.f32 v35, $0.0e+00  }
0x182: {  	[tilespmem:s2+$0xE0] =	vst v7;
	v43 =	vld [tilespmem:s21+$0xFFFFFFF0];
	v5 =	vmul.f32 v5, v17  }
0x183: {  	v42 =	vadd.f32 v46, v45;
	v45 =	vld [tilespmem:s21+$0xF0];
	[tilespmem:s2+$0xFFFFFF60] =	vst v13  }
0x184: {  	v6 =	vadd.f32 v34, v6;
	v13 =	vld [tilespmem:s21+$0xFFFFFF70];
	[tilespmem:s2+$0x60] =	vst v5  }
0x185: {  	v9 =	vadd.f32 v9, v10;
	v44 =	vmax.f32 v42, $0.0e+00;
	v41 =	vld [tilespmem:s21+$0x70]  }
0x186: {  	[tilespmem:s14+$0xFFFFFF70] =	vst v15;
	v6 =	vmax.f32 v6, $0.0e+00;
	v46 =	vmul.f32 v44, v2;
	v47 =	vadd.f32 v36, v8  }
0x187: {  	[tilespmem:s14+$0xF0] =	vst v16;
	v48 =	vmul.f32 v6, v1;
	v49 =	vmax.f32 v9, $0.0e+00;
	v52 =	vadd.f32 v43, v38  }
0x188: {  	[tilespmem:s15+$0x70] =	vst v46;
	v50 =	vmul.f32 v49, v0;
	v51 =	vmax.f32 v47, $0.0e+00;
	v58 =	vadd.f32 v45, v39  }
0x189: {  	[tilespmem:s15+$0xFFFFFFF0] =	vst v48;
	v53 =	vmul.f32 v51, v3;
	v55 =	vadd.f32 v13, v37;
	v57 =	vmax.f32 v52, $0.0e+00  }
0x18a: {  	[tilespmem:s15+$0xFFFFFF70] =	vst v50;
	v62 =	vmax.f32 v58, $0.0e+00;
	v59 =	vmul.f32 v57, v18;
	v5 =	vadd.f32 v41, v40  }
0x18b: {  	[tilespmem:s15+$0xF0] =	vst v53;
	v63 =	vmul.f32 v62, v4;
	v60 =	vmax.f32 v55, $0.0e+00  }
0x18c: {  	v61 =	vmul.f32 v60, v14;
	[tilespmem:s2+$0xFFFFFFF0] =	vst v59;
	v54 =	vmax.f32 v5, $0.0e+00  }
0x18d: {  	s20 =	sshll.u32 s3, $0x7;
	[tilespmem:s2+$0xF0] =	vst v63;
	v56 =	vmul.f32 v54, v17  }
0x18e: {  	p3 =	seq.s32 s13, $0x4E;
	s13 =	sadd.s32 $0x1, s13;
	s14 =	sand.u32 $0x80, s20;
	[tilespmem:s2+$0xFFFFFF70] =	vst v61  }
0x18f: {  	p1 =	por p3, p1;
	s21 =	sadd.s32 $0x1FA80, s14;
	[tilespmem:s2+$0x70] =	vst v56;
	s2 =	simm.s32 $0x1  }
0x190: {  	[spmem:s1] =	stream.indirect.scatter.add.f32 [tilespmem:s29], [sflag:$0xA], $0x80, s21, s28, $0x2000b8;
	[tilespmem:$0x1FB80] =	vst v63  }
0x191: {  	s14 =	simm.s32 $0x1;
	s2 =	simm.s32 @!p1 $0x0;
	p1 =	por p3, p2  }
0x192: {  	s14 =	simm.s32 @!p1 $0x0;
	p1 =	sne.s32 s13, $0x4F  }
.Ltmp1:
0x193: {  	_ = 	snop;
	(pc) =	sbr.rel @p1 .LBB2_2-.Ltmp1, $4  }
0x194: {  	_ =	swait.ge [sflag:s30], $0x4000  }
0x195: {  	[sflag:s30] =	ssyncset.done $0x0  }
0x196: {  	s10 =	sadd.s32 s2, s10;
	s25 =	sadd.s32 s2, s25;
	[sflag:s30] =	ssyncadd.s32 $0xFFFFC000  }
0x197: {  	s3 =	sadd.s32 s2, s3;
	s23 =	sadd.s32 s14, s23;
	_ =	strace $0x9000006B  }
0x198: {  	[bflag:$0x0] =	sbarrier.arrive $0xFFFF  }
0x199: {  	s2 =	rddreg [dreg:$0xa]  }
0x19a: {  	s0 =	simm.s32 @p0 $0x1FC2;
	s3 =	rddreg [dreg:$0xc]  }
0x19b: {  	[hbm:s2], [sflag:s0] =	dma.local @p0 [spmem:s3], $0x2080  }
0x19c: {  	s0 =	simm.s32 @p0 $0x2  }
0x19d: {  	_ =	swait.ge @p0 [sflag:s0], $0x2080  }
0x19e: {  	s9 =	rddreg [dreg:$0xd]  }
0x19f: {  	[sflag:s0] =	ssyncset.done @p0 $0x0;
	s10 =	rddreg [dreg:$0xe]  }
0x1a0: {  	[sflag:s0] =	ssyncadd.s32 @p0 $0xFFFFDF80;
	s0 =	rddreg [dreg:$0x9]  }
0x1a1: {  	[hbm:s0], [sflag:s9] =	dma.local @!p0 [spmem:s10], $0x2780  }
0x1a2: {  	s0 =	simm.s32 @!p0 $0x2  }
0x1a3: {  	_ =	swait.ge @!p0 [sflag:s0], $0x2780  }
0x1a4: {  	s31 =	sadd.s32 $0x1, s31;
	s25 =	rddreg [dreg:$0xb]  }
0x1a5: {  	p1 =	sne.s32 s31, s25  }
.Ltmp2:
0x1a6: {  	_ = 	snop;
	(pc) =	sbr.rel @p1 .LBB2_1-.Ltmp2, $3  }
0x1a7: {  	_ =	sdelay $0x1  }
0x1a8: {  	[sflag:s0] =	ssyncset.done @!p0 $0x0  }
0x1a9: {  	[sflag:s0] =	ssyncadd.s32 @!p0 $0xFFFFD880  }
0x1aa: {  	_ =	sfence.sel $0x180000  }
0x1ab: {  	[bflag:$0x0] =	sbarrier.arrive $0xFFFF  }
0x1ac: {  	_ =	strace $0x90000061  }
0x1ad: {  	s0 =	stileid.u32;
	[bflag:$0x2] =	sbarrier.arrive $0xFFFF  }
0x1ae: {  	p0 =	sne.s32 s0, $0x0;
	s0 =	rddreg [dreg:$0x2]  }
0x1af: {  	s0 =	sadd.s32 @!p0 $0x100000, s0  }
0x1b0: {  	[sflag:s0] =	ssyncadd.tile.s32 @!p0 $0x1;
	_ =	shalt  }
.Lfunc_end2:
_tile_overlayer_lowered:
.L_overlay_start_2:
0x1b1: {  	(tag) =	ssettag $0x2  }
0x1b2: {  	s0 =	rddreg [dreg:$0x0];
	s2 =	stileid.u32  }
0x1b3: {  	s1 =	rddreg [dreg:$0x1];
	p0 =	sne.s32 s2, $0x0  }
0x1b4: {  	s3 =	rddreg [dreg:$0x2];
	[bflag:$0x3] =	sbarrier.arrive $0xFFFF;
	s2 =	simm.s32 @!p0 $0x1C02  }
0x1b5: {  	[timem:s3], [sflag:s2] =	dma.local @!p0 [hbm:s0], s1  }
0x1b6: {  	s0 =	simm.s32 @!p0 $0x2  }
0x1b7: {  	_ =	swait.ge @!p0 [sflag:s0], s1  }
0x1b8: {  	s1 =	ssub.s32 @!p0 $0x0, s1;
	[sflag:s0] =	ssyncset.done @!p0 $0x0  }
0x1b9: {  	[sflag:s0] =	ssyncadd.s32 @!p0 s1  }
0x1ba: {  	[bflag:$0x3] =	sbarrier.arrive $0xFFFF  }
0x1bb: {  	_ =	shalt  }

</sc_bundles>
